<compile_context>
chip_gen: v7x
topology: tpu7x:2x2x1
jax: 0.10.2.dev20260603
libtpu: 0.0.44.dev20260713+nightly
codegen_flags: <defaults>
</compile_context>

<pallas_src>
import functools

import jax
import jax.numpy as jnp
from jax import lax
from jax.experimental import pallas as pl
from jax.experimental.pallas import tpu as pltpu
from jax.experimental.pallas import tpu_sc as plsc

_W = 128


def _sc_gather(tbl, idx_full, e0, e_chunk, chunk):
    info = plsc.get_sparse_core_info()
    ncores, nsub = info.num_cores, info.num_subcores
    nw = ncores * nsub
    per_w = e_chunk // nw
    n_pairs = per_w // (2 * chunk)

    mesh = plsc.VectorSubcoreMesh(core_axis_name="c", subcore_axis_name="s")

    @functools.partial(
        pl.kernel,
        mesh=mesh,
        compiler_params=pltpu.CompilerParams(use_tc_tiling_on_sc=True),
        out_type=jax.ShapeDtypeStruct((e_chunk, _W), jnp.float32),
        scratch_types=[
            pltpu.VMEM((chunk,), jnp.int32),
            pltpu.VMEM((chunk,), jnp.int32),
            pltpu.VMEM((chunk, _W), jnp.float32),
            pltpu.VMEM((chunk, _W), jnp.float32),
            pltpu.SemaphoreType.DMA,
            pltpu.SemaphoreType.DMA,
            pltpu.SemaphoreType.DMA,
            pltpu.SemaphoreType.DMA,
        ],
    )
    def gather_kernel(tbl_hbm, idx_hbm, out_hbm, idx_v0, idx_v1,
                      row_v0, row_v1, gsem0, gsem1, wsem0, wsem1):
        wid = lax.axis_index("s") * ncores + lax.axis_index("c")
        base = wid * per_w

        def body(i, carry):
            off0 = base + i * 2 * chunk
            off1 = off0 + chunk
            pltpu.sync_copy(idx_hbm.at[pl.ds(e0 + off0, chunk)], idx_v0)
            g0 = pltpu.async_copy(tbl_hbm.at[idx_v0], row_v0, gsem0)
            pltpu.sync_copy(idx_hbm.at[pl.ds(e0 + off1, chunk)], idx_v1)
            g1 = pltpu.async_copy(tbl_hbm.at[idx_v1], row_v1, gsem1)
            g0.wait()
            w0 = pltpu.async_copy(row_v0, out_hbm.at[pl.ds(off0, chunk)],
                                  wsem0)
            g1.wait()
            w1 = pltpu.async_copy(row_v1, out_hbm.at[pl.ds(off1, chunk)],
                                  wsem1)
            w0.wait()
            w1.wait()
            return carry

        lax.fori_loop(0, n_pairs, body, 0)

    return gather_kernel(tbl, idx_full)


def _tc_body(g_ref, hb_ref, w1_ref, w2_ref, b2_ref,
             w3_ref, b3_ref, wn_ref, bias_ref, out_ref, *, kk, nc, c):
    p = hb_ref.shape[0]
    g = g_ref[...]
    h = jnp.dot(g, w1_ref[...], preferred_element_type=jnp.float32)
    h = h.reshape(p, kk, 2 * nc) + hb_ref[...][:, None, :]
    h = jnp.maximum(h, 0.0).reshape(p * kk, 2 * nc)
    h = jnp.dot(h, w2_ref[...], preferred_element_type=jnp.float32)
    h = jnp.maximum(h + b2_ref[...], 0.0)
    d = jnp.dot(h, w3_ref[...], preferred_element_type=jnp.float32)
    d = jnp.maximum(d + b3_ref[...], 0.0)
    d3 = d.reshape(p, kk, nc)
    feat3 = g.reshape(p, kk, _W)[:, :, :c]
    fpre = lax.dot_general(d3, feat3, (((1,), (1,)), ((0,), (0,))),
                           preferred_element_type=jnp.float32)
    out_ref[...] = jnp.dot(fpre.reshape(p, nc * c), wn_ref[...],
                           preferred_element_type=jnp.float32) + bias_ref[...]


def kernel(inp, points, next_pts, indices_, K, weight, bias, centers,
           w1, b1, w2, b2, w3, b3):
    B, N, C_IN = inp.shape
    DIM = points.shape[2]
    NC = centers.shape[1]
    C_OUT = weight.shape[2]
    K = indices_.shape[2]
    E = B * N * K

    offs = (jnp.arange(B, dtype=jnp.int32) * N)[:, None, None]
    idx_flat = (indices_.astype(jnp.int32) + offs).reshape(E)
    tbl = jnp.pad(
        jnp.concatenate([inp.reshape(B * N, C_IN),
                         points.reshape(B * N, DIM)], axis=1),
        ((0, 0), (0, _W - C_IN - DIM)))

    w1r = w1.reshape(2 * NC, DIM, NC)
    w1e = jnp.sum(w1r, axis=2).T
    w1p = jnp.pad(w1e, ((C_IN, _W - C_IN - DIM), (0, 0)))
    b1e = b1 - jnp.sum(w1r * centers[None], axis=(1, 2))
    hb = b1e[None] - next_pts.reshape(B * N, DIM) @ w1e
    w2t = w2.T
    b2r = b2.reshape(1, NC)
    w3t = w3.T
    b3r = b3.reshape(1, NC)
    wn = (jnp.transpose(weight, (1, 0, 2)) / K).reshape(NC * C_IN, C_OUT)
    bias_r = bias.reshape(1, C_OUT)

    NCH = 8
    P = 1024
    pts_per_chunk = (B * N) // NCH
    e_per_chunk = pts_per_chunk * K
    nb = pts_per_chunk // P
    body = functools.partial(_tc_body, kk=K, nc=NC, c=C_IN)
    outs = []
    for ci in range(NCH):
        g = _sc_gather(tbl, idx_flat, ci * e_per_chunk, e_per_chunk, 256)
        base = ci * nb
        tc_call = pl.pallas_call(
            body,
            grid=(nb,),
            in_specs=[
                pl.BlockSpec((P * K, _W), lambda i: (i, 0)),
                pl.BlockSpec((P, 2 * NC), lambda i, b=base: (b + i, 0)),
                pl.BlockSpec((_W, 2 * NC), lambda i: (0, 0)),
                pl.BlockSpec((2 * NC, NC), lambda i: (0, 0)),
                pl.BlockSpec((1, NC), lambda i: (0, 0)),
                pl.BlockSpec((NC, NC), lambda i: (0, 0)),
                pl.BlockSpec((1, NC), lambda i: (0, 0)),
                pl.BlockSpec((C_IN * NC, C_OUT), lambda i: (0, 0)),
                pl.BlockSpec((1, C_OUT), lambda i: (0, 0)),
            ],
            out_specs=pl.BlockSpec((P, C_OUT), lambda i: (i, 0)),
            out_shape=jax.ShapeDtypeStruct((pts_per_chunk, C_OUT), jnp.float32),
        )
        outs.append(tc_call(g, hb, w1p, w2t, b2r, w3t, b3r, wn, bias_r))
    out = jnp.concatenate(outs, axis=0)

    return out.reshape(B, N, C_OUT)

# --- scband reference (transcript-rebuilt; emitter-appended) ---
"""Pipeline reference for scband-pt-conv-10505490006249 (READ-ONLY COPY).

The authoritative reference and input builder live on the scoring server;
editing this copy changes nothing except your own understanding.
"""

import jax, jax.numpy as jnp
import numpy as np

B, N, KNN, C_IN, C_OUT, NC, DIM = 4, 8192, 16, 64, 64, 16, 3


def _make_centers():
    rng = np.random.RandomState(0)
    center = np.zeros((DIM, NC), dtype=np.float32)
    for i in range(NC):
        c = rng.rand(DIM) * 2 - 1
        while (c ** 2).sum() > 1:
            c = rng.rand(DIM) * 2 - 1
        center[:, i] = c
    return jnp.asarray(center)


def _linear(key, out_f, in_f):
    b = 1.0 / np.sqrt(in_f)
    kw, kb = jax.random.split(key)
    W = jax.random.uniform(kw, (out_f, in_f), minval=-b, maxval=b, dtype=jnp.float32)
    bb = jax.random.uniform(kb, (out_f,), minval=-b, maxval=b, dtype=jnp.float32)
    return W, bb


def setup_inputs(seed: int = 0) -> dict:
    key = jax.random.key(seed)
    ks = jax.random.split(key, 8)
    inp = jax.random.normal(ks[0], (B, N, C_IN), dtype=jnp.float32)
    points = jax.random.uniform(ks[1], (B, N, DIM), dtype=jnp.float32)
    next_pts = jax.random.uniform(ks[2], (B, N, DIM), dtype=jnp.float32)
    indices_ = jax.random.randint(ks[3], (B, N, KNN), 0, N).astype(jnp.int64)
    bound = np.sqrt(3.0) * np.sqrt(2.0 / (C_IN + C_OUT))
    weight = jax.random.uniform(ks[4], (C_IN, NC, C_OUT), minval=-bound, maxval=bound, dtype=jnp.float32)
    bias = jnp.zeros((C_OUT,), dtype=jnp.float32)
    centers = _make_centers()
    w1, b1 = _linear(ks[5], 2 * NC, DIM * NC)
    w2, b2 = _linear(ks[6], NC, 2 * NC)
    w3, b3 = _linear(ks[7], NC, NC)
    return {"inp": inp, "points": points, "next_pts": next_pts, "indices_": indices_, "K": KNN,
            "weight": weight, "bias": bias, "centers": centers,
            "w1": w1, "b1": b1, "w2": w2, "b2": b2, "w3": w3, "b3": b3}


def reference(inp, points, next_pts, indices_, K, weight, bias, centers, w1, b1, w2, b2, w3, b3):
    batch_size = inp.shape[0]
    n_pts = inp.shape[1]
    offs = jnp.arange(batch_size, dtype=indices_.dtype) * n_pts
    idx = indices_ + offs[:, None, None]                     # [B, M, K]
    features = inp.reshape(-1, inp.shape[2])[idx]            # [B, M, K, C]  (gather)
    pts = points.reshape(-1, points.shape[2])[idx]           # [B, M, K, DIM]
    pts = pts - next_pts[:, :, None, :]
    dists = pts[..., None] - centers                         # [B, M, K, DIM, NC]
    dists = dists.reshape(dists.shape[0], dists.shape[1], dists.shape[2], -1)
    dists = jax.nn.relu(dists @ w1.T + b1)
    dists = jax.nn.relu(dists @ w2.T + b2)
    dists = jax.nn.relu(dists @ w3.T + b3)                   # [B, M, K, NC]
    fs = features.shape                                      # (B, M, K, C)
    f = jnp.swapaxes(features, 2, 3)                         # [B, M, C, K]
    f = f.reshape(-1, f.shape[2], f.shape[3])                # [B*M, C, K]
    d = dists.reshape(-1, dists.shape[2], dists.shape[3])    # [B*M, K, NC]
    f = jnp.einsum('bck,bkn->bcn', f, d)                     # bmm -> [B*M, C, NC]
    f = f.reshape(fs[0], fs[1], -1)                          # [B, M, C*NC]
    out = f @ weight.reshape(-1, weight.shape[2])            # [B, M, C_OUT]
    out = out / fs[2]
    out = out + bias
    return out

if __name__ == "__main__":
    import jax
    _d = setup_inputs()
    print(jax.jit(kernel)(*tuple(_d.values())))

</pallas_src>

<mosaic_0001>
#map = affine_map<(d0, d1) -> (0, 0)>
#map1 = affine_map<(d0, d1) -> (0)>
module attributes {stable_mosaic.version = 14 : i64} {
  func.func @gather_kernel(%arg0: i32, %arg1: i32, %arg2: memref<32768x128xf32, #tpu.memory_space<hbm>>, %arg3: memref<524288xi32, #tpu.memory_space<hbm>>, %arg4: memref<65536x128xf32, #tpu.memory_space<hbm>>, %arg5: memref<256xi32, #tpu.memory_space<vmem>>, %arg6: memref<256xi32, #tpu.memory_space<vmem>>, %arg7: memref<256x128xf32, #tpu.memory_space<vmem>>, %arg8: memref<256x128xf32, #tpu.memory_space<vmem>>, %arg9: memref<!tpu.dma_semaphore, #tpu.memory_space<semaphore_mem>>, %arg10: memref<!tpu.dma_semaphore, #tpu.memory_space<semaphore_mem>>, %arg11: memref<!tpu.dma_semaphore, #tpu.memory_space<semaphore_mem>>, %arg12: memref<!tpu.dma_semaphore, #tpu.memory_space<semaphore_mem>>) attributes {dimension_semantics = [#tpu.dimension_semantics<core_parallel>, #tpu.dimension_semantics<subcore_parallel>], iteration_bounds = array<i64: 2, 16>, scalar_prefetch = 0 : i64, scratch_operands = 8 : i64, tpu.core_type = #tpu.core_type<sc_vector_subcore>, window_params = [{transform_indices = #map}, {transform_indices = #map1}, {transform_indices = #map}]} {
    %mul3A = arith.constant 2 : i32
    %mul3A_0 = arith.muli %arg1, %mul3A : i32
    %add3A = arith.addi %mul3A_0, %arg0 : i32
    %mul3A_1 = arith.constant 2048 : i32
    %mul3A_2 = arith.muli %add3A, %mul3A_1 : i32
    %scan3A = arith.constant 0 : i32
    %scan3A_3 = arith.constant 0 : i32
    %scan3A_4 = arith.constant 4 : i32
    %scan3A_5 = arith.addi %scan3A_3, %scan3A_4 : i32
    %scan3A_6 = arith.constant 1 : i32
    scf.for %scan3A_8 = %scan3A_3 to %scan3A_5 step %scan3A_6  : i32 {
      %mul3A_9 = arith.constant 2 : i32
      %mul3A_10 = arith.muli %scan3A_8, %mul3A_9 : i32
      %mul3A_11 = arith.constant 256 : i32
      %mul3A_12 = arith.muli %mul3A_10, %mul3A_11 : i32
      %add3A_13 = arith.addi %mul3A_2, %mul3A_12 : i32
      %add3A_14 = arith.constant 256 : i32
      %add3A_15 = arith.addi %add3A_13, %add3A_14 : i32
      %add3A_16 = arith.constant 262144 : i32
      %add3A_17 = arith.addi %add3A_16, %add3A_13 : i32
      "tpu.region"() ({
        %run_scoped3A = tpu.sem_alloc : memref<!tpu.dma_semaphore, #tpu.memory_space<semaphore_mem>>
        %dma_start3A_46 = tpu.memref_slice %arg3[%add3A_17] : memref<524288xi32, #tpu.memory_space<hbm>> -> memref<256xi32, #tpu.memory_space<hbm>>
        %dma_start3A_47 = tpu.memref_slice %arg3[%add3A_17] : memref<524288xi32, #tpu.memory_space<hbm>> -> memref<256xi32, #tpu.memory_space<hbm>>
        tpu.enqueue_dma source(%dma_start3A_47 : memref<256xi32, #tpu.memory_space<hbm>>) target(%arg5 : memref<256xi32, #tpu.memory_space<vmem>>) target_semaphore(%run_scoped3A : memref<!tpu.dma_semaphore, #tpu.memory_space<semaphore_mem>>)
        %dma_wait3A_48 = tpu.memref_slice %arg3[%add3A_17] : memref<524288xi32, #tpu.memory_space<hbm>> -> memref<256xi32, #tpu.memory_space<hbm>>
        %dma_wait3A_49 = tpu.memref_slice %arg3[%add3A_17] : memref<524288xi32, #tpu.memory_space<hbm>> -> memref<256xi32, #tpu.memory_space<hbm>>
        tpu.wait_dma2 semaphore(%run_scoped3A : memref<!tpu.dma_semaphore, #tpu.memory_space<semaphore_mem>>) src(%dma_wait3A_49 : memref<256xi32, #tpu.memory_space<hbm>>) dst(%arg5 : memref<256xi32, #tpu.memory_space<vmem>>)
        tpu.yield
      }) : () -> ()
      %dma_start3A = arith.constant 0 : i32
      %dma_start3A_18 = arith.constant 0 : i32
      %dma_start3A_19 = tpu.memref_slice %arg2[%dma_start3A, %dma_start3A_18] : memref<32768x128xf32, #tpu.memory_space<hbm>> -> memref<32768x128xf32, #tpu.memory_space<hbm>>
      tpu.enqueue_indirect_dma source(%dma_start3A_19 : memref<32768x128xf32, #tpu.memory_space<hbm>>) target(%arg7 : memref<256x128xf32, #tpu.memory_space<vmem>>) offsets(%arg5 : memref<256xi32, #tpu.memory_space<vmem>>) semaphore(%arg9 : memref<!tpu.dma_semaphore, #tpu.memory_space<semaphore_mem>>)
      %add3A_20 = arith.constant 262144 : i32
      %add3A_21 = arith.addi %add3A_20, %add3A_15 : i32
      "tpu.region"() ({
        %run_scoped3A = tpu.sem_alloc : memref<!tpu.dma_semaphore, #tpu.memory_space<semaphore_mem>>
        %dma_start3A_46 = tpu.memref_slice %arg3[%add3A_21] : memref<524288xi32, #tpu.memory_space<hbm>> -> memref<256xi32, #tpu.memory_space<hbm>>
        %dma_start3A_47 = tpu.memref_slice %arg3[%add3A_21] : memref<524288xi32, #tpu.memory_space<hbm>> -> memref<256xi32, #tpu.memory_space<hbm>>
        tpu.enqueue_dma source(%dma_start3A_47 : memref<256xi32, #tpu.memory_space<hbm>>) target(%arg6 : memref<256xi32, #tpu.memory_space<vmem>>) target_semaphore(%run_scoped3A : memref<!tpu.dma_semaphore, #tpu.memory_space<semaphore_mem>>)
        %dma_wait3A_48 = tpu.memref_slice %arg3[%add3A_21] : memref<524288xi32, #tpu.memory_space<hbm>> -> memref<256xi32, #tpu.memory_space<hbm>>
        %dma_wait3A_49 = tpu.memref_slice %arg3[%add3A_21] : memref<524288xi32, #tpu.memory_space<hbm>> -> memref<256xi32, #tpu.memory_space<hbm>>
        tpu.wait_dma2 semaphore(%run_scoped3A : memref<!tpu.dma_semaphore, #tpu.memory_space<semaphore_mem>>) src(%dma_wait3A_49 : memref<256xi32, #tpu.memory_space<hbm>>) dst(%arg6 : memref<256xi32, #tpu.memory_space<vmem>>)
        tpu.yield
      }) : () -> ()
      %dma_start3A_22 = arith.constant 0 : i32
      %dma_start3A_23 = arith.constant 0 : i32
      %dma_start3A_24 = tpu.memref_slice %arg2[%dma_start3A_22, %dma_start3A_23] : memref<32768x128xf32, #tpu.memory_space<hbm>> -> memref<32768x128xf32, #tpu.memory_space<hbm>>
      tpu.enqueue_indirect_dma source(%dma_start3A_24 : memref<32768x128xf32, #tpu.memory_space<hbm>>) target(%arg8 : memref<256x128xf32, #tpu.memory_space<vmem>>) offsets(%arg6 : memref<256xi32, #tpu.memory_space<vmem>>) semaphore(%arg10 : memref<!tpu.dma_semaphore, #tpu.memory_space<semaphore_mem>>)
      %dma_wait3A = arith.constant 0 : i32
      %dma_wait3A_25 = arith.constant 0 : i32
      %dma_wait3A_26 = tpu.memref_slice %arg2[%dma_wait3A, %dma_wait3A_25] : memref<32768x128xf32, #tpu.memory_space<hbm>> -> memref<32768x128xf32, #tpu.memory_space<hbm>>
      tpu.wait_indirect_dma semaphore(%arg9 : memref<!tpu.dma_semaphore, #tpu.memory_space<semaphore_mem>>) src(%dma_wait3A_26 : memref<32768x128xf32, #tpu.memory_space<hbm>>) dst(%arg7 : memref<256x128xf32, #tpu.memory_space<vmem>>)
      %dma_start3A_27 = arith.constant 0 : i32
      %dma_start3A_28 = tpu.memref_slice %arg4[%add3A_13, %dma_start3A_27] : memref<65536x128xf32, #tpu.memory_space<hbm>> -> memref<256x128xf32, #tpu.memory_space<hbm>>
      %dma_start3A_29 = arith.constant 0 : i32
      %dma_start3A_30 = tpu.memref_slice %arg4[%add3A_13, %dma_start3A_29] : memref<65536x128xf32, #tpu.memory_space<hbm>> -> memref<256x128xf32, #tpu.memory_space<hbm>>
      tpu.enqueue_dma source(%arg7 : memref<256x128xf32, #tpu.memory_space<vmem>>) target(%dma_start3A_30 : memref<256x128xf32, #tpu.memory_space<hbm>>) target_semaphore(%arg11 : memref<!tpu.dma_semaphore, #tpu.memory_space<semaphore_mem>>)
      %dma_wait3A_31 = arith.constant 0 : i32
      %dma_wait3A_32 = arith.constant 0 : i32
      %dma_wait3A_33 = tpu.memref_slice %arg2[%dma_wait3A_31, %dma_wait3A_32] : memref<32768x128xf32, #tpu.memory_space<hbm>> -> memref<32768x128xf32, #tpu.memory_space<hbm>>
      tpu.wait_indirect_dma semaphore(%arg10 : memref<!tpu.dma_semaphore, #tpu.memory_space<semaphore_mem>>) src(%dma_wait3A_33 : memref<32768x128xf32, #tpu.memory_space<hbm>>) dst(%arg8 : memref<256x128xf32, #tpu.memory_space<vmem>>)
      %dma_start3A_34 = arith.constant 0 : i32
      %dma_start3A_35 = tpu.memref_slice %arg4[%add3A_15, %dma_start3A_34] : memref<65536x128xf32, #tpu.memory_space<hbm>> -> memref<256x128xf32, #tpu.memory_space<hbm>>
      %dma_start3A_36 = arith.constant 0 : i32
      %dma_start3A_37 = tpu.memref_slice %arg4[%add3A_15, %dma_start3A_36] : memref<65536x128xf32, #tpu.memory_space<hbm>> -> memref<256x128xf32, #tpu.memory_space<hbm>>
      tpu.enqueue_dma source(%arg8 : memref<256x128xf32, #tpu.memory_space<vmem>>) target(%dma_start3A_37 : memref<256x128xf32, #tpu.memory_space<hbm>>) target_semaphore(%arg12 : memref<!tpu.dma_semaphore, #tpu.memory_space<semaphore_mem>>)
      %dma_wait3A_38 = arith.constant 0 : i32
      %dma_wait3A_39 = tpu.memref_slice %arg4[%add3A_13, %dma_wait3A_38] : memref<65536x128xf32, #tpu.memory_space<hbm>> -> memref<256x128xf32, #tpu.memory_space<hbm>>
      %dma_wait3A_40 = arith.constant 0 : i32
      %dma_wait3A_41 = tpu.memref_slice %arg4[%add3A_13, %dma_wait3A_40] : memref<65536x128xf32, #tpu.memory_space<hbm>> -> memref<256x128xf32, #tpu.memory_space<hbm>>
      tpu.wait_dma2 semaphore(%arg11 : memref<!tpu.dma_semaphore, #tpu.memory_space<semaphore_mem>>) src(%arg7 : memref<256x128xf32, #tpu.memory_space<vmem>>) dst(%dma_wait3A_41 : memref<256x128xf32, #tpu.memory_space<hbm>>)
      %dma_wait3A_42 = arith.constant 0 : i32
      %dma_wait3A_43 = tpu.memref_slice %arg4[%add3A_15, %dma_wait3A_42] : memref<65536x128xf32, #tpu.memory_space<hbm>> -> memref<256x128xf32, #tpu.memory_space<hbm>>
      %dma_wait3A_44 = arith.constant 0 : i32
      %dma_wait3A_45 = tpu.memref_slice %arg4[%add3A_15, %dma_wait3A_44] : memref<65536x128xf32, #tpu.memory_space<hbm>> -> memref<256x128xf32, #tpu.memory_space<hbm>>
      tpu.wait_dma2 semaphore(%arg12 : memref<!tpu.dma_semaphore, #tpu.memory_space<semaphore_mem>>) src(%arg8 : memref<256x128xf32, #tpu.memory_space<vmem>>) dst(%dma_wait3A_45 : memref<256x128xf32, #tpu.memory_space<hbm>>)
    }
    %scan3A_7 = arith.constant 4 : i32
    return
  }
}

#map = affine_map<(d0, d1) -> (0, 0)>
#map1 = affine_map<(d0, d1) -> (0)>
module attributes {stable_mosaic.version = 14 : i64} {
  func.func @gather_kernel(%arg0: i32, %arg1: i32, %arg2: memref<32768x128xf32, #tpu.memory_space<hbm>>, %arg3: memref<524288xi32, #tpu.memory_space<hbm>>, %arg4: memref<65536x128xf32, #tpu.memory_space<hbm>>, %arg5: memref<256xi32, #tpu.memory_space<vmem>>, %arg6: memref<256xi32, #tpu.memory_space<vmem>>, %arg7: memref<256x128xf32, #tpu.memory_space<vmem>>, %arg8: memref<256x128xf32, #tpu.memory_space<vmem>>, %arg9: memref<!tpu.dma_semaphore, #tpu.memory_space<semaphore_mem>>, %arg10: memref<!tpu.dma_semaphore, #tpu.memory_space<semaphore_mem>>, %arg11: memref<!tpu.dma_semaphore, #tpu.memory_space<semaphore_mem>>, %arg12: memref<!tpu.dma_semaphore, #tpu.memory_space<semaphore_mem>>) attributes {dimension_semantics = [#tpu.dimension_semantics<core_parallel>, #tpu.dimension_semantics<subcore_parallel>], iteration_bounds = array<i64: 2, 16>, scalar_prefetch = 0 : i64, scratch_operands = 8 : i64, tpu.core_type = #tpu.core_type<sc_vector_subcore>, window_params = [{transform_indices = #map}, {transform_indices = #map1}, {transform_indices = #map}]} {
    %mul3A = arith.constant 2 : i32
    %mul3A_0 = arith.muli %arg1, %mul3A : i32
    %add3A = arith.addi %mul3A_0, %arg0 : i32
    %mul3A_1 = arith.constant 2048 : i32
    %mul3A_2 = arith.muli %add3A, %mul3A_1 : i32
    %scan3A = arith.constant 0 : i32
    %scan3A_3 = arith.constant 0 : i32
    %scan3A_4 = arith.constant 4 : i32
    %scan3A_5 = arith.addi %scan3A_3, %scan3A_4 : i32
    %scan3A_6 = arith.constant 1 : i32
    scf.for %scan3A_8 = %scan3A_3 to %scan3A_5 step %scan3A_6  : i32 {
      %mul3A_9 = arith.constant 2 : i32
      %mul3A_10 = arith.muli %scan3A_8, %mul3A_9 : i32
      %mul3A_11 = arith.constant 256 : i32
      %mul3A_12 = arith.muli %mul3A_10, %mul3A_11 : i32
      %add3A_13 = arith.addi %mul3A_2, %mul3A_12 : i32
      %add3A_14 = arith.constant 256 : i32
      %add3A_15 = arith.addi %add3A_13, %add3A_14 : i32
      %add3A_16 = arith.constant 393216 : i32
      %add3A_17 = arith.addi %add3A_16, %add3A_13 : i32
      "tpu.region"() ({
        %run_scoped3A = tpu.sem_alloc : memref<!tpu.dma_semaphore, #tpu.memory_space<semaphore_mem>>
        %dma_start3A_46 = tpu.memref_slice %arg3[%add3A_17] : memref<524288xi32, #tpu.memory_space<hbm>> -> memref<256xi32, #tpu.memory_space<hbm>>
        %dma_start3A_47 = tpu.memref_slice %arg3[%add3A_17] : memref<524288xi32, #tpu.memory_space<hbm>> -> memref<256xi32, #tpu.memory_space<hbm>>
        tpu.enqueue_dma source(%dma_start3A_47 : memref<256xi32, #tpu.memory_space<hbm>>) target(%arg5 : memref<256xi32, #tpu.memory_space<vmem>>) target_semaphore(%run_scoped3A : memref<!tpu.dma_semaphore, #tpu.memory_space<semaphore_mem>>)
        %dma_wait3A_48 = tpu.memref_slice %arg3[%add3A_17] : memref<524288xi32, #tpu.memory_space<hbm>> -> memref<256xi32, #tpu.memory_space<hbm>>
        %dma_wait3A_49 = tpu.memref_slice %arg3[%add3A_17] : memref<524288xi32, #tpu.memory_space<hbm>> -> memref<256xi32, #tpu.memory_space<hbm>>
        tpu.wait_dma2 semaphore(%run_scoped3A : memref<!tpu.dma_semaphore, #tpu.memory_space<semaphore_mem>>) src(%dma_wait3A_49 : memref<256xi32, #tpu.memory_space<hbm>>) dst(%arg5 : memref<256xi32, #tpu.memory_space<vmem>>)
        tpu.yield
      }) : () -> ()
      %dma_start3A = arith.constant 0 : i32
      %dma_start3A_18 = arith.constant 0 : i32
      %dma_start3A_19 = tpu.memref_slice %arg2[%dma_start3A, %dma_start3A_18] : memref<32768x128xf32, #tpu.memory_space<hbm>> -> memref<32768x128xf32, #tpu.memory_space<hbm>>
      tpu.enqueue_indirect_dma source(%dma_start3A_19 : memref<32768x128xf32, #tpu.memory_space<hbm>>) target(%arg7 : memref<256x128xf32, #tpu.memory_space<vmem>>) offsets(%arg5 : memref<256xi32, #tpu.memory_space<vmem>>) semaphore(%arg9 : memref<!tpu.dma_semaphore, #tpu.memory_space<semaphore_mem>>)
      %add3A_20 = arith.constant 393216 : i32
      %add3A_21 = arith.addi %add3A_20, %add3A_15 : i32
      "tpu.region"() ({
        %run_scoped3A = tpu.sem_alloc : memref<!tpu.dma_semaphore, #tpu.memory_space<semaphore_mem>>
        %dma_start3A_46 = tpu.memref_slice %arg3[%add3A_21] : memref<524288xi32, #tpu.memory_space<hbm>> -> memref<256xi32, #tpu.memory_space<hbm>>
        %dma_start3A_47 = tpu.memref_slice %arg3[%add3A_21] : memref<524288xi32, #tpu.memory_space<hbm>> -> memref<256xi32, #tpu.memory_space<hbm>>
        tpu.enqueue_dma source(%dma_start3A_47 : memref<256xi32, #tpu.memory_space<hbm>>) target(%arg6 : memref<256xi32, #tpu.memory_space<vmem>>) target_semaphore(%run_scoped3A : memref<!tpu.dma_semaphore, #tpu.memory_space<semaphore_mem>>)
        %dma_wait3A_48 = tpu.memref_slice %arg3[%add3A_21] : memref<524288xi32, #tpu.memory_space<hbm>> -> memref<256xi32, #tpu.memory_space<hbm>>
        %dma_wait3A_49 = tpu.memref_slice %arg3[%add3A_21] : memref<524288xi32, #tpu.memory_space<hbm>> -> memref<256xi32, #tpu.memory_space<hbm>>
        tpu.wait_dma2 semaphore(%run_scoped3A : memref<!tpu.dma_semaphore, #tpu.memory_space<semaphore_mem>>) src(%dma_wait3A_49 : memref<256xi32, #tpu.memory_space<hbm>>) dst(%arg6 : memref<256xi32, #tpu.memory_space<vmem>>)
        tpu.yield
      }) : () -> ()
      %dma_start3A_22 = arith.constant 0 : i32
      %dma_start3A_23 = arith.constant 0 : i32
      %dma_start3A_24 = tpu.memref_slice %arg2[%dma_start3A_22, %dma_start3A_23] : memref<32768x128xf32, #tpu.memory_space<hbm>> -> memref<32768x128xf32, #tpu.memory_space<hbm>>
      tpu.enqueue_indirect_dma source(%dma_start3A_24 : memref<32768x128xf32, #tpu.memory_space<hbm>>) target(%arg8 : memref<256x128xf32, #tpu.memory_space<vmem>>) offsets(%arg6 : memref<256xi32, #tpu.memory_space<vmem>>) semaphore(%arg10 : memref<!tpu.dma_semaphore, #tpu.memory_space<semaphore_mem>>)
      %dma_wait3A = arith.constant 0 : i32
      %dma_wait3A_25 = arith.constant 0 : i32
      %dma_wait3A_26 = tpu.memref_slice %arg2[%dma_wait3A, %dma_wait3A_25] : memref<32768x128xf32, #tpu.memory_space<hbm>> -> memref<32768x128xf32, #tpu.memory_space<hbm>>
      tpu.wait_indirect_dma semaphore(%arg9 : memref<!tpu.dma_semaphore, #tpu.memory_space<semaphore_mem>>) src(%dma_wait3A_26 : memref<32768x128xf32, #tpu.memory_space<hbm>>) dst(%arg7 : memref<256x128xf32, #tpu.memory_space<vmem>>)
      %dma_start3A_27 = arith.constant 0 : i32
      %dma_start3A_28 = tpu.memref_slice %arg4[%add3A_13, %dma_start3A_27] : memref<65536x128xf32, #tpu.memory_space<hbm>> -> memref<256x128xf32, #tpu.memory_space<hbm>>
      %dma_start3A_29 = arith.constant 0 : i32
      %dma_start3A_30 = tpu.memref_slice %arg4[%add3A_13, %dma_start3A_29] : memref<65536x128xf32, #tpu.memory_space<hbm>> -> memref<256x128xf32, #tpu.memory_space<hbm>>
      tpu.enqueue_dma source(%arg7 : memref<256x128xf32, #tpu.memory_space<vmem>>) target(%dma_start3A_30 : memref<256x128xf32, #tpu.memory_space<hbm>>) target_semaphore(%arg11 : memref<!tpu.dma_semaphore, #tpu.memory_space<semaphore_mem>>)
      %dma_wait3A_31 = arith.constant 0 : i32
      %dma_wait3A_32 = arith.constant 0 : i32
      %dma_wait3A_33 = tpu.memref_slice %arg2[%dma_wait3A_31, %dma_wait3A_32] : memref<32768x128xf32, #tpu.memory_space<hbm>> -> memref<32768x128xf32, #tpu.memory_space<hbm>>
      tpu.wait_indirect_dma semaphore(%arg10 : memref<!tpu.dma_semaphore, #tpu.memory_space<semaphore_mem>>) src(%dma_wait3A_33 : memref<32768x128xf32, #tpu.memory_space<hbm>>) dst(%arg8 : memref<256x128xf32, #tpu.memory_space<vmem>>)
      %dma_start3A_34 = arith.constant 0 : i32
      %dma_start3A_35 = tpu.memref_slice %arg4[%add3A_15, %dma_start3A_34] : memref<65536x128xf32, #tpu.memory_space<hbm>> -> memref<256x128xf32, #tpu.memory_space<hbm>>
      %dma_start3A_36 = arith.constant 0 : i32
      %dma_start3A_37 = tpu.memref_slice %arg4[%add3A_15, %dma_start3A_36] : memref<65536x128xf32, #tpu.memory_space<hbm>> -> memref<256x128xf32, #tpu.memory_space<hbm>>
      tpu.enqueue_dma source(%arg8 : memref<256x128xf32, #tpu.memory_space<vmem>>) target(%dma_start3A_37 : memref<256x128xf32, #tpu.memory_space<hbm>>) target_semaphore(%arg12 : memref<!tpu.dma_semaphore, #tpu.memory_space<semaphore_mem>>)
      %dma_wait3A_38 = arith.constant 0 : i32
      %dma_wait3A_39 = tpu.memref_slice %arg4[%add3A_13, %dma_wait3A_38] : memref<65536x128xf32, #tpu.memory_space<hbm>> -> memref<256x128xf32, #tpu.memory_space<hbm>>
      %dma_wait3A_40 = arith.constant 0 : i32
      %dma_wait3A_41 = tpu.memref_slice %arg4[%add3A_13, %dma_wait3A_40] : memref<65536x128xf32, #tpu.memory_space<hbm>> -> memref<256x128xf32, #tpu.memory_space<hbm>>
      tpu.wait_dma2 semaphore(%arg11 : memref<!tpu.dma_semaphore, #tpu.memory_space<semaphore_mem>>) src(%arg7 : memref<256x128xf32, #tpu.memory_space<vmem>>) dst(%dma_wait3A_41 : memref<256x128xf32, #tpu.memory_space<hbm>>)
      %dma_wait3A_42 = arith.constant 0 : i32
      %dma_wait3A_43 = tpu.memref_slice %arg4[%add3A_15, %dma_wait3A_42] : memref<65536x128xf32, #tpu.memory_space<hbm>> -> memref<256x128xf32, #tpu.memory_space<hbm>>
      %dma_wait3A_44 = arith.constant 0 : i32
      %dma_wait3A_45 = tpu.memref_slice %arg4[%add3A_15, %dma_wait3A_44] : memref<65536x128xf32, #tpu.memory_space<hbm>> -> memref<256x128xf32, #tpu.memory_space<hbm>>
      tpu.wait_dma2 semaphore(%arg12 : memref<!tpu.dma_semaphore, #tpu.memory_space<semaphore_mem>>) src(%arg8 : memref<256x128xf32, #tpu.memory_space<vmem>>) dst(%dma_wait3A_45 : memref<256x128xf32, #tpu.memory_space<hbm>>)
    }
    %scan3A_7 = arith.constant 4 : i32
    return
  }
}

#map = affine_map<(d0, d1) -> (0, 0)>
#map1 = affine_map<(d0, d1) -> (0)>
module attributes {stable_mosaic.version = 14 : i64} {
  func.func @gather_kernel(%arg0: i32, %arg1: i32, %arg2: memref<32768x128xf32, #tpu.memory_space<hbm>>, %arg3: memref<524288xi32, #tpu.memory_space<hbm>>, %arg4: memref<65536x128xf32, #tpu.memory_space<hbm>>, %arg5: memref<256xi32, #tpu.memory_space<vmem>>, %arg6: memref<256xi32, #tpu.memory_space<vmem>>, %arg7: memref<256x128xf32, #tpu.memory_space<vmem>>, %arg8: memref<256x128xf32, #tpu.memory_space<vmem>>, %arg9: memref<!tpu.dma_semaphore, #tpu.memory_space<semaphore_mem>>, %arg10: memref<!tpu.dma_semaphore, #tpu.memory_space<semaphore_mem>>, %arg11: memref<!tpu.dma_semaphore, #tpu.memory_space<semaphore_mem>>, %arg12: memref<!tpu.dma_semaphore, #tpu.memory_space<semaphore_mem>>) attributes {dimension_semantics = [#tpu.dimension_semantics<core_parallel>, #tpu.dimension_semantics<subcore_parallel>], iteration_bounds = array<i64: 2, 16>, scalar_prefetch = 0 : i64, scratch_operands = 8 : i64, tpu.core_type = #tpu.core_type<sc_vector_subcore>, window_params = [{transform_indices = #map}, {transform_indices = #map1}, {transform_indices = #map}]} {
    %mul3A = arith.constant 2 : i32
    %mul3A_0 = arith.muli %arg1, %mul3A : i32
    %add3A = arith.addi %mul3A_0, %arg0 : i32
    %mul3A_1 = arith.constant 2048 : i32
    %mul3A_2 = arith.muli %add3A, %mul3A_1 : i32
    %scan3A = arith.constant 0 : i32
    %scan3A_3 = arith.constant 0 : i32
    %scan3A_4 = arith.constant 4 : i32
    %scan3A_5 = arith.addi %scan3A_3, %scan3A_4 : i32
    %scan3A_6 = arith.constant 1 : i32
    scf.for %scan3A_8 = %scan3A_3 to %scan3A_5 step %scan3A_6  : i32 {
      %mul3A_9 = arith.constant 2 : i32
      %mul3A_10 = arith.muli %scan3A_8, %mul3A_9 : i32
      %mul3A_11 = arith.constant 256 : i32
      %mul3A_12 = arith.muli %mul3A_10, %mul3A_11 : i32
      %add3A_13 = arith.addi %mul3A_2, %mul3A_12 : i32
      %add3A_14 = arith.constant 256 : i32
      %add3A_15 = arith.addi %add3A_13, %add3A_14 : i32
      %add3A_16 = arith.constant 196608 : i32
      %add3A_17 = arith.addi %add3A_16, %add3A_13 : i32
      "tpu.region"() ({
        %run_scoped3A = tpu.sem_alloc : memref<!tpu.dma_semaphore, #tpu.memory_space<semaphore_mem>>
        %dma_start3A_46 = tpu.memref_slice %arg3[%add3A_17] : memref<524288xi32, #tpu.memory_space<hbm>> -> memref<256xi32, #tpu.memory_space<hbm>>
        %dma_start3A_47 = tpu.memref_slice %arg3[%add3A_17] : memref<524288xi32, #tpu.memory_space<hbm>> -> memref<256xi32, #tpu.memory_space<hbm>>
        tpu.enqueue_dma source(%dma_start3A_47 : memref<256xi32, #tpu.memory_space<hbm>>) target(%arg5 : memref<256xi32, #tpu.memory_space<vmem>>) target_semaphore(%run_scoped3A : memref<!tpu.dma_semaphore, #tpu.memory_space<semaphore_mem>>)
        %dma_wait3A_48 = tpu.memref_slice %arg3[%add3A_17] : memref<524288xi32, #tpu.memory_space<hbm>> -> memref<256xi32, #tpu.memory_space<hbm>>
        %dma_wait3A_49 = tpu.memref_slice %arg3[%add3A_17] : memref<524288xi32, #tpu.memory_space<hbm>> -> memref<256xi32, #tpu.memory_space<hbm>>
        tpu.wait_dma2 semaphore(%run_scoped3A : memref<!tpu.dma_semaphore, #tpu.memory_space<semaphore_mem>>) src(%dma_wait3A_49 : memref<256xi32, #tpu.memory_space<hbm>>) dst(%arg5 : memref<256xi32, #tpu.memory_space<vmem>>)
        tpu.yield
      }) : () -> ()
      %dma_start3A = arith.constant 0 : i32
      %dma_start3A_18 = arith.constant 0 : i32
      %dma_start3A_19 = tpu.memref_slice %arg2[%dma_start3A, %dma_start3A_18] : memref<32768x128xf32, #tpu.memory_space<hbm>> -> memref<32768x128xf32, #tpu.memory_space<hbm>>
      tpu.enqueue_indirect_dma source(%dma_start3A_19 : memref<32768x128xf32, #tpu.memory_space<hbm>>) target(%arg7 : memref<256x128xf32, #tpu.memory_space<vmem>>) offsets(%arg5 : memref<256xi32, #tpu.memory_space<vmem>>) semaphore(%arg9 : memref<!tpu.dma_semaphore, #tpu.memory_space<semaphore_mem>>)
      %add3A_20 = arith.constant 196608 : i32
      %add3A_21 = arith.addi %add3A_20, %add3A_15 : i32
      "tpu.region"() ({
        %run_scoped3A = tpu.sem_alloc : memref<!tpu.dma_semaphore, #tpu.memory_space<semaphore_mem>>
        %dma_start3A_46 = tpu.memref_slice %arg3[%add3A_21] : memref<524288xi32, #tpu.memory_space<hbm>> -> memref<256xi32, #tpu.memory_space<hbm>>
        %dma_start3A_47 = tpu.memref_slice %arg3[%add3A_21] : memref<524288xi32, #tpu.memory_space<hbm>> -> memref<256xi32, #tpu.memory_space<hbm>>
        tpu.enqueue_dma source(%dma_start3A_47 : memref<256xi32, #tpu.memory_space<hbm>>) target(%arg6 : memref<256xi32, #tpu.memory_space<vmem>>) target_semaphore(%run_scoped3A : memref<!tpu.dma_semaphore, #tpu.memory_space<semaphore_mem>>)
        %dma_wait3A_48 = tpu.memref_slice %arg3[%add3A_21] : memref<524288xi32, #tpu.memory_space<hbm>> -> memref<256xi32, #tpu.memory_space<hbm>>
        %dma_wait3A_49 = tpu.memref_slice %arg3[%add3A_21] : memref<524288xi32, #tpu.memory_space<hbm>> -> memref<256xi32, #tpu.memory_space<hbm>>
        tpu.wait_dma2 semaphore(%run_scoped3A : memref<!tpu.dma_semaphore, #tpu.memory_space<semaphore_mem>>) src(%dma_wait3A_49 : memref<256xi32, #tpu.memory_space<hbm>>) dst(%arg6 : memref<256xi32, #tpu.memory_space<vmem>>)
        tpu.yield
      }) : () -> ()
      %dma_start3A_22 = arith.constant 0 : i32
      %dma_start3A_23 = arith.constant 0 : i32
      %dma_start3A_24 = tpu.memref_slice %arg2[%dma_start3A_22, %dma_start3A_23] : memref<32768x128xf32, #tpu.memory_space<hbm>> -> memref<32768x128xf32, #tpu.memory_space<hbm>>
      tpu.enqueue_indirect_dma source(%dma_start3A_24 : memref<32768x128xf32, #tpu.memory_space<hbm>>) target(%arg8 : memref<256x128xf32, #tpu.memory_space<vmem>>) offsets(%arg6 : memref<256xi32, #tpu.memory_space<vmem>>) semaphore(%arg10 : memref<!tpu.dma_semaphore, #tpu.memory_space<semaphore_mem>>)
      %dma_wait3A = arith.constant 0 : i32
      %dma_wait3A_25 = arith.constant 0 : i32
      %dma_wait3A_26 = tpu.memref_slice %arg2[%dma_wait3A, %dma_wait3A_25] : memref<32768x128xf32, #tpu.memory_space<hbm>> -> memref<32768x128xf32, #tpu.memory_space<hbm>>
      tpu.wait_indirect_dma semaphore(%arg9 : memref<!tpu.dma_semaphore, #tpu.memory_space<semaphore_mem>>) src(%dma_wait3A_26 : memref<32768x128xf32, #tpu.memory_space<hbm>>) dst(%arg7 : memref<256x128xf32, #tpu.memory_space<vmem>>)
      %dma_start3A_27 = arith.constant 0 : i32
      %dma_start3A_28 = tpu.memref_slice %arg4[%add3A_13, %dma_start3A_27] : memref<65536x128xf32, #tpu.memory_space<hbm>> -> memref<256x128xf32, #tpu.memory_space<hbm>>
      %dma_start3A_29 = arith.constant 0 : i32
      %dma_start3A_30 = tpu.memref_slice %arg4[%add3A_13, %dma_start3A_29] : memref<65536x128xf32, #tpu.memory_space<hbm>> -> memref<256x128xf32, #tpu.memory_space<hbm>>
      tpu.enqueue_dma source(%arg7 : memref<256x128xf32, #tpu.memory_space<vmem>>) target(%dma_start3A_30 : memref<256x128xf32, #tpu.memory_space<hbm>>) target_semaphore(%arg11 : memref<!tpu.dma_semaphore, #tpu.memory_space<semaphore_mem>>)
      %dma_wait3A_31 = arith.constant 0 : i32
      %dma_wait3A_32 = arith.constant 0 : i32
      %dma_wait3A_33 = tpu.memref_slice %arg2[%dma_wait3A_31, %dma_wait3A_32] : memref<32768x128xf32, #tpu.memory_space<hbm>> -> memref<32768x128xf32, #tpu.memory_space<hbm>>
      tpu.wait_indirect_dma semaphore(%arg10 : memref<!tpu.dma_semaphore, #tpu.memory_space<semaphore_mem>>) src(%dma_wait3A_33 : memref<32768x128xf32, #tpu.memory_space<hbm>>) dst(%arg8 : memref<256x128xf32, #tpu.memory_space<vmem>>)
      %dma_start3A_34 = arith.constant 0 : i32
      %dma_start3A_35 = tpu.memref_slice %arg4[%add3A_15, %dma_start3A_34] : memref<65536x128xf32, #tpu.memory_space<hbm>> -> memref<256x128xf32, #tpu.memory_space<hbm>>
      %dma_start3A_36 = arith.constant 0 : i32
      %dma_start3A_37 = tpu.memref_slice %arg4[%add3A_15, %dma_start3A_36] : memref<65536x128xf32, #tpu.memory_space<hbm>> -> memref<256x128xf32, #tpu.memory_space<hbm>>
      tpu.enqueue_dma source(%arg8 : memref<256x128xf32, #tpu.memory_space<vmem>>) target(%dma_start3A_37 : memref<256x128xf32, #tpu.memory_space<hbm>>) target_semaphore(%arg12 : memref<!tpu.dma_semaphore, #tpu.memory_space<semaphore_mem>>)
      %dma_wait3A_38 = arith.constant 0 : i32
      %dma_wait3A_39 = tpu.memref_slice %arg4[%add3A_13, %dma_wait3A_38] : memref<65536x128xf32, #tpu.memory_space<hbm>> -> memref<256x128xf32, #tpu.memory_space<hbm>>
      %dma_wait3A_40 = arith.constant 0 : i32
      %dma_wait3A_41 = tpu.memref_slice %arg4[%add3A_13, %dma_wait3A_40] : memref<65536x128xf32, #tpu.memory_space<hbm>> -> memref<256x128xf32, #tpu.memory_space<hbm>>
      tpu.wait_dma2 semaphore(%arg11 : memref<!tpu.dma_semaphore, #tpu.memory_space<semaphore_mem>>) src(%arg7 : memref<256x128xf32, #tpu.memory_space<vmem>>) dst(%dma_wait3A_41 : memref<256x128xf32, #tpu.memory_space<hbm>>)
      %dma_wait3A_42 = arith.constant 0 : i32
      %dma_wait3A_43 = tpu.memref_slice %arg4[%add3A_15, %dma_wait3A_42] : memref<65536x128xf32, #tpu.memory_space<hbm>> -> memref<256x128xf32, #tpu.memory_space<hbm>>
      %dma_wait3A_44 = arith.constant 0 : i32
      %dma_wait3A_45 = tpu.memref_slice %arg4[%add3A_15, %dma_wait3A_44] : memref<65536x128xf32, #tpu.memory_space<hbm>> -> memref<256x128xf32, #tpu.memory_space<hbm>>
      tpu.wait_dma2 semaphore(%arg12 : memref<!tpu.dma_semaphore, #tpu.memory_space<semaphore_mem>>) src(%arg8 : memref<256x128xf32, #tpu.memory_space<vmem>>) dst(%dma_wait3A_45 : memref<256x128xf32, #tpu.memory_space<hbm>>)
    }
    %scan3A_7 = arith.constant 4 : i32
    return
  }
}

#map = affine_map<(d0, d1) -> (0, 0)>
#map1 = affine_map<(d0, d1) -> (0)>
module attributes {stable_mosaic.version = 14 : i64} {
  func.func @gather_kernel(%arg0: i32, %arg1: i32, %arg2: memref<32768x128xf32, #tpu.memory_space<hbm>>, %arg3: memref<524288xi32, #tpu.memory_space<hbm>>, %arg4: memref<65536x128xf32, #tpu.memory_space<hbm>>, %arg5: memref<256xi32, #tpu.memory_space<vmem>>, %arg6: memref<256xi32, #tpu.memory_space<vmem>>, %arg7: memref<256x128xf32, #tpu.memory_space<vmem>>, %arg8: memref<256x128xf32, #tpu.memory_space<vmem>>, %arg9: memref<!tpu.dma_semaphore, #tpu.memory_space<semaphore_mem>>, %arg10: memref<!tpu.dma_semaphore, #tpu.memory_space<semaphore_mem>>, %arg11: memref<!tpu.dma_semaphore, #tpu.memory_space<semaphore_mem>>, %arg12: memref<!tpu.dma_semaphore, #tpu.memory_space<semaphore_mem>>) attributes {dimension_semantics = [#tpu.dimension_semantics<core_parallel>, #tpu.dimension_semantics<subcore_parallel>], iteration_bounds = array<i64: 2, 16>, scalar_prefetch = 0 : i64, scratch_operands = 8 : i64, tpu.core_type = #tpu.core_type<sc_vector_subcore>, window_params = [{transform_indices = #map}, {transform_indices = #map1}, {transform_indices = #map}]} {
    %mul3A = arith.constant 2 : i32
    %mul3A_0 = arith.muli %arg1, %mul3A : i32
    %add3A = arith.addi %mul3A_0, %arg0 : i32
    %mul3A_1 = arith.constant 2048 : i32
    %mul3A_2 = arith.muli %add3A, %mul3A_1 : i32
    %scan3A = arith.constant 0 : i32
    %scan3A_3 = arith.constant 0 : i32
    %scan3A_4 = arith.constant 4 : i32
    %scan3A_5 = arith.addi %scan3A_3, %scan3A_4 : i32
    %scan3A_6 = arith.constant 1 : i32
    scf.for %scan3A_8 = %scan3A_3 to %scan3A_5 step %scan3A_6  : i32 {
      %mul3A_9 = arith.constant 2 : i32
      %mul3A_10 = arith.muli %scan3A_8, %mul3A_9 : i32
      %mul3A_11 = arith.constant 256 : i32
      %mul3A_12 = arith.muli %mul3A_10, %mul3A_11 : i32
      %add3A_13 = arith.addi %mul3A_2, %mul3A_12 : i32
      %add3A_14 = arith.constant 256 : i32
      %add3A_15 = arith.addi %add3A_13, %add3A_14 : i32
      %add3A_16 = arith.constant 327680 : i32
      %add3A_17 = arith.addi %add3A_16, %add3A_13 : i32
      "tpu.region"() ({
        %run_scoped3A = tpu.sem_alloc : memref<!tpu.dma_semaphore, #tpu.memory_space<semaphore_mem>>
        %dma_start3A_46 = tpu.memref_slice %arg3[%add3A_17] : memref<524288xi32, #tpu.memory_space<hbm>> -> memref<256xi32, #tpu.memory_space<hbm>>
        %dma_start3A_47 = tpu.memref_slice %arg3[%add3A_17] : memref<524288xi32, #tpu.memory_space<hbm>> -> memref<256xi32, #tpu.memory_space<hbm>>
        tpu.enqueue_dma source(%dma_start3A_47 : memref<256xi32, #tpu.memory_space<hbm>>) target(%arg5 : memref<256xi32, #tpu.memory_space<vmem>>) target_semaphore(%run_scoped3A : memref<!tpu.dma_semaphore, #tpu.memory_space<semaphore_mem>>)
        %dma_wait3A_48 = tpu.memref_slice %arg3[%add3A_17] : memref<524288xi32, #tpu.memory_space<hbm>> -> memref<256xi32, #tpu.memory_space<hbm>>
        %dma_wait3A_49 = tpu.memref_slice %arg3[%add3A_17] : memref<524288xi32, #tpu.memory_space<hbm>> -> memref<256xi32, #tpu.memory_space<hbm>>
        tpu.wait_dma2 semaphore(%run_scoped3A : memref<!tpu.dma_semaphore, #tpu.memory_space<semaphore_mem>>) src(%dma_wait3A_49 : memref<256xi32, #tpu.memory_space<hbm>>) dst(%arg5 : memref<256xi32, #tpu.memory_space<vmem>>)
        tpu.yield
      }) : () -> ()
      %dma_start3A = arith.constant 0 : i32
      %dma_start3A_18 = arith.constant 0 : i32
      %dma_start3A_19 = tpu.memref_slice %arg2[%dma_start3A, %dma_start3A_18] : memref<32768x128xf32, #tpu.memory_space<hbm>> -> memref<32768x128xf32, #tpu.memory_space<hbm>>
      tpu.enqueue_indirect_dma source(%dma_start3A_19 : memref<32768x128xf32, #tpu.memory_space<hbm>>) target(%arg7 : memref<256x128xf32, #tpu.memory_space<vmem>>) offsets(%arg5 : memref<256xi32, #tpu.memory_space<vmem>>) semaphore(%arg9 : memref<!tpu.dma_semaphore, #tpu.memory_space<semaphore_mem>>)
      %add3A_20 = arith.constant 327680 : i32
      %add3A_21 = arith.addi %add3A_20, %add3A_15 : i32
      "tpu.region"() ({
        %run_scoped3A = tpu.sem_alloc : memref<!tpu.dma_semaphore, #tpu.memory_space<semaphore_mem>>
        %dma_start3A_46 = tpu.memref_slice %arg3[%add3A_21] : memref<524288xi32, #tpu.memory_space<hbm>> -> memref<256xi32, #tpu.memory_space<hbm>>
        %dma_start3A_47 = tpu.memref_slice %arg3[%add3A_21] : memref<524288xi32, #tpu.memory_space<hbm>> -> memref<256xi32, #tpu.memory_space<hbm>>
        tpu.enqueue_dma source(%dma_start3A_47 : memref<256xi32, #tpu.memory_space<hbm>>) target(%arg6 : memref<256xi32, #tpu.memory_space<vmem>>) target_semaphore(%run_scoped3A : memref<!tpu.dma_semaphore, #tpu.memory_space<semaphore_mem>>)
        %dma_wait3A_48 = tpu.memref_slice %arg3[%add3A_21] : memref<524288xi32, #tpu.memory_space<hbm>> -> memref<256xi32, #tpu.memory_space<hbm>>
        %dma_wait3A_49 = tpu.memref_slice %arg3[%add3A_21] : memref<524288xi32, #tpu.memory_space<hbm>> -> memref<256xi32, #tpu.memory_space<hbm>>
        tpu.wait_dma2 semaphore(%run_scoped3A : memref<!tpu.dma_semaphore, #tpu.memory_space<semaphore_mem>>) src(%dma_wait3A_49 : memref<256xi32, #tpu.memory_space<hbm>>) dst(%arg6 : memref<256xi32, #tpu.memory_space<vmem>>)
        tpu.yield
      }) : () -> ()
      %dma_start3A_22 = arith.constant 0 : i32
      %dma_start3A_23 = arith.constant 0 : i32
      %dma_start3A_24 = tpu.memref_slice %arg2[%dma_start3A_22, %dma_start3A_23] : memref<32768x128xf32, #tpu.memory_space<hbm>> -> memref<32768x128xf32, #tpu.memory_space<hbm>>
      tpu.enqueue_indirect_dma source(%dma_start3A_24 : memref<32768x128xf32, #tpu.memory_space<hbm>>) target(%arg8 : memref<256x128xf32, #tpu.memory_space<vmem>>) offsets(%arg6 : memref<256xi32, #tpu.memory_space<vmem>>) semaphore(%arg10 : memref<!tpu.dma_semaphore, #tpu.memory_space<semaphore_mem>>)
      %dma_wait3A = arith.constant 0 : i32
      %dma_wait3A_25 = arith.constant 0 : i32
      %dma_wait3A_26 = tpu.memref_slice %arg2[%dma_wait3A, %dma_wait3A_25] : memref<32768x128xf32, #tpu.memory_space<hbm>> -> memref<32768x128xf32, #tpu.memory_space<hbm>>
      tpu.wait_indirect_dma semaphore(%arg9 : memref<!tpu.dma_semaphore, #tpu.memory_space<semaphore_mem>>) src(%dma_wait3A_26 : memref<32768x128xf32, #tpu.memory_space<hbm>>) dst(%arg7 : memref<256x128xf32, #tpu.memory_space<vmem>>)
      %dma_start3A_27 = arith.constant 0 : i32
      %dma_start3A_28 = tpu.memref_slice %arg4[%add3A_13, %dma_start3A_27] : memref<65536x128xf32, #tpu.memory_space<hbm>> -> memref<256x128xf32, #tpu.memory_space<hbm>>
      %dma_start3A_29 = arith.constant 0 : i32
      %dma_start3A_30 = tpu.memref_slice %arg4[%add3A_13, %dma_start3A_29] : memref<65536x128xf32, #tpu.memory_space<hbm>> -> memref<256x128xf32, #tpu.memory_space<hbm>>
      tpu.enqueue_dma source(%arg7 : memref<256x128xf32, #tpu.memory_space<vmem>>) target(%dma_start3A_30 : memref<256x128xf32, #tpu.memory_space<hbm>>) target_semaphore(%arg11 : memref<!tpu.dma_semaphore, #tpu.memory_space<semaphore_mem>>)
      %dma_wait3A_31 = arith.constant 0 : i32
      %dma_wait3A_32 = arith.constant 0 : i32
      %dma_wait3A_33 = tpu.memref_slice %arg2[%dma_wait3A_31, %dma_wait3A_32] : memref<32768x128xf32, #tpu.memory_space<hbm>> -> memref<32768x128xf32, #tpu.memory_space<hbm>>
      tpu.wait_indirect_dma semaphore(%arg10 : memref<!tpu.dma_semaphore, #tpu.memory_space<semaphore_mem>>) src(%dma_wait3A_33 : memref<32768x128xf32, #tpu.memory_space<hbm>>) dst(%arg8 : memref<256x128xf32, #tpu.memory_space<vmem>>)
      %dma_start3A_34 = arith.constant 0 : i32
      %dma_start3A_35 = tpu.memref_slice %arg4[%add3A_15, %dma_start3A_34] : memref<65536x128xf32, #tpu.memory_space<hbm>> -> memref<256x128xf32, #tpu.memory_space<hbm>>
      %dma_start3A_36 = arith.constant 0 : i32
      %dma_start3A_37 = tpu.memref_slice %arg4[%add3A_15, %dma_start3A_36] : memref<65536x128xf32, #tpu.memory_space<hbm>> -> memref<256x128xf32, #tpu.memory_space<hbm>>
      tpu.enqueue_dma source(%arg8 : memref<256x128xf32, #tpu.memory_space<vmem>>) target(%dma_start3A_37 : memref<256x128xf32, #tpu.memory_space<hbm>>) target_semaphore(%arg12 : memref<!tpu.dma_semaphore, #tpu.memory_space<semaphore_mem>>)
      %dma_wait3A_38 = arith.constant 0 : i32
      %dma_wait3A_39 = tpu.memref_slice %arg4[%add3A_13, %dma_wait3A_38] : memref<65536x128xf32, #tpu.memory_space<hbm>> -> memref<256x128xf32, #tpu.memory_space<hbm>>
      %dma_wait3A_40 = arith.constant 0 : i32
      %dma_wait3A_41 = tpu.memref_slice %arg4[%add3A_13, %dma_wait3A_40] : memref<65536x128xf32, #tpu.memory_space<hbm>> -> memref<256x128xf32, #tpu.memory_space<hbm>>
      tpu.wait_dma2 semaphore(%arg11 : memref<!tpu.dma_semaphore, #tpu.memory_space<semaphore_mem>>) src(%arg7 : memref<256x128xf32, #tpu.memory_space<vmem>>) dst(%dma_wait3A_41 : memref<256x128xf32, #tpu.memory_space<hbm>>)
      %dma_wait3A_42 = arith.constant 0 : i32
      %dma_wait3A_43 = tpu.memref_slice %arg4[%add3A_15, %dma_wait3A_42] : memref<65536x128xf32, #tpu.memory_space<hbm>> -> memref<256x128xf32, #tpu.memory_space<hbm>>
      %dma_wait3A_44 = arith.constant 0 : i32
      %dma_wait3A_45 = tpu.memref_slice %arg4[%add3A_15, %dma_wait3A_44] : memref<65536x128xf32, #tpu.memory_space<hbm>> -> memref<256x128xf32, #tpu.memory_space<hbm>>
      tpu.wait_dma2 semaphore(%arg12 : memref<!tpu.dma_semaphore, #tpu.memory_space<semaphore_mem>>) src(%arg8 : memref<256x128xf32, #tpu.memory_space<vmem>>) dst(%dma_wait3A_45 : memref<256x128xf32, #tpu.memory_space<hbm>>)
    }
    %scan3A_7 = arith.constant 4 : i32
    return
  }
}

#map = affine_map<(d0, d1) -> (0, 0)>
#map1 = affine_map<(d0, d1) -> (0)>
module attributes {stable_mosaic.version = 14 : i64} {
  func.func @gather_kernel(%arg0: i32, %arg1: i32, %arg2: memref<32768x128xf32, #tpu.memory_space<hbm>>, %arg3: memref<524288xi32, #tpu.memory_space<hbm>>, %arg4: memref<65536x128xf32, #tpu.memory_space<hbm>>, %arg5: memref<256xi32, #tpu.memory_space<vmem>>, %arg6: memref<256xi32, #tpu.memory_space<vmem>>, %arg7: memref<256x128xf32, #tpu.memory_space<vmem>>, %arg8: memref<256x128xf32, #tpu.memory_space<vmem>>, %arg9: memref<!tpu.dma_semaphore, #tpu.memory_space<semaphore_mem>>, %arg10: memref<!tpu.dma_semaphore, #tpu.memory_space<semaphore_mem>>, %arg11: memref<!tpu.dma_semaphore, #tpu.memory_space<semaphore_mem>>, %arg12: memref<!tpu.dma_semaphore, #tpu.memory_space<semaphore_mem>>) attributes {dimension_semantics = [#tpu.dimension_semantics<core_parallel>, #tpu.dimension_semantics<subcore_parallel>], iteration_bounds = array<i64: 2, 16>, scalar_prefetch = 0 : i64, scratch_operands = 8 : i64, tpu.core_type = #tpu.core_type<sc_vector_subcore>, window_params = [{transform_indices = #map}, {transform_indices = #map1}, {transform_indices = #map}]} {
    %mul3A = arith.constant 2 : i32
    %mul3A_0 = arith.muli %arg1, %mul3A : i32
    %add3A = arith.addi %mul3A_0, %arg0 : i32
    %mul3A_1 = arith.constant 2048 : i32
    %mul3A_2 = arith.muli %add3A, %mul3A_1 : i32
    %scan3A = arith.constant 0 : i32
    %scan3A_3 = arith.constant 0 : i32
    %scan3A_4 = arith.constant 4 : i32
    %scan3A_5 = arith.addi %scan3A_3, %scan3A_4 : i32
    %scan3A_6 = arith.constant 1 : i32
    scf.for %scan3A_8 = %scan3A_3 to %scan3A_5 step %scan3A_6  : i32 {
      %mul3A_9 = arith.constant 2 : i32
      %mul3A_10 = arith.muli %scan3A_8, %mul3A_9 : i32
      %mul3A_11 = arith.constant 256 : i32
      %mul3A_12 = arith.muli %mul3A_10, %mul3A_11 : i32
      %add3A_13 = arith.addi %mul3A_2, %mul3A_12 : i32
      %add3A_14 = arith.constant 256 : i32
      %add3A_15 = arith.addi %add3A_13, %add3A_14 : i32
      %add3A_16 = arith.constant 131072 : i32
      %add3A_17 = arith.addi %add3A_16, %add3A_13 : i32
      "tpu.region"() ({
        %run_scoped3A = tpu.sem_alloc : memref<!tpu.dma_semaphore, #tpu.memory_space<semaphore_mem>>
        %dma_start3A_46 = tpu.memref_slice %arg3[%add3A_17] : memref<524288xi32, #tpu.memory_space<hbm>> -> memref<256xi32, #tpu.memory_space<hbm>>
        %dma_start3A_47 = tpu.memref_slice %arg3[%add3A_17] : memref<524288xi32, #tpu.memory_space<hbm>> -> memref<256xi32, #tpu.memory_space<hbm>>
        tpu.enqueue_dma source(%dma_start3A_47 : memref<256xi32, #tpu.memory_space<hbm>>) target(%arg5 : memref<256xi32, #tpu.memory_space<vmem>>) target_semaphore(%run_scoped3A : memref<!tpu.dma_semaphore, #tpu.memory_space<semaphore_mem>>)
        %dma_wait3A_48 = tpu.memref_slice %arg3[%add3A_17] : memref<524288xi32, #tpu.memory_space<hbm>> -> memref<256xi32, #tpu.memory_space<hbm>>
        %dma_wait3A_49 = tpu.memref_slice %arg3[%add3A_17] : memref<524288xi32, #tpu.memory_space<hbm>> -> memref<256xi32, #tpu.memory_space<hbm>>
        tpu.wait_dma2 semaphore(%run_scoped3A : memref<!tpu.dma_semaphore, #tpu.memory_space<semaphore_mem>>) src(%dma_wait3A_49 : memref<256xi32, #tpu.memory_space<hbm>>) dst(%arg5 : memref<256xi32, #tpu.memory_space<vmem>>)
        tpu.yield
      }) : () -> ()
      %dma_start3A = arith.constant 0 : i32
      %dma_start3A_18 = arith.constant 0 : i32
      %dma_start3A_19 = tpu.memref_slice %arg2[%dma_start3A, %dma_start3A_18] : memref<32768x128xf32, #tpu.memory_space<hbm>> -> memref<32768x128xf32, #tpu.memory_space<hbm>>
      tpu.enqueue_indirect_dma source(%dma_start3A_19 : memref<32768x128xf32, #tpu.memory_space<hbm>>) target(%arg7 : memref<256x128xf32, #tpu.memory_space<vmem>>) offsets(%arg5 : memref<256xi32, #tpu.memory_space<vmem>>) semaphore(%arg9 : memref<!tpu.dma_semaphore, #tpu.memory_space<semaphore_mem>>)
      %add3A_20 = arith.constant 131072 : i32
      %add3A_21 = arith.addi %add3A_20, %add3A_15 : i32
      "tpu.region"() ({
        %run_scoped3A = tpu.sem_alloc : memref<!tpu.dma_semaphore, #tpu.memory_space<semaphore_mem>>
        %dma_start3A_46 = tpu.memref_slice %arg3[%add3A_21] : memref<524288xi32, #tpu.memory_space<hbm>> -> memref<256xi32, #tpu.memory_space<hbm>>
        %dma_start3A_47 = tpu.memref_slice %arg3[%add3A_21] : memref<524288xi32, #tpu.memory_space<hbm>> -> memref<256xi32, #tpu.memory_space<hbm>>
        tpu.enqueue_dma source(%dma_start3A_47 : memref<256xi32, #tpu.memory_space<hbm>>) target(%arg6 : memref<256xi32, #tpu.memory_space<vmem>>) target_semaphore(%run_scoped3A : memref<!tpu.dma_semaphore, #tpu.memory_space<semaphore_mem>>)
        %dma_wait3A_48 = tpu.memref_slice %arg3[%add3A_21] : memref<524288xi32, #tpu.memory_space<hbm>> -> memref<256xi32, #tpu.memory_space<hbm>>
        %dma_wait3A_49 = tpu.memref_slice %arg3[%add3A_21] : memref<524288xi32, #tpu.memory_space<hbm>> -> memref<256xi32, #tpu.memory_space<hbm>>
        tpu.wait_dma2 semaphore(%run_scoped3A : memref<!tpu.dma_semaphore, #tpu.memory_space<semaphore_mem>>) src(%dma_wait3A_49 : memref<256xi32, #tpu.memory_space<hbm>>) dst(%arg6 : memref<256xi32, #tpu.memory_space<vmem>>)
        tpu.yield
      }) : () -> ()
      %dma_start3A_22 = arith.constant 0 : i32
      %dma_start3A_23 = arith.constant 0 : i32
      %dma_start3A_24 = tpu.memref_slice %arg2[%dma_start3A_22, %dma_start3A_23] : memref<32768x128xf32, #tpu.memory_space<hbm>> -> memref<32768x128xf32, #tpu.memory_space<hbm>>
      tpu.enqueue_indirect_dma source(%dma_start3A_24 : memref<32768x128xf32, #tpu.memory_space<hbm>>) target(%arg8 : memref<256x128xf32, #tpu.memory_space<vmem>>) offsets(%arg6 : memref<256xi32, #tpu.memory_space<vmem>>) semaphore(%arg10 : memref<!tpu.dma_semaphore, #tpu.memory_space<semaphore_mem>>)
      %dma_wait3A = arith.constant 0 : i32
      %dma_wait3A_25 = arith.constant 0 : i32
      %dma_wait3A_26 = tpu.memref_slice %arg2[%dma_wait3A, %dma_wait3A_25] : memref<32768x128xf32, #tpu.memory_space<hbm>> -> memref<32768x128xf32, #tpu.memory_space<hbm>>
      tpu.wait_indirect_dma semaphore(%arg9 : memref<!tpu.dma_semaphore, #tpu.memory_space<semaphore_mem>>) src(%dma_wait3A_26 : memref<32768x128xf32, #tpu.memory_space<hbm>>) dst(%arg7 : memref<256x128xf32, #tpu.memory_space<vmem>>)
      %dma_start3A_27 = arith.constant 0 : i32
      %dma_start3A_28 = tpu.memref_slice %arg4[%add3A_13, %dma_start3A_27] : memref<65536x128xf32, #tpu.memory_space<hbm>> -> memref<256x128xf32, #tpu.memory_space<hbm>>
      %dma_start3A_29 = arith.constant 0 : i32
      %dma_start3A_30 = tpu.memref_slice %arg4[%add3A_13, %dma_start3A_29] : memref<65536x128xf32, #tpu.memory_space<hbm>> -> memref<256x128xf32, #tpu.memory_space<hbm>>
      tpu.enqueue_dma source(%arg7 : memref<256x128xf32, #tpu.memory_space<vmem>>) target(%dma_start3A_30 : memref<256x128xf32, #tpu.memory_space<hbm>>) target_semaphore(%arg11 : memref<!tpu.dma_semaphore, #tpu.memory_space<semaphore_mem>>)
      %dma_wait3A_31 = arith.constant 0 : i32
      %dma_wait3A_32 = arith.constant 0 : i32
      %dma_wait3A_33 = tpu.memref_slice %arg2[%dma_wait3A_31, %dma_wait3A_32] : memref<32768x128xf32, #tpu.memory_space<hbm>> -> memref<32768x128xf32, #tpu.memory_space<hbm>>
      tpu.wait_indirect_dma semaphore(%arg10 : memref<!tpu.dma_semaphore, #tpu.memory_space<semaphore_mem>>) src(%dma_wait3A_33 : memref<32768x128xf32, #tpu.memory_space<hbm>>) dst(%arg8 : memref<256x128xf32, #tpu.memory_space<vmem>>)
      %dma_start3A_34 = arith.constant 0 : i32
      %dma_start3A_35 = tpu.memref_slice %arg4[%add3A_15, %dma_start3A_34] : memref<65536x128xf32, #tpu.memory_space<hbm>> -> memref<256x128xf32, #tpu.memory_space<hbm>>
      %dma_start3A_36 = arith.constant 0 : i32
      %dma_start3A_37 = tpu.memref_slice %arg4[%add3A_15, %dma_start3A_36] : memref<65536x128xf32, #tpu.memory_space<hbm>> -> memref<256x128xf32, #tpu.memory_space<hbm>>
      tpu.enqueue_dma source(%arg8 : memref<256x128xf32, #tpu.memory_space<vmem>>) target(%dma_start3A_37 : memref<256x128xf32, #tpu.memory_space<hbm>>) target_semaphore(%arg12 : memref<!tpu.dma_semaphore, #tpu.memory_space<semaphore_mem>>)
      %dma_wait3A_38 = arith.constant 0 : i32
      %dma_wait3A_39 = tpu.memref_slice %arg4[%add3A_13, %dma_wait3A_38] : memref<65536x128xf32, #tpu.memory_space<hbm>> -> memref<256x128xf32, #tpu.memory_space<hbm>>
      %dma_wait3A_40 = arith.constant 0 : i32
      %dma_wait3A_41 = tpu.memref_slice %arg4[%add3A_13, %dma_wait3A_40] : memref<65536x128xf32, #tpu.memory_space<hbm>> -> memref<256x128xf32, #tpu.memory_space<hbm>>
      tpu.wait_dma2 semaphore(%arg11 : memref<!tpu.dma_semaphore, #tpu.memory_space<semaphore_mem>>) src(%arg7 : memref<256x128xf32, #tpu.memory_space<vmem>>) dst(%dma_wait3A_41 : memref<256x128xf32, #tpu.memory_space<hbm>>)
      %dma_wait3A_42 = arith.constant 0 : i32
      %dma_wait3A_43 = tpu.memref_slice %arg4[%add3A_15, %dma_wait3A_42] : memref<65536x128xf32, #tpu.memory_space<hbm>> -> memref<256x128xf32, #tpu.memory_space<hbm>>
      %dma_wait3A_44 = arith.constant 0 : i32
      %dma_wait3A_45 = tpu.memref_slice %arg4[%add3A_15, %dma_wait3A_44] : memref<65536x128xf32, #tpu.memory_space<hbm>> -> memref<256x128xf32, #tpu.memory_space<hbm>>
      tpu.wait_dma2 semaphore(%arg12 : memref<!tpu.dma_semaphore, #tpu.memory_space<semaphore_mem>>) src(%arg8 : memref<256x128xf32, #tpu.memory_space<vmem>>) dst(%dma_wait3A_45 : memref<256x128xf32, #tpu.memory_space<hbm>>)
    }
    %scan3A_7 = arith.constant 4 : i32
    return
  }
}

#map = affine_map<(d0, d1) -> (0, 0)>
#map1 = affine_map<(d0, d1) -> (0)>
module attributes {stable_mosaic.version = 14 : i64} {
  func.func @gather_kernel(%arg0: i32, %arg1: i32, %arg2: memref<32768x128xf32, #tpu.memory_space<hbm>>, %arg3: memref<524288xi32, #tpu.memory_space<hbm>>, %arg4: memref<65536x128xf32, #tpu.memory_space<hbm>>, %arg5: memref<256xi32, #tpu.memory_space<vmem>>, %arg6: memref<256xi32, #tpu.memory_space<vmem>>, %arg7: memref<256x128xf32, #tpu.memory_space<vmem>>, %arg8: memref<256x128xf32, #tpu.memory_space<vmem>>, %arg9: memref<!tpu.dma_semaphore, #tpu.memory_space<semaphore_mem>>, %arg10: memref<!tpu.dma_semaphore, #tpu.memory_space<semaphore_mem>>, %arg11: memref<!tpu.dma_semaphore, #tpu.memory_space<semaphore_mem>>, %arg12: memref<!tpu.dma_semaphore, #tpu.memory_space<semaphore_mem>>) attributes {dimension_semantics = [#tpu.dimension_semantics<core_parallel>, #tpu.dimension_semantics<subcore_parallel>], iteration_bounds = array<i64: 2, 16>, scalar_prefetch = 0 : i64, scratch_operands = 8 : i64, tpu.core_type = #tpu.core_type<sc_vector_subcore>, window_params = [{transform_indices = #map}, {transform_indices = #map1}, {transform_indices = #map}]} {
    %mul3A = arith.constant 2 : i32
    %mul3A_0 = arith.muli %arg1, %mul3A : i32
    %add3A = arith.addi %mul3A_0, %arg0 : i32
    %mul3A_1 = arith.constant 2048 : i32
    %mul3A_2 = arith.muli %add3A, %mul3A_1 : i32
    %scan3A = arith.constant 0 : i32
    %scan3A_3 = arith.constant 0 : i32
    %scan3A_4 = arith.constant 4 : i32
    %scan3A_5 = arith.addi %scan3A_3, %scan3A_4 : i32
    %scan3A_6 = arith.constant 1 : i32
    scf.for %scan3A_8 = %scan3A_3 to %scan3A_5 step %scan3A_6  : i32 {
      %mul3A_9 = arith.constant 2 : i32
      %mul3A_10 = arith.muli %scan3A_8, %mul3A_9 : i32
      %mul3A_11 = arith.constant 256 : i32
      %mul3A_12 = arith.muli %mul3A_10, %mul3A_11 : i32
      %add3A_13 = arith.addi %mul3A_2, %mul3A_12 : i32
      %add3A_14 = arith.constant 256 : i32
      %add3A_15 = arith.addi %add3A_13, %add3A_14 : i32
      %add3A_16 = arith.constant 65536 : i32
      %add3A_17 = arith.addi %add3A_16, %add3A_13 : i32
      "tpu.region"() ({
        %run_scoped3A = tpu.sem_alloc : memref<!tpu.dma_semaphore, #tpu.memory_space<semaphore_mem>>
        %dma_start3A_46 = tpu.memref_slice %arg3[%add3A_17] : memref<524288xi32, #tpu.memory_space<hbm>> -> memref<256xi32, #tpu.memory_space<hbm>>
        %dma_start3A_47 = tpu.memref_slice %arg3[%add3A_17] : memref<524288xi32, #tpu.memory_space<hbm>> -> memref<256xi32, #tpu.memory_space<hbm>>
        tpu.enqueue_dma source(%dma_start3A_47 : memref<256xi32, #tpu.memory_space<hbm>>) target(%arg5 : memref<256xi32, #tpu.memory_space<vmem>>) target_semaphore(%run_scoped3A : memref<!tpu.dma_semaphore, #tpu.memory_space<semaphore_mem>>)
        %dma_wait3A_48 = tpu.memref_slice %arg3[%add3A_17] : memref<524288xi32, #tpu.memory_space<hbm>> -> memref<256xi32, #tpu.memory_space<hbm>>
        %dma_wait3A_49 = tpu.memref_slice %arg3[%add3A_17] : memref<524288xi32, #tpu.memory_space<hbm>> -> memref<256xi32, #tpu.memory_space<hbm>>
        tpu.wait_dma2 semaphore(%run_scoped3A : memref<!tpu.dma_semaphore, #tpu.memory_space<semaphore_mem>>) src(%dma_wait3A_49 : memref<256xi32, #tpu.memory_space<hbm>>) dst(%arg5 : memref<256xi32, #tpu.memory_space<vmem>>)
        tpu.yield
      }) : () -> ()
      %dma_start3A = arith.constant 0 : i32
      %dma_start3A_18 = arith.constant 0 : i32
      %dma_start3A_19 = tpu.memref_slice %arg2[%dma_start3A, %dma_start3A_18] : memref<32768x128xf32, #tpu.memory_space<hbm>> -> memref<32768x128xf32, #tpu.memory_space<hbm>>
      tpu.enqueue_indirect_dma source(%dma_start3A_19 : memref<32768x128xf32, #tpu.memory_space<hbm>>) target(%arg7 : memref<256x128xf32, #tpu.memory_space<vmem>>) offsets(%arg5 : memref<256xi32, #tpu.memory_space<vmem>>) semaphore(%arg9 : memref<!tpu.dma_semaphore, #tpu.memory_space<semaphore_mem>>)
      %add3A_20 = arith.constant 65536 : i32
      %add3A_21 = arith.addi %add3A_20, %add3A_15 : i32
      "tpu.region"() ({
        %run_scoped3A = tpu.sem_alloc : memref<!tpu.dma_semaphore, #tpu.memory_space<semaphore_mem>>
        %dma_start3A_46 = tpu.memref_slice %arg3[%add3A_21] : memref<524288xi32, #tpu.memory_space<hbm>> -> memref<256xi32, #tpu.memory_space<hbm>>
        %dma_start3A_47 = tpu.memref_slice %arg3[%add3A_21] : memref<524288xi32, #tpu.memory_space<hbm>> -> memref<256xi32, #tpu.memory_space<hbm>>
        tpu.enqueue_dma source(%dma_start3A_47 : memref<256xi32, #tpu.memory_space<hbm>>) target(%arg6 : memref<256xi32, #tpu.memory_space<vmem>>) target_semaphore(%run_scoped3A : memref<!tpu.dma_semaphore, #tpu.memory_space<semaphore_mem>>)
        %dma_wait3A_48 = tpu.memref_slice %arg3[%add3A_21] : memref<524288xi32, #tpu.memory_space<hbm>> -> memref<256xi32, #tpu.memory_space<hbm>>
        %dma_wait3A_49 = tpu.memref_slice %arg3[%add3A_21] : memref<524288xi32, #tpu.memory_space<hbm>> -> memref<256xi32, #tpu.memory_space<hbm>>
        tpu.wait_dma2 semaphore(%run_scoped3A : memref<!tpu.dma_semaphore, #tpu.memory_space<semaphore_mem>>) src(%dma_wait3A_49 : memref<256xi32, #tpu.memory_space<hbm>>) dst(%arg6 : memref<256xi32, #tpu.memory_space<vmem>>)
        tpu.yield
      }) : () -> ()
      %dma_start3A_22 = arith.constant 0 : i32
      %dma_start3A_23 = arith.constant 0 : i32
      %dma_start3A_24 = tpu.memref_slice %arg2[%dma_start3A_22, %dma_start3A_23] : memref<32768x128xf32, #tpu.memory_space<hbm>> -> memref<32768x128xf32, #tpu.memory_space<hbm>>
      tpu.enqueue_indirect_dma source(%dma_start3A_24 : memref<32768x128xf32, #tpu.memory_space<hbm>>) target(%arg8 : memref<256x128xf32, #tpu.memory_space<vmem>>) offsets(%arg6 : memref<256xi32, #tpu.memory_space<vmem>>) semaphore(%arg10 : memref<!tpu.dma_semaphore, #tpu.memory_space<semaphore_mem>>)
      %dma_wait3A = arith.constant 0 : i32
      %dma_wait3A_25 = arith.constant 0 : i32
      %dma_wait3A_26 = tpu.memref_slice %arg2[%dma_wait3A, %dma_wait3A_25] : memref<32768x128xf32, #tpu.memory_space<hbm>> -> memref<32768x128xf32, #tpu.memory_space<hbm>>
      tpu.wait_indirect_dma semaphore(%arg9 : memref<!tpu.dma_semaphore, #tpu.memory_space<semaphore_mem>>) src(%dma_wait3A_26 : memref<32768x128xf32, #tpu.memory_space<hbm>>) dst(%arg7 : memref<256x128xf32, #tpu.memory_space<vmem>>)
      %dma_start3A_27 = arith.constant 0 : i32
      %dma_start3A_28 = tpu.memref_slice %arg4[%add3A_13, %dma_start3A_27] : memref<65536x128xf32, #tpu.memory_space<hbm>> -> memref<256x128xf32, #tpu.memory_space<hbm>>
      %dma_start3A_29 = arith.constant 0 : i32
      %dma_start3A_30 = tpu.memref_slice %arg4[%add3A_13, %dma_start3A_29] : memref<65536x128xf32, #tpu.memory_space<hbm>> -> memref<256x128xf32, #tpu.memory_space<hbm>>
      tpu.enqueue_dma source(%arg7 : memref<256x128xf32, #tpu.memory_space<vmem>>) target(%dma_start3A_30 : memref<256x128xf32, #tpu.memory_space<hbm>>) target_semaphore(%arg11 : memref<!tpu.dma_semaphore, #tpu.memory_space<semaphore_mem>>)
      %dma_wait3A_31 = arith.constant 0 : i32
      %dma_wait3A_32 = arith.constant 0 : i32
      %dma_wait3A_33 = tpu.memref_slice %arg2[%dma_wait3A_31, %dma_wait3A_32] : memref<32768x128xf32, #tpu.memory_space<hbm>> -> memref<32768x128xf32, #tpu.memory_space<hbm>>
      tpu.wait_indirect_dma semaphore(%arg10 : memref<!tpu.dma_semaphore, #tpu.memory_space<semaphore_mem>>) src(%dma_wait3A_33 : memref<32768x128xf32, #tpu.memory_space<hbm>>) dst(%arg8 : memref<256x128xf32, #tpu.memory_space<vmem>>)
      %dma_start3A_34 = arith.constant 0 : i32
      %dma_start3A_35 = tpu.memref_slice %arg4[%add3A_15, %dma_start3A_34] : memref<65536x128xf32, #tpu.memory_space<hbm>> -> memref<256x128xf32, #tpu.memory_space<hbm>>
      %dma_start3A_36 = arith.constant 0 : i32
      %dma_start3A_37 = tpu.memref_slice %arg4[%add3A_15, %dma_start3A_36] : memref<65536x128xf32, #tpu.memory_space<hbm>> -> memref<256x128xf32, #tpu.memory_space<hbm>>
      tpu.enqueue_dma source(%arg8 : memref<256x128xf32, #tpu.memory_space<vmem>>) target(%dma_start3A_37 : memref<256x128xf32, #tpu.memory_space<hbm>>) target_semaphore(%arg12 : memref<!tpu.dma_semaphore, #tpu.memory_space<semaphore_mem>>)
      %dma_wait3A_38 = arith.constant 0 : i32
      %dma_wait3A_39 = tpu.memref_slice %arg4[%add3A_13, %dma_wait3A_38] : memref<65536x128xf32, #tpu.memory_space<hbm>> -> memref<256x128xf32, #tpu.memory_space<hbm>>
      %dma_wait3A_40 = arith.constant 0 : i32
      %dma_wait3A_41 = tpu.memref_slice %arg4[%add3A_13, %dma_wait3A_40] : memref<65536x128xf32, #tpu.memory_space<hbm>> -> memref<256x128xf32, #tpu.memory_space<hbm>>
      tpu.wait_dma2 semaphore(%arg11 : memref<!tpu.dma_semaphore, #tpu.memory_space<semaphore_mem>>) src(%arg7 : memref<256x128xf32, #tpu.memory_space<vmem>>) dst(%dma_wait3A_41 : memref<256x128xf32, #tpu.memory_space<hbm>>)
      %dma_wait3A_42 = arith.constant 0 : i32
      %dma_wait3A_43 = tpu.memref_slice %arg4[%add3A_15, %dma_wait3A_42] : memref<65536x128xf32, #tpu.memory_space<hbm>> -> memref<256x128xf32, #tpu.memory_space<hbm>>
      %dma_wait3A_44 = arith.constant 0 : i32
      %dma_wait3A_45 = tpu.memref_slice %arg4[%add3A_15, %dma_wait3A_44] : memref<65536x128xf32, #tpu.memory_space<hbm>> -> memref<256x128xf32, #tpu.memory_space<hbm>>
      tpu.wait_dma2 semaphore(%arg12 : memref<!tpu.dma_semaphore, #tpu.memory_space<semaphore_mem>>) src(%arg8 : memref<256x128xf32, #tpu.memory_space<vmem>>) dst(%dma_wait3A_45 : memref<256x128xf32, #tpu.memory_space<hbm>>)
    }
    %scan3A_7 = arith.constant 4 : i32
    return
  }
}

#map = affine_map<(d0, d1) -> (0, 0)>
#map1 = affine_map<(d0, d1) -> (0)>
module attributes {stable_mosaic.version = 14 : i64} {
  func.func @gather_kernel(%arg0: i32, %arg1: i32, %arg2: memref<32768x128xf32, #tpu.memory_space<hbm>>, %arg3: memref<524288xi32, #tpu.memory_space<hbm>>, %arg4: memref<65536x128xf32, #tpu.memory_space<hbm>>, %arg5: memref<256xi32, #tpu.memory_space<vmem>>, %arg6: memref<256xi32, #tpu.memory_space<vmem>>, %arg7: memref<256x128xf32, #tpu.memory_space<vmem>>, %arg8: memref<256x128xf32, #tpu.memory_space<vmem>>, %arg9: memref<!tpu.dma_semaphore, #tpu.memory_space<semaphore_mem>>, %arg10: memref<!tpu.dma_semaphore, #tpu.memory_space<semaphore_mem>>, %arg11: memref<!tpu.dma_semaphore, #tpu.memory_space<semaphore_mem>>, %arg12: memref<!tpu.dma_semaphore, #tpu.memory_space<semaphore_mem>>) attributes {dimension_semantics = [#tpu.dimension_semantics<core_parallel>, #tpu.dimension_semantics<subcore_parallel>], iteration_bounds = array<i64: 2, 16>, scalar_prefetch = 0 : i64, scratch_operands = 8 : i64, tpu.core_type = #tpu.core_type<sc_vector_subcore>, window_params = [{transform_indices = #map}, {transform_indices = #map1}, {transform_indices = #map}]} {
    %mul3A = arith.constant 2 : i32
    %mul3A_0 = arith.muli %arg1, %mul3A : i32
    %add3A = arith.addi %mul3A_0, %arg0 : i32
    %mul3A_1 = arith.constant 2048 : i32
    %mul3A_2 = arith.muli %add3A, %mul3A_1 : i32
    %scan3A = arith.constant 0 : i32
    %scan3A_3 = arith.constant 0 : i32
    %scan3A_4 = arith.constant 4 : i32
    %scan3A_5 = arith.addi %scan3A_3, %scan3A_4 : i32
    %scan3A_6 = arith.constant 1 : i32
    scf.for %scan3A_8 = %scan3A_3 to %scan3A_5 step %scan3A_6  : i32 {
      %mul3A_9 = arith.constant 2 : i32
      %mul3A_10 = arith.muli %scan3A_8, %mul3A_9 : i32
      %mul3A_11 = arith.constant 256 : i32
      %mul3A_12 = arith.muli %mul3A_10, %mul3A_11 : i32
      %add3A_13 = arith.addi %mul3A_2, %mul3A_12 : i32
      %add3A_14 = arith.constant 256 : i32
      %add3A_15 = arith.addi %add3A_13, %add3A_14 : i32
      %add3A_16 = arith.constant 0 : i32
      %add3A_17 = arith.addi %add3A_16, %add3A_13 : i32
      "tpu.region"() ({
        %run_scoped3A = tpu.sem_alloc : memref<!tpu.dma_semaphore, #tpu.memory_space<semaphore_mem>>
        %dma_start3A_46 = tpu.memref_slice %arg3[%add3A_17] : memref<524288xi32, #tpu.memory_space<hbm>> -> memref<256xi32, #tpu.memory_space<hbm>>
        %dma_start3A_47 = tpu.memref_slice %arg3[%add3A_17] : memref<524288xi32, #tpu.memory_space<hbm>> -> memref<256xi32, #tpu.memory_space<hbm>>
        tpu.enqueue_dma source(%dma_start3A_47 : memref<256xi32, #tpu.memory_space<hbm>>) target(%arg5 : memref<256xi32, #tpu.memory_space<vmem>>) target_semaphore(%run_scoped3A : memref<!tpu.dma_semaphore, #tpu.memory_space<semaphore_mem>>)
        %dma_wait3A_48 = tpu.memref_slice %arg3[%add3A_17] : memref<524288xi32, #tpu.memory_space<hbm>> -> memref<256xi32, #tpu.memory_space<hbm>>
        %dma_wait3A_49 = tpu.memref_slice %arg3[%add3A_17] : memref<524288xi32, #tpu.memory_space<hbm>> -> memref<256xi32, #tpu.memory_space<hbm>>
        tpu.wait_dma2 semaphore(%run_scoped3A : memref<!tpu.dma_semaphore, #tpu.memory_space<semaphore_mem>>) src(%dma_wait3A_49 : memref<256xi32, #tpu.memory_space<hbm>>) dst(%arg5 : memref<256xi32, #tpu.memory_space<vmem>>)
        tpu.yield
      }) : () -> ()
      %dma_start3A = arith.constant 0 : i32
      %dma_start3A_18 = arith.constant 0 : i32
      %dma_start3A_19 = tpu.memref_slice %arg2[%dma_start3A, %dma_start3A_18] : memref<32768x128xf32, #tpu.memory_space<hbm>> -> memref<32768x128xf32, #tpu.memory_space<hbm>>
      tpu.enqueue_indirect_dma source(%dma_start3A_19 : memref<32768x128xf32, #tpu.memory_space<hbm>>) target(%arg7 : memref<256x128xf32, #tpu.memory_space<vmem>>) offsets(%arg5 : memref<256xi32, #tpu.memory_space<vmem>>) semaphore(%arg9 : memref<!tpu.dma_semaphore, #tpu.memory_space<semaphore_mem>>)
      %add3A_20 = arith.constant 0 : i32
      %add3A_21 = arith.addi %add3A_20, %add3A_15 : i32
      "tpu.region"() ({
        %run_scoped3A = tpu.sem_alloc : memref<!tpu.dma_semaphore, #tpu.memory_space<semaphore_mem>>
        %dma_start3A_46 = tpu.memref_slice %arg3[%add3A_21] : memref<524288xi32, #tpu.memory_space<hbm>> -> memref<256xi32, #tpu.memory_space<hbm>>
        %dma_start3A_47 = tpu.memref_slice %arg3[%add3A_21] : memref<524288xi32, #tpu.memory_space<hbm>> -> memref<256xi32, #tpu.memory_space<hbm>>
        tpu.enqueue_dma source(%dma_start3A_47 : memref<256xi32, #tpu.memory_space<hbm>>) target(%arg6 : memref<256xi32, #tpu.memory_space<vmem>>) target_semaphore(%run_scoped3A : memref<!tpu.dma_semaphore, #tpu.memory_space<semaphore_mem>>)
        %dma_wait3A_48 = tpu.memref_slice %arg3[%add3A_21] : memref<524288xi32, #tpu.memory_space<hbm>> -> memref<256xi32, #tpu.memory_space<hbm>>
        %dma_wait3A_49 = tpu.memref_slice %arg3[%add3A_21] : memref<524288xi32, #tpu.memory_space<hbm>> -> memref<256xi32, #tpu.memory_space<hbm>>
        tpu.wait_dma2 semaphore(%run_scoped3A : memref<!tpu.dma_semaphore, #tpu.memory_space<semaphore_mem>>) src(%dma_wait3A_49 : memref<256xi32, #tpu.memory_space<hbm>>) dst(%arg6 : memref<256xi32, #tpu.memory_space<vmem>>)
        tpu.yield
      }) : () -> ()
      %dma_start3A_22 = arith.constant 0 : i32
      %dma_start3A_23 = arith.constant 0 : i32
      %dma_start3A_24 = tpu.memref_slice %arg2[%dma_start3A_22, %dma_start3A_23] : memref<32768x128xf32, #tpu.memory_space<hbm>> -> memref<32768x128xf32, #tpu.memory_space<hbm>>
      tpu.enqueue_indirect_dma source(%dma_start3A_24 : memref<32768x128xf32, #tpu.memory_space<hbm>>) target(%arg8 : memref<256x128xf32, #tpu.memory_space<vmem>>) offsets(%arg6 : memref<256xi32, #tpu.memory_space<vmem>>) semaphore(%arg10 : memref<!tpu.dma_semaphore, #tpu.memory_space<semaphore_mem>>)
      %dma_wait3A = arith.constant 0 : i32
      %dma_wait3A_25 = arith.constant 0 : i32
      %dma_wait3A_26 = tpu.memref_slice %arg2[%dma_wait3A, %dma_wait3A_25] : memref<32768x128xf32, #tpu.memory_space<hbm>> -> memref<32768x128xf32, #tpu.memory_space<hbm>>
      tpu.wait_indirect_dma semaphore(%arg9 : memref<!tpu.dma_semaphore, #tpu.memory_space<semaphore_mem>>) src(%dma_wait3A_26 : memref<32768x128xf32, #tpu.memory_space<hbm>>) dst(%arg7 : memref<256x128xf32, #tpu.memory_space<vmem>>)
      %dma_start3A_27 = arith.constant 0 : i32
      %dma_start3A_28 = tpu.memref_slice %arg4[%add3A_13, %dma_start3A_27] : memref<65536x128xf32, #tpu.memory_space<hbm>> -> memref<256x128xf32, #tpu.memory_space<hbm>>
      %dma_start3A_29 = arith.constant 0 : i32
      %dma_start3A_30 = tpu.memref_slice %arg4[%add3A_13, %dma_start3A_29] : memref<65536x128xf32, #tpu.memory_space<hbm>> -> memref<256x128xf32, #tpu.memory_space<hbm>>
      tpu.enqueue_dma source(%arg7 : memref<256x128xf32, #tpu.memory_space<vmem>>) target(%dma_start3A_30 : memref<256x128xf32, #tpu.memory_space<hbm>>) target_semaphore(%arg11 : memref<!tpu.dma_semaphore, #tpu.memory_space<semaphore_mem>>)
      %dma_wait3A_31 = arith.constant 0 : i32
      %dma_wait3A_32 = arith.constant 0 : i32
      %dma_wait3A_33 = tpu.memref_slice %arg2[%dma_wait3A_31, %dma_wait3A_32] : memref<32768x128xf32, #tpu.memory_space<hbm>> -> memref<32768x128xf32, #tpu.memory_space<hbm>>
      tpu.wait_indirect_dma semaphore(%arg10 : memref<!tpu.dma_semaphore, #tpu.memory_space<semaphore_mem>>) src(%dma_wait3A_33 : memref<32768x128xf32, #tpu.memory_space<hbm>>) dst(%arg8 : memref<256x128xf32, #tpu.memory_space<vmem>>)
      %dma_start3A_34 = arith.constant 0 : i32
      %dma_start3A_35 = tpu.memref_slice %arg4[%add3A_15, %dma_start3A_34] : memref<65536x128xf32, #tpu.memory_space<hbm>> -> memref<256x128xf32, #tpu.memory_space<hbm>>
      %dma_start3A_36 = arith.constant 0 : i32
      %dma_start3A_37 = tpu.memref_slice %arg4[%add3A_15, %dma_start3A_36] : memref<65536x128xf32, #tpu.memory_space<hbm>> -> memref<256x128xf32, #tpu.memory_space<hbm>>
      tpu.enqueue_dma source(%arg8 : memref<256x128xf32, #tpu.memory_space<vmem>>) target(%dma_start3A_37 : memref<256x128xf32, #tpu.memory_space<hbm>>) target_semaphore(%arg12 : memref<!tpu.dma_semaphore, #tpu.memory_space<semaphore_mem>>)
      %dma_wait3A_38 = arith.constant 0 : i32
      %dma_wait3A_39 = tpu.memref_slice %arg4[%add3A_13, %dma_wait3A_38] : memref<65536x128xf32, #tpu.memory_space<hbm>> -> memref<256x128xf32, #tpu.memory_space<hbm>>
      %dma_wait3A_40 = arith.constant 0 : i32
      %dma_wait3A_41 = tpu.memref_slice %arg4[%add3A_13, %dma_wait3A_40] : memref<65536x128xf32, #tpu.memory_space<hbm>> -> memref<256x128xf32, #tpu.memory_space<hbm>>
      tpu.wait_dma2 semaphore(%arg11 : memref<!tpu.dma_semaphore, #tpu.memory_space<semaphore_mem>>) src(%arg7 : memref<256x128xf32, #tpu.memory_space<vmem>>) dst(%dma_wait3A_41 : memref<256x128xf32, #tpu.memory_space<hbm>>)
      %dma_wait3A_42 = arith.constant 0 : i32
      %dma_wait3A_43 = tpu.memref_slice %arg4[%add3A_15, %dma_wait3A_42] : memref<65536x128xf32, #tpu.memory_space<hbm>> -> memref<256x128xf32, #tpu.memory_space<hbm>>
      %dma_wait3A_44 = arith.constant 0 : i32
      %dma_wait3A_45 = tpu.memref_slice %arg4[%add3A_15, %dma_wait3A_44] : memref<65536x128xf32, #tpu.memory_space<hbm>> -> memref<256x128xf32, #tpu.memory_space<hbm>>
      tpu.wait_dma2 semaphore(%arg12 : memref<!tpu.dma_semaphore, #tpu.memory_space<semaphore_mem>>) src(%arg8 : memref<256x128xf32, #tpu.memory_space<vmem>>) dst(%dma_wait3A_45 : memref<256x128xf32, #tpu.memory_space<hbm>>)
    }
    %scan3A_7 = arith.constant 4 : i32
    return
  }
}

#map = affine_map<(d0, d1) -> (0, 0)>
#map1 = affine_map<(d0, d1) -> (0)>
module attributes {stable_mosaic.version = 14 : i64} {
  func.func @gather_kernel(%arg0: i32, %arg1: i32, %arg2: memref<32768x128xf32, #tpu.memory_space<hbm>>, %arg3: memref<524288xi32, #tpu.memory_space<hbm>>, %arg4: memref<65536x128xf32, #tpu.memory_space<hbm>>, %arg5: memref<256xi32, #tpu.memory_space<vmem>>, %arg6: memref<256xi32, #tpu.memory_space<vmem>>, %arg7: memref<256x128xf32, #tpu.memory_space<vmem>>, %arg8: memref<256x128xf32, #tpu.memory_space<vmem>>, %arg9: memref<!tpu.dma_semaphore, #tpu.memory_space<semaphore_mem>>, %arg10: memref<!tpu.dma_semaphore, #tpu.memory_space<semaphore_mem>>, %arg11: memref<!tpu.dma_semaphore, #tpu.memory_space<semaphore_mem>>, %arg12: memref<!tpu.dma_semaphore, #tpu.memory_space<semaphore_mem>>) attributes {dimension_semantics = [#tpu.dimension_semantics<core_parallel>, #tpu.dimension_semantics<subcore_parallel>], iteration_bounds = array<i64: 2, 16>, scalar_prefetch = 0 : i64, scratch_operands = 8 : i64, tpu.core_type = #tpu.core_type<sc_vector_subcore>, window_params = [{transform_indices = #map}, {transform_indices = #map1}, {transform_indices = #map}]} {
    %mul3A = arith.constant 2 : i32
    %mul3A_0 = arith.muli %arg1, %mul3A : i32
    %add3A = arith.addi %mul3A_0, %arg0 : i32
    %mul3A_1 = arith.constant 2048 : i32
    %mul3A_2 = arith.muli %add3A, %mul3A_1 : i32
    %scan3A = arith.constant 0 : i32
    %scan3A_3 = arith.constant 0 : i32
    %scan3A_4 = arith.constant 4 : i32
    %scan3A_5 = arith.addi %scan3A_3, %scan3A_4 : i32
    %scan3A_6 = arith.constant 1 : i32
    scf.for %scan3A_8 = %scan3A_3 to %scan3A_5 step %scan3A_6  : i32 {
      %mul3A_9 = arith.constant 2 : i32
      %mul3A_10 = arith.muli %scan3A_8, %mul3A_9 : i32
      %mul3A_11 = arith.constant 256 : i32
      %mul3A_12 = arith.muli %mul3A_10, %mul3A_11 : i32
      %add3A_13 = arith.addi %mul3A_2, %mul3A_12 : i32
      %add3A_14 = arith.constant 256 : i32
      %add3A_15 = arith.addi %add3A_13, %add3A_14 : i32
      %add3A_16 = arith.constant 458752 : i32
      %add3A_17 = arith.addi %add3A_16, %add3A_13 : i32
      "tpu.region"() ({
        %run_scoped3A = tpu.sem_alloc : memref<!tpu.dma_semaphore, #tpu.memory_space<semaphore_mem>>
        %dma_start3A_46 = tpu.memref_slice %arg3[%add3A_17] : memref<524288xi32, #tpu.memory_space<hbm>> -> memref<256xi32, #tpu.memory_space<hbm>>
        %dma_start3A_47 = tpu.memref_slice %arg3[%add3A_17] : memref<524288xi32, #tpu.memory_space<hbm>> -> memref<256xi32, #tpu.memory_space<hbm>>
        tpu.enqueue_dma source(%dma_start3A_47 : memref<256xi32, #tpu.memory_space<hbm>>) target(%arg5 : memref<256xi32, #tpu.memory_space<vmem>>) target_semaphore(%run_scoped3A : memref<!tpu.dma_semaphore, #tpu.memory_space<semaphore_mem>>)
        %dma_wait3A_48 = tpu.memref_slice %arg3[%add3A_17] : memref<524288xi32, #tpu.memory_space<hbm>> -> memref<256xi32, #tpu.memory_space<hbm>>
        %dma_wait3A_49 = tpu.memref_slice %arg3[%add3A_17] : memref<524288xi32, #tpu.memory_space<hbm>> -> memref<256xi32, #tpu.memory_space<hbm>>
        tpu.wait_dma2 semaphore(%run_scoped3A : memref<!tpu.dma_semaphore, #tpu.memory_space<semaphore_mem>>) src(%dma_wait3A_49 : memref<256xi32, #tpu.memory_space<hbm>>) dst(%arg5 : memref<256xi32, #tpu.memory_space<vmem>>)
        tpu.yield
      }) : () -> ()
      %dma_start3A = arith.constant 0 : i32
      %dma_start3A_18 = arith.constant 0 : i32
      %dma_start3A_19 = tpu.memref_slice %arg2[%dma_start3A, %dma_start3A_18] : memref<32768x128xf32, #tpu.memory_space<hbm>> -> memref<32768x128xf32, #tpu.memory_space<hbm>>
      tpu.enqueue_indirect_dma source(%dma_start3A_19 : memref<32768x128xf32, #tpu.memory_space<hbm>>) target(%arg7 : memref<256x128xf32, #tpu.memory_space<vmem>>) offsets(%arg5 : memref<256xi32, #tpu.memory_space<vmem>>) semaphore(%arg9 : memref<!tpu.dma_semaphore, #tpu.memory_space<semaphore_mem>>)
      %add3A_20 = arith.constant 458752 : i32
      %add3A_21 = arith.addi %add3A_20, %add3A_15 : i32
      "tpu.region"() ({
        %run_scoped3A = tpu.sem_alloc : memref<!tpu.dma_semaphore, #tpu.memory_space<semaphore_mem>>
        %dma_start3A_46 = tpu.memref_slice %arg3[%add3A_21] : memref<524288xi32, #tpu.memory_space<hbm>> -> memref<256xi32, #tpu.memory_space<hbm>>
        %dma_start3A_47 = tpu.memref_slice %arg3[%add3A_21] : memref<524288xi32, #tpu.memory_space<hbm>> -> memref<256xi32, #tpu.memory_space<hbm>>
        tpu.enqueue_dma source(%dma_start3A_47 : memref<256xi32, #tpu.memory_space<hbm>>) target(%arg6 : memref<256xi32, #tpu.memory_space<vmem>>) target_semaphore(%run_scoped3A : memref<!tpu.dma_semaphore, #tpu.memory_space<semaphore_mem>>)
        %dma_wait3A_48 = tpu.memref_slice %arg3[%add3A_21] : memref<524288xi32, #tpu.memory_space<hbm>> -> memref<256xi32, #tpu.memory_space<hbm>>
        %dma_wait3A_49 = tpu.memref_slice %arg3[%add3A_21] : memref<524288xi32, #tpu.memory_space<hbm>> -> memref<256xi32, #tpu.memory_space<hbm>>
        tpu.wait_dma2 semaphore(%run_scoped3A : memref<!tpu.dma_semaphore, #tpu.memory_space<semaphore_mem>>) src(%dma_wait3A_49 : memref<256xi32, #tpu.memory_space<hbm>>) dst(%arg6 : memref<256xi32, #tpu.memory_space<vmem>>)
        tpu.yield
      }) : () -> ()
      %dma_start3A_22 = arith.constant 0 : i32
      %dma_start3A_23 = arith.constant 0 : i32
      %dma_start3A_24 = tpu.memref_slice %arg2[%dma_start3A_22, %dma_start3A_23] : memref<32768x128xf32, #tpu.memory_space<hbm>> -> memref<32768x128xf32, #tpu.memory_space<hbm>>
      tpu.enqueue_indirect_dma source(%dma_start3A_24 : memref<32768x128xf32, #tpu.memory_space<hbm>>) target(%arg8 : memref<256x128xf32, #tpu.memory_space<vmem>>) offsets(%arg6 : memref<256xi32, #tpu.memory_space<vmem>>) semaphore(%arg10 : memref<!tpu.dma_semaphore, #tpu.memory_space<semaphore_mem>>)
      %dma_wait3A = arith.constant 0 : i32
      %dma_wait3A_25 = arith.constant 0 : i32
      %dma_wait3A_26 = tpu.memref_slice %arg2[%dma_wait3A, %dma_wait3A_25] : memref<32768x128xf32, #tpu.memory_space<hbm>> -> memref<32768x128xf32, #tpu.memory_space<hbm>>
      tpu.wait_indirect_dma semaphore(%arg9 : memref<!tpu.dma_semaphore, #tpu.memory_space<semaphore_mem>>) src(%dma_wait3A_26 : memref<32768x128xf32, #tpu.memory_space<hbm>>) dst(%arg7 : memref<256x128xf32, #tpu.memory_space<vmem>>)
      %dma_start3A_27 = arith.constant 0 : i32
      %dma_start3A_28 = tpu.memref_slice %arg4[%add3A_13, %dma_start3A_27] : memref<65536x128xf32, #tpu.memory_space<hbm>> -> memref<256x128xf32, #tpu.memory_space<hbm>>
      %dma_start3A_29 = arith.constant 0 : i32
      %dma_start3A_30 = tpu.memref_slice %arg4[%add3A_13, %dma_start3A_29] : memref<65536x128xf32, #tpu.memory_space<hbm>> -> memref<256x128xf32, #tpu.memory_space<hbm>>
      tpu.enqueue_dma source(%arg7 : memref<256x128xf32, #tpu.memory_space<vmem>>) target(%dma_start3A_30 : memref<256x128xf32, #tpu.memory_space<hbm>>) target_semaphore(%arg11 : memref<!tpu.dma_semaphore, #tpu.memory_space<semaphore_mem>>)
      %dma_wait3A_31 = arith.constant 0 : i32
      %dma_wait3A_32 = arith.constant 0 : i32
      %dma_wait3A_33 = tpu.memref_slice %arg2[%dma_wait3A_31, %dma_wait3A_32] : memref<32768x128xf32, #tpu.memory_space<hbm>> -> memref<32768x128xf32, #tpu.memory_space<hbm>>
      tpu.wait_indirect_dma semaphore(%arg10 : memref<!tpu.dma_semaphore, #tpu.memory_space<semaphore_mem>>) src(%dma_wait3A_33 : memref<32768x128xf32, #tpu.memory_space<hbm>>) dst(%arg8 : memref<256x128xf32, #tpu.memory_space<vmem>>)
      %dma_start3A_34 = arith.constant 0 : i32
      %dma_start3A_35 = tpu.memref_slice %arg4[%add3A_15, %dma_start3A_34] : memref<65536x128xf32, #tpu.memory_space<hbm>> -> memref<256x128xf32, #tpu.memory_space<hbm>>
      %dma_start3A_36 = arith.constant 0 : i32
      %dma_start3A_37 = tpu.memref_slice %arg4[%add3A_15, %dma_start3A_36] : memref<65536x128xf32, #tpu.memory_space<hbm>> -> memref<256x128xf32, #tpu.memory_space<hbm>>
      tpu.enqueue_dma source(%arg8 : memref<256x128xf32, #tpu.memory_space<vmem>>) target(%dma_start3A_37 : memref<256x128xf32, #tpu.memory_space<hbm>>) target_semaphore(%arg12 : memref<!tpu.dma_semaphore, #tpu.memory_space<semaphore_mem>>)
      %dma_wait3A_38 = arith.constant 0 : i32
      %dma_wait3A_39 = tpu.memref_slice %arg4[%add3A_13, %dma_wait3A_38] : memref<65536x128xf32, #tpu.memory_space<hbm>> -> memref<256x128xf32, #tpu.memory_space<hbm>>
      %dma_wait3A_40 = arith.constant 0 : i32
      %dma_wait3A_41 = tpu.memref_slice %arg4[%add3A_13, %dma_wait3A_40] : memref<65536x128xf32, #tpu.memory_space<hbm>> -> memref<256x128xf32, #tpu.memory_space<hbm>>
      tpu.wait_dma2 semaphore(%arg11 : memref<!tpu.dma_semaphore, #tpu.memory_space<semaphore_mem>>) src(%arg7 : memref<256x128xf32, #tpu.memory_space<vmem>>) dst(%dma_wait3A_41 : memref<256x128xf32, #tpu.memory_space<hbm>>)
      %dma_wait3A_42 = arith.constant 0 : i32
      %dma_wait3A_43 = tpu.memref_slice %arg4[%add3A_15, %dma_wait3A_42] : memref<65536x128xf32, #tpu.memory_space<hbm>> -> memref<256x128xf32, #tpu.memory_space<hbm>>
      %dma_wait3A_44 = arith.constant 0 : i32
      %dma_wait3A_45 = tpu.memref_slice %arg4[%add3A_15, %dma_wait3A_44] : memref<65536x128xf32, #tpu.memory_space<hbm>> -> memref<256x128xf32, #tpu.memory_space<hbm>>
      tpu.wait_dma2 semaphore(%arg12 : memref<!tpu.dma_semaphore, #tpu.memory_space<semaphore_mem>>) src(%arg8 : memref<256x128xf32, #tpu.memory_space<vmem>>) dst(%dma_wait3A_45 : memref<256x128xf32, #tpu.memory_space<hbm>>)
    }
    %scan3A_7 = arith.constant 4 : i32
    return
  }
}

module attributes {stable_mosaic.version = 14 : i64} {
  func.func @_tc_body(%arg0: i32, %arg1: memref<16384x128xf32, #tpu.memory_space<vmem>>, %arg2: memref<1024x32xf32, #tpu.memory_space<vmem>>, %arg3: memref<128x32xf32, #tpu.memory_space<vmem>>, %arg4: memref<32x16xf32, #tpu.memory_space<vmem>>, %arg5: memref<1x16xf32, #tpu.memory_space<vmem>>, %arg6: memref<16x16xf32, #tpu.memory_space<vmem>>, %arg7: memref<1x16xf32, #tpu.memory_space<vmem>>, %arg8: memref<1024x64xf32, #tpu.memory_space<vmem>>, %arg9: memref<1x64xf32, #tpu.memory_space<vmem>>, %arg10: memref<1024x64xf32, #tpu.memory_space<vmem>>) attributes {dimension_semantics = [#tpu.dimension_semantics<arbitrary>], iteration_bounds = array<i64: 4>, scalar_prefetch = 0 : i64, scratch_operands = 0 : i64, tpu.core_type = #tpu.core_type<tc>, window_params = [{transform_indices = @transform_0, window_bounds = array<i64: 16384, 128>}, {transform_indices = @transform_1, window_bounds = array<i64: 1024, 32>}, {pipeline_mode = #tpu.pipeline_mode<synchronous>, transform_indices = @transform_2, window_bounds = array<i64: 128, 32>}, {pipeline_mode = #tpu.pipeline_mode<synchronous>, transform_indices = @transform_3, window_bounds = array<i64: 32, 16>}, {pipeline_mode = #tpu.pipeline_mode<synchronous>, transform_indices = @transform_4, window_bounds = array<i64: 1, 16>}, {pipeline_mode = #tpu.pipeline_mode<synchronous>, transform_indices = @transform_5, window_bounds = array<i64: 16, 16>}, {pipeline_mode = #tpu.pipeline_mode<synchronous>, transform_indices = @transform_6, window_bounds = array<i64: 1, 16>}, {pipeline_mode = #tpu.pipeline_mode<synchronous>, transform_indices = @transform_7, window_bounds = array<i64: 1024, 64>}, {pipeline_mode = #tpu.pipeline_mode<synchronous>, transform_indices = @transform_8, window_bounds = array<i64: 1, 64>}, {transform_indices = @transform_9, window_bounds = array<i64: 1024, 64>}]} {
    %get3A = arith.constant 0 : index
    %get3A_0 = arith.constant 0 : index
    %get3A_1 = vector.load %arg1[%get3A, %get3A_0] : memref<16384x128xf32, #tpu.memory_space<vmem>>, vector<16384x128xf32>
    %get3A_2 = arith.constant 0 : index
    %get3A_3 = arith.constant 0 : index
    %get3A_4 = vector.load %arg3[%get3A_2, %get3A_3] : memref<128x32xf32, #tpu.memory_space<vmem>>, vector<128x32xf32>
    %dot_general3A = arith.constant dense<0.000000e+00> : vector<16384x32xf32>
    %dot_general3A_5 = tpu.matmul %get3A_1, %get3A_4, %dot_general3A {dimension_numbers = #tpu.dot_dimension_numbers<[1], [0], [0], [1], [0, 0, 1, 1], [], []>, transpose_lhs_hint = false} : vector<16384x128xf32>, vector<128x32xf32>, vector<16384x32xf32> -> vector<16384x32xf32>
    %reshape3A = vector.shape_cast %dot_general3A_5 : vector<16384x32xf32> to vector<1024x16x32xf32>
    %get3A_6 = arith.constant 0 : index
    %get3A_7 = arith.constant 0 : index
    %get3A_8 = vector.load %arg2[%get3A_6, %get3A_7] : memref<1024x32xf32, #tpu.memory_space<vmem>>, vector<1024x32xf32>
    %broadcast_in_dim3A = vector.shape_cast %get3A_8 : vector<1024x32xf32> to vector<1024x1x32xf32>
    %add3A = vector.broadcast %broadcast_in_dim3A : vector<1024x1x32xf32> to vector<1024x16x32xf32>
    %add3A_9 = arith.addf %reshape3A, %add3A : vector<1024x16x32xf32>
    %max3A = arith.constant 0.000000e+00 : f32
    %max3A_10 = vector.broadcast %max3A : f32 to vector<1024x16x32xf32>
    %max3A_11 = arith.maximumf %add3A_9, %max3A_10 : vector<1024x16x32xf32>
    %reshape3A_12 = vector.shape_cast %max3A_11 : vector<1024x16x32xf32> to vector<16384x32xf32>
    %get3A_13 = arith.constant 0 : index
    %get3A_14 = arith.constant 0 : index
    %get3A_15 = vector.load %arg4[%get3A_13, %get3A_14] : memref<32x16xf32, #tpu.memory_space<vmem>>, vector<32x16xf32>
    %dot_general3A_16 = arith.constant dense<0.000000e+00> : vector<16384x16xf32>
    %dot_general3A_17 = tpu.matmul %reshape3A_12, %get3A_15, %dot_general3A_16 {dimension_numbers = #tpu.dot_dimension_numbers<[1], [0], [0], [1], [0, 0, 1, 1], [], []>, transpose_lhs_hint = false} : vector<16384x32xf32>, vector<32x16xf32>, vector<16384x16xf32> -> vector<16384x16xf32>
    %get3A_18 = arith.constant 0 : index
    %get3A_19 = arith.constant 0 : index
    %get3A_20 = vector.load %arg5[%get3A_18, %get3A_19] : memref<1x16xf32, #tpu.memory_space<vmem>>, vector<1x16xf32>
    %add3A_21 = vector.broadcast %get3A_20 : vector<1x16xf32> to vector<16384x16xf32>
    %add3A_22 = arith.addf %dot_general3A_17, %add3A_21 : vector<16384x16xf32>
    %max3A_23 = arith.constant 0.000000e+00 : f32
    %max3A_24 = vector.broadcast %max3A_23 : f32 to vector<16384x16xf32>
    %max3A_25 = arith.maximumf %add3A_22, %max3A_24 : vector<16384x16xf32>
    %get3A_26 = arith.constant 0 : index
    %get3A_27 = arith.constant 0 : index
    %get3A_28 = vector.load %arg6[%get3A_26, %get3A_27] : memref<16x16xf32, #tpu.memory_space<vmem>>, vector<16x16xf32>
    %dot_general3A_29 = arith.constant dense<0.000000e+00> : vector<16384x16xf32>
    %dot_general3A_30 = tpu.matmul %max3A_25, %get3A_28, %dot_general3A_29 {dimension_numbers = #tpu.dot_dimension_numbers<[1], [0], [0], [1], [0, 0, 1, 1], [], []>, transpose_lhs_hint = false} : vector<16384x16xf32>, vector<16x16xf32>, vector<16384x16xf32> -> vector<16384x16xf32>
    %get3A_31 = arith.constant 0 : index
    %get3A_32 = arith.constant 0 : index
    %get3A_33 = vector.load %arg7[%get3A_31, %get3A_32] : memref<1x16xf32, #tpu.memory_space<vmem>>, vector<1x16xf32>
    %add3A_34 = vector.broadcast %get3A_33 : vector<1x16xf32> to vector<16384x16xf32>
    %add3A_35 = arith.addf %dot_general3A_30, %add3A_34 : vector<16384x16xf32>
    %max3A_36 = arith.constant 0.000000e+00 : f32
    %max3A_37 = vector.broadcast %max3A_36 : f32 to vector<16384x16xf32>
    %max3A_38 = arith.maximumf %add3A_35, %max3A_37 : vector<16384x16xf32>
    %reshape3A_39 = vector.shape_cast %max3A_38 : vector<16384x16xf32> to vector<1024x16x16xf32>
    %reshape3A_40 = vector.shape_cast %get3A_1 : vector<16384x128xf32> to vector<1024x16x128xf32>
    %slice3A = vector.extract_strided_slice %reshape3A_40 {offsets = [0, 0, 0], sizes = [1024, 16, 64], strides = [1, 1, 1]} : vector<1024x16x128xf32> to vector<1024x16x64xf32>
    %dot_general3A_41 = arith.constant dense<0.000000e+00> : vector<1024x16x64xf32>
    %dot_general3A_42 = tpu.matmul %reshape3A_39, %slice3A, %dot_general3A_41 {dimension_numbers = #tpu.dot_dimension_numbers<[1], [1], [2], [2], [0, 0, 0, 2, 1, 2], [0], [0]>, transpose_lhs_hint = false} : vector<1024x16x16xf32>, vector<1024x16x64xf32>, vector<1024x16x64xf32> -> vector<1024x16x64xf32>
    %reshape3A_43 = vector.shape_cast %dot_general3A_42 : vector<1024x16x64xf32> to vector<1024x1024xf32>
    %get3A_44 = arith.constant 0 : index
    %get3A_45 = arith.constant 0 : index
    %get3A_46 = vector.load %arg8[%get3A_44, %get3A_45] : memref<1024x64xf32, #tpu.memory_space<vmem>>, vector<1024x64xf32>
    %dot_general3A_47 = arith.constant dense<0.000000e+00> : vector<1024x64xf32>
    %dot_general3A_48 = tpu.matmul %reshape3A_43, %get3A_46, %dot_general3A_47 {dimension_numbers = #tpu.dot_dimension_numbers<[1], [0], [0], [1], [0, 0, 1, 1], [], []>, transpose_lhs_hint = false} : vector<1024x1024xf32>, vector<1024x64xf32>, vector<1024x64xf32> -> vector<1024x64xf32>
    %get3A_49 = arith.constant 0 : index
    %get3A_50 = arith.constant 0 : index
    %get3A_51 = vector.load %arg9[%get3A_49, %get3A_50] : memref<1x64xf32, #tpu.memory_space<vmem>>, vector<1x64xf32>
    %add3A_52 = vector.broadcast %get3A_51 : vector<1x64xf32> to vector<1024x64xf32>
    %add3A_53 = arith.addf %dot_general3A_48, %add3A_52 : vector<1024x64xf32>
    %swap3A = arith.constant 0 : index
    %swap3A_54 = arith.constant 0 : index
    %swap3A_55 = vector.load %arg10[%swap3A, %swap3A_54] : memref<1024x64xf32, #tpu.memory_space<vmem>>, vector<1024x64xf32>
    tpu.vector_store %arg10[%swap3A, %swap3A_54], %add3A_53 {strides = array<i32>} : memref<1024x64xf32, #tpu.memory_space<vmem>>, vector<1024x64xf32>,
    return
  }
  func.func @transform_0(%arg0: i32) -> (i32, i32) {
    %c0_i32 = arith.constant 0 : i32
    %c0_i32_0 = arith.constant 0 : i32
    return %arg0, %c0_i32 : i32, i32
  }
  func.func @transform_1(%arg0: i32) -> (i32, i32) {
    %add3A = arith.constant 24 : i32
    %add3A_0 = arith.addi %add3A, %arg0 : i32
    %c0_i32 = arith.constant 0 : i32
    %c0_i32_1 = arith.constant 0 : i32
    return %add3A_0, %c0_i32 : i32, i32
  }
  func.func @transform_2(%arg0: i32) -> (i32, i32) {
    %c0_i32 = arith.constant 0 : i32
    %c0_i32_0 = arith.constant 0 : i32
    %c0_i32_1 = arith.constant 0 : i32
    return %c0_i32, %c0_i32_0 : i32, i32
  }
  func.func @transform_3(%arg0: i32) -> (i32, i32) {
    %c0_i32 = arith.constant 0 : i32
    %c0_i32_0 = arith.constant 0 : i32
    %c0_i32_1 = arith.constant 0 : i32
    return %c0_i32, %c0_i32_0 : i32, i32
  }
  func.func @transform_4(%arg0: i32) -> (i32, i32) {
    %c0_i32 = arith.constant 0 : i32
    %c0_i32_0 = arith.constant 0 : i32
    %c0_i32_1 = arith.constant 0 : i32
    return %c0_i32, %c0_i32_0 : i32, i32
  }
  func.func @transform_5(%arg0: i32) -> (i32, i32) {
    %c0_i32 = arith.constant 0 : i32
    %c0_i32_0 = arith.constant 0 : i32
    %c0_i32_1 = arith.constant 0 : i32
    return %c0_i32, %c0_i32_0 : i32, i32
  }
  func.func @transform_6(%arg0: i32) -> (i32, i32) {
    %c0_i32 = arith.constant 0 : i32
    %c0_i32_0 = arith.constant 0 : i32
    %c0_i32_1 = arith.constant 0 : i32
    return %c0_i32, %c0_i32_0 : i32, i32
  }
  func.func @transform_7(%arg0: i32) -> (i32, i32) {
    %c0_i32 = arith.constant 0 : i32
    %c0_i32_0 = arith.constant 0 : i32
    %c0_i32_1 = arith.constant 0 : i32
    return %c0_i32, %c0_i32_0 : i32, i32
  }
  func.func @transform_8(%arg0: i32) -> (i32, i32) {
    %c0_i32 = arith.constant 0 : i32
    %c0_i32_0 = arith.constant 0 : i32
    %c0_i32_1 = arith.constant 0 : i32
    return %c0_i32, %c0_i32_0 : i32, i32
  }
  func.func @transform_9(%arg0: i32) -> (i32, i32) {
    %c0_i32 = arith.constant 0 : i32
    %c0_i32_0 = arith.constant 0 : i32
    return %arg0, %c0_i32 : i32, i32
  }
}

module attributes {stable_mosaic.version = 14 : i64} {
  func.func @_tc_body(%arg0: i32, %arg1: memref<16384x128xf32, #tpu.memory_space<vmem>>, %arg2: memref<1024x32xf32, #tpu.memory_space<vmem>>, %arg3: memref<128x32xf32, #tpu.memory_space<vmem>>, %arg4: memref<32x16xf32, #tpu.memory_space<vmem>>, %arg5: memref<1x16xf32, #tpu.memory_space<vmem>>, %arg6: memref<16x16xf32, #tpu.memory_space<vmem>>, %arg7: memref<1x16xf32, #tpu.memory_space<vmem>>, %arg8: memref<1024x64xf32, #tpu.memory_space<vmem>>, %arg9: memref<1x64xf32, #tpu.memory_space<vmem>>, %arg10: memref<1024x64xf32, #tpu.memory_space<vmem>>) attributes {dimension_semantics = [#tpu.dimension_semantics<arbitrary>], iteration_bounds = array<i64: 4>, scalar_prefetch = 0 : i64, scratch_operands = 0 : i64, tpu.core_type = #tpu.core_type<tc>, window_params = [{transform_indices = @transform_0, window_bounds = array<i64: 16384, 128>}, {transform_indices = @transform_1, window_bounds = array<i64: 1024, 32>}, {pipeline_mode = #tpu.pipeline_mode<synchronous>, transform_indices = @transform_2, window_bounds = array<i64: 128, 32>}, {pipeline_mode = #tpu.pipeline_mode<synchronous>, transform_indices = @transform_3, window_bounds = array<i64: 32, 16>}, {pipeline_mode = #tpu.pipeline_mode<synchronous>, transform_indices = @transform_4, window_bounds = array<i64: 1, 16>}, {pipeline_mode = #tpu.pipeline_mode<synchronous>, transform_indices = @transform_5, window_bounds = array<i64: 16, 16>}, {pipeline_mode = #tpu.pipeline_mode<synchronous>, transform_indices = @transform_6, window_bounds = array<i64: 1, 16>}, {pipeline_mode = #tpu.pipeline_mode<synchronous>, transform_indices = @transform_7, window_bounds = array<i64: 1024, 64>}, {pipeline_mode = #tpu.pipeline_mode<synchronous>, transform_indices = @transform_8, window_bounds = array<i64: 1, 64>}, {transform_indices = @transform_9, window_bounds = array<i64: 1024, 64>}]} {
    %get3A = arith.constant 0 : index
    %get3A_0 = arith.constant 0 : index
    %get3A_1 = vector.load %arg1[%get3A, %get3A_0] : memref<16384x128xf32, #tpu.memory_space<vmem>>, vector<16384x128xf32>
    %get3A_2 = arith.constant 0 : index
    %get3A_3 = arith.constant 0 : index
    %get3A_4 = vector.load %arg3[%get3A_2, %get3A_3] : memref<128x32xf32, #tpu.memory_space<vmem>>, vector<128x32xf32>
    %dot_general3A = arith.constant dense<0.000000e+00> : vector<16384x32xf32>
    %dot_general3A_5 = tpu.matmul %get3A_1, %get3A_4, %dot_general3A {dimension_numbers = #tpu.dot_dimension_numbers<[1], [0], [0], [1], [0, 0, 1, 1], [], []>, transpose_lhs_hint = false} : vector<16384x128xf32>, vector<128x32xf32>, vector<16384x32xf32> -> vector<16384x32xf32>
    %reshape3A = vector.shape_cast %dot_general3A_5 : vector<16384x32xf32> to vector<1024x16x32xf32>
    %get3A_6 = arith.constant 0 : index
    %get3A_7 = arith.constant 0 : index
    %get3A_8 = vector.load %arg2[%get3A_6, %get3A_7] : memref<1024x32xf32, #tpu.memory_space<vmem>>, vector<1024x32xf32>
    %broadcast_in_dim3A = vector.shape_cast %get3A_8 : vector<1024x32xf32> to vector<1024x1x32xf32>
    %add3A = vector.broadcast %broadcast_in_dim3A : vector<1024x1x32xf32> to vector<1024x16x32xf32>
    %add3A_9 = arith.addf %reshape3A, %add3A : vector<1024x16x32xf32>
    %max3A = arith.constant 0.000000e+00 : f32
    %max3A_10 = vector.broadcast %max3A : f32 to vector<1024x16x32xf32>
    %max3A_11 = arith.maximumf %add3A_9, %max3A_10 : vector<1024x16x32xf32>
    %reshape3A_12 = vector.shape_cast %max3A_11 : vector<1024x16x32xf32> to vector<16384x32xf32>
    %get3A_13 = arith.constant 0 : index
    %get3A_14 = arith.constant 0 : index
    %get3A_15 = vector.load %arg4[%get3A_13, %get3A_14] : memref<32x16xf32, #tpu.memory_space<vmem>>, vector<32x16xf32>
    %dot_general3A_16 = arith.constant dense<0.000000e+00> : vector<16384x16xf32>
    %dot_general3A_17 = tpu.matmul %reshape3A_12, %get3A_15, %dot_general3A_16 {dimension_numbers = #tpu.dot_dimension_numbers<[1], [0], [0], [1], [0, 0, 1, 1], [], []>, transpose_lhs_hint = false} : vector<16384x32xf32>, vector<32x16xf32>, vector<16384x16xf32> -> vector<16384x16xf32>
    %get3A_18 = arith.constant 0 : index
    %get3A_19 = arith.constant 0 : index
    %get3A_20 = vector.load %arg5[%get3A_18, %get3A_19] : memref<1x16xf32, #tpu.memory_space<vmem>>, vector<1x16xf32>
    %add3A_21 = vector.broadcast %get3A_20 : vector<1x16xf32> to vector<16384x16xf32>
    %add3A_22 = arith.addf %dot_general3A_17, %add3A_21 : vector<16384x16xf32>
    %max3A_23 = arith.constant 0.000000e+00 : f32
    %max3A_24 = vector.broadcast %max3A_23 : f32 to vector<16384x16xf32>
    %max3A_25 = arith.maximumf %add3A_22, %max3A_24 : vector<16384x16xf32>
    %get3A_26 = arith.constant 0 : index
    %get3A_27 = arith.constant 0 : index
    %get3A_28 = vector.load %arg6[%get3A_26, %get3A_27] : memref<16x16xf32, #tpu.memory_space<vmem>>, vector<16x16xf32>
    %dot_general3A_29 = arith.constant dense<0.000000e+00> : vector<16384x16xf32>
    %dot_general3A_30 = tpu.matmul %max3A_25, %get3A_28, %dot_general3A_29 {dimension_numbers = #tpu.dot_dimension_numbers<[1], [0], [0], [1], [0, 0, 1, 1], [], []>, transpose_lhs_hint = false} : vector<16384x16xf32>, vector<16x16xf32>, vector<16384x16xf32> -> vector<16384x16xf32>
    %get3A_31 = arith.constant 0 : index
    %get3A_32 = arith.constant 0 : index
    %get3A_33 = vector.load %arg7[%get3A_31, %get3A_32] : memref<1x16xf32, #tpu.memory_space<vmem>>, vector<1x16xf32>
    %add3A_34 = vector.broadcast %get3A_33 : vector<1x16xf32> to vector<16384x16xf32>
    %add3A_35 = arith.addf %dot_general3A_30, %add3A_34 : vector<16384x16xf32>
    %max3A_36 = arith.constant 0.000000e+00 : f32
    %max3A_37 = vector.broadcast %max3A_36 : f32 to vector<16384x16xf32>
    %max3A_38 = arith.maximumf %add3A_35, %max3A_37 : vector<16384x16xf32>
    %reshape3A_39 = vector.shape_cast %max3A_38 : vector<16384x16xf32> to vector<1024x16x16xf32>
    %reshape3A_40 = vector.shape_cast %get3A_1 : vector<16384x128xf32> to vector<1024x16x128xf32>
    %slice3A = vector.extract_strided_slice %reshape3A_40 {offsets = [0, 0, 0], sizes = [1024, 16, 64], strides = [1, 1, 1]} : vector<1024x16x128xf32> to vector<1024x16x64xf32>
    %dot_general3A_41 = arith.constant dense<0.000000e+00> : vector<1024x16x64xf32>
    %dot_general3A_42 = tpu.matmul %reshape3A_39, %slice3A, %dot_general3A_41 {dimension_numbers = #tpu.dot_dimension_numbers<[1], [1], [2], [2], [0, 0, 0, 2, 1, 2], [0], [0]>, transpose_lhs_hint = false} : vector<1024x16x16xf32>, vector<1024x16x64xf32>, vector<1024x16x64xf32> -> vector<1024x16x64xf32>
    %reshape3A_43 = vector.shape_cast %dot_general3A_42 : vector<1024x16x64xf32> to vector<1024x1024xf32>
    %get3A_44 = arith.constant 0 : index
    %get3A_45 = arith.constant 0 : index
    %get3A_46 = vector.load %arg8[%get3A_44, %get3A_45] : memref<1024x64xf32, #tpu.memory_space<vmem>>, vector<1024x64xf32>
    %dot_general3A_47 = arith.constant dense<0.000000e+00> : vector<1024x64xf32>
    %dot_general3A_48 = tpu.matmul %reshape3A_43, %get3A_46, %dot_general3A_47 {dimension_numbers = #tpu.dot_dimension_numbers<[1], [0], [0], [1], [0, 0, 1, 1], [], []>, transpose_lhs_hint = false} : vector<1024x1024xf32>, vector<1024x64xf32>, vector<1024x64xf32> -> vector<1024x64xf32>
    %get3A_49 = arith.constant 0 : index
    %get3A_50 = arith.constant 0 : index
    %get3A_51 = vector.load %arg9[%get3A_49, %get3A_50] : memref<1x64xf32, #tpu.memory_space<vmem>>, vector<1x64xf32>
    %add3A_52 = vector.broadcast %get3A_51 : vector<1x64xf32> to vector<1024x64xf32>
    %add3A_53 = arith.addf %dot_general3A_48, %add3A_52 : vector<1024x64xf32>
    %swap3A = arith.constant 0 : index
    %swap3A_54 = arith.constant 0 : index
    %swap3A_55 = vector.load %arg10[%swap3A, %swap3A_54] : memref<1024x64xf32, #tpu.memory_space<vmem>>, vector<1024x64xf32>
    tpu.vector_store %arg10[%swap3A, %swap3A_54], %add3A_53 {strides = array<i32>} : memref<1024x64xf32, #tpu.memory_space<vmem>>, vector<1024x64xf32>,
    return
  }
  func.func @transform_0(%arg0: i32) -> (i32, i32) {
    %c0_i32 = arith.constant 0 : i32
    %c0_i32_0 = arith.constant 0 : i32
    return %arg0, %c0_i32 : i32, i32
  }
  func.func @transform_1(%arg0: i32) -> (i32, i32) {
    %add3A = arith.constant 20 : i32
    %add3A_0 = arith.addi %add3A, %arg0 : i32
    %c0_i32 = arith.constant 0 : i32
    %c0_i32_1 = arith.constant 0 : i32
    return %add3A_0, %c0_i32 : i32, i32
  }
  func.func @transform_2(%arg0: i32) -> (i32, i32) {
    %c0_i32 = arith.constant 0 : i32
    %c0_i32_0 = arith.constant 0 : i32
    %c0_i32_1 = arith.constant 0 : i32
    return %c0_i32, %c0_i32_0 : i32, i32
  }
  func.func @transform_3(%arg0: i32) -> (i32, i32) {
    %c0_i32 = arith.constant 0 : i32
    %c0_i32_0 = arith.constant 0 : i32
    %c0_i32_1 = arith.constant 0 : i32
    return %c0_i32, %c0_i32_0 : i32, i32
  }
  func.func @transform_4(%arg0: i32) -> (i32, i32) {
    %c0_i32 = arith.constant 0 : i32
    %c0_i32_0 = arith.constant 0 : i32
    %c0_i32_1 = arith.constant 0 : i32
    return %c0_i32, %c0_i32_0 : i32, i32
  }
  func.func @transform_5(%arg0: i32) -> (i32, i32) {
    %c0_i32 = arith.constant 0 : i32
    %c0_i32_0 = arith.constant 0 : i32
    %c0_i32_1 = arith.constant 0 : i32
    return %c0_i32, %c0_i32_0 : i32, i32
  }
  func.func @transform_6(%arg0: i32) -> (i32, i32) {
    %c0_i32 = arith.constant 0 : i32
    %c0_i32_0 = arith.constant 0 : i32
    %c0_i32_1 = arith.constant 0 : i32
    return %c0_i32, %c0_i32_0 : i32, i32
  }
  func.func @transform_7(%arg0: i32) -> (i32, i32) {
    %c0_i32 = arith.constant 0 : i32
    %c0_i32_0 = arith.constant 0 : i32
    %c0_i32_1 = arith.constant 0 : i32
    return %c0_i32, %c0_i32_0 : i32, i32
  }
  func.func @transform_8(%arg0: i32) -> (i32, i32) {
    %c0_i32 = arith.constant 0 : i32
    %c0_i32_0 = arith.constant 0 : i32
    %c0_i32_1 = arith.constant 0 : i32
    return %c0_i32, %c0_i32_0 : i32, i32
  }
  func.func @transform_9(%arg0: i32) -> (i32, i32) {
    %c0_i32 = arith.constant 0 : i32
    %c0_i32_0 = arith.constant 0 : i32
    return %arg0, %c0_i32 : i32, i32
  }
}

module attributes {stable_mosaic.version = 14 : i64} {
  func.func @_tc_body(%arg0: i32, %arg1: memref<16384x128xf32, #tpu.memory_space<vmem>>, %arg2: memref<1024x32xf32, #tpu.memory_space<vmem>>, %arg3: memref<128x32xf32, #tpu.memory_space<vmem>>, %arg4: memref<32x16xf32, #tpu.memory_space<vmem>>, %arg5: memref<1x16xf32, #tpu.memory_space<vmem>>, %arg6: memref<16x16xf32, #tpu.memory_space<vmem>>, %arg7: memref<1x16xf32, #tpu.memory_space<vmem>>, %arg8: memref<1024x64xf32, #tpu.memory_space<vmem>>, %arg9: memref<1x64xf32, #tpu.memory_space<vmem>>, %arg10: memref<1024x64xf32, #tpu.memory_space<vmem>>) attributes {dimension_semantics = [#tpu.dimension_semantics<arbitrary>], iteration_bounds = array<i64: 4>, scalar_prefetch = 0 : i64, scratch_operands = 0 : i64, tpu.core_type = #tpu.core_type<tc>, window_params = [{transform_indices = @transform_0, window_bounds = array<i64: 16384, 128>}, {transform_indices = @transform_1, window_bounds = array<i64: 1024, 32>}, {pipeline_mode = #tpu.pipeline_mode<synchronous>, transform_indices = @transform_2, window_bounds = array<i64: 128, 32>}, {pipeline_mode = #tpu.pipeline_mode<synchronous>, transform_indices = @transform_3, window_bounds = array<i64: 32, 16>}, {pipeline_mode = #tpu.pipeline_mode<synchronous>, transform_indices = @transform_4, window_bounds = array<i64: 1, 16>}, {pipeline_mode = #tpu.pipeline_mode<synchronous>, transform_indices = @transform_5, window_bounds = array<i64: 16, 16>}, {pipeline_mode = #tpu.pipeline_mode<synchronous>, transform_indices = @transform_6, window_bounds = array<i64: 1, 16>}, {pipeline_mode = #tpu.pipeline_mode<synchronous>, transform_indices = @transform_7, window_bounds = array<i64: 1024, 64>}, {pipeline_mode = #tpu.pipeline_mode<synchronous>, transform_indices = @transform_8, window_bounds = array<i64: 1, 64>}, {transform_indices = @transform_9, window_bounds = array<i64: 1024, 64>}]} {
    %get3A = arith.constant 0 : index
    %get3A_0 = arith.constant 0 : index
    %get3A_1 = vector.load %arg1[%get3A, %get3A_0] : memref<16384x128xf32, #tpu.memory_space<vmem>>, vector<16384x128xf32>
    %get3A_2 = arith.constant 0 : index
    %get3A_3 = arith.constant 0 : index
    %get3A_4 = vector.load %arg3[%get3A_2, %get3A_3] : memref<128x32xf32, #tpu.memory_space<vmem>>, vector<128x32xf32>
    %dot_general3A = arith.constant dense<0.000000e+00> : vector<16384x32xf32>
    %dot_general3A_5 = tpu.matmul %get3A_1, %get3A_4, %dot_general3A {dimension_numbers = #tpu.dot_dimension_numbers<[1], [0], [0], [1], [0, 0, 1, 1], [], []>, transpose_lhs_hint = false} : vector<16384x128xf32>, vector<128x32xf32>, vector<16384x32xf32> -> vector<16384x32xf32>
    %reshape3A = vector.shape_cast %dot_general3A_5 : vector<16384x32xf32> to vector<1024x16x32xf32>
    %get3A_6 = arith.constant 0 : index
    %get3A_7 = arith.constant 0 : index
    %get3A_8 = vector.load %arg2[%get3A_6, %get3A_7] : memref<1024x32xf32, #tpu.memory_space<vmem>>, vector<1024x32xf32>
    %broadcast_in_dim3A = vector.shape_cast %get3A_8 : vector<1024x32xf32> to vector<1024x1x32xf32>
    %add3A = vector.broadcast %broadcast_in_dim3A : vector<1024x1x32xf32> to vector<1024x16x32xf32>
    %add3A_9 = arith.addf %reshape3A, %add3A : vector<1024x16x32xf32>
    %max3A = arith.constant 0.000000e+00 : f32
    %max3A_10 = vector.broadcast %max3A : f32 to vector<1024x16x32xf32>
    %max3A_11 = arith.maximumf %add3A_9, %max3A_10 : vector<1024x16x32xf32>
    %reshape3A_12 = vector.shape_cast %max3A_11 : vector<1024x16x32xf32> to vector<16384x32xf32>
    %get3A_13 = arith.constant 0 : index
    %get3A_14 = arith.constant 0 : index
    %get3A_15 = vector.load %arg4[%get3A_13, %get3A_14] : memref<32x16xf32, #tpu.memory_space<vmem>>, vector<32x16xf32>
    %dot_general3A_16 = arith.constant dense<0.000000e+00> : vector<16384x16xf32>
    %dot_general3A_17 = tpu.matmul %reshape3A_12, %get3A_15, %dot_general3A_16 {dimension_numbers = #tpu.dot_dimension_numbers<[1], [0], [0], [1], [0, 0, 1, 1], [], []>, transpose_lhs_hint = false} : vector<16384x32xf32>, vector<32x16xf32>, vector<16384x16xf32> -> vector<16384x16xf32>
    %get3A_18 = arith.constant 0 : index
    %get3A_19 = arith.constant 0 : index
    %get3A_20 = vector.load %arg5[%get3A_18, %get3A_19] : memref<1x16xf32, #tpu.memory_space<vmem>>, vector<1x16xf32>
    %add3A_21 = vector.broadcast %get3A_20 : vector<1x16xf32> to vector<16384x16xf32>
    %add3A_22 = arith.addf %dot_general3A_17, %add3A_21 : vector<16384x16xf32>
    %max3A_23 = arith.constant 0.000000e+00 : f32
    %max3A_24 = vector.broadcast %max3A_23 : f32 to vector<16384x16xf32>
    %max3A_25 = arith.maximumf %add3A_22, %max3A_24 : vector<16384x16xf32>
    %get3A_26 = arith.constant 0 : index
    %get3A_27 = arith.constant 0 : index
    %get3A_28 = vector.load %arg6[%get3A_26, %get3A_27] : memref<16x16xf32, #tpu.memory_space<vmem>>, vector<16x16xf32>
    %dot_general3A_29 = arith.constant dense<0.000000e+00> : vector<16384x16xf32>
    %dot_general3A_30 = tpu.matmul %max3A_25, %get3A_28, %dot_general3A_29 {dimension_numbers = #tpu.dot_dimension_numbers<[1], [0], [0], [1], [0, 0, 1, 1], [], []>, transpose_lhs_hint = false} : vector<16384x16xf32>, vector<16x16xf32>, vector<16384x16xf32> -> vector<16384x16xf32>
    %get3A_31 = arith.constant 0 : index
    %get3A_32 = arith.constant 0 : index
    %get3A_33 = vector.load %arg7[%get3A_31, %get3A_32] : memref<1x16xf32, #tpu.memory_space<vmem>>, vector<1x16xf32>
    %add3A_34 = vector.broadcast %get3A_33 : vector<1x16xf32> to vector<16384x16xf32>
    %add3A_35 = arith.addf %dot_general3A_30, %add3A_34 : vector<16384x16xf32>
    %max3A_36 = arith.constant 0.000000e+00 : f32
    %max3A_37 = vector.broadcast %max3A_36 : f32 to vector<16384x16xf32>
    %max3A_38 = arith.maximumf %add3A_35, %max3A_37 : vector<16384x16xf32>
    %reshape3A_39 = vector.shape_cast %max3A_38 : vector<16384x16xf32> to vector<1024x16x16xf32>
    %reshape3A_40 = vector.shape_cast %get3A_1 : vector<16384x128xf32> to vector<1024x16x128xf32>
    %slice3A = vector.extract_strided_slice %reshape3A_40 {offsets = [0, 0, 0], sizes = [1024, 16, 64], strides = [1, 1, 1]} : vector<1024x16x128xf32> to vector<1024x16x64xf32>
    %dot_general3A_41 = arith.constant dense<0.000000e+00> : vector<1024x16x64xf32>
    %dot_general3A_42 = tpu.matmul %reshape3A_39, %slice3A, %dot_general3A_41 {dimension_numbers = #tpu.dot_dimension_numbers<[1], [1], [2], [2], [0, 0, 0, 2, 1, 2], [0], [0]>, transpose_lhs_hint = false} : vector<1024x16x16xf32>, vector<1024x16x64xf32>, vector<1024x16x64xf32> -> vector<1024x16x64xf32>
    %reshape3A_43 = vector.shape_cast %dot_general3A_42 : vector<1024x16x64xf32> to vector<1024x1024xf32>
    %get3A_44 = arith.constant 0 : index
    %get3A_45 = arith.constant 0 : index
    %get3A_46 = vector.load %arg8[%get3A_44, %get3A_45] : memref<1024x64xf32, #tpu.memory_space<vmem>>, vector<1024x64xf32>
    %dot_general3A_47 = arith.constant dense<0.000000e+00> : vector<1024x64xf32>
    %dot_general3A_48 = tpu.matmul %reshape3A_43, %get3A_46, %dot_general3A_47 {dimension_numbers = #tpu.dot_dimension_numbers<[1], [0], [0], [1], [0, 0, 1, 1], [], []>, transpose_lhs_hint = false} : vector<1024x1024xf32>, vector<1024x64xf32>, vector<1024x64xf32> -> vector<1024x64xf32>
    %get3A_49 = arith.constant 0 : index
    %get3A_50 = arith.constant 0 : index
    %get3A_51 = vector.load %arg9[%get3A_49, %get3A_50] : memref<1x64xf32, #tpu.memory_space<vmem>>, vector<1x64xf32>
    %add3A_52 = vector.broadcast %get3A_51 : vector<1x64xf32> to vector<1024x64xf32>
    %add3A_53 = arith.addf %dot_general3A_48, %add3A_52 : vector<1024x64xf32>
    %swap3A = arith.constant 0 : index
    %swap3A_54 = arith.constant 0 : index
    %swap3A_55 = vector.load %arg10[%swap3A, %swap3A_54] : memref<1024x64xf32, #tpu.memory_space<vmem>>, vector<1024x64xf32>
    tpu.vector_store %arg10[%swap3A, %swap3A_54], %add3A_53 {strides = array<i32>} : memref<1024x64xf32, #tpu.memory_space<vmem>>, vector<1024x64xf32>,
    return
  }
  func.func @transform_0(%arg0: i32) -> (i32, i32) {
    %c0_i32 = arith.constant 0 : i32
    %c0_i32_0 = arith.constant 0 : i32
    return %arg0, %c0_i32 : i32, i32
  }
  func.func @transform_1(%arg0: i32) -> (i32, i32) {
    %add3A = arith.constant 16 : i32
    %add3A_0 = arith.addi %add3A, %arg0 : i32
    %c0_i32 = arith.constant 0 : i32
    %c0_i32_1 = arith.constant 0 : i32
    return %add3A_0, %c0_i32 : i32, i32
  }
  func.func @transform_2(%arg0: i32) -> (i32, i32) {
    %c0_i32 = arith.constant 0 : i32
    %c0_i32_0 = arith.constant 0 : i32
    %c0_i32_1 = arith.constant 0 : i32
    return %c0_i32, %c0_i32_0 : i32, i32
  }
  func.func @transform_3(%arg0: i32) -> (i32, i32) {
    %c0_i32 = arith.constant 0 : i32
    %c0_i32_0 = arith.constant 0 : i32
    %c0_i32_1 = arith.constant 0 : i32
    return %c0_i32, %c0_i32_0 : i32, i32
  }
  func.func @transform_4(%arg0: i32) -> (i32, i32) {
    %c0_i32 = arith.constant 0 : i32
    %c0_i32_0 = arith.constant 0 : i32
    %c0_i32_1 = arith.constant 0 : i32
    return %c0_i32, %c0_i32_0 : i32, i32
  }
  func.func @transform_5(%arg0: i32) -> (i32, i32) {
    %c0_i32 = arith.constant 0 : i32
    %c0_i32_0 = arith.constant 0 : i32
    %c0_i32_1 = arith.constant 0 : i32
    return %c0_i32, %c0_i32_0 : i32, i32
  }
  func.func @transform_6(%arg0: i32) -> (i32, i32) {
    %c0_i32 = arith.constant 0 : i32
    %c0_i32_0 = arith.constant 0 : i32
    %c0_i32_1 = arith.constant 0 : i32
    return %c0_i32, %c0_i32_0 : i32, i32
  }
  func.func @transform_7(%arg0: i32) -> (i32, i32) {
    %c0_i32 = arith.constant 0 : i32
    %c0_i32_0 = arith.constant 0 : i32
    %c0_i32_1 = arith.constant 0 : i32
    return %c0_i32, %c0_i32_0 : i32, i32
  }
  func.func @transform_8(%arg0: i32) -> (i32, i32) {
    %c0_i32 = arith.constant 0 : i32
    %c0_i32_0 = arith.constant 0 : i32
    %c0_i32_1 = arith.constant 0 : i32
    return %c0_i32, %c0_i32_0 : i32, i32
  }
  func.func @transform_9(%arg0: i32) -> (i32, i32) {
    %c0_i32 = arith.constant 0 : i32
    %c0_i32_0 = arith.constant 0 : i32
    return %arg0, %c0_i32 : i32, i32
  }
}

module attributes {stable_mosaic.version = 14 : i64} {
  func.func @_tc_body(%arg0: i32, %arg1: memref<16384x128xf32, #tpu.memory_space<vmem>>, %arg2: memref<1024x32xf32, #tpu.memory_space<vmem>>, %arg3: memref<128x32xf32, #tpu.memory_space<vmem>>, %arg4: memref<32x16xf32, #tpu.memory_space<vmem>>, %arg5: memref<1x16xf32, #tpu.memory_space<vmem>>, %arg6: memref<16x16xf32, #tpu.memory_space<vmem>>, %arg7: memref<1x16xf32, #tpu.memory_space<vmem>>, %arg8: memref<1024x64xf32, #tpu.memory_space<vmem>>, %arg9: memref<1x64xf32, #tpu.memory_space<vmem>>, %arg10: memref<1024x64xf32, #tpu.memory_space<vmem>>) attributes {dimension_semantics = [#tpu.dimension_semantics<arbitrary>], iteration_bounds = array<i64: 4>, scalar_prefetch = 0 : i64, scratch_operands = 0 : i64, tpu.core_type = #tpu.core_type<tc>, window_params = [{transform_indices = @transform_0, window_bounds = array<i64: 16384, 128>}, {transform_indices = @transform_1, window_bounds = array<i64: 1024, 32>}, {pipeline_mode = #tpu.pipeline_mode<synchronous>, transform_indices = @transform_2, window_bounds = array<i64: 128, 32>}, {pipeline_mode = #tpu.pipeline_mode<synchronous>, transform_indices = @transform_3, window_bounds = array<i64: 32, 16>}, {pipeline_mode = #tpu.pipeline_mode<synchronous>, transform_indices = @transform_4, window_bounds = array<i64: 1, 16>}, {pipeline_mode = #tpu.pipeline_mode<synchronous>, transform_indices = @transform_5, window_bounds = array<i64: 16, 16>}, {pipeline_mode = #tpu.pipeline_mode<synchronous>, transform_indices = @transform_6, window_bounds = array<i64: 1, 16>}, {pipeline_mode = #tpu.pipeline_mode<synchronous>, transform_indices = @transform_7, window_bounds = array<i64: 1024, 64>}, {pipeline_mode = #tpu.pipeline_mode<synchronous>, transform_indices = @transform_8, window_bounds = array<i64: 1, 64>}, {transform_indices = @transform_9, window_bounds = array<i64: 1024, 64>}]} {
    %get3A = arith.constant 0 : index
    %get3A_0 = arith.constant 0 : index
    %get3A_1 = vector.load %arg1[%get3A, %get3A_0] : memref<16384x128xf32, #tpu.memory_space<vmem>>, vector<16384x128xf32>
    %get3A_2 = arith.constant 0 : index
    %get3A_3 = arith.constant 0 : index
    %get3A_4 = vector.load %arg3[%get3A_2, %get3A_3] : memref<128x32xf32, #tpu.memory_space<vmem>>, vector<128x32xf32>
    %dot_general3A = arith.constant dense<0.000000e+00> : vector<16384x32xf32>
    %dot_general3A_5 = tpu.matmul %get3A_1, %get3A_4, %dot_general3A {dimension_numbers = #tpu.dot_dimension_numbers<[1], [0], [0], [1], [0, 0, 1, 1], [], []>, transpose_lhs_hint = false} : vector<16384x128xf32>, vector<128x32xf32>, vector<16384x32xf32> -> vector<16384x32xf32>
    %reshape3A = vector.shape_cast %dot_general3A_5 : vector<16384x32xf32> to vector<1024x16x32xf32>
    %get3A_6 = arith.constant 0 : index
    %get3A_7 = arith.constant 0 : index
    %get3A_8 = vector.load %arg2[%get3A_6, %get3A_7] : memref<1024x32xf32, #tpu.memory_space<vmem>>, vector<1024x32xf32>
    %broadcast_in_dim3A = vector.shape_cast %get3A_8 : vector<1024x32xf32> to vector<1024x1x32xf32>
    %add3A = vector.broadcast %broadcast_in_dim3A : vector<1024x1x32xf32> to vector<1024x16x32xf32>
    %add3A_9 = arith.addf %reshape3A, %add3A : vector<1024x16x32xf32>
    %max3A = arith.constant 0.000000e+00 : f32
    %max3A_10 = vector.broadcast %max3A : f32 to vector<1024x16x32xf32>
    %max3A_11 = arith.maximumf %add3A_9, %max3A_10 : vector<1024x16x32xf32>
    %reshape3A_12 = vector.shape_cast %max3A_11 : vector<1024x16x32xf32> to vector<16384x32xf32>
    %get3A_13 = arith.constant 0 : index
    %get3A_14 = arith.constant 0 : index
    %get3A_15 = vector.load %arg4[%get3A_13, %get3A_14] : memref<32x16xf32, #tpu.memory_space<vmem>>, vector<32x16xf32>
    %dot_general3A_16 = arith.constant dense<0.000000e+00> : vector<16384x16xf32>
    %dot_general3A_17 = tpu.matmul %reshape3A_12, %get3A_15, %dot_general3A_16 {dimension_numbers = #tpu.dot_dimension_numbers<[1], [0], [0], [1], [0, 0, 1, 1], [], []>, transpose_lhs_hint = false} : vector<16384x32xf32>, vector<32x16xf32>, vector<16384x16xf32> -> vector<16384x16xf32>
    %get3A_18 = arith.constant 0 : index
    %get3A_19 = arith.constant 0 : index
    %get3A_20 = vector.load %arg5[%get3A_18, %get3A_19] : memref<1x16xf32, #tpu.memory_space<vmem>>, vector<1x16xf32>
    %add3A_21 = vector.broadcast %get3A_20 : vector<1x16xf32> to vector<16384x16xf32>
    %add3A_22 = arith.addf %dot_general3A_17, %add3A_21 : vector<16384x16xf32>
    %max3A_23 = arith.constant 0.000000e+00 : f32
    %max3A_24 = vector.broadcast %max3A_23 : f32 to vector<16384x16xf32>
    %max3A_25 = arith.maximumf %add3A_22, %max3A_24 : vector<16384x16xf32>
    %get3A_26 = arith.constant 0 : index
    %get3A_27 = arith.constant 0 : index
    %get3A_28 = vector.load %arg6[%get3A_26, %get3A_27] : memref<16x16xf32, #tpu.memory_space<vmem>>, vector<16x16xf32>
    %dot_general3A_29 = arith.constant dense<0.000000e+00> : vector<16384x16xf32>
    %dot_general3A_30 = tpu.matmul %max3A_25, %get3A_28, %dot_general3A_29 {dimension_numbers = #tpu.dot_dimension_numbers<[1], [0], [0], [1], [0, 0, 1, 1], [], []>, transpose_lhs_hint = false} : vector<16384x16xf32>, vector<16x16xf32>, vector<16384x16xf32> -> vector<16384x16xf32>
    %get3A_31 = arith.constant 0 : index
    %get3A_32 = arith.constant 0 : index
    %get3A_33 = vector.load %arg7[%get3A_31, %get3A_32] : memref<1x16xf32, #tpu.memory_space<vmem>>, vector<1x16xf32>
    %add3A_34 = vector.broadcast %get3A_33 : vector<1x16xf32> to vector<16384x16xf32>
    %add3A_35 = arith.addf %dot_general3A_30, %add3A_34 : vector<16384x16xf32>
    %max3A_36 = arith.constant 0.000000e+00 : f32
    %max3A_37 = vector.broadcast %max3A_36 : f32 to vector<16384x16xf32>
    %max3A_38 = arith.maximumf %add3A_35, %max3A_37 : vector<16384x16xf32>
    %reshape3A_39 = vector.shape_cast %max3A_38 : vector<16384x16xf32> to vector<1024x16x16xf32>
    %reshape3A_40 = vector.shape_cast %get3A_1 : vector<16384x128xf32> to vector<1024x16x128xf32>
    %slice3A = vector.extract_strided_slice %reshape3A_40 {offsets = [0, 0, 0], sizes = [1024, 16, 64], strides = [1, 1, 1]} : vector<1024x16x128xf32> to vector<1024x16x64xf32>
    %dot_general3A_41 = arith.constant dense<0.000000e+00> : vector<1024x16x64xf32>
    %dot_general3A_42 = tpu.matmul %reshape3A_39, %slice3A, %dot_general3A_41 {dimension_numbers = #tpu.dot_dimension_numbers<[1], [1], [2], [2], [0, 0, 0, 2, 1, 2], [0], [0]>, transpose_lhs_hint = false} : vector<1024x16x16xf32>, vector<1024x16x64xf32>, vector<1024x16x64xf32> -> vector<1024x16x64xf32>
    %reshape3A_43 = vector.shape_cast %dot_general3A_42 : vector<1024x16x64xf32> to vector<1024x1024xf32>
    %get3A_44 = arith.constant 0 : index
    %get3A_45 = arith.constant 0 : index
    %get3A_46 = vector.load %arg8[%get3A_44, %get3A_45] : memref<1024x64xf32, #tpu.memory_space<vmem>>, vector<1024x64xf32>
    %dot_general3A_47 = arith.constant dense<0.000000e+00> : vector<1024x64xf32>
    %dot_general3A_48 = tpu.matmul %reshape3A_43, %get3A_46, %dot_general3A_47 {dimension_numbers = #tpu.dot_dimension_numbers<[1], [0], [0], [1], [0, 0, 1, 1], [], []>, transpose_lhs_hint = false} : vector<1024x1024xf32>, vector<1024x64xf32>, vector<1024x64xf32> -> vector<1024x64xf32>
    %get3A_49 = arith.constant 0 : index
    %get3A_50 = arith.constant 0 : index
    %get3A_51 = vector.load %arg9[%get3A_49, %get3A_50] : memref<1x64xf32, #tpu.memory_space<vmem>>, vector<1x64xf32>
    %add3A_52 = vector.broadcast %get3A_51 : vector<1x64xf32> to vector<1024x64xf32>
    %add3A_53 = arith.addf %dot_general3A_48, %add3A_52 : vector<1024x64xf32>
    %swap3A = arith.constant 0 : index
    %swap3A_54 = arith.constant 0 : index
    %swap3A_55 = vector.load %arg10[%swap3A, %swap3A_54] : memref<1024x64xf32, #tpu.memory_space<vmem>>, vector<1024x64xf32>
    tpu.vector_store %arg10[%swap3A, %swap3A_54], %add3A_53 {strides = array<i32>} : memref<1024x64xf32, #tpu.memory_space<vmem>>, vector<1024x64xf32>,
    return
  }
  func.func @transform_0(%arg0: i32) -> (i32, i32) {
    %c0_i32 = arith.constant 0 : i32
    %c0_i32_0 = arith.constant 0 : i32
    return %arg0, %c0_i32 : i32, i32
  }
  func.func @transform_1(%arg0: i32) -> (i32, i32) {
    %add3A = arith.constant 12 : i32
    %add3A_0 = arith.addi %add3A, %arg0 : i32
    %c0_i32 = arith.constant 0 : i32
    %c0_i32_1 = arith.constant 0 : i32
    return %add3A_0, %c0_i32 : i32, i32
  }
  func.func @transform_2(%arg0: i32) -> (i32, i32) {
    %c0_i32 = arith.constant 0 : i32
    %c0_i32_0 = arith.constant 0 : i32
    %c0_i32_1 = arith.constant 0 : i32
    return %c0_i32, %c0_i32_0 : i32, i32
  }
  func.func @transform_3(%arg0: i32) -> (i32, i32) {
    %c0_i32 = arith.constant 0 : i32
    %c0_i32_0 = arith.constant 0 : i32
    %c0_i32_1 = arith.constant 0 : i32
    return %c0_i32, %c0_i32_0 : i32, i32
  }
  func.func @transform_4(%arg0: i32) -> (i32, i32) {
    %c0_i32 = arith.constant 0 : i32
    %c0_i32_0 = arith.constant 0 : i32
    %c0_i32_1 = arith.constant 0 : i32
    return %c0_i32, %c0_i32_0 : i32, i32
  }
  func.func @transform_5(%arg0: i32) -> (i32, i32) {
    %c0_i32 = arith.constant 0 : i32
    %c0_i32_0 = arith.constant 0 : i32
    %c0_i32_1 = arith.constant 0 : i32
    return %c0_i32, %c0_i32_0 : i32, i32
  }
  func.func @transform_6(%arg0: i32) -> (i32, i32) {
    %c0_i32 = arith.constant 0 : i32
    %c0_i32_0 = arith.constant 0 : i32
    %c0_i32_1 = arith.constant 0 : i32
    return %c0_i32, %c0_i32_0 : i32, i32
  }
  func.func @transform_7(%arg0: i32) -> (i32, i32) {
    %c0_i32 = arith.constant 0 : i32
    %c0_i32_0 = arith.constant 0 : i32
    %c0_i32_1 = arith.constant 0 : i32
    return %c0_i32, %c0_i32_0 : i32, i32
  }
  func.func @transform_8(%arg0: i32) -> (i32, i32) {
    %c0_i32 = arith.constant 0 : i32
    %c0_i32_0 = arith.constant 0 : i32
    %c0_i32_1 = arith.constant 0 : i32
    return %c0_i32, %c0_i32_0 : i32, i32
  }
  func.func @transform_9(%arg0: i32) -> (i32, i32) {
    %c0_i32 = arith.constant 0 : i32
    %c0_i32_0 = arith.constant 0 : i32
    return %arg0, %c0_i32 : i32, i32
  }
}

module attributes {stable_mosaic.version = 14 : i64} {
  func.func @_tc_body(%arg0: i32, %arg1: memref<16384x128xf32, #tpu.memory_space<vmem>>, %arg2: memref<1024x32xf32, #tpu.memory_space<vmem>>, %arg3: memref<128x32xf32, #tpu.memory_space<vmem>>, %arg4: memref<32x16xf32, #tpu.memory_space<vmem>>, %arg5: memref<1x16xf32, #tpu.memory_space<vmem>>, %arg6: memref<16x16xf32, #tpu.memory_space<vmem>>, %arg7: memref<1x16xf32, #tpu.memory_space<vmem>>, %arg8: memref<1024x64xf32, #tpu.memory_space<vmem>>, %arg9: memref<1x64xf32, #tpu.memory_space<vmem>>, %arg10: memref<1024x64xf32, #tpu.memory_space<vmem>>) attributes {dimension_semantics = [#tpu.dimension_semantics<arbitrary>], iteration_bounds = array<i64: 4>, scalar_prefetch = 0 : i64, scratch_operands = 0 : i64, tpu.core_type = #tpu.core_type<tc>, window_params = [{transform_indices = @transform_0, window_bounds = array<i64: 16384, 128>}, {transform_indices = @transform_1, window_bounds = array<i64: 1024, 32>}, {pipeline_mode = #tpu.pipeline_mode<synchronous>, transform_indices = @transform_2, window_bounds = array<i64: 128, 32>}, {pipeline_mode = #tpu.pipeline_mode<synchronous>, transform_indices = @transform_3, window_bounds = array<i64: 32, 16>}, {pipeline_mode = #tpu.pipeline_mode<synchronous>, transform_indices = @transform_4, window_bounds = array<i64: 1, 16>}, {pipeline_mode = #tpu.pipeline_mode<synchronous>, transform_indices = @transform_5, window_bounds = array<i64: 16, 16>}, {pipeline_mode = #tpu.pipeline_mode<synchronous>, transform_indices = @transform_6, window_bounds = array<i64: 1, 16>}, {pipeline_mode = #tpu.pipeline_mode<synchronous>, transform_indices = @transform_7, window_bounds = array<i64: 1024, 64>}, {pipeline_mode = #tpu.pipeline_mode<synchronous>, transform_indices = @transform_8, window_bounds = array<i64: 1, 64>}, {transform_indices = @transform_9, window_bounds = array<i64: 1024, 64>}]} {
    %get3A = arith.constant 0 : index
    %get3A_0 = arith.constant 0 : index
    %get3A_1 = vector.load %arg1[%get3A, %get3A_0] : memref<16384x128xf32, #tpu.memory_space<vmem>>, vector<16384x128xf32>
    %get3A_2 = arith.constant 0 : index
    %get3A_3 = arith.constant 0 : index
    %get3A_4 = vector.load %arg3[%get3A_2, %get3A_3] : memref<128x32xf32, #tpu.memory_space<vmem>>, vector<128x32xf32>
    %dot_general3A = arith.constant dense<0.000000e+00> : vector<16384x32xf32>
    %dot_general3A_5 = tpu.matmul %get3A_1, %get3A_4, %dot_general3A {dimension_numbers = #tpu.dot_dimension_numbers<[1], [0], [0], [1], [0, 0, 1, 1], [], []>, transpose_lhs_hint = false} : vector<16384x128xf32>, vector<128x32xf32>, vector<16384x32xf32> -> vector<16384x32xf32>
    %reshape3A = vector.shape_cast %dot_general3A_5 : vector<16384x32xf32> to vector<1024x16x32xf32>
    %get3A_6 = arith.constant 0 : index
    %get3A_7 = arith.constant 0 : index
    %get3A_8 = vector.load %arg2[%get3A_6, %get3A_7] : memref<1024x32xf32, #tpu.memory_space<vmem>>, vector<1024x32xf32>
    %broadcast_in_dim3A = vector.shape_cast %get3A_8 : vector<1024x32xf32> to vector<1024x1x32xf32>
    %add3A = vector.broadcast %broadcast_in_dim3A : vector<1024x1x32xf32> to vector<1024x16x32xf32>
    %add3A_9 = arith.addf %reshape3A, %add3A : vector<1024x16x32xf32>
    %max3A = arith.constant 0.000000e+00 : f32
    %max3A_10 = vector.broadcast %max3A : f32 to vector<1024x16x32xf32>
    %max3A_11 = arith.maximumf %add3A_9, %max3A_10 : vector<1024x16x32xf32>
    %reshape3A_12 = vector.shape_cast %max3A_11 : vector<1024x16x32xf32> to vector<16384x32xf32>
    %get3A_13 = arith.constant 0 : index
    %get3A_14 = arith.constant 0 : index
    %get3A_15 = vector.load %arg4[%get3A_13, %get3A_14] : memref<32x16xf32, #tpu.memory_space<vmem>>, vector<32x16xf32>
    %dot_general3A_16 = arith.constant dense<0.000000e+00> : vector<16384x16xf32>
    %dot_general3A_17 = tpu.matmul %reshape3A_12, %get3A_15, %dot_general3A_16 {dimension_numbers = #tpu.dot_dimension_numbers<[1], [0], [0], [1], [0, 0, 1, 1], [], []>, transpose_lhs_hint = false} : vector<16384x32xf32>, vector<32x16xf32>, vector<16384x16xf32> -> vector<16384x16xf32>
    %get3A_18 = arith.constant 0 : index
    %get3A_19 = arith.constant 0 : index
    %get3A_20 = vector.load %arg5[%get3A_18, %get3A_19] : memref<1x16xf32, #tpu.memory_space<vmem>>, vector<1x16xf32>
    %add3A_21 = vector.broadcast %get3A_20 : vector<1x16xf32> to vector<16384x16xf32>
    %add3A_22 = arith.addf %dot_general3A_17, %add3A_21 : vector<16384x16xf32>
    %max3A_23 = arith.constant 0.000000e+00 : f32
    %max3A_24 = vector.broadcast %max3A_23 : f32 to vector<16384x16xf32>
    %max3A_25 = arith.maximumf %add3A_22, %max3A_24 : vector<16384x16xf32>
    %get3A_26 = arith.constant 0 : index
    %get3A_27 = arith.constant 0 : index
    %get3A_28 = vector.load %arg6[%get3A_26, %get3A_27] : memref<16x16xf32, #tpu.memory_space<vmem>>, vector<16x16xf32>
    %dot_general3A_29 = arith.constant dense<0.000000e+00> : vector<16384x16xf32>
    %dot_general3A_30 = tpu.matmul %max3A_25, %get3A_28, %dot_general3A_29 {dimension_numbers = #tpu.dot_dimension_numbers<[1], [0], [0], [1], [0, 0, 1, 1], [], []>, transpose_lhs_hint = false} : vector<16384x16xf32>, vector<16x16xf32>, vector<16384x16xf32> -> vector<16384x16xf32>
    %get3A_31 = arith.constant 0 : index
    %get3A_32 = arith.constant 0 : index
    %get3A_33 = vector.load %arg7[%get3A_31, %get3A_32] : memref<1x16xf32, #tpu.memory_space<vmem>>, vector<1x16xf32>
    %add3A_34 = vector.broadcast %get3A_33 : vector<1x16xf32> to vector<16384x16xf32>
    %add3A_35 = arith.addf %dot_general3A_30, %add3A_34 : vector<16384x16xf32>
    %max3A_36 = arith.constant 0.000000e+00 : f32
    %max3A_37 = vector.broadcast %max3A_36 : f32 to vector<16384x16xf32>
    %max3A_38 = arith.maximumf %add3A_35, %max3A_37 : vector<16384x16xf32>
    %reshape3A_39 = vector.shape_cast %max3A_38 : vector<16384x16xf32> to vector<1024x16x16xf32>
    %reshape3A_40 = vector.shape_cast %get3A_1 : vector<16384x128xf32> to vector<1024x16x128xf32>
    %slice3A = vector.extract_strided_slice %reshape3A_40 {offsets = [0, 0, 0], sizes = [1024, 16, 64], strides = [1, 1, 1]} : vector<1024x16x128xf32> to vector<1024x16x64xf32>
    %dot_general3A_41 = arith.constant dense<0.000000e+00> : vector<1024x16x64xf32>
    %dot_general3A_42 = tpu.matmul %reshape3A_39, %slice3A, %dot_general3A_41 {dimension_numbers = #tpu.dot_dimension_numbers<[1], [1], [2], [2], [0, 0, 0, 2, 1, 2], [0], [0]>, transpose_lhs_hint = false} : vector<1024x16x16xf32>, vector<1024x16x64xf32>, vector<1024x16x64xf32> -> vector<1024x16x64xf32>
    %reshape3A_43 = vector.shape_cast %dot_general3A_42 : vector<1024x16x64xf32> to vector<1024x1024xf32>
    %get3A_44 = arith.constant 0 : index
    %get3A_45 = arith.constant 0 : index
    %get3A_46 = vector.load %arg8[%get3A_44, %get3A_45] : memref<1024x64xf32, #tpu.memory_space<vmem>>, vector<1024x64xf32>
    %dot_general3A_47 = arith.constant dense<0.000000e+00> : vector<1024x64xf32>
    %dot_general3A_48 = tpu.matmul %reshape3A_43, %get3A_46, %dot_general3A_47 {dimension_numbers = #tpu.dot_dimension_numbers<[1], [0], [0], [1], [0, 0, 1, 1], [], []>, transpose_lhs_hint = false} : vector<1024x1024xf32>, vector<1024x64xf32>, vector<1024x64xf32> -> vector<1024x64xf32>
    %get3A_49 = arith.constant 0 : index
    %get3A_50 = arith.constant 0 : index
    %get3A_51 = vector.load %arg9[%get3A_49, %get3A_50] : memref<1x64xf32, #tpu.memory_space<vmem>>, vector<1x64xf32>
    %add3A_52 = vector.broadcast %get3A_51 : vector<1x64xf32> to vector<1024x64xf32>
    %add3A_53 = arith.addf %dot_general3A_48, %add3A_52 : vector<1024x64xf32>
    %swap3A = arith.constant 0 : index
    %swap3A_54 = arith.constant 0 : index
    %swap3A_55 = vector.load %arg10[%swap3A, %swap3A_54] : memref<1024x64xf32, #tpu.memory_space<vmem>>, vector<1024x64xf32>
    tpu.vector_store %arg10[%swap3A, %swap3A_54], %add3A_53 {strides = array<i32>} : memref<1024x64xf32, #tpu.memory_space<vmem>>, vector<1024x64xf32>,
    return
  }
  func.func @transform_0(%arg0: i32) -> (i32, i32) {
    %c0_i32 = arith.constant 0 : i32
    %c0_i32_0 = arith.constant 0 : i32
    return %arg0, %c0_i32 : i32, i32
  }
  func.func @transform_1(%arg0: i32) -> (i32, i32) {
    %add3A = arith.constant 8 : i32
    %add3A_0 = arith.addi %add3A, %arg0 : i32
    %c0_i32 = arith.constant 0 : i32
    %c0_i32_1 = arith.constant 0 : i32
    return %add3A_0, %c0_i32 : i32, i32
  }
  func.func @transform_2(%arg0: i32) -> (i32, i32) {
    %c0_i32 = arith.constant 0 : i32
    %c0_i32_0 = arith.constant 0 : i32
    %c0_i32_1 = arith.constant 0 : i32
    return %c0_i32, %c0_i32_0 : i32, i32
  }
  func.func @transform_3(%arg0: i32) -> (i32, i32) {
    %c0_i32 = arith.constant 0 : i32
    %c0_i32_0 = arith.constant 0 : i32
    %c0_i32_1 = arith.constant 0 : i32
    return %c0_i32, %c0_i32_0 : i32, i32
  }
  func.func @transform_4(%arg0: i32) -> (i32, i32) {
    %c0_i32 = arith.constant 0 : i32
    %c0_i32_0 = arith.constant 0 : i32
    %c0_i32_1 = arith.constant 0 : i32
    return %c0_i32, %c0_i32_0 : i32, i32
  }
  func.func @transform_5(%arg0: i32) -> (i32, i32) {
    %c0_i32 = arith.constant 0 : i32
    %c0_i32_0 = arith.constant 0 : i32
    %c0_i32_1 = arith.constant 0 : i32
    return %c0_i32, %c0_i32_0 : i32, i32
  }
  func.func @transform_6(%arg0: i32) -> (i32, i32) {
    %c0_i32 = arith.constant 0 : i32
    %c0_i32_0 = arith.constant 0 : i32
    %c0_i32_1 = arith.constant 0 : i32
    return %c0_i32, %c0_i32_0 : i32, i32
  }
  func.func @transform_7(%arg0: i32) -> (i32, i32) {
    %c0_i32 = arith.constant 0 : i32
    %c0_i32_0 = arith.constant 0 : i32
    %c0_i32_1 = arith.constant 0 : i32
    return %c0_i32, %c0_i32_0 : i32, i32
  }
  func.func @transform_8(%arg0: i32) -> (i32, i32) {
    %c0_i32 = arith.constant 0 : i32
    %c0_i32_0 = arith.constant 0 : i32
    %c0_i32_1 = arith.constant 0 : i32
    return %c0_i32, %c0_i32_0 : i32, i32
  }
  func.func @transform_9(%arg0: i32) -> (i32, i32) {
    %c0_i32 = arith.constant 0 : i32
    %c0_i32_0 = arith.constant 0 : i32
    return %arg0, %c0_i32 : i32, i32
  }
}

module attributes {stable_mosaic.version = 14 : i64} {
  func.func @_tc_body(%arg0: i32, %arg1: memref<16384x128xf32, #tpu.memory_space<vmem>>, %arg2: memref<1024x32xf32, #tpu.memory_space<vmem>>, %arg3: memref<128x32xf32, #tpu.memory_space<vmem>>, %arg4: memref<32x16xf32, #tpu.memory_space<vmem>>, %arg5: memref<1x16xf32, #tpu.memory_space<vmem>>, %arg6: memref<16x16xf32, #tpu.memory_space<vmem>>, %arg7: memref<1x16xf32, #tpu.memory_space<vmem>>, %arg8: memref<1024x64xf32, #tpu.memory_space<vmem>>, %arg9: memref<1x64xf32, #tpu.memory_space<vmem>>, %arg10: memref<1024x64xf32, #tpu.memory_space<vmem>>) attributes {dimension_semantics = [#tpu.dimension_semantics<arbitrary>], iteration_bounds = array<i64: 4>, scalar_prefetch = 0 : i64, scratch_operands = 0 : i64, tpu.core_type = #tpu.core_type<tc>, window_params = [{transform_indices = @transform_0, window_bounds = array<i64: 16384, 128>}, {transform_indices = @transform_1, window_bounds = array<i64: 1024, 32>}, {pipeline_mode = #tpu.pipeline_mode<synchronous>, transform_indices = @transform_2, window_bounds = array<i64: 128, 32>}, {pipeline_mode = #tpu.pipeline_mode<synchronous>, transform_indices = @transform_3, window_bounds = array<i64: 32, 16>}, {pipeline_mode = #tpu.pipeline_mode<synchronous>, transform_indices = @transform_4, window_bounds = array<i64: 1, 16>}, {pipeline_mode = #tpu.pipeline_mode<synchronous>, transform_indices = @transform_5, window_bounds = array<i64: 16, 16>}, {pipeline_mode = #tpu.pipeline_mode<synchronous>, transform_indices = @transform_6, window_bounds = array<i64: 1, 16>}, {pipeline_mode = #tpu.pipeline_mode<synchronous>, transform_indices = @transform_7, window_bounds = array<i64: 1024, 64>}, {pipeline_mode = #tpu.pipeline_mode<synchronous>, transform_indices = @transform_8, window_bounds = array<i64: 1, 64>}, {transform_indices = @transform_9, window_bounds = array<i64: 1024, 64>}]} {
    %get3A = arith.constant 0 : index
    %get3A_0 = arith.constant 0 : index
    %get3A_1 = vector.load %arg1[%get3A, %get3A_0] : memref<16384x128xf32, #tpu.memory_space<vmem>>, vector<16384x128xf32>
    %get3A_2 = arith.constant 0 : index
    %get3A_3 = arith.constant 0 : index
    %get3A_4 = vector.load %arg3[%get3A_2, %get3A_3] : memref<128x32xf32, #tpu.memory_space<vmem>>, vector<128x32xf32>
    %dot_general3A = arith.constant dense<0.000000e+00> : vector<16384x32xf32>
    %dot_general3A_5 = tpu.matmul %get3A_1, %get3A_4, %dot_general3A {dimension_numbers = #tpu.dot_dimension_numbers<[1], [0], [0], [1], [0, 0, 1, 1], [], []>, transpose_lhs_hint = false} : vector<16384x128xf32>, vector<128x32xf32>, vector<16384x32xf32> -> vector<16384x32xf32>
    %reshape3A = vector.shape_cast %dot_general3A_5 : vector<16384x32xf32> to vector<1024x16x32xf32>
    %get3A_6 = arith.constant 0 : index
    %get3A_7 = arith.constant 0 : index
    %get3A_8 = vector.load %arg2[%get3A_6, %get3A_7] : memref<1024x32xf32, #tpu.memory_space<vmem>>, vector<1024x32xf32>
    %broadcast_in_dim3A = vector.shape_cast %get3A_8 : vector<1024x32xf32> to vector<1024x1x32xf32>
    %add3A = vector.broadcast %broadcast_in_dim3A : vector<1024x1x32xf32> to vector<1024x16x32xf32>
    %add3A_9 = arith.addf %reshape3A, %add3A : vector<1024x16x32xf32>
    %max3A = arith.constant 0.000000e+00 : f32
    %max3A_10 = vector.broadcast %max3A : f32 to vector<1024x16x32xf32>
    %max3A_11 = arith.maximumf %add3A_9, %max3A_10 : vector<1024x16x32xf32>
    %reshape3A_12 = vector.shape_cast %max3A_11 : vector<1024x16x32xf32> to vector<16384x32xf32>
    %get3A_13 = arith.constant 0 : index
    %get3A_14 = arith.constant 0 : index
    %get3A_15 = vector.load %arg4[%get3A_13, %get3A_14] : memref<32x16xf32, #tpu.memory_space<vmem>>, vector<32x16xf32>
    %dot_general3A_16 = arith.constant dense<0.000000e+00> : vector<16384x16xf32>
    %dot_general3A_17 = tpu.matmul %reshape3A_12, %get3A_15, %dot_general3A_16 {dimension_numbers = #tpu.dot_dimension_numbers<[1], [0], [0], [1], [0, 0, 1, 1], [], []>, transpose_lhs_hint = false} : vector<16384x32xf32>, vector<32x16xf32>, vector<16384x16xf32> -> vector<16384x16xf32>
    %get3A_18 = arith.constant 0 : index
    %get3A_19 = arith.constant 0 : index
    %get3A_20 = vector.load %arg5[%get3A_18, %get3A_19] : memref<1x16xf32, #tpu.memory_space<vmem>>, vector<1x16xf32>
    %add3A_21 = vector.broadcast %get3A_20 : vector<1x16xf32> to vector<16384x16xf32>
    %add3A_22 = arith.addf %dot_general3A_17, %add3A_21 : vector<16384x16xf32>
    %max3A_23 = arith.constant 0.000000e+00 : f32
    %max3A_24 = vector.broadcast %max3A_23 : f32 to vector<16384x16xf32>
    %max3A_25 = arith.maximumf %add3A_22, %max3A_24 : vector<16384x16xf32>
    %get3A_26 = arith.constant 0 : index
    %get3A_27 = arith.constant 0 : index
    %get3A_28 = vector.load %arg6[%get3A_26, %get3A_27] : memref<16x16xf32, #tpu.memory_space<vmem>>, vector<16x16xf32>
    %dot_general3A_29 = arith.constant dense<0.000000e+00> : vector<16384x16xf32>
    %dot_general3A_30 = tpu.matmul %max3A_25, %get3A_28, %dot_general3A_29 {dimension_numbers = #tpu.dot_dimension_numbers<[1], [0], [0], [1], [0, 0, 1, 1], [], []>, transpose_lhs_hint = false} : vector<16384x16xf32>, vector<16x16xf32>, vector<16384x16xf32> -> vector<16384x16xf32>
    %get3A_31 = arith.constant 0 : index
    %get3A_32 = arith.constant 0 : index
    %get3A_33 = vector.load %arg7[%get3A_31, %get3A_32] : memref<1x16xf32, #tpu.memory_space<vmem>>, vector<1x16xf32>
    %add3A_34 = vector.broadcast %get3A_33 : vector<1x16xf32> to vector<16384x16xf32>
    %add3A_35 = arith.addf %dot_general3A_30, %add3A_34 : vector<16384x16xf32>
    %max3A_36 = arith.constant 0.000000e+00 : f32
    %max3A_37 = vector.broadcast %max3A_36 : f32 to vector<16384x16xf32>
    %max3A_38 = arith.maximumf %add3A_35, %max3A_37 : vector<16384x16xf32>
    %reshape3A_39 = vector.shape_cast %max3A_38 : vector<16384x16xf32> to vector<1024x16x16xf32>
    %reshape3A_40 = vector.shape_cast %get3A_1 : vector<16384x128xf32> to vector<1024x16x128xf32>
    %slice3A = vector.extract_strided_slice %reshape3A_40 {offsets = [0, 0, 0], sizes = [1024, 16, 64], strides = [1, 1, 1]} : vector<1024x16x128xf32> to vector<1024x16x64xf32>
    %dot_general3A_41 = arith.constant dense<0.000000e+00> : vector<1024x16x64xf32>
    %dot_general3A_42 = tpu.matmul %reshape3A_39, %slice3A, %dot_general3A_41 {dimension_numbers = #tpu.dot_dimension_numbers<[1], [1], [2], [2], [0, 0, 0, 2, 1, 2], [0], [0]>, transpose_lhs_hint = false} : vector<1024x16x16xf32>, vector<1024x16x64xf32>, vector<1024x16x64xf32> -> vector<1024x16x64xf32>
    %reshape3A_43 = vector.shape_cast %dot_general3A_42 : vector<1024x16x64xf32> to vector<1024x1024xf32>
    %get3A_44 = arith.constant 0 : index
    %get3A_45 = arith.constant 0 : index
    %get3A_46 = vector.load %arg8[%get3A_44, %get3A_45] : memref<1024x64xf32, #tpu.memory_space<vmem>>, vector<1024x64xf32>
    %dot_general3A_47 = arith.constant dense<0.000000e+00> : vector<1024x64xf32>
    %dot_general3A_48 = tpu.matmul %reshape3A_43, %get3A_46, %dot_general3A_47 {dimension_numbers = #tpu.dot_dimension_numbers<[1], [0], [0], [1], [0, 0, 1, 1], [], []>, transpose_lhs_hint = false} : vector<1024x1024xf32>, vector<1024x64xf32>, vector<1024x64xf32> -> vector<1024x64xf32>
    %get3A_49 = arith.constant 0 : index
    %get3A_50 = arith.constant 0 : index
    %get3A_51 = vector.load %arg9[%get3A_49, %get3A_50] : memref<1x64xf32, #tpu.memory_space<vmem>>, vector<1x64xf32>
    %add3A_52 = vector.broadcast %get3A_51 : vector<1x64xf32> to vector<1024x64xf32>
    %add3A_53 = arith.addf %dot_general3A_48, %add3A_52 : vector<1024x64xf32>
    %swap3A = arith.constant 0 : index
    %swap3A_54 = arith.constant 0 : index
    %swap3A_55 = vector.load %arg10[%swap3A, %swap3A_54] : memref<1024x64xf32, #tpu.memory_space<vmem>>, vector<1024x64xf32>
    tpu.vector_store %arg10[%swap3A, %swap3A_54], %add3A_53 {strides = array<i32>} : memref<1024x64xf32, #tpu.memory_space<vmem>>, vector<1024x64xf32>,
    return
  }
  func.func @transform_0(%arg0: i32) -> (i32, i32) {
    %c0_i32 = arith.constant 0 : i32
    %c0_i32_0 = arith.constant 0 : i32
    return %arg0, %c0_i32 : i32, i32
  }
  func.func @transform_1(%arg0: i32) -> (i32, i32) {
    %add3A = arith.constant 4 : i32
    %add3A_0 = arith.addi %add3A, %arg0 : i32
    %c0_i32 = arith.constant 0 : i32
    %c0_i32_1 = arith.constant 0 : i32
    return %add3A_0, %c0_i32 : i32, i32
  }
  func.func @transform_2(%arg0: i32) -> (i32, i32) {
    %c0_i32 = arith.constant 0 : i32
    %c0_i32_0 = arith.constant 0 : i32
    %c0_i32_1 = arith.constant 0 : i32
    return %c0_i32, %c0_i32_0 : i32, i32
  }
  func.func @transform_3(%arg0: i32) -> (i32, i32) {
    %c0_i32 = arith.constant 0 : i32
    %c0_i32_0 = arith.constant 0 : i32
    %c0_i32_1 = arith.constant 0 : i32
    return %c0_i32, %c0_i32_0 : i32, i32
  }
  func.func @transform_4(%arg0: i32) -> (i32, i32) {
    %c0_i32 = arith.constant 0 : i32
    %c0_i32_0 = arith.constant 0 : i32
    %c0_i32_1 = arith.constant 0 : i32
    return %c0_i32, %c0_i32_0 : i32, i32
  }
  func.func @transform_5(%arg0: i32) -> (i32, i32) {
    %c0_i32 = arith.constant 0 : i32
    %c0_i32_0 = arith.constant 0 : i32
    %c0_i32_1 = arith.constant 0 : i32
    return %c0_i32, %c0_i32_0 : i32, i32
  }
  func.func @transform_6(%arg0: i32) -> (i32, i32) {
    %c0_i32 = arith.constant 0 : i32
    %c0_i32_0 = arith.constant 0 : i32
    %c0_i32_1 = arith.constant 0 : i32
    return %c0_i32, %c0_i32_0 : i32, i32
  }
  func.func @transform_7(%arg0: i32) -> (i32, i32) {
    %c0_i32 = arith.constant 0 : i32
    %c0_i32_0 = arith.constant 0 : i32
    %c0_i32_1 = arith.constant 0 : i32
    return %c0_i32, %c0_i32_0 : i32, i32
  }
  func.func @transform_8(%arg0: i32) -> (i32, i32) {
    %c0_i32 = arith.constant 0 : i32
    %c0_i32_0 = arith.constant 0 : i32
    %c0_i32_1 = arith.constant 0 : i32
    return %c0_i32, %c0_i32_0 : i32, i32
  }
  func.func @transform_9(%arg0: i32) -> (i32, i32) {
    %c0_i32 = arith.constant 0 : i32
    %c0_i32_0 = arith.constant 0 : i32
    return %arg0, %c0_i32 : i32, i32
  }
}

module attributes {stable_mosaic.version = 14 : i64} {
  func.func @_tc_body(%arg0: i32, %arg1: memref<16384x128xf32, #tpu.memory_space<vmem>>, %arg2: memref<1024x32xf32, #tpu.memory_space<vmem>>, %arg3: memref<128x32xf32, #tpu.memory_space<vmem>>, %arg4: memref<32x16xf32, #tpu.memory_space<vmem>>, %arg5: memref<1x16xf32, #tpu.memory_space<vmem>>, %arg6: memref<16x16xf32, #tpu.memory_space<vmem>>, %arg7: memref<1x16xf32, #tpu.memory_space<vmem>>, %arg8: memref<1024x64xf32, #tpu.memory_space<vmem>>, %arg9: memref<1x64xf32, #tpu.memory_space<vmem>>, %arg10: memref<1024x64xf32, #tpu.memory_space<vmem>>) attributes {dimension_semantics = [#tpu.dimension_semantics<arbitrary>], iteration_bounds = array<i64: 4>, scalar_prefetch = 0 : i64, scratch_operands = 0 : i64, tpu.core_type = #tpu.core_type<tc>, window_params = [{transform_indices = @transform_0, window_bounds = array<i64: 16384, 128>}, {transform_indices = @transform_1, window_bounds = array<i64: 1024, 32>}, {pipeline_mode = #tpu.pipeline_mode<synchronous>, transform_indices = @transform_2, window_bounds = array<i64: 128, 32>}, {pipeline_mode = #tpu.pipeline_mode<synchronous>, transform_indices = @transform_3, window_bounds = array<i64: 32, 16>}, {pipeline_mode = #tpu.pipeline_mode<synchronous>, transform_indices = @transform_4, window_bounds = array<i64: 1, 16>}, {pipeline_mode = #tpu.pipeline_mode<synchronous>, transform_indices = @transform_5, window_bounds = array<i64: 16, 16>}, {pipeline_mode = #tpu.pipeline_mode<synchronous>, transform_indices = @transform_6, window_bounds = array<i64: 1, 16>}, {pipeline_mode = #tpu.pipeline_mode<synchronous>, transform_indices = @transform_7, window_bounds = array<i64: 1024, 64>}, {pipeline_mode = #tpu.pipeline_mode<synchronous>, transform_indices = @transform_8, window_bounds = array<i64: 1, 64>}, {transform_indices = @transform_9, window_bounds = array<i64: 1024, 64>}]} {
    %get3A = arith.constant 0 : index
    %get3A_0 = arith.constant 0 : index
    %get3A_1 = vector.load %arg1[%get3A, %get3A_0] : memref<16384x128xf32, #tpu.memory_space<vmem>>, vector<16384x128xf32>
    %get3A_2 = arith.constant 0 : index
    %get3A_3 = arith.constant 0 : index
    %get3A_4 = vector.load %arg3[%get3A_2, %get3A_3] : memref<128x32xf32, #tpu.memory_space<vmem>>, vector<128x32xf32>
    %dot_general3A = arith.constant dense<0.000000e+00> : vector<16384x32xf32>
    %dot_general3A_5 = tpu.matmul %get3A_1, %get3A_4, %dot_general3A {dimension_numbers = #tpu.dot_dimension_numbers<[1], [0], [0], [1], [0, 0, 1, 1], [], []>, transpose_lhs_hint = false} : vector<16384x128xf32>, vector<128x32xf32>, vector<16384x32xf32> -> vector<16384x32xf32>
    %reshape3A = vector.shape_cast %dot_general3A_5 : vector<16384x32xf32> to vector<1024x16x32xf32>
    %get3A_6 = arith.constant 0 : index
    %get3A_7 = arith.constant 0 : index
    %get3A_8 = vector.load %arg2[%get3A_6, %get3A_7] : memref<1024x32xf32, #tpu.memory_space<vmem>>, vector<1024x32xf32>
    %broadcast_in_dim3A = vector.shape_cast %get3A_8 : vector<1024x32xf32> to vector<1024x1x32xf32>
    %add3A = vector.broadcast %broadcast_in_dim3A : vector<1024x1x32xf32> to vector<1024x16x32xf32>
    %add3A_9 = arith.addf %reshape3A, %add3A : vector<1024x16x32xf32>
    %max3A = arith.constant 0.000000e+00 : f32
    %max3A_10 = vector.broadcast %max3A : f32 to vector<1024x16x32xf32>
    %max3A_11 = arith.maximumf %add3A_9, %max3A_10 : vector<1024x16x32xf32>
    %reshape3A_12 = vector.shape_cast %max3A_11 : vector<1024x16x32xf32> to vector<16384x32xf32>
    %get3A_13 = arith.constant 0 : index
    %get3A_14 = arith.constant 0 : index
    %get3A_15 = vector.load %arg4[%get3A_13, %get3A_14] : memref<32x16xf32, #tpu.memory_space<vmem>>, vector<32x16xf32>
    %dot_general3A_16 = arith.constant dense<0.000000e+00> : vector<16384x16xf32>
    %dot_general3A_17 = tpu.matmul %reshape3A_12, %get3A_15, %dot_general3A_16 {dimension_numbers = #tpu.dot_dimension_numbers<[1], [0], [0], [1], [0, 0, 1, 1], [], []>, transpose_lhs_hint = false} : vector<16384x32xf32>, vector<32x16xf32>, vector<16384x16xf32> -> vector<16384x16xf32>
    %get3A_18 = arith.constant 0 : index
    %get3A_19 = arith.constant 0 : index
    %get3A_20 = vector.load %arg5[%get3A_18, %get3A_19] : memref<1x16xf32, #tpu.memory_space<vmem>>, vector<1x16xf32>
    %add3A_21 = vector.broadcast %get3A_20 : vector<1x16xf32> to vector<16384x16xf32>
    %add3A_22 = arith.addf %dot_general3A_17, %add3A_21 : vector<16384x16xf32>
    %max3A_23 = arith.constant 0.000000e+00 : f32
    %max3A_24 = vector.broadcast %max3A_23 : f32 to vector<16384x16xf32>
    %max3A_25 = arith.maximumf %add3A_22, %max3A_24 : vector<16384x16xf32>
    %get3A_26 = arith.constant 0 : index
    %get3A_27 = arith.constant 0 : index
    %get3A_28 = vector.load %arg6[%get3A_26, %get3A_27] : memref<16x16xf32, #tpu.memory_space<vmem>>, vector<16x16xf32>
    %dot_general3A_29 = arith.constant dense<0.000000e+00> : vector<16384x16xf32>
    %dot_general3A_30 = tpu.matmul %max3A_25, %get3A_28, %dot_general3A_29 {dimension_numbers = #tpu.dot_dimension_numbers<[1], [0], [0], [1], [0, 0, 1, 1], [], []>, transpose_lhs_hint = false} : vector<16384x16xf32>, vector<16x16xf32>, vector<16384x16xf32> -> vector<16384x16xf32>
    %get3A_31 = arith.constant 0 : index
    %get3A_32 = arith.constant 0 : index
    %get3A_33 = vector.load %arg7[%get3A_31, %get3A_32] : memref<1x16xf32, #tpu.memory_space<vmem>>, vector<1x16xf32>
    %add3A_34 = vector.broadcast %get3A_33 : vector<1x16xf32> to vector<16384x16xf32>
    %add3A_35 = arith.addf %dot_general3A_30, %add3A_34 : vector<16384x16xf32>
    %max3A_36 = arith.constant 0.000000e+00 : f32
    %max3A_37 = vector.broadcast %max3A_36 : f32 to vector<16384x16xf32>
    %max3A_38 = arith.maximumf %add3A_35, %max3A_37 : vector<16384x16xf32>
    %reshape3A_39 = vector.shape_cast %max3A_38 : vector<16384x16xf32> to vector<1024x16x16xf32>
    %reshape3A_40 = vector.shape_cast %get3A_1 : vector<16384x128xf32> to vector<1024x16x128xf32>
    %slice3A = vector.extract_strided_slice %reshape3A_40 {offsets = [0, 0, 0], sizes = [1024, 16, 64], strides = [1, 1, 1]} : vector<1024x16x128xf32> to vector<1024x16x64xf32>
    %dot_general3A_41 = arith.constant dense<0.000000e+00> : vector<1024x16x64xf32>
    %dot_general3A_42 = tpu.matmul %reshape3A_39, %slice3A, %dot_general3A_41 {dimension_numbers = #tpu.dot_dimension_numbers<[1], [1], [2], [2], [0, 0, 0, 2, 1, 2], [0], [0]>, transpose_lhs_hint = false} : vector<1024x16x16xf32>, vector<1024x16x64xf32>, vector<1024x16x64xf32> -> vector<1024x16x64xf32>
    %reshape3A_43 = vector.shape_cast %dot_general3A_42 : vector<1024x16x64xf32> to vector<1024x1024xf32>
    %get3A_44 = arith.constant 0 : index
    %get3A_45 = arith.constant 0 : index
    %get3A_46 = vector.load %arg8[%get3A_44, %get3A_45] : memref<1024x64xf32, #tpu.memory_space<vmem>>, vector<1024x64xf32>
    %dot_general3A_47 = arith.constant dense<0.000000e+00> : vector<1024x64xf32>
    %dot_general3A_48 = tpu.matmul %reshape3A_43, %get3A_46, %dot_general3A_47 {dimension_numbers = #tpu.dot_dimension_numbers<[1], [0], [0], [1], [0, 0, 1, 1], [], []>, transpose_lhs_hint = false} : vector<1024x1024xf32>, vector<1024x64xf32>, vector<1024x64xf32> -> vector<1024x64xf32>
    %get3A_49 = arith.constant 0 : index
    %get3A_50 = arith.constant 0 : index
    %get3A_51 = vector.load %arg9[%get3A_49, %get3A_50] : memref<1x64xf32, #tpu.memory_space<vmem>>, vector<1x64xf32>
    %add3A_52 = vector.broadcast %get3A_51 : vector<1x64xf32> to vector<1024x64xf32>
    %add3A_53 = arith.addf %dot_general3A_48, %add3A_52 : vector<1024x64xf32>
    %swap3A = arith.constant 0 : index
    %swap3A_54 = arith.constant 0 : index
    %swap3A_55 = vector.load %arg10[%swap3A, %swap3A_54] : memref<1024x64xf32, #tpu.memory_space<vmem>>, vector<1024x64xf32>
    tpu.vector_store %arg10[%swap3A, %swap3A_54], %add3A_53 {strides = array<i32>} : memref<1024x64xf32, #tpu.memory_space<vmem>>, vector<1024x64xf32>,
    return
  }
  func.func @transform_0(%arg0: i32) -> (i32, i32) {
    %c0_i32 = arith.constant 0 : i32
    %c0_i32_0 = arith.constant 0 : i32
    return %arg0, %c0_i32 : i32, i32
  }
  func.func @transform_1(%arg0: i32) -> (i32, i32) {
    %add3A = arith.constant 0 : i32
    %add3A_0 = arith.addi %add3A, %arg0 : i32
    %c0_i32 = arith.constant 0 : i32
    %c0_i32_1 = arith.constant 0 : i32
    return %add3A_0, %c0_i32 : i32, i32
  }
  func.func @transform_2(%arg0: i32) -> (i32, i32) {
    %c0_i32 = arith.constant 0 : i32
    %c0_i32_0 = arith.constant 0 : i32
    %c0_i32_1 = arith.constant 0 : i32
    return %c0_i32, %c0_i32_0 : i32, i32
  }
  func.func @transform_3(%arg0: i32) -> (i32, i32) {
    %c0_i32 = arith.constant 0 : i32
    %c0_i32_0 = arith.constant 0 : i32
    %c0_i32_1 = arith.constant 0 : i32
    return %c0_i32, %c0_i32_0 : i32, i32
  }
  func.func @transform_4(%arg0: i32) -> (i32, i32) {
    %c0_i32 = arith.constant 0 : i32
    %c0_i32_0 = arith.constant 0 : i32
    %c0_i32_1 = arith.constant 0 : i32
    return %c0_i32, %c0_i32_0 : i32, i32
  }
  func.func @transform_5(%arg0: i32) -> (i32, i32) {
    %c0_i32 = arith.constant 0 : i32
    %c0_i32_0 = arith.constant 0 : i32
    %c0_i32_1 = arith.constant 0 : i32
    return %c0_i32, %c0_i32_0 : i32, i32
  }
  func.func @transform_6(%arg0: i32) -> (i32, i32) {
    %c0_i32 = arith.constant 0 : i32
    %c0_i32_0 = arith.constant 0 : i32
    %c0_i32_1 = arith.constant 0 : i32
    return %c0_i32, %c0_i32_0 : i32, i32
  }
  func.func @transform_7(%arg0: i32) -> (i32, i32) {
    %c0_i32 = arith.constant 0 : i32
    %c0_i32_0 = arith.constant 0 : i32
    %c0_i32_1 = arith.constant 0 : i32
    return %c0_i32, %c0_i32_0 : i32, i32
  }
  func.func @transform_8(%arg0: i32) -> (i32, i32) {
    %c0_i32 = arith.constant 0 : i32
    %c0_i32_0 = arith.constant 0 : i32
    %c0_i32_1 = arith.constant 0 : i32
    return %c0_i32, %c0_i32_0 : i32, i32
  }
  func.func @transform_9(%arg0: i32) -> (i32, i32) {
    %c0_i32 = arith.constant 0 : i32
    %c0_i32_0 = arith.constant 0 : i32
    return %arg0, %c0_i32 : i32, i32
  }
}

module attributes {stable_mosaic.version = 14 : i64} {
  func.func @_tc_body(%arg0: i32, %arg1: memref<16384x128xf32, #tpu.memory_space<vmem>>, %arg2: memref<1024x32xf32, #tpu.memory_space<vmem>>, %arg3: memref<128x32xf32, #tpu.memory_space<vmem>>, %arg4: memref<32x16xf32, #tpu.memory_space<vmem>>, %arg5: memref<1x16xf32, #tpu.memory_space<vmem>>, %arg6: memref<16x16xf32, #tpu.memory_space<vmem>>, %arg7: memref<1x16xf32, #tpu.memory_space<vmem>>, %arg8: memref<1024x64xf32, #tpu.memory_space<vmem>>, %arg9: memref<1x64xf32, #tpu.memory_space<vmem>>, %arg10: memref<1024x64xf32, #tpu.memory_space<vmem>>) attributes {dimension_semantics = [#tpu.dimension_semantics<arbitrary>], iteration_bounds = array<i64: 4>, scalar_prefetch = 0 : i64, scratch_operands = 0 : i64, tpu.core_type = #tpu.core_type<tc>, window_params = [{transform_indices = @transform_0, window_bounds = array<i64: 16384, 128>}, {transform_indices = @transform_1, window_bounds = array<i64: 1024, 32>}, {pipeline_mode = #tpu.pipeline_mode<synchronous>, transform_indices = @transform_2, window_bounds = array<i64: 128, 32>}, {pipeline_mode = #tpu.pipeline_mode<synchronous>, transform_indices = @transform_3, window_bounds = array<i64: 32, 16>}, {pipeline_mode = #tpu.pipeline_mode<synchronous>, transform_indices = @transform_4, window_bounds = array<i64: 1, 16>}, {pipeline_mode = #tpu.pipeline_mode<synchronous>, transform_indices = @transform_5, window_bounds = array<i64: 16, 16>}, {pipeline_mode = #tpu.pipeline_mode<synchronous>, transform_indices = @transform_6, window_bounds = array<i64: 1, 16>}, {pipeline_mode = #tpu.pipeline_mode<synchronous>, transform_indices = @transform_7, window_bounds = array<i64: 1024, 64>}, {pipeline_mode = #tpu.pipeline_mode<synchronous>, transform_indices = @transform_8, window_bounds = array<i64: 1, 64>}, {transform_indices = @transform_9, window_bounds = array<i64: 1024, 64>}]} {
    %get3A = arith.constant 0 : index
    %get3A_0 = arith.constant 0 : index
    %get3A_1 = vector.load %arg1[%get3A, %get3A_0] : memref<16384x128xf32, #tpu.memory_space<vmem>>, vector<16384x128xf32>
    %get3A_2 = arith.constant 0 : index
    %get3A_3 = arith.constant 0 : index
    %get3A_4 = vector.load %arg3[%get3A_2, %get3A_3] : memref<128x32xf32, #tpu.memory_space<vmem>>, vector<128x32xf32>
    %dot_general3A = arith.constant dense<0.000000e+00> : vector<16384x32xf32>
    %dot_general3A_5 = tpu.matmul %get3A_1, %get3A_4, %dot_general3A {dimension_numbers = #tpu.dot_dimension_numbers<[1], [0], [0], [1], [0, 0, 1, 1], [], []>, transpose_lhs_hint = false} : vector<16384x128xf32>, vector<128x32xf32>, vector<16384x32xf32> -> vector<16384x32xf32>
    %reshape3A = vector.shape_cast %dot_general3A_5 : vector<16384x32xf32> to vector<1024x16x32xf32>
    %get3A_6 = arith.constant 0 : index
    %get3A_7 = arith.constant 0 : index
    %get3A_8 = vector.load %arg2[%get3A_6, %get3A_7] : memref<1024x32xf32, #tpu.memory_space<vmem>>, vector<1024x32xf32>
    %broadcast_in_dim3A = vector.shape_cast %get3A_8 : vector<1024x32xf32> to vector<1024x1x32xf32>
    %add3A = vector.broadcast %broadcast_in_dim3A : vector<1024x1x32xf32> to vector<1024x16x32xf32>
    %add3A_9 = arith.addf %reshape3A, %add3A : vector<1024x16x32xf32>
    %max3A = arith.constant 0.000000e+00 : f32
    %max3A_10 = vector.broadcast %max3A : f32 to vector<1024x16x32xf32>
    %max3A_11 = arith.maximumf %add3A_9, %max3A_10 : vector<1024x16x32xf32>
    %reshape3A_12 = vector.shape_cast %max3A_11 : vector<1024x16x32xf32> to vector<16384x32xf32>
    %get3A_13 = arith.constant 0 : index
    %get3A_14 = arith.constant 0 : index
    %get3A_15 = vector.load %arg4[%get3A_13, %get3A_14] : memref<32x16xf32, #tpu.memory_space<vmem>>, vector<32x16xf32>
    %dot_general3A_16 = arith.constant dense<0.000000e+00> : vector<16384x16xf32>
    %dot_general3A_17 = tpu.matmul %reshape3A_12, %get3A_15, %dot_general3A_16 {dimension_numbers = #tpu.dot_dimension_numbers<[1], [0], [0], [1], [0, 0, 1, 1], [], []>, transpose_lhs_hint = false} : vector<16384x32xf32>, vector<32x16xf32>, vector<16384x16xf32> -> vector<16384x16xf32>
    %get3A_18 = arith.constant 0 : index
    %get3A_19 = arith.constant 0 : index
    %get3A_20 = vector.load %arg5[%get3A_18, %get3A_19] : memref<1x16xf32, #tpu.memory_space<vmem>>, vector<1x16xf32>
    %add3A_21 = vector.broadcast %get3A_20 : vector<1x16xf32> to vector<16384x16xf32>
    %add3A_22 = arith.addf %dot_general3A_17, %add3A_21 : vector<16384x16xf32>
    %max3A_23 = arith.constant 0.000000e+00 : f32
    %max3A_24 = vector.broadcast %max3A_23 : f32 to vector<16384x16xf32>
    %max3A_25 = arith.maximumf %add3A_22, %max3A_24 : vector<16384x16xf32>
    %get3A_26 = arith.constant 0 : index
    %get3A_27 = arith.constant 0 : index
    %get3A_28 = vector.load %arg6[%get3A_26, %get3A_27] : memref<16x16xf32, #tpu.memory_space<vmem>>, vector<16x16xf32>
    %dot_general3A_29 = arith.constant dense<0.000000e+00> : vector<16384x16xf32>
    %dot_general3A_30 = tpu.matmul %max3A_25, %get3A_28, %dot_general3A_29 {dimension_numbers = #tpu.dot_dimension_numbers<[1], [0], [0], [1], [0, 0, 1, 1], [], []>, transpose_lhs_hint = false} : vector<16384x16xf32>, vector<16x16xf32>, vector<16384x16xf32> -> vector<16384x16xf32>
    %get3A_31 = arith.constant 0 : index
    %get3A_32 = arith.constant 0 : index
    %get3A_33 = vector.load %arg7[%get3A_31, %get3A_32] : memref<1x16xf32, #tpu.memory_space<vmem>>, vector<1x16xf32>
    %add3A_34 = vector.broadcast %get3A_33 : vector<1x16xf32> to vector<16384x16xf32>
    %add3A_35 = arith.addf %dot_general3A_30, %add3A_34 : vector<16384x16xf32>
    %max3A_36 = arith.constant 0.000000e+00 : f32
    %max3A_37 = vector.broadcast %max3A_36 : f32 to vector<16384x16xf32>
    %max3A_38 = arith.maximumf %add3A_35, %max3A_37 : vector<16384x16xf32>
    %reshape3A_39 = vector.shape_cast %max3A_38 : vector<16384x16xf32> to vector<1024x16x16xf32>
    %reshape3A_40 = vector.shape_cast %get3A_1 : vector<16384x128xf32> to vector<1024x16x128xf32>
    %slice3A = vector.extract_strided_slice %reshape3A_40 {offsets = [0, 0, 0], sizes = [1024, 16, 64], strides = [1, 1, 1]} : vector<1024x16x128xf32> to vector<1024x16x64xf32>
    %dot_general3A_41 = arith.constant dense<0.000000e+00> : vector<1024x16x64xf32>
    %dot_general3A_42 = tpu.matmul %reshape3A_39, %slice3A, %dot_general3A_41 {dimension_numbers = #tpu.dot_dimension_numbers<[1], [1], [2], [2], [0, 0, 0, 2, 1, 2], [0], [0]>, transpose_lhs_hint = false} : vector<1024x16x16xf32>, vector<1024x16x64xf32>, vector<1024x16x64xf32> -> vector<1024x16x64xf32>
    %reshape3A_43 = vector.shape_cast %dot_general3A_42 : vector<1024x16x64xf32> to vector<1024x1024xf32>
    %get3A_44 = arith.constant 0 : index
    %get3A_45 = arith.constant 0 : index
    %get3A_46 = vector.load %arg8[%get3A_44, %get3A_45] : memref<1024x64xf32, #tpu.memory_space<vmem>>, vector<1024x64xf32>
    %dot_general3A_47 = arith.constant dense<0.000000e+00> : vector<1024x64xf32>
    %dot_general3A_48 = tpu.matmul %reshape3A_43, %get3A_46, %dot_general3A_47 {dimension_numbers = #tpu.dot_dimension_numbers<[1], [0], [0], [1], [0, 0, 1, 1], [], []>, transpose_lhs_hint = false} : vector<1024x1024xf32>, vector<1024x64xf32>, vector<1024x64xf32> -> vector<1024x64xf32>
    %get3A_49 = arith.constant 0 : index
    %get3A_50 = arith.constant 0 : index
    %get3A_51 = vector.load %arg9[%get3A_49, %get3A_50] : memref<1x64xf32, #tpu.memory_space<vmem>>, vector<1x64xf32>
    %add3A_52 = vector.broadcast %get3A_51 : vector<1x64xf32> to vector<1024x64xf32>
    %add3A_53 = arith.addf %dot_general3A_48, %add3A_52 : vector<1024x64xf32>
    %swap3A = arith.constant 0 : index
    %swap3A_54 = arith.constant 0 : index
    %swap3A_55 = vector.load %arg10[%swap3A, %swap3A_54] : memref<1024x64xf32, #tpu.memory_space<vmem>>, vector<1024x64xf32>
    tpu.vector_store %arg10[%swap3A, %swap3A_54], %add3A_53 {strides = array<i32>} : memref<1024x64xf32, #tpu.memory_space<vmem>>, vector<1024x64xf32>,
    return
  }
  func.func @transform_0(%arg0: i32) -> (i32, i32) {
    %c0_i32 = arith.constant 0 : i32
    %c0_i32_0 = arith.constant 0 : i32
    return %arg0, %c0_i32 : i32, i32
  }
  func.func @transform_1(%arg0: i32) -> (i32, i32) {
    %add3A = arith.constant 28 : i32
    %add3A_0 = arith.addi %add3A, %arg0 : i32
    %c0_i32 = arith.constant 0 : i32
    %c0_i32_1 = arith.constant 0 : i32
    return %add3A_0, %c0_i32 : i32, i32
  }
  func.func @transform_2(%arg0: i32) -> (i32, i32) {
    %c0_i32 = arith.constant 0 : i32
    %c0_i32_0 = arith.constant 0 : i32
    %c0_i32_1 = arith.constant 0 : i32
    return %c0_i32, %c0_i32_0 : i32, i32
  }
  func.func @transform_3(%arg0: i32) -> (i32, i32) {
    %c0_i32 = arith.constant 0 : i32
    %c0_i32_0 = arith.constant 0 : i32
    %c0_i32_1 = arith.constant 0 : i32
    return %c0_i32, %c0_i32_0 : i32, i32
  }
  func.func @transform_4(%arg0: i32) -> (i32, i32) {
    %c0_i32 = arith.constant 0 : i32
    %c0_i32_0 = arith.constant 0 : i32
    %c0_i32_1 = arith.constant 0 : i32
    return %c0_i32, %c0_i32_0 : i32, i32
  }
  func.func @transform_5(%arg0: i32) -> (i32, i32) {
    %c0_i32 = arith.constant 0 : i32
    %c0_i32_0 = arith.constant 0 : i32
    %c0_i32_1 = arith.constant 0 : i32
    return %c0_i32, %c0_i32_0 : i32, i32
  }
  func.func @transform_6(%arg0: i32) -> (i32, i32) {
    %c0_i32 = arith.constant 0 : i32
    %c0_i32_0 = arith.constant 0 : i32
    %c0_i32_1 = arith.constant 0 : i32
    return %c0_i32, %c0_i32_0 : i32, i32
  }
  func.func @transform_7(%arg0: i32) -> (i32, i32) {
    %c0_i32 = arith.constant 0 : i32
    %c0_i32_0 = arith.constant 0 : i32
    %c0_i32_1 = arith.constant 0 : i32
    return %c0_i32, %c0_i32_0 : i32, i32
  }
  func.func @transform_8(%arg0: i32) -> (i32, i32) {
    %c0_i32 = arith.constant 0 : i32
    %c0_i32_0 = arith.constant 0 : i32
    %c0_i32_1 = arith.constant 0 : i32
    return %c0_i32, %c0_i32_0 : i32, i32
  }
  func.func @transform_9(%arg0: i32) -> (i32, i32) {
    %c0_i32 = arith.constant 0 : i32
    %c0_i32_0 = arith.constant 0 : i32
    return %arg0, %c0_i32 : i32, i32
  }
}

</mosaic_0001>

<sc_bundles>
// kernel: kernel.18.cloned.1.call-start
scs
__scs_entry_jumppad:
0x0: {  	(pc) =	sbr.rel $0x88, $3  }
0x1: {  	(tag) =	ssettag $0x0;
	lr =	simm.s32 $0x1  }
0x2: {  	[smem:$0x3F94] =	sst lr;
	_ =	strace $0xD0000000  }
0x3: {  	_ = 	snop  }
0x4: {  	_ = 	snop  }
0x5: {  	_ = 	snop  }
0x6: {  	_ = 	snop  }
0x7: {  	_ = 	snop  }
__scs_overlays_trampoline_lowered:
0x8: {  	[smem:$0x3FA3] =	sst s0  }
0x9: {  	[smem:$0x3FA4] =	sst s1  }
0xa: {  	[smem:$0x3FA5] =	sst s2  }
0xb: {  	[smem:$0x3FA6] =	sst s3  }
0xc: {  	[smem:$0x3FA7] =	sst s4  }
0xd: {  	[smem:$0x3FA8] =	sst s5  }
0xe: {  	[smem:$0x3FA9] =	sst s6  }
0xf: {  	[smem:$0x3FAA] =	sst s7  }
0x10: {  	[smem:$0x3FAB] =	sst s8  }
0x11: {  	[smem:$0x3FAC] =	sst s9;
	s0 =	simm.s32 @!p0 $0x0  }
0x12: {  	s1 =	sld [smem:$0x3F92];
	s0 =	simm.s32 @p0 $0x1  }
0x13: {  	[smem:$0x3FAD] =	sst s0;
	s0 =	simm.s32 @!p1 $0x0  }
0x14: {  	s2 =	sld [smem:$0x3F91];
	s0 =	simm.s32 @p1 $0x1  }
0x15: {  	[smem:$0x3FAE] =	sst s0;
	s0 =	simm.s32 @!p2 $0x0  }
0x16: {  	s3 =	sld [smem:$0x3FDB];
	s0 =	simm.s32 @p2 $0x1  }
0x17: {  	s4 =	simm.s32 $0x1BF5;
	[smem:$0x3FB0] =	sst s0  }
0x18: {  	s0 =	sld [smem:$0x3F93];
	_ =	swait.ge [sflag:s4], $0x0  }
0x19: {  	s7 =	sld [smem:$0x3F94]  }
0x1a: {  	s8 =	sadd.s32 $0xFFFFE003, lr  }
0x1b: {  	s9 =	sadd.s32 $0xFFFFFEF7, lr;
	s5 =	simm.s32 $0xFFFFFFFF;
	p2 =	slt.u32 s8, $0xFFFFF086  }
0x1c: {  	p1 =	slt.u32 s9, $0xF7A;
	s5 =	simm.s32 @!p2 $0x0  }
0x1d: {  	s5 =	simm.s32 @p1 $0x1;
	p0 =	seq.s32 s7, s2  }
0x1e: {  	s7 =	smul.u32 @!p0 $0xF7A, s2;
	p2 =	seq.s32 @!p0 s5, $0x0  }
0x1f: {  	s9 =	smul.u32 $0xF7A, s1;
	s8 =	simm.s32 @!p0 $0x1BF5;
	p2 =	por !p2, p0  }
0x20: {  	[sflag:s8] =	ssyncset.s32 @!p0 $0xFFFFF086;
	s6 =	sadd.s32 @!p0 s3, s7;
	s7 =	simm.s32 @!p0 $0x108  }
0x21: {  	s3 =	sadd.s32 s3, s9;
	s6 =	sadd.s32 @!p0 $0x88, s6;
	s7 =	simm.s32 @p2 $0x1082  }
0x22: {  	[simem:s7], [sflag:s8] =	dma.local @!p0 [hbm:s6], $0xF7A  }
0x23: {  	s9 =	sor.u32 $0xD0000000, s2;
	s6 =	simm.s32 $0x108;
	_ =	swait.ge @!p0 [sflag:s8], $0x0  }
0x24: {  	s3 =	sadd.s32 $0x88, s3;
	s6 =	simm.s32 @!p1 $0x1082;
	[sflag:s4] =	ssyncset.s32 $0xFFFFF086  }
0x25: {  	[simem:s6], [sflag:s4] =	dma.local [hbm:s3], $0xF7A  }
0x26: {  	[smem:$0x3F94] =	sst s1;
	(tag) =	ssettag s2;
	_ =	strace s9  }
0x27: {  	s1 =	sld [smem:$0x3FA4]  }
0x28: {  	s2 =	sld [smem:$0x3FA5]  }
0x29: {  	s4 =	sld [smem:$0x3FA7]  }
0x2a: {  	p0 =	seq.s32 s5, $0x0;
	s5 =	sld [smem:$0x3FA8]  }
0x2b: {  	s6 =	sld [smem:$0x3FA9]  }
0x2c: {  	s7 =	sld [smem:$0x3FAA]  }
0x2d: {  	s3 =	simm.s32 $0x108;
	s8 =	sld [smem:$0x3FAB]  }
0x2e: {  	s3 =	simm.s32 @!p0 $0x1082;
	s9 =	sld [smem:$0x3FAC]  }
0x2f: {  	lr =	sadd.s32 s0, s3;
	s0 =	sld [smem:$0x3FA3]  }
0x30: {  	s3 =	sld [smem:$0x3FA6]  }
0x31: {  	[smem:$0x3FAF] =	sst s10  }
0x32: {  	s10 =	sld [smem:$0x3FAD];
	_ =	sdelay $0x3  }
0x33: {  	p0 =	seq.s32 s10, $0x1;
	s10 =	sld [smem:$0x3FAF];
	_ =	sdelay $0x3  }
0x34: {  	[smem:$0x3FAF] =	sst s10  }
0x35: {  	s10 =	sld [smem:$0x3FAE];
	_ =	sdelay $0x3  }
0x36: {  	p1 =	seq.s32 s10, $0x1;
	s10 =	sld [smem:$0x3FAF];
	_ =	sdelay $0x3  }
0x37: {  	[smem:$0x3FAF] =	sst s10  }
0x38: {  	s10 =	sld [smem:$0x3FB0]  }
0x39: {  	_ = 	snop;
	(pc) =	sbr.ind lr, $3  }
0x3a: {  	_ = 	snop  }
0x3b: {  	_ = 	snop  }
0x3c: {  	p2 =	seq.s32 s10, $0x1;
	s10 =	sld [smem:$0x3FAF]  }
0x3d: {  	_ =	shalt  }
0x3e: {  	_ =	shalt  }
0x3f: {  	_ =	shalt  }
0x40: {  	_ =	shalt  }
0x41: {  	_ =	shalt  }
0x42: {  	_ =	shalt  }
0x43: {  	_ =	shalt  }
0x44: {  	_ =	shalt  }
0x45: {  	_ =	shalt  }
0x46: {  	_ =	shalt  }
0x47: {  	_ =	shalt  }
0x48: {  	_ =	shalt  }
0x49: {  	_ =	shalt  }
0x4a: {  	_ =	shalt  }
0x4b: {  	_ =	shalt  }
0x4c: {  	_ =	shalt  }
0x4d: {  	_ =	shalt  }
0x4e: {  	_ =	shalt  }
0x4f: {  	_ =	shalt  }
0x50: {  	_ =	shalt  }
0x51: {  	_ =	shalt  }
0x52: {  	_ =	shalt  }
0x53: {  	_ =	shalt  }
0x54: {  	_ =	shalt  }
0x55: {  	_ =	shalt  }
0x56: {  	_ =	shalt  }
0x57: {  	_ =	shalt  }
0x58: {  	_ =	shalt  }
0x59: {  	_ =	shalt  }
0x5a: {  	_ =	shalt  }
0x5b: {  	_ =	shalt  }
0x5c: {  	_ =	shalt  }
0x5d: {  	_ =	shalt  }
0x5e: {  	_ =	shalt  }
0x5f: {  	_ =	shalt  }
0x60: {  	_ =	shalt  }
0x61: {  	_ =	shalt  }
0x62: {  	_ =	shalt  }
0x63: {  	_ =	shalt  }
0x64: {  	_ =	shalt  }
0x65: {  	_ =	shalt  }
0x66: {  	_ =	shalt  }
0x67: {  	_ =	shalt  }
0x68: {  	_ =	shalt  }
0x69: {  	_ =	shalt  }
0x6a: {  	_ =	shalt  }
0x6b: {  	_ =	shalt  }
0x6c: {  	_ =	shalt  }
0x6d: {  	_ =	shalt  }
0x6e: {  	_ =	shalt  }
0x6f: {  	_ =	shalt  }
0x70: {  	_ =	shalt  }
0x71: {  	_ =	shalt  }
0x72: {  	_ =	shalt  }
0x73: {  	_ =	shalt  }
0x74: {  	_ =	shalt  }
0x75: {  	_ =	shalt  }
0x76: {  	_ =	shalt  }
0x77: {  	_ =	shalt  }
0x78: {  	_ =	shalt  }
0x79: {  	_ =	shalt  }
0x7a: {  	_ =	shalt  }
0x7b: {  	_ =	shalt  }
0x7c: {  	_ =	shalt  }
0x7d: {  	_ =	shalt  }
0x7e: {  	_ =	shalt  }
0x7f: {  	_ =	shalt  }
0x80: {  	_ =	shalt  }
0x81: {  	_ =	shalt  }
0x82: {  	_ =	shalt  }
0x83: {  	_ =	shalt  }
0x84: {  	_ =	shalt  }
0x85: {  	_ =	shalt  }
0x86: {  	_ =	shalt  }
0x87: {  	_ =	shalt  }
.Lfunc_end0:
.L_simem_size_0:
called_computation_lowered:
.L_overlay_start_0:
0x88: {  	s2 =	sld [smem:$0x3FD9]  }
0x89: {  	s3 =	sld [smem:$0x3FFE];
	_ =	sdelay $0x1  }
0x8a: {  	s1 =	srdreg.scid  }
0x8b: {  	s0 =	sand.u32 $0x1, s1  }
0x8c: {  	s17 =	sshll.u32 s0, $0xA;
	s2 =	sadd.s32 s3, s2  }
0x8d: {  	s2 =	sadd.s32 s2, s17  }
0x8e: {  	[smem:$0x3FBB] =	sst s2  }
0x8f: {  	_ = 	snop  }
0x90: {  	s18 =	sld [smem:$0x3FD0];
	(tm) =	ssettm $0x1  }
0x91: {  	s19 =	sld [smem:$0x3FFB];
	_ =	sdelay $0x3  }
0x92: {  	_ =	strace s19  }
0x93: {  	s2 =	sld [smem:$0x3FFC];
	_ =	sdelay $0x3  }
0x94: {  	_ =	strace s2  }
0x95: {  	s2 =	sld [smem:$0x3FFD];
	_ =	sdelay $0x3  }
0x96: {  	_ =	strace s2  }
0x97: {  	_ =	strace $0x8FFFFFFF  }
0x98: {  	s20 =	sld [smem:$0x3FDB];
	_ =	sdelay $0x1  }
0x99: {  	s4 =	simm.s32 $_scs_section_size  }
0x9a: {  	s5 =	simm.s32 $_size__tile_overlayer_lowered;
	s6 =	simm.s32 $_tile_overlayer_lowered  }
0x9b: {  	s7 =	simm.s32 $0x1BFF;
	s21 =	sshll.u32 s6, $0x1;
	s4 =	sadd.s32 s4, s20  }
0x9c: {  	s22 =	simm.s32 $0x0;
	s5 =	sshll.u32 s5, $0x1;
	s6 =	sadd.s32 s21, s4  }
0x9d: {  	[timem:s22], [sflag:s7] =	dma.local [hbm:s6], s5  }
0x9e: {  	_ =	swait.ge [sflag:s7], s5  }
0x9f: {  	s5 =	ssub.s32 $0x0, s5;
	[sflag:s7] =	ssyncset.done $0x0  }
0xa0: {  	[sflag:s7] =	ssyncadd.s32 s5;
	_ =	sdelay $0x1  }
0xa1: {  	s23 =	simm.s32 $0x1B8B  }
0xa2: {  	_ =	swait.ge [sflag:s23], $0x1  }
0xa3: {  	[sflag:s23] =	ssyncset.done $0x0  }
0xa4: {  	[sflag:s23] =	ssyncadd.s32 $0xFFFFFFFF  }
0xa5: {  	s5 =	sld [smem:$0x0]  }
0xa6: {  	s6 =	sand.u32 $0xFFFFFFFE, s1  }
0xa7: {  	p0 =	sne.s32 s1, s6  }
0xa8: {  	s6 =	sshll.u32 @p0 s6, $0xE  }
0xa9: {  	s6 =	sadd.s32 @p0 $0x11B8D, s6;
	s7 =	sshll.u32 @p0 s5, $0x11  }
0xaa: {  	s6 =	sor.u32 @p0 s7, s6  }
0xab: {  	[sflag:s6] =	ssyncadd.remote.s32 @p0 $0x1;
	_ =	sdelay $0x1  }
0xac: {  	s6 =	simm.s32 @p0 $0x1B8D  }
0xad: {  	_ =	swait.eq @p0 [sflag:s6], $0x1  }
0xae: {  	[sflag:s6] =	ssyncadd.s32 @p0 $0xFFFFFFFF  }
0xaf: {  	s7 =	sshll.u32 @!p0 s1, $0xE  }
0xb0: {  	s7 =	sor.u32 @!p0 $0x4000, s7;
	s6 =	simm.s32 @!p0 $0x1B8D  }
0xb1: {  	s5 =	sshll.u32 @!p0 s5, $0x11;
	s7 =	sadd.s32 @!p0 $0x11B8D, s7;
	_ =	swait.eq @!p0 [sflag:s6], $0x1  }
0xb2: {  	s5 =	sor.u32 @!p0 s5, s7;
	[sflag:s6] =	ssyncadd.s32 @!p0 $0xFFFFFFFF  }
0xb3: {  	s25 =	simm.s32 $0x1B8E;
	s24 =	sld [smem:$0x3FFE];
	[sflag:s5] =	ssyncadd.remote.s32 @!p0 $0x1  }
0xb4: {  	s26 =	simm.s32 $execute0_lowered;
	[smem:$0x3FD2] =	sst s25  }
0xb5: {  	s6 =	sshll.u32 s26, $0x1;
	_ =	strace $0x80000058;
	[dreg:$0x1] =	wrdreg $0xFFFFFFFF  }
0xb6: {  	s28 =	simm.s32 $_size_execute0_lowered;
	s4 =	sadd.s32 s4, s6;
	[dreg:$0x0] =	wrdreg $0x0  }
0xb7: {  	s6 =	sshll.u32 s28, $0x1;
	[dreg:$0x2] =	wrdreg s4  }
0xb8: {  	[dreg:$0x3] =	wrdreg s6  }
0xb9: {  	[dreg:$0x4] =	wrdreg $0xC0  }
0xba: {  	_ =	task [dreg:s22], $0x5FFFF  }
0xbb: {  	[dreg:$0x1] =	wrdreg $0xFFFFFFFF  }
0xbc: {  	[dreg:$0x0] =	wrdreg $0x60  }
0xbd: {  	[dreg:$0x2] =	wrdreg s24  }
0xbe: {  	[dreg:$0x3] =	wrdreg s18  }
0xbf: {  	[dreg:$0x4] =	wrdreg $0x9  }
0xc0: {  	_ =	task.clear_ibuf [dreg:s22], $0x5FFFF;
	_ =	strace $0x90000058  }
0xc1: {  	s29 =	simm.s32 $0x9;
	_ =	strace $0x8000005A  }
0xc2: {  	_ =	swait.ge [sflag:s29], $0x1  }
0xc3: {  	[sflag:s29] =	ssyncadd.s32 $0xFFFFFFFF  }
0xc4: {  	_ =	strace $0x9000005A  }
0xc5: {  	_ =	sfence  }
0xc6: {  	s30 =	sld [smem:$0x0];
	_ =	sdelay $0x2  }
0xc7: {  	s31 =	sshll.u32 s1, $0xD;
	s1 =	sshrl.u32 s1, $0x2  }
0xc8: {  	s4 =	sand.u32 $0x4000, s31;
	s1 =	sadd.s32 s1, s30  }
0xc9: {  	s0 =	sor.u32 s4, s0;
	s1 =	sshll.u32 s1, $0x11  }
0xca: {  	s0 =	sor.u32 s1, s0  }
0xcb: {  	s0 =	sadd.s32 $0x8F2B, s0  }
0xcc: {  	[sflag:s0] =	ssyncadd.remote.s32 $0x1  }
0xcd: {  	_ =	sfence.sel $0xFFFF  }
0xce: {  	[dreg:$0x0] =	wrdreg $0xFFFFFFFF;
	(pc) =	sbr.abs _section_cstart, $3  }
0xcf: {  	[dreg:$0x1] =	wrdreg $0xFFFFFFFF  }
0xd0: {  	_ =	task.clear_ibuf [dreg:s22], $0x2FFFF;
	_ =	strace $0x9FFFFFFF  }
0xd1: {  	(tm) =	ssettm $0x7FFFFFFF  }
tec
execute0_lowered:
.L_overlay_start_1:
0x0: {  	(tag) =	ssettag $0x1  }
0x1: {  	s4 =	rddreg [dreg:$0x0]  }
0x2: {  	s7 =	rddreg [dreg:$0x1]  }
0x3: {  	s0 =	rddreg [dreg:$0x2]  }
0x4: {  	s2 =	simm.s32 $0x0;
	s3 =	srdreg.scid;
	s1 =	stileid.u32  }
0x5: {  	s12 =	simm.s32 $0x1;
	s13 =	simm.s32 $0x2;
	s14 =	simm.s32 $0x3  }
0x6: {  	s15 =	simm.s32 $0x4;
	s16 =	simm.s32 $0x0;
	[smem:$0x7FF] =	sst s2  }
0x7: {  	s5 =	sand.u32 $0x1, s3;
	s3 =	sadd.s32 $0x83400, s4;
	s6 =	sshll.u32 s1, $0x10  }
0x8: {  	s10 =	sshll.u32 s1, $0xC;
	_ =	strace $0x80000059;
	s8 =	ssub.s32 $0x2, s5  }
0x9: {  	s11 =	sshll.u32 s5, $0xB;
	s6 =	sadd.s32 s6, s4;
	s5 =	sshll.u32 s5, $0xF  }
0xa: {  	s9 =	sshrl.u32 s8, $0x1;
	s28 =	sor.u32 s11, s10;
	s5 =	sadd.s32 s5, s6  }
0xb: {  	s10 =	simm.s32 $0x200;
	s11 =	simm.s32 $0x8200;
	s26 =	ssub.s32 s8, s9  }
0xc: {  	s29 =	sor.u32 $0x100, s28;
	s30 =	sshrl.u32 s28, $0x3;
	s5 =	sadd.s32 $0x703400, s5  }
0xd: {  	s8 =	simm.s32 $0x5;
	s9 =	simm.s32 $0x100;
	s31 =	sshrl.u32 s29, $0x3  }
0xe: {  	s4 =	smax.u32 s26, $0x1;
	s6 =	sadd.s32 s30, s7;
	s7 =	sadd.s32 s31, s7  }
.LBB2_1:
0xf: {  	s17 =	sadd.s32 $0x0, s6  }
0x10: {  	[tilespmem:s2], [sflag:$0x5] =	stream.linear.gather [hbm4b:s17+s2], $0x100, $0x38;
	[tilespmem:$0x10200] =	vst v63  }
0x11: {  	_ =	swait.ge [sflag:s8], $0x100  }
0x12: {  	[sflag:s8] =	ssyncset.done $0x0  }
0x13: {  	[sflag:s8] =	ssyncadd.s32 $0xFFFFFF00  }
0x14: {  	[tilespmem:s10], [sflag:$0x1] =	stream.indirect.gather [hbm4b:s3+s9], $0x80, s2, s9, $0xb8;
	[tilespmem:$0x10200] =	vst v63  }
0x15: {  	s30 =	sadd.s32 $0x0, s7  }
0x16: {  	[tilespmem:s9], [sflag:$0x5] =	stream.linear.gather [hbm4b:s30+s2], $0x100, $0x38;
	[tilespmem:$0x10200] =	vst v63  }
0x17: {  	_ =	swait.ge [sflag:s8], $0x100  }
0x18: {  	[sflag:s8] =	ssyncset.done $0x0  }
0x19: {  	[sflag:s8] =	ssyncadd.s32 $0xFFFFFF00  }
0x1a: {  	[tilespmem:s11], [sflag:$0x2] =	stream.indirect.gather [hbm4b:s3+s9], $0x80, s9, s9, $0xb8;
	[tilespmem:$0x10200] =	vst v63  }
0x1b: {  	_ =	swait.ge [sflag:s12], $0x8000  }
0x1c: {  	[sflag:s12] =	ssyncset.done $0x0  }
0x1d: {  	[sflag:s12] =	ssyncadd.s32 $0xFFFF8000  }
0x1e: {  	[hbm4b:s5+s2] =	stream.linear.scatter [tilespmem:s10], [sflag:$0x3], $0x8000, $0x38;
	[tilespmem:$0x10200] =	vst v63  }
0x1f: {  	_ =	swait.ge [sflag:s13], $0x8000  }
0x20: {  	[sflag:s13] =	ssyncset.done $0x0  }
0x21: {  	s31 =	sadd.s32 $0x1000, s5;
	[sflag:s13] =	ssyncadd.s32 $0xFFFF8000  }
0x22: {  	[hbm4b:s31+s2] =	stream.linear.scatter [tilespmem:s11], [sflag:$0x4], $0x8000, $0x38;
	[tilespmem:$0x10200] =	vst v63  }
0x23: {  	_ =	swait.ge [sflag:s14], $0x8000  }
0x24: {  	[sflag:s14] =	ssyncset.done $0x0  }
0x25: {  	[sflag:s14] =	ssyncadd.s32 $0xFFFF8000  }
0x26: {  	s18 =	simm.s32 $0x40;
	_ =	swait.ge [sflag:s15], $0x8000  }
0x27: {  	s19 =	simm.s32 $0x80;
	s17 =	sadd.s32 $0x2000, s5;
	[sflag:s15] =	ssyncset.done $0x0  }
.LBB2_2:
0x28: {  	s20 =	sadd.s32 s18, s6  }
0x29: {  	[sflag:s15] =	ssyncadd.s32 $0xFFFF8000;
	s21 =	smov.u32 s19;
	s22 =	sadd.s32 $0x40, s19  }
0x2a: {  	[tilespmem:s2], [sflag:$0x5] =	stream.linear.gather [hbm4b:s20+s2], $0x100, $0x38;
	[tilespmem:$0x10200] =	vst v63  }
0x2b: {  	p0 =	sne.s32 s19, $0xC0;
	_ =	swait.ge [sflag:s8], $0x100  }
0x2c: {  	[sflag:s8] =	ssyncset.done $0x0  }
0x2d: {  	[sflag:s8] =	ssyncadd.s32 $0xFFFFFF00  }
0x2e: {  	[tilespmem:s10], [sflag:$0x1] =	stream.indirect.gather [hbm4b:s3+s9], $0x80, s2, s9, $0xb8;
	[tilespmem:$0x10200] =	vst v63  }
0x2f: {  	s19 =	sadd.s32 s18, s7;
	s18 =	smov.u32 s21  }
0x30: {  	[tilespmem:s9], [sflag:$0x5] =	stream.linear.gather [hbm4b:s19+s2], $0x100, $0x38;
	[tilespmem:$0x10200] =	vst v63  }
0x31: {  	_ =	swait.ge [sflag:s8], $0x100  }
0x32: {  	[sflag:s8] =	ssyncset.done $0x0  }
0x33: {  	[sflag:s8] =	ssyncadd.s32 $0xFFFFFF00  }
0x34: {  	[tilespmem:s11], [sflag:$0x2] =	stream.indirect.gather [hbm4b:s3+s9], $0x80, s9, s9, $0xb8;
	[tilespmem:$0x10200] =	vst v63  }
0x35: {  	_ =	swait.ge [sflag:s12], $0x8000  }
0x36: {  	[sflag:s12] =	ssyncset.done $0x0  }
0x37: {  	[sflag:s12] =	ssyncadd.s32 $0xFFFF8000  }
0x38: {  	[hbm4b:s17+s2] =	stream.linear.scatter [tilespmem:s10], [sflag:$0x3], $0x8000, $0x38;
	[tilespmem:$0x10200] =	vst v63  }
0x39: {  	_ =	swait.ge [sflag:s13], $0x8000  }
0x3a: {  	[sflag:s13] =	ssyncset.done $0x0  }
0x3b: {  	s19 =	sadd.s32 $0x1000, s17;
	[sflag:s13] =	ssyncadd.s32 $0xFFFF8000  }
0x3c: {  	[hbm4b:s19+s2] =	stream.linear.scatter [tilespmem:s11], [sflag:$0x4], $0x8000, $0x38;
	[tilespmem:$0x10200] =	vst v63  }
.Ltmp0:
0x3d: {  	_ =	swait.ge [sflag:s14], $0x8000;
	(pc) =	sbr.rel @p0 .LBB2_2-.Ltmp0, $4  }
0x3e: {  	[sflag:s14] =	ssyncset.done $0x0  }
0x3f: {  	[sflag:s14] =	ssyncadd.s32 $0xFFFF8000  }
0x40: {  	_ =	swait.ge [sflag:s15], $0x8000  }
0x41: {  	s17 =	sadd.s32 $0x2000, s17;
	s19 =	smov.u32 s22;
	[sflag:s15] =	ssyncset.done $0x0  }
0x42: {  	s19 =	sadd.s32 s18, s6;
	[sflag:s15] =	ssyncadd.s32 $0xFFFF8000  }
0x43: {  	[tilespmem:s2], [sflag:$0x5] =	stream.linear.gather [hbm4b:s19+s2], $0x100, $0x38;
	[tilespmem:$0x10200] =	vst v63  }
0x44: {  	_ =	swait.ge [sflag:s8], $0x100  }
0x45: {  	[sflag:s8] =	ssyncset.done $0x0  }
0x46: {  	[sflag:s8] =	ssyncadd.s32 $0xFFFFFF00  }
0x47: {  	[tilespmem:s10], [sflag:$0x1] =	stream.indirect.gather [hbm4b:s3+s9], $0x80, s2, s9, $0xb8;
	[tilespmem:$0x10200] =	vst v63  }
0x48: {  	s30 =	sadd.s32 s18, s7  }
0x49: {  	[tilespmem:s9], [sflag:$0x5] =	stream.linear.gather [hbm4b:s30+s2], $0x100, $0x38;
	[tilespmem:$0x10200] =	vst v63  }
0x4a: {  	_ =	swait.ge [sflag:s8], $0x100  }
0x4b: {  	[sflag:s8] =	ssyncset.done $0x0  }
0x4c: {  	[sflag:s8] =	ssyncadd.s32 $0xFFFFFF00  }
0x4d: {  	[tilespmem:s11], [sflag:$0x2] =	stream.indirect.gather [hbm4b:s3+s9], $0x80, s9, s9, $0xb8;
	[tilespmem:$0x10200] =	vst v63  }
0x4e: {  	_ =	swait.ge [sflag:s12], $0x8000  }
0x4f: {  	[sflag:s12] =	ssyncset.done $0x0  }
0x50: {  	[sflag:s12] =	ssyncadd.s32 $0xFFFF8000  }
0x51: {  	[hbm4b:s17+s2] =	stream.linear.scatter [tilespmem:s10], [sflag:$0x3], $0x8000, $0x38;
	[tilespmem:$0x10200] =	vst v63  }
0x52: {  	_ =	swait.ge [sflag:s13], $0x8000  }
0x53: {  	[sflag:s13] =	ssyncset.done $0x0  }
0x54: {  	s31 =	sadd.s32 $0x1000, s17;
	s16 =	sadd.s32 $0x1, s16;
	[sflag:s13] =	ssyncadd.s32 $0xFFFF8000  }
0x55: {  	[hbm4b:s31+s2] =	stream.linear.scatter [tilespmem:s11], [sflag:$0x4], $0x8000, $0x38;
	[tilespmem:$0x10200] =	vst v63  }
0x56: {  	p0 =	sne.s32 s16, s4;
	_ =	swait.ge [sflag:s14], $0x8000  }
.Ltmp1:
0x57: {  	[sflag:s14] =	ssyncset.done $0x0;
	(pc) =	sbr.rel @p0 .LBB2_1-.Ltmp1, $4  }
0x58: {  	[sflag:s14] =	ssyncadd.s32 $0xFFFF8000  }
0x59: {  	_ =	swait.ge [sflag:s15], $0x8000  }
0x5a: {  	[sflag:s15] =	ssyncset.done $0x0  }
0x5b: {  	[sflag:s15] =	ssyncadd.s32 $0xFFFF8000  }
0x5c: {  	_ =	sfence.sel $0x180000  }
0x5d: {  	[bflag:$0x0] =	sbarrier.arrive $0xFFFF  }
0x5e: {  	p0 =	sne.s32 s1, $0x0;
	_ =	strace $0x90000059  }
0x5f: {  	s0 =	sadd.s32 @!p0 $0x100000, s0;
	[bflag:$0x2] =	sbarrier.arrive $0xFFFF  }
0x60: {  	[sflag:s0] =	ssyncadd.tile.s32 @!p0 $0x1;
	_ =	shalt  }
.Lfunc_end2:
_tile_overlayer_lowered:
.L_overlay_start_2:
0x61: {  	(tag) =	ssettag $0x2  }
0x62: {  	s0 =	rddreg [dreg:$0x0];
	s2 =	stileid.u32  }
0x63: {  	s1 =	rddreg [dreg:$0x1];
	p0 =	sne.s32 s2, $0x0  }
0x64: {  	s3 =	rddreg [dreg:$0x2];
	[bflag:$0x3] =	sbarrier.arrive $0xFFFF;
	s2 =	simm.s32 @!p0 $0x1C05  }
0x65: {  	[timem:s3], [sflag:s2] =	dma.local @!p0 [hbm:s0], s1  }
0x66: {  	s0 =	simm.s32 @!p0 $0x5  }
0x67: {  	_ =	swait.ge @!p0 [sflag:s0], s1  }
0x68: {  	s1 =	ssub.s32 @!p0 $0x0, s1;
	[sflag:s0] =	ssyncset.done @!p0 $0x0  }
0x69: {  	[sflag:s0] =	ssyncadd.s32 @!p0 s1  }
0x6a: {  	[bflag:$0x3] =	sbarrier.arrive $0xFFFF  }
0x6b: {  	_ =	shalt  }

// kernel: kernel.21.cloned.1.call-start
scs
__scs_entry_jumppad:
0x0: {  	(pc) =	sbr.rel $0x88, $3  }
0x1: {  	(tag) =	ssettag $0x0;
	lr =	simm.s32 $0x1  }
0x2: {  	[smem:$0x3F94] =	sst lr;
	_ =	strace $0xD0000000  }
0x3: {  	_ = 	snop  }
0x4: {  	_ = 	snop  }
0x5: {  	_ = 	snop  }
0x6: {  	_ = 	snop  }
0x7: {  	_ = 	snop  }
__scs_overlays_trampoline_lowered:
0x8: {  	[smem:$0x3FA3] =	sst s0  }
0x9: {  	[smem:$0x3FA4] =	sst s1  }
0xa: {  	[smem:$0x3FA5] =	sst s2  }
0xb: {  	[smem:$0x3FA6] =	sst s3  }
0xc: {  	[smem:$0x3FA7] =	sst s4  }
0xd: {  	[smem:$0x3FA8] =	sst s5  }
0xe: {  	[smem:$0x3FA9] =	sst s6  }
0xf: {  	[smem:$0x3FAA] =	sst s7  }
0x10: {  	[smem:$0x3FAB] =	sst s8  }
0x11: {  	[smem:$0x3FAC] =	sst s9;
	s0 =	simm.s32 @!p0 $0x0  }
0x12: {  	s1 =	sld [smem:$0x3F92];
	s0 =	simm.s32 @p0 $0x1  }
0x13: {  	[smem:$0x3FAD] =	sst s0;
	s0 =	simm.s32 @!p1 $0x0  }
0x14: {  	s2 =	sld [smem:$0x3F91];
	s0 =	simm.s32 @p1 $0x1  }
0x15: {  	[smem:$0x3FAE] =	sst s0;
	s0 =	simm.s32 @!p2 $0x0  }
0x16: {  	s3 =	sld [smem:$0x3FDB];
	s0 =	simm.s32 @p2 $0x1  }
0x17: {  	s4 =	simm.s32 $0x1BF5;
	[smem:$0x3FB0] =	sst s0  }
0x18: {  	s0 =	sld [smem:$0x3F93];
	_ =	swait.ge [sflag:s4], $0x0  }
0x19: {  	s7 =	sld [smem:$0x3F94]  }
0x1a: {  	s8 =	sadd.s32 $0xFFFFE003, lr  }
0x1b: {  	s9 =	sadd.s32 $0xFFFFFEF7, lr;
	s5 =	simm.s32 $0xFFFFFFFF;
	p2 =	slt.u32 s8, $0xFFFFF086  }
0x1c: {  	p1 =	slt.u32 s9, $0xF7A;
	s5 =	simm.s32 @!p2 $0x0  }
0x1d: {  	s5 =	simm.s32 @p1 $0x1;
	p0 =	seq.s32 s7, s2  }
0x1e: {  	s7 =	smul.u32 @!p0 $0xF7A, s2;
	p2 =	seq.s32 @!p0 s5, $0x0  }
0x1f: {  	s9 =	smul.u32 $0xF7A, s1;
	s8 =	simm.s32 @!p0 $0x1BF5;
	p2 =	por !p2, p0  }
0x20: {  	[sflag:s8] =	ssyncset.s32 @!p0 $0xFFFFF086;
	s6 =	sadd.s32 @!p0 s3, s7;
	s7 =	simm.s32 @!p0 $0x108  }
0x21: {  	s3 =	sadd.s32 s3, s9;
	s6 =	sadd.s32 @!p0 $0x88, s6;
	s7 =	simm.s32 @p2 $0x1082  }
0x22: {  	[simem:s7], [sflag:s8] =	dma.local @!p0 [hbm:s6], $0xF7A  }
0x23: {  	s9 =	sor.u32 $0xD0000000, s2;
	s6 =	simm.s32 $0x108;
	_ =	swait.ge @!p0 [sflag:s8], $0x0  }
0x24: {  	s3 =	sadd.s32 $0x88, s3;
	s6 =	simm.s32 @!p1 $0x1082;
	[sflag:s4] =	ssyncset.s32 $0xFFFFF086  }
0x25: {  	[simem:s6], [sflag:s4] =	dma.local [hbm:s3], $0xF7A  }
0x26: {  	[smem:$0x3F94] =	sst s1;
	(tag) =	ssettag s2;
	_ =	strace s9  }
0x27: {  	s1 =	sld [smem:$0x3FA4]  }
0x28: {  	s2 =	sld [smem:$0x3FA5]  }
0x29: {  	s4 =	sld [smem:$0x3FA7]  }
0x2a: {  	p0 =	seq.s32 s5, $0x0;
	s5 =	sld [smem:$0x3FA8]  }
0x2b: {  	s6 =	sld [smem:$0x3FA9]  }
0x2c: {  	s7 =	sld [smem:$0x3FAA]  }
0x2d: {  	s3 =	simm.s32 $0x108;
	s8 =	sld [smem:$0x3FAB]  }
0x2e: {  	s3 =	simm.s32 @!p0 $0x1082;
	s9 =	sld [smem:$0x3FAC]  }
0x2f: {  	lr =	sadd.s32 s0, s3;
	s0 =	sld [smem:$0x3FA3]  }
0x30: {  	s3 =	sld [smem:$0x3FA6]  }
0x31: {  	[smem:$0x3FAF] =	sst s10  }
0x32: {  	s10 =	sld [smem:$0x3FAD];
	_ =	sdelay $0x3  }
0x33: {  	p0 =	seq.s32 s10, $0x1;
	s10 =	sld [smem:$0x3FAF];
	_ =	sdelay $0x3  }
0x34: {  	[smem:$0x3FAF] =	sst s10  }
0x35: {  	s10 =	sld [smem:$0x3FAE];
	_ =	sdelay $0x3  }
0x36: {  	p1 =	seq.s32 s10, $0x1;
	s10 =	sld [smem:$0x3FAF];
	_ =	sdelay $0x3  }
0x37: {  	[smem:$0x3FAF] =	sst s10  }
0x38: {  	s10 =	sld [smem:$0x3FB0]  }
0x39: {  	_ = 	snop;
	(pc) =	sbr.ind lr, $3  }
0x3a: {  	_ = 	snop  }
0x3b: {  	_ = 	snop  }
0x3c: {  	p2 =	seq.s32 s10, $0x1;
	s10 =	sld [smem:$0x3FAF]  }
0x3d: {  	_ =	shalt  }
0x3e: {  	_ =	shalt  }
0x3f: {  	_ =	shalt  }
0x40: {  	_ =	shalt  }
0x41: {  	_ =	shalt  }
0x42: {  	_ =	shalt  }
0x43: {  	_ =	shalt  }
0x44: {  	_ =	shalt  }
0x45: {  	_ =	shalt  }
0x46: {  	_ =	shalt  }
0x47: {  	_ =	shalt  }
0x48: {  	_ =	shalt  }
0x49: {  	_ =	shalt  }
0x4a: {  	_ =	shalt  }
0x4b: {  	_ =	shalt  }
0x4c: {  	_ =	shalt  }
0x4d: {  	_ =	shalt  }
0x4e: {  	_ =	shalt  }
0x4f: {  	_ =	shalt  }
0x50: {  	_ =	shalt  }
0x51: {  	_ =	shalt  }
0x52: {  	_ =	shalt  }
0x53: {  	_ =	shalt  }
0x54: {  	_ =	shalt  }
0x55: {  	_ =	shalt  }
0x56: {  	_ =	shalt  }
0x57: {  	_ =	shalt  }
0x58: {  	_ =	shalt  }
0x59: {  	_ =	shalt  }
0x5a: {  	_ =	shalt  }
0x5b: {  	_ =	shalt  }
0x5c: {  	_ =	shalt  }
0x5d: {  	_ =	shalt  }
0x5e: {  	_ =	shalt  }
0x5f: {  	_ =	shalt  }
0x60: {  	_ =	shalt  }
0x61: {  	_ =	shalt  }
0x62: {  	_ =	shalt  }
0x63: {  	_ =	shalt  }
0x64: {  	_ =	shalt  }
0x65: {  	_ =	shalt  }
0x66: {  	_ =	shalt  }
0x67: {  	_ =	shalt  }
0x68: {  	_ =	shalt  }
0x69: {  	_ =	shalt  }
0x6a: {  	_ =	shalt  }
0x6b: {  	_ =	shalt  }
0x6c: {  	_ =	shalt  }
0x6d: {  	_ =	shalt  }
0x6e: {  	_ =	shalt  }
0x6f: {  	_ =	shalt  }
0x70: {  	_ =	shalt  }
0x71: {  	_ =	shalt  }
0x72: {  	_ =	shalt  }
0x73: {  	_ =	shalt  }
0x74: {  	_ =	shalt  }
0x75: {  	_ =	shalt  }
0x76: {  	_ =	shalt  }
0x77: {  	_ =	shalt  }
0x78: {  	_ =	shalt  }
0x79: {  	_ =	shalt  }
0x7a: {  	_ =	shalt  }
0x7b: {  	_ =	shalt  }
0x7c: {  	_ =	shalt  }
0x7d: {  	_ =	shalt  }
0x7e: {  	_ =	shalt  }
0x7f: {  	_ =	shalt  }
0x80: {  	_ =	shalt  }
0x81: {  	_ =	shalt  }
0x82: {  	_ =	shalt  }
0x83: {  	_ =	shalt  }
0x84: {  	_ =	shalt  }
0x85: {  	_ =	shalt  }
0x86: {  	_ =	shalt  }
0x87: {  	_ =	shalt  }
.Lfunc_end0:
.L_simem_size_0:
called_computation.1_lowered:
.L_overlay_start_0:
0x88: {  	s2 =	sld [smem:$0x3FD9]  }
0x89: {  	s3 =	sld [smem:$0x3FFE];
	_ =	sdelay $0x1  }
0x8a: {  	s1 =	srdreg.scid  }
0x8b: {  	s0 =	sand.u32 $0x1, s1  }
0x8c: {  	s17 =	sshll.u32 s0, $0xA;
	s2 =	sadd.s32 s3, s2  }
0x8d: {  	s2 =	sadd.s32 s2, s17  }
0x8e: {  	[smem:$0x3FBB] =	sst s2  }
0x8f: {  	_ = 	snop  }
0x90: {  	s18 =	sld [smem:$0x3FD0];
	(tm) =	ssettm $0x1  }
0x91: {  	s19 =	sld [smem:$0x3FFB];
	_ =	sdelay $0x3  }
0x92: {  	_ =	strace s19  }
0x93: {  	s2 =	sld [smem:$0x3FFC];
	_ =	sdelay $0x3  }
0x94: {  	_ =	strace s2  }
0x95: {  	s2 =	sld [smem:$0x3FFD];
	_ =	sdelay $0x3  }
0x96: {  	_ =	strace s2  }
0x97: {  	_ =	strace $0x8FFFFFFF  }
0x98: {  	s20 =	sld [smem:$0x3FDB];
	_ =	sdelay $0x1  }
0x99: {  	s4 =	simm.s32 $_scs_section_size  }
0x9a: {  	s5 =	simm.s32 $_size__tile_overlayer_lowered;
	s6 =	simm.s32 $_tile_overlayer_lowered  }
0x9b: {  	s7 =	simm.s32 $0x1BFF;
	s21 =	sshll.u32 s6, $0x1;
	s4 =	sadd.s32 s4, s20  }
0x9c: {  	s22 =	simm.s32 $0x0;
	s5 =	sshll.u32 s5, $0x1;
	s6 =	sadd.s32 s21, s4  }
0x9d: {  	[timem:s22], [sflag:s7] =	dma.local [hbm:s6], s5  }
0x9e: {  	_ =	swait.ge [sflag:s7], s5  }
0x9f: {  	s5 =	ssub.s32 $0x0, s5;
	[sflag:s7] =	ssyncset.done $0x0  }
0xa0: {  	[sflag:s7] =	ssyncadd.s32 s5;
	_ =	sdelay $0x1  }
0xa1: {  	s23 =	simm.s32 $0x1B8B  }
0xa2: {  	_ =	swait.ge [sflag:s23], $0x1  }
0xa3: {  	[sflag:s23] =	ssyncset.done $0x0  }
0xa4: {  	[sflag:s23] =	ssyncadd.s32 $0xFFFFFFFF  }
0xa5: {  	s5 =	sld [smem:$0x0]  }
0xa6: {  	s6 =	sand.u32 $0xFFFFFFFE, s1  }
0xa7: {  	p0 =	sne.s32 s1, s6  }
0xa8: {  	s6 =	sshll.u32 @p0 s6, $0xE  }
0xa9: {  	s6 =	sadd.s32 @p0 $0x11B8D, s6;
	s7 =	sshll.u32 @p0 s5, $0x11  }
0xaa: {  	s6 =	sor.u32 @p0 s7, s6  }
0xab: {  	[sflag:s6] =	ssyncadd.remote.s32 @p0 $0x1;
	_ =	sdelay $0x1  }
0xac: {  	s6 =	simm.s32 @p0 $0x1B8D  }
0xad: {  	_ =	swait.eq @p0 [sflag:s6], $0x1  }
0xae: {  	[sflag:s6] =	ssyncadd.s32 @p0 $0xFFFFFFFF  }
0xaf: {  	s7 =	sshll.u32 @!p0 s1, $0xE  }
0xb0: {  	s7 =	sor.u32 @!p0 $0x4000, s7;
	s6 =	simm.s32 @!p0 $0x1B8D  }
0xb1: {  	s5 =	sshll.u32 @!p0 s5, $0x11;
	s7 =	sadd.s32 @!p0 $0x11B8D, s7;
	_ =	swait.eq @!p0 [sflag:s6], $0x1  }
0xb2: {  	s5 =	sor.u32 @!p0 s5, s7;
	[sflag:s6] =	ssyncadd.s32 @!p0 $0xFFFFFFFF  }
0xb3: {  	s25 =	simm.s32 $0x1B8E;
	s24 =	sld [smem:$0x3FFE];
	[sflag:s5] =	ssyncadd.remote.s32 @!p0 $0x1  }
0xb4: {  	s26 =	simm.s32 $execute0_lowered;
	[smem:$0x3FD2] =	sst s25  }
0xb5: {  	s6 =	sshll.u32 s26, $0x1;
	_ =	strace $0x80000055;
	[dreg:$0x1] =	wrdreg $0xFFFFFFFF  }
0xb6: {  	s28 =	simm.s32 $_size_execute0_lowered;
	s4 =	sadd.s32 s4, s6;
	[dreg:$0x0] =	wrdreg $0x0  }
0xb7: {  	s6 =	sshll.u32 s28, $0x1;
	[dreg:$0x2] =	wrdreg s4  }
0xb8: {  	[dreg:$0x3] =	wrdreg s6  }
0xb9: {  	[dreg:$0x4] =	wrdreg $0xC0  }
0xba: {  	_ =	task [dreg:s22], $0x5FFFF  }
0xbb: {  	[dreg:$0x1] =	wrdreg $0xFFFFFFFF  }
0xbc: {  	[dreg:$0x0] =	wrdreg $0x60  }
0xbd: {  	[dreg:$0x2] =	wrdreg s24  }
0xbe: {  	[dreg:$0x3] =	wrdreg s18  }
0xbf: {  	[dreg:$0x4] =	wrdreg $0xA  }
0xc0: {  	_ =	task.clear_ibuf [dreg:s22], $0x5FFFF;
	_ =	strace $0x90000055  }
0xc1: {  	s29 =	simm.s32 $0xA;
	_ =	strace $0x80000057  }
0xc2: {  	_ =	swait.ge [sflag:s29], $0x1  }
0xc3: {  	[sflag:s29] =	ssyncadd.s32 $0xFFFFFFFF  }
0xc4: {  	_ =	strace $0x90000057  }
0xc5: {  	_ =	sfence  }
0xc6: {  	s30 =	sld [smem:$0x0];
	_ =	sdelay $0x2  }
0xc7: {  	s31 =	sshll.u32 s1, $0xD;
	s1 =	sshrl.u32 s1, $0x2  }
0xc8: {  	s4 =	sand.u32 $0x4000, s31;
	s1 =	sadd.s32 s1, s30  }
0xc9: {  	s0 =	sor.u32 s4, s0;
	s1 =	sshll.u32 s1, $0x11  }
0xca: {  	s0 =	sor.u32 s1, s0  }
0xcb: {  	s0 =	sadd.s32 $0x8F2B, s0  }
0xcc: {  	[sflag:s0] =	ssyncadd.remote.s32 $0x1  }
0xcd: {  	_ =	sfence.sel $0xFFFF  }
0xce: {  	[dreg:$0x0] =	wrdreg $0xFFFFFFFF;
	(pc) =	sbr.abs _section_cstart, $3  }
0xcf: {  	[dreg:$0x1] =	wrdreg $0xFFFFFFFF  }
0xd0: {  	_ =	task.clear_ibuf [dreg:s22], $0x2FFFF;
	_ =	strace $0x9FFFFFFF  }
0xd1: {  	(tm) =	ssettm $0x7FFFFFFF  }
tec
execute0_lowered:
.L_overlay_start_1:
0x0: {  	(tag) =	ssettag $0x1  }
0x1: {  	s4 =	rddreg [dreg:$0x0]  }
0x2: {  	s5 =	rddreg [dreg:$0x1]  }
0x3: {  	s0 =	rddreg [dreg:$0x2];
	s1 =	simm.s32 $0x0  }
0x4: {  	s6 =	srdreg.scid;
	s2 =	stileid.u32;
	s10 =	simm.s32 $0x8200  }
0x5: {  	s11 =	simm.s32 $0x1;
	s12 =	simm.s32 $0x2;
	s13 =	simm.s32 $0x3  }
0x6: {  	s14 =	simm.s32 $0x4;
	s15 =	simm.s32 $0x0;
	[smem:$0x7FF] =	sst s1  }
0x7: {  	s3 =	sadd.s32 $0x83400, s4;
	s6 =	sand.u32 $0x1, s6;
	s7 =	sshll.u32 s2, $0x10  }
0x8: {  	s8 =	sshll.u32 s2, $0xC;
	_ =	strace $0x80000056;
	s9 =	sshll.u32 s6, $0xB  }
0x9: {  	s4 =	sadd.s32 s7, s4;
	s30 =	ssub.s32 $0x2, s6;
	s6 =	sshll.u32 s6, $0xF  }
0xa: {  	s8 =	sor.u32 s9, s8;
	s31 =	sshrl.u32 s30, $0x1;
	s6 =	sadd.s32 s6, s4  }
0xb: {  	s9 =	simm.s32 $0x200;
	s8 =	sshrl.u32 s8, $0x3;
	s7 =	ssub.s32 s30, s31  }
0xc: {  	s8 =	sadd.s32 s8, s5;
	s4 =	smax.u32 s7, $0x1;
	s5 =	sadd.s32 $0x603400, s6  }
0xd: {  	s7 =	simm.s32 $0x5;
	s6 =	sadd.s32 $0x2020, s8;
	s8 =	simm.s32 $0x100  }
.LBB2_1:
0xe: {  	s16 =	sadd.s32 $0xFFFFFFE0, s6  }
0xf: {  	[tilespmem:s1], [sflag:$0x5] =	stream.linear.gather [hbm4b:s16+s1], $0x100, $0x38;
	[tilespmem:$0x10200] =	vst v63  }
0x10: {  	_ =	swait.ge [sflag:s7], $0x100  }
0x11: {  	[sflag:s7] =	ssyncset.done $0x0  }
0x12: {  	[sflag:s7] =	ssyncadd.s32 $0xFFFFFF00  }
0x13: {  	[tilespmem:s9], [sflag:$0x1] =	stream.indirect.gather [hbm4b:s3+s8], $0x80, s1, s8, $0xb8;
	[tilespmem:$0x10200] =	vst v63  }
0x14: {  	_ = 	snop  }
0x15: {  	[tilespmem:s8], [sflag:$0x5] =	stream.linear.gather [hbm4b:s6+s1], $0x100, $0x38;
	[tilespmem:$0x10200] =	vst v63  }
0x16: {  	_ =	swait.ge [sflag:s7], $0x100  }
0x17: {  	[sflag:s7] =	ssyncset.done $0x0  }
0x18: {  	[sflag:s7] =	ssyncadd.s32 $0xFFFFFF00  }
0x19: {  	[tilespmem:s10], [sflag:$0x2] =	stream.indirect.gather [hbm4b:s3+s8], $0x80, s8, s8, $0xb8;
	[tilespmem:$0x10200] =	vst v63  }
0x1a: {  	_ =	swait.ge [sflag:s11], $0x8000  }
0x1b: {  	[sflag:s11] =	ssyncset.done $0x0  }
0x1c: {  	s31 =	sadd.s32 $0x0, s5;
	[sflag:s11] =	ssyncadd.s32 $0xFFFF8000  }
0x1d: {  	[hbm4b:s31+s1] =	stream.linear.scatter [tilespmem:s9], [sflag:$0x3], $0x8000, $0x38;
	[tilespmem:$0x10200] =	vst v63  }
0x1e: {  	_ =	swait.ge [sflag:s12], $0x8000  }
0x1f: {  	[sflag:s12] =	ssyncset.done $0x0  }
0x20: {  	s16 =	sadd.s32 $0x1000, s31;
	[sflag:s12] =	ssyncadd.s32 $0xFFFF8000  }
0x21: {  	[hbm4b:s16+s1] =	stream.linear.scatter [tilespmem:s10], [sflag:$0x4], $0x8000, $0x38;
	[tilespmem:$0x10200] =	vst v63  }
0x22: {  	_ =	swait.ge [sflag:s13], $0x8000  }
0x23: {  	[sflag:s13] =	ssyncset.done $0x0  }
0x24: {  	[sflag:s13] =	ssyncadd.s32 $0xFFFF8000  }
0x25: {  	s18 =	simm.s32 $0x4000;
	_ =	swait.ge [sflag:s14], $0x8000  }
0x26: {  	s17 =	sadd.s32 $0x40, s6;
	s16 =	simm.s32 $0x2000;
	[sflag:s14] =	ssyncset.done $0x0  }
.LBB2_2:
0x27: {  	p0 =	sne.s32 s18, $0x6000;
	s19 =	sadd.s32 $0xFFFFFFE0, s17;
	[sflag:s14] =	ssyncadd.s32 $0xFFFF8000  }
0x28: {  	[tilespmem:s1], [sflag:$0x5] =	stream.linear.gather [hbm4b:s19+s1], $0x100, $0x38;
	[tilespmem:$0x10200] =	vst v63  }
0x29: {  	s19 =	smov.u32 s18;
	s18 =	sadd.s32 $0x2000, s18;
	_ =	swait.ge [sflag:s7], $0x100  }
0x2a: {  	[sflag:s7] =	ssyncset.done $0x0  }
0x2b: {  	[sflag:s7] =	ssyncadd.s32 $0xFFFFFF00  }
0x2c: {  	[tilespmem:s9], [sflag:$0x1] =	stream.indirect.gather [hbm4b:s3+s8], $0x80, s1, s8, $0xb8;
	[tilespmem:$0x10200] =	vst v63  }
0x2d: {  	_ = 	snop  }
0x2e: {  	[tilespmem:s8], [sflag:$0x5] =	stream.linear.gather [hbm4b:s17+s1], $0x100, $0x38;
	[tilespmem:$0x10200] =	vst v63  }
0x2f: {  	_ =	swait.ge [sflag:s7], $0x100  }
0x30: {  	[sflag:s7] =	ssyncset.done $0x0  }
0x31: {  	[sflag:s7] =	ssyncadd.s32 $0xFFFFFF00  }
0x32: {  	[tilespmem:s10], [sflag:$0x2] =	stream.indirect.gather [hbm4b:s3+s8], $0x80, s8, s8, $0xb8;
	[tilespmem:$0x10200] =	vst v63  }
0x33: {  	_ =	swait.ge [sflag:s11], $0x8000  }
0x34: {  	[sflag:s11] =	ssyncset.done $0x0  }
0x35: {  	s20 =	sadd.s32 s16, s5;
	s16 =	smov.u32 s19;
	[sflag:s11] =	ssyncadd.s32 $0xFFFF8000  }
0x36: {  	[hbm4b:s20+s1] =	stream.linear.scatter [tilespmem:s9], [sflag:$0x3], $0x8000, $0x38;
	[tilespmem:$0x10200] =	vst v63  }
0x37: {  	_ =	swait.ge [sflag:s12], $0x8000  }
0x38: {  	[sflag:s12] =	ssyncset.done $0x0  }
0x39: {  	s19 =	sadd.s32 $0x1000, s20;
	[sflag:s12] =	ssyncadd.s32 $0xFFFF8000  }
0x3a: {  	[hbm4b:s19+s1] =	stream.linear.scatter [tilespmem:s10], [sflag:$0x4], $0x8000, $0x38;
	[tilespmem:$0x10200] =	vst v63  }
.Ltmp0:
0x3b: {  	_ =	swait.ge [sflag:s13], $0x8000;
	(pc) =	sbr.rel @p0 .LBB2_2-.Ltmp0, $4  }
0x3c: {  	[sflag:s13] =	ssyncset.done $0x0  }
0x3d: {  	[sflag:s13] =	ssyncadd.s32 $0xFFFF8000  }
0x3e: {  	_ =	swait.ge [sflag:s14], $0x8000  }
0x3f: {  	s17 =	sadd.s32 $0x40, s17;
	[sflag:s14] =	ssyncset.done $0x0  }
0x40: {  	s18 =	sadd.s32 $0xFFFFFFE0, s17;
	[sflag:s14] =	ssyncadd.s32 $0xFFFF8000  }
0x41: {  	[tilespmem:s1], [sflag:$0x5] =	stream.linear.gather [hbm4b:s18+s1], $0x100, $0x38;
	[tilespmem:$0x10200] =	vst v63  }
0x42: {  	_ =	swait.ge [sflag:s7], $0x100  }
0x43: {  	[sflag:s7] =	ssyncset.done $0x0  }
0x44: {  	[sflag:s7] =	ssyncadd.s32 $0xFFFFFF00  }
0x45: {  	[tilespmem:s9], [sflag:$0x1] =	stream.indirect.gather [hbm4b:s3+s8], $0x80, s1, s8, $0xb8;
	[tilespmem:$0x10200] =	vst v63  }
0x46: {  	_ = 	snop  }
0x47: {  	[tilespmem:s8], [sflag:$0x5] =	stream.linear.gather [hbm4b:s17+s1], $0x100, $0x38;
	[tilespmem:$0x10200] =	vst v63  }
0x48: {  	_ =	swait.ge [sflag:s7], $0x100  }
0x49: {  	[sflag:s7] =	ssyncset.done $0x0  }
0x4a: {  	[sflag:s7] =	ssyncadd.s32 $0xFFFFFF00  }
0x4b: {  	[tilespmem:s10], [sflag:$0x2] =	stream.indirect.gather [hbm4b:s3+s8], $0x80, s8, s8, $0xb8;
	[tilespmem:$0x10200] =	vst v63  }
0x4c: {  	_ =	swait.ge [sflag:s11], $0x8000  }
0x4d: {  	[sflag:s11] =	ssyncset.done $0x0  }
0x4e: {  	s16 =	sadd.s32 s16, s5;
	[sflag:s11] =	ssyncadd.s32 $0xFFFF8000  }
0x4f: {  	[hbm4b:s16+s1] =	stream.linear.scatter [tilespmem:s9], [sflag:$0x3], $0x8000, $0x38;
	[tilespmem:$0x10200] =	vst v63  }
0x50: {  	_ =	swait.ge [sflag:s12], $0x8000  }
0x51: {  	[sflag:s12] =	ssyncset.done $0x0  }
0x52: {  	s15 =	sadd.s32 $0x1, s15;
	s16 =	sadd.s32 $0x1000, s16;
	[sflag:s12] =	ssyncadd.s32 $0xFFFF8000  }
0x53: {  	[hbm4b:s16+s1] =	stream.linear.scatter [tilespmem:s10], [sflag:$0x4], $0x8000, $0x38;
	[tilespmem:$0x10200] =	vst v63  }
0x54: {  	p0 =	sne.s32 s15, s4;
	_ =	swait.ge [sflag:s13], $0x8000  }
.Ltmp1:
0x55: {  	[sflag:s13] =	ssyncset.done $0x0;
	(pc) =	sbr.rel @p0 .LBB2_1-.Ltmp1, $4  }
0x56: {  	[sflag:s13] =	ssyncadd.s32 $0xFFFF8000  }
0x57: {  	_ =	swait.ge [sflag:s14], $0x8000  }
0x58: {  	[sflag:s14] =	ssyncset.done $0x0  }
0x59: {  	[sflag:s14] =	ssyncadd.s32 $0xFFFF8000  }
0x5a: {  	_ =	sfence.sel $0x180000  }
0x5b: {  	[bflag:$0x0] =	sbarrier.arrive $0xFFFF  }
0x5c: {  	p0 =	sne.s32 s2, $0x0;
	_ =	strace $0x90000056  }
0x5d: {  	s0 =	sadd.s32 @!p0 $0x100000, s0;
	[bflag:$0x2] =	sbarrier.arrive $0xFFFF  }
0x5e: {  	[sflag:s0] =	ssyncadd.tile.s32 @!p0 $0x1;
	_ =	shalt  }
.Lfunc_end2:
_tile_overlayer_lowered:
.L_overlay_start_2:
0x5f: {  	(tag) =	ssettag $0x2  }
0x60: {  	s0 =	rddreg [dreg:$0x0];
	s2 =	stileid.u32  }
0x61: {  	s1 =	rddreg [dreg:$0x1];
	p0 =	sne.s32 s2, $0x0  }
0x62: {  	s3 =	rddreg [dreg:$0x2];
	[bflag:$0x3] =	sbarrier.arrive $0xFFFF;
	s2 =	simm.s32 @!p0 $0x1C05  }
0x63: {  	[timem:s3], [sflag:s2] =	dma.local @!p0 [hbm:s0], s1  }
0x64: {  	s0 =	simm.s32 @!p0 $0x5  }
0x65: {  	_ =	swait.ge @!p0 [sflag:s0], s1  }
0x66: {  	s1 =	ssub.s32 @!p0 $0x0, s1;
	[sflag:s0] =	ssyncset.done @!p0 $0x0  }
0x67: {  	[sflag:s0] =	ssyncadd.s32 @!p0 s1  }
0x68: {  	[bflag:$0x3] =	sbarrier.arrive $0xFFFF  }
0x69: {  	_ =	shalt  }

// kernel: kernel.24.cloned.1.call-start
scs
__scs_entry_jumppad:
0x0: {  	(pc) =	sbr.rel $0x88, $3  }
0x1: {  	(tag) =	ssettag $0x0;
	lr =	simm.s32 $0x1  }
0x2: {  	[smem:$0x3F94] =	sst lr;
	_ =	strace $0xD0000000  }
0x3: {  	_ = 	snop  }
0x4: {  	_ = 	snop  }
0x5: {  	_ = 	snop  }
0x6: {  	_ = 	snop  }
0x7: {  	_ = 	snop  }
__scs_overlays_trampoline_lowered:
0x8: {  	[smem:$0x3FA3] =	sst s0  }
0x9: {  	[smem:$0x3FA4] =	sst s1  }
0xa: {  	[smem:$0x3FA5] =	sst s2  }
0xb: {  	[smem:$0x3FA6] =	sst s3  }
0xc: {  	[smem:$0x3FA7] =	sst s4  }
0xd: {  	[smem:$0x3FA8] =	sst s5  }
0xe: {  	[smem:$0x3FA9] =	sst s6  }
0xf: {  	[smem:$0x3FAA] =	sst s7  }
0x10: {  	[smem:$0x3FAB] =	sst s8  }
0x11: {  	[smem:$0x3FAC] =	sst s9;
	s0 =	simm.s32 @!p0 $0x0  }
0x12: {  	s1 =	sld [smem:$0x3F92];
	s0 =	simm.s32 @p0 $0x1  }
0x13: {  	[smem:$0x3FAD] =	sst s0;
	s0 =	simm.s32 @!p1 $0x0  }
0x14: {  	s2 =	sld [smem:$0x3F91];
	s0 =	simm.s32 @p1 $0x1  }
0x15: {  	[smem:$0x3FAE] =	sst s0;
	s0 =	simm.s32 @!p2 $0x0  }
0x16: {  	s3 =	sld [smem:$0x3FDB];
	s0 =	simm.s32 @p2 $0x1  }
0x17: {  	s4 =	simm.s32 $0x1BF5;
	[smem:$0x3FB0] =	sst s0  }
0x18: {  	s0 =	sld [smem:$0x3F93];
	_ =	swait.ge [sflag:s4], $0x0  }
0x19: {  	s7 =	sld [smem:$0x3F94]  }
0x1a: {  	s8 =	sadd.s32 $0xFFFFE003, lr  }
0x1b: {  	s9 =	sadd.s32 $0xFFFFFEF7, lr;
	s5 =	simm.s32 $0xFFFFFFFF;
	p2 =	slt.u32 s8, $0xFFFFF086  }
0x1c: {  	p1 =	slt.u32 s9, $0xF7A;
	s5 =	simm.s32 @!p2 $0x0  }
0x1d: {  	s5 =	simm.s32 @p1 $0x1;
	p0 =	seq.s32 s7, s2  }
0x1e: {  	s7 =	smul.u32 @!p0 $0xF7A, s2;
	p2 =	seq.s32 @!p0 s5, $0x0  }
0x1f: {  	s9 =	smul.u32 $0xF7A, s1;
	s8 =	simm.s32 @!p0 $0x1BF5;
	p2 =	por !p2, p0  }
0x20: {  	[sflag:s8] =	ssyncset.s32 @!p0 $0xFFFFF086;
	s6 =	sadd.s32 @!p0 s3, s7;
	s7 =	simm.s32 @!p0 $0x108  }
0x21: {  	s3 =	sadd.s32 s3, s9;
	s6 =	sadd.s32 @!p0 $0x88, s6;
	s7 =	simm.s32 @p2 $0x1082  }
0x22: {  	[simem:s7], [sflag:s8] =	dma.local @!p0 [hbm:s6], $0xF7A  }
0x23: {  	s9 =	sor.u32 $0xD0000000, s2;
	s6 =	simm.s32 $0x108;
	_ =	swait.ge @!p0 [sflag:s8], $0x0  }
0x24: {  	s3 =	sadd.s32 $0x88, s3;
	s6 =	simm.s32 @!p1 $0x1082;
	[sflag:s4] =	ssyncset.s32 $0xFFFFF086  }
0x25: {  	[simem:s6], [sflag:s4] =	dma.local [hbm:s3], $0xF7A  }
0x26: {  	[smem:$0x3F94] =	sst s1;
	(tag) =	ssettag s2;
	_ =	strace s9  }
0x27: {  	s1 =	sld [smem:$0x3FA4]  }
0x28: {  	s2 =	sld [smem:$0x3FA5]  }
0x29: {  	s4 =	sld [smem:$0x3FA7]  }
0x2a: {  	p0 =	seq.s32 s5, $0x0;
	s5 =	sld [smem:$0x3FA8]  }
0x2b: {  	s6 =	sld [smem:$0x3FA9]  }
0x2c: {  	s7 =	sld [smem:$0x3FAA]  }
0x2d: {  	s3 =	simm.s32 $0x108;
	s8 =	sld [smem:$0x3FAB]  }
0x2e: {  	s3 =	simm.s32 @!p0 $0x1082;
	s9 =	sld [smem:$0x3FAC]  }
0x2f: {  	lr =	sadd.s32 s0, s3;
	s0 =	sld [smem:$0x3FA3]  }
0x30: {  	s3 =	sld [smem:$0x3FA6]  }
0x31: {  	[smem:$0x3FAF] =	sst s10  }
0x32: {  	s10 =	sld [smem:$0x3FAD];
	_ =	sdelay $0x3  }
0x33: {  	p0 =	seq.s32 s10, $0x1;
	s10 =	sld [smem:$0x3FAF];
	_ =	sdelay $0x3  }
0x34: {  	[smem:$0x3FAF] =	sst s10  }
0x35: {  	s10 =	sld [smem:$0x3FAE];
	_ =	sdelay $0x3  }
0x36: {  	p1 =	seq.s32 s10, $0x1;
	s10 =	sld [smem:$0x3FAF];
	_ =	sdelay $0x3  }
0x37: {  	[smem:$0x3FAF] =	sst s10  }
0x38: {  	s10 =	sld [smem:$0x3FB0]  }
0x39: {  	_ = 	snop;
	(pc) =	sbr.ind lr, $3  }
0x3a: {  	_ = 	snop  }
0x3b: {  	_ = 	snop  }
0x3c: {  	p2 =	seq.s32 s10, $0x1;
	s10 =	sld [smem:$0x3FAF]  }
0x3d: {  	_ =	shalt  }
0x3e: {  	_ =	shalt  }
0x3f: {  	_ =	shalt  }
0x40: {  	_ =	shalt  }
0x41: {  	_ =	shalt  }
0x42: {  	_ =	shalt  }
0x43: {  	_ =	shalt  }
0x44: {  	_ =	shalt  }
0x45: {  	_ =	shalt  }
0x46: {  	_ =	shalt  }
0x47: {  	_ =	shalt  }
0x48: {  	_ =	shalt  }
0x49: {  	_ =	shalt  }
0x4a: {  	_ =	shalt  }
0x4b: {  	_ =	shalt  }
0x4c: {  	_ =	shalt  }
0x4d: {  	_ =	shalt  }
0x4e: {  	_ =	shalt  }
0x4f: {  	_ =	shalt  }
0x50: {  	_ =	shalt  }
0x51: {  	_ =	shalt  }
0x52: {  	_ =	shalt  }
0x53: {  	_ =	shalt  }
0x54: {  	_ =	shalt  }
0x55: {  	_ =	shalt  }
0x56: {  	_ =	shalt  }
0x57: {  	_ =	shalt  }
0x58: {  	_ =	shalt  }
0x59: {  	_ =	shalt  }
0x5a: {  	_ =	shalt  }
0x5b: {  	_ =	shalt  }
0x5c: {  	_ =	shalt  }
0x5d: {  	_ =	shalt  }
0x5e: {  	_ =	shalt  }
0x5f: {  	_ =	shalt  }
0x60: {  	_ =	shalt  }
0x61: {  	_ =	shalt  }
0x62: {  	_ =	shalt  }
0x63: {  	_ =	shalt  }
0x64: {  	_ =	shalt  }
0x65: {  	_ =	shalt  }
0x66: {  	_ =	shalt  }
0x67: {  	_ =	shalt  }
0x68: {  	_ =	shalt  }
0x69: {  	_ =	shalt  }
0x6a: {  	_ =	shalt  }
0x6b: {  	_ =	shalt  }
0x6c: {  	_ =	shalt  }
0x6d: {  	_ =	shalt  }
0x6e: {  	_ =	shalt  }
0x6f: {  	_ =	shalt  }
0x70: {  	_ =	shalt  }
0x71: {  	_ =	shalt  }
0x72: {  	_ =	shalt  }
0x73: {  	_ =	shalt  }
0x74: {  	_ =	shalt  }
0x75: {  	_ =	shalt  }
0x76: {  	_ =	shalt  }
0x77: {  	_ =	shalt  }
0x78: {  	_ =	shalt  }
0x79: {  	_ =	shalt  }
0x7a: {  	_ =	shalt  }
0x7b: {  	_ =	shalt  }
0x7c: {  	_ =	shalt  }
0x7d: {  	_ =	shalt  }
0x7e: {  	_ =	shalt  }
0x7f: {  	_ =	shalt  }
0x80: {  	_ =	shalt  }
0x81: {  	_ =	shalt  }
0x82: {  	_ =	shalt  }
0x83: {  	_ =	shalt  }
0x84: {  	_ =	shalt  }
0x85: {  	_ =	shalt  }
0x86: {  	_ =	shalt  }
0x87: {  	_ =	shalt  }
.Lfunc_end0:
.L_simem_size_0:
called_computation.2_lowered:
.L_overlay_start_0:
0x88: {  	s2 =	sld [smem:$0x3FD9]  }
0x89: {  	s3 =	sld [smem:$0x3FFE];
	_ =	sdelay $0x1  }
0x8a: {  	s1 =	srdreg.scid  }
0x8b: {  	s0 =	sand.u32 $0x1, s1  }
0x8c: {  	s17 =	sshll.u32 s0, $0xA;
	s2 =	sadd.s32 s3, s2  }
0x8d: {  	s2 =	sadd.s32 s2, s17  }
0x8e: {  	[smem:$0x3FBB] =	sst s2  }
0x8f: {  	_ = 	snop  }
0x90: {  	s18 =	sld [smem:$0x3FD0];
	(tm) =	ssettm $0x1  }
0x91: {  	s19 =	sld [smem:$0x3FFB];
	_ =	sdelay $0x3  }
0x92: {  	_ =	strace s19  }
0x93: {  	s2 =	sld [smem:$0x3FFC];
	_ =	sdelay $0x3  }
0x94: {  	_ =	strace s2  }
0x95: {  	s2 =	sld [smem:$0x3FFD];
	_ =	sdelay $0x3  }
0x96: {  	_ =	strace s2  }
0x97: {  	_ =	strace $0x8FFFFFFF  }
0x98: {  	s20 =	sld [smem:$0x3FDB];
	_ =	sdelay $0x1  }
0x99: {  	s4 =	simm.s32 $_scs_section_size  }
0x9a: {  	s5 =	simm.s32 $_size__tile_overlayer_lowered;
	s6 =	simm.s32 $_tile_overlayer_lowered  }
0x9b: {  	s7 =	simm.s32 $0x1BFF;
	s21 =	sshll.u32 s6, $0x1;
	s4 =	sadd.s32 s4, s20  }
0x9c: {  	s22 =	simm.s32 $0x0;
	s5 =	sshll.u32 s5, $0x1;
	s6 =	sadd.s32 s21, s4  }
0x9d: {  	[timem:s22], [sflag:s7] =	dma.local [hbm:s6], s5  }
0x9e: {  	_ =	swait.ge [sflag:s7], s5  }
0x9f: {  	s5 =	ssub.s32 $0x0, s5;
	[sflag:s7] =	ssyncset.done $0x0  }
0xa0: {  	[sflag:s7] =	ssyncadd.s32 s5;
	_ =	sdelay $0x1  }
0xa1: {  	s23 =	simm.s32 $0x1B8B  }
0xa2: {  	_ =	swait.ge [sflag:s23], $0x1  }
0xa3: {  	[sflag:s23] =	ssyncset.done $0x0  }
0xa4: {  	[sflag:s23] =	ssyncadd.s32 $0xFFFFFFFF  }
0xa5: {  	s5 =	sld [smem:$0x0]  }
0xa6: {  	s6 =	sand.u32 $0xFFFFFFFE, s1  }
0xa7: {  	p0 =	sne.s32 s1, s6  }
0xa8: {  	s6 =	sshll.u32 @p0 s6, $0xE  }
0xa9: {  	s6 =	sadd.s32 @p0 $0x11B8D, s6;
	s7 =	sshll.u32 @p0 s5, $0x11  }
0xaa: {  	s6 =	sor.u32 @p0 s7, s6  }
0xab: {  	[sflag:s6] =	ssyncadd.remote.s32 @p0 $0x1;
	_ =	sdelay $0x1  }
0xac: {  	s6 =	simm.s32 @p0 $0x1B8D  }
0xad: {  	_ =	swait.eq @p0 [sflag:s6], $0x1  }
0xae: {  	[sflag:s6] =	ssyncadd.s32 @p0 $0xFFFFFFFF  }
0xaf: {  	s7 =	sshll.u32 @!p0 s1, $0xE  }
0xb0: {  	s7 =	sor.u32 @!p0 $0x4000, s7;
	s6 =	simm.s32 @!p0 $0x1B8D  }
0xb1: {  	s5 =	sshll.u32 @!p0 s5, $0x11;
	s7 =	sadd.s32 @!p0 $0x11B8D, s7;
	_ =	swait.eq @!p0 [sflag:s6], $0x1  }
0xb2: {  	s5 =	sor.u32 @!p0 s5, s7;
	[sflag:s6] =	ssyncadd.s32 @!p0 $0xFFFFFFFF  }
0xb3: {  	s25 =	simm.s32 $0x1B8E;
	s24 =	sld [smem:$0x3FFE];
	[sflag:s5] =	ssyncadd.remote.s32 @!p0 $0x1  }
0xb4: {  	s26 =	simm.s32 $execute0_lowered;
	[smem:$0x3FD2] =	sst s25  }
0xb5: {  	s6 =	sshll.u32 s26, $0x1;
	_ =	strace $0x80000052;
	[dreg:$0x1] =	wrdreg $0xFFFFFFFF  }
0xb6: {  	s28 =	simm.s32 $_size_execute0_lowered;
	s4 =	sadd.s32 s4, s6;
	[dreg:$0x0] =	wrdreg $0x0  }
0xb7: {  	s6 =	sshll.u32 s28, $0x1;
	[dreg:$0x2] =	wrdreg s4  }
0xb8: {  	[dreg:$0x3] =	wrdreg s6  }
0xb9: {  	[dreg:$0x4] =	wrdreg $0xC0  }
0xba: {  	_ =	task [dreg:s22], $0x5FFFF  }
0xbb: {  	[dreg:$0x1] =	wrdreg $0xFFFFFFFF  }
0xbc: {  	[dreg:$0x0] =	wrdreg $0x60  }
0xbd: {  	[dreg:$0x2] =	wrdreg s24  }
0xbe: {  	[dreg:$0x3] =	wrdreg s18  }
0xbf: {  	[dreg:$0x4] =	wrdreg $0xB  }
0xc0: {  	_ =	task.clear_ibuf [dreg:s22], $0x5FFFF;
	_ =	strace $0x90000052  }
0xc1: {  	s29 =	simm.s32 $0xB;
	_ =	strace $0x80000054  }
0xc2: {  	_ =	swait.ge [sflag:s29], $0x1  }
0xc3: {  	[sflag:s29] =	ssyncadd.s32 $0xFFFFFFFF  }
0xc4: {  	_ =	strace $0x90000054  }
0xc5: {  	_ =	sfence  }
0xc6: {  	s30 =	sld [smem:$0x0];
	_ =	sdelay $0x2  }
0xc7: {  	s31 =	sshll.u32 s1, $0xD;
	s1 =	sshrl.u32 s1, $0x2  }
0xc8: {  	s4 =	sand.u32 $0x4000, s31;
	s1 =	sadd.s32 s1, s30  }
0xc9: {  	s0 =	sor.u32 s4, s0;
	s1 =	sshll.u32 s1, $0x11  }
0xca: {  	s0 =	sor.u32 s1, s0  }
0xcb: {  	s0 =	sadd.s32 $0x8F2B, s0  }
0xcc: {  	[sflag:s0] =	ssyncadd.remote.s32 $0x1  }
0xcd: {  	_ =	sfence.sel $0xFFFF  }
0xce: {  	[dreg:$0x0] =	wrdreg $0xFFFFFFFF;
	(pc) =	sbr.abs _section_cstart, $3  }
0xcf: {  	[dreg:$0x1] =	wrdreg $0xFFFFFFFF  }
0xd0: {  	_ =	task.clear_ibuf [dreg:s22], $0x2FFFF;
	_ =	strace $0x9FFFFFFF  }
0xd1: {  	(tm) =	ssettm $0x7FFFFFFF  }
tec
execute0_lowered:
.L_overlay_start_1:
0x0: {  	(tag) =	ssettag $0x1  }
0x1: {  	s4 =	rddreg [dreg:$0x0]  }
0x2: {  	s5 =	rddreg [dreg:$0x1]  }
0x3: {  	s0 =	rddreg [dreg:$0x2];
	s1 =	simm.s32 $0x0  }
0x4: {  	s6 =	srdreg.scid;
	s2 =	stileid.u32;
	s10 =	simm.s32 $0x8200  }
0x5: {  	s11 =	simm.s32 $0x1;
	s12 =	simm.s32 $0x2;
	s13 =	simm.s32 $0x3  }
0x6: {  	s14 =	simm.s32 $0x4;
	s15 =	simm.s32 $0x0;
	[smem:$0x7FF] =	sst s1  }
0x7: {  	s3 =	sadd.s32 $0x83400, s4;
	s6 =	sand.u32 $0x1, s6;
	s7 =	sshll.u32 s2, $0x10  }
0x8: {  	s8 =	sshll.u32 s2, $0xC;
	_ =	strace $0x80000053;
	s9 =	sshll.u32 s6, $0xB  }
0x9: {  	s4 =	sadd.s32 s7, s4;
	s30 =	ssub.s32 $0x2, s6;
	s6 =	sshll.u32 s6, $0xF  }
0xa: {  	s8 =	sor.u32 s9, s8;
	s31 =	sshrl.u32 s30, $0x1;
	s6 =	sadd.s32 s6, s4  }
0xb: {  	s9 =	simm.s32 $0x200;
	s8 =	sshrl.u32 s8, $0x3;
	s7 =	ssub.s32 s30, s31  }
0xc: {  	s8 =	sadd.s32 s8, s5;
	s4 =	smax.u32 s7, $0x1;
	s5 =	sadd.s32 $0x503400, s6  }
0xd: {  	s7 =	simm.s32 $0x5;
	s6 =	sadd.s32 $0x4020, s8;
	s8 =	simm.s32 $0x100  }
.LBB2_1:
0xe: {  	s16 =	sadd.s32 $0xFFFFFFE0, s6  }
0xf: {  	[tilespmem:s1], [sflag:$0x5] =	stream.linear.gather [hbm4b:s16+s1], $0x100, $0x38;
	[tilespmem:$0x10200] =	vst v63  }
0x10: {  	_ =	swait.ge [sflag:s7], $0x100  }
0x11: {  	[sflag:s7] =	ssyncset.done $0x0  }
0x12: {  	[sflag:s7] =	ssyncadd.s32 $0xFFFFFF00  }
0x13: {  	[tilespmem:s9], [sflag:$0x1] =	stream.indirect.gather [hbm4b:s3+s8], $0x80, s1, s8, $0xb8;
	[tilespmem:$0x10200] =	vst v63  }
0x14: {  	_ = 	snop  }
0x15: {  	[tilespmem:s8], [sflag:$0x5] =	stream.linear.gather [hbm4b:s6+s1], $0x100, $0x38;
	[tilespmem:$0x10200] =	vst v63  }
0x16: {  	_ =	swait.ge [sflag:s7], $0x100  }
0x17: {  	[sflag:s7] =	ssyncset.done $0x0  }
0x18: {  	[sflag:s7] =	ssyncadd.s32 $0xFFFFFF00  }
0x19: {  	[tilespmem:s10], [sflag:$0x2] =	stream.indirect.gather [hbm4b:s3+s8], $0x80, s8, s8, $0xb8;
	[tilespmem:$0x10200] =	vst v63  }
0x1a: {  	_ =	swait.ge [sflag:s11], $0x8000  }
0x1b: {  	[sflag:s11] =	ssyncset.done $0x0  }
0x1c: {  	s31 =	sadd.s32 $0x0, s5;
	[sflag:s11] =	ssyncadd.s32 $0xFFFF8000  }
0x1d: {  	[hbm4b:s31+s1] =	stream.linear.scatter [tilespmem:s9], [sflag:$0x3], $0x8000, $0x38;
	[tilespmem:$0x10200] =	vst v63  }
0x1e: {  	_ =	swait.ge [sflag:s12], $0x8000  }
0x1f: {  	[sflag:s12] =	ssyncset.done $0x0  }
0x20: {  	s16 =	sadd.s32 $0x1000, s31;
	[sflag:s12] =	ssyncadd.s32 $0xFFFF8000  }
0x21: {  	[hbm4b:s16+s1] =	stream.linear.scatter [tilespmem:s10], [sflag:$0x4], $0x8000, $0x38;
	[tilespmem:$0x10200] =	vst v63  }
0x22: {  	_ =	swait.ge [sflag:s13], $0x8000  }
0x23: {  	[sflag:s13] =	ssyncset.done $0x0  }
0x24: {  	[sflag:s13] =	ssyncadd.s32 $0xFFFF8000  }
0x25: {  	s18 =	simm.s32 $0x4000;
	_ =	swait.ge [sflag:s14], $0x8000  }
0x26: {  	s17 =	sadd.s32 $0x40, s6;
	s16 =	simm.s32 $0x2000;
	[sflag:s14] =	ssyncset.done $0x0  }
.LBB2_2:
0x27: {  	p0 =	sne.s32 s18, $0x6000;
	s19 =	sadd.s32 $0xFFFFFFE0, s17;
	[sflag:s14] =	ssyncadd.s32 $0xFFFF8000  }
0x28: {  	[tilespmem:s1], [sflag:$0x5] =	stream.linear.gather [hbm4b:s19+s1], $0x100, $0x38;
	[tilespmem:$0x10200] =	vst v63  }
0x29: {  	s19 =	smov.u32 s18;
	s18 =	sadd.s32 $0x2000, s18;
	_ =	swait.ge [sflag:s7], $0x100  }
0x2a: {  	[sflag:s7] =	ssyncset.done $0x0  }
0x2b: {  	[sflag:s7] =	ssyncadd.s32 $0xFFFFFF00  }
0x2c: {  	[tilespmem:s9], [sflag:$0x1] =	stream.indirect.gather [hbm4b:s3+s8], $0x80, s1, s8, $0xb8;
	[tilespmem:$0x10200] =	vst v63  }
0x2d: {  	_ = 	snop  }
0x2e: {  	[tilespmem:s8], [sflag:$0x5] =	stream.linear.gather [hbm4b:s17+s1], $0x100, $0x38;
	[tilespmem:$0x10200] =	vst v63  }
0x2f: {  	_ =	swait.ge [sflag:s7], $0x100  }
0x30: {  	[sflag:s7] =	ssyncset.done $0x0  }
0x31: {  	[sflag:s7] =	ssyncadd.s32 $0xFFFFFF00  }
0x32: {  	[tilespmem:s10], [sflag:$0x2] =	stream.indirect.gather [hbm4b:s3+s8], $0x80, s8, s8, $0xb8;
	[tilespmem:$0x10200] =	vst v63  }
0x33: {  	_ =	swait.ge [sflag:s11], $0x8000  }
0x34: {  	[sflag:s11] =	ssyncset.done $0x0  }
0x35: {  	s20 =	sadd.s32 s16, s5;
	s16 =	smov.u32 s19;
	[sflag:s11] =	ssyncadd.s32 $0xFFFF8000  }
0x36: {  	[hbm4b:s20+s1] =	stream.linear.scatter [tilespmem:s9], [sflag:$0x3], $0x8000, $0x38;
	[tilespmem:$0x10200] =	vst v63  }
0x37: {  	_ =	swait.ge [sflag:s12], $0x8000  }
0x38: {  	[sflag:s12] =	ssyncset.done $0x0  }
0x39: {  	s19 =	sadd.s32 $0x1000, s20;
	[sflag:s12] =	ssyncadd.s32 $0xFFFF8000  }
0x3a: {  	[hbm4b:s19+s1] =	stream.linear.scatter [tilespmem:s10], [sflag:$0x4], $0x8000, $0x38;
	[tilespmem:$0x10200] =	vst v63  }
.Ltmp0:
0x3b: {  	_ =	swait.ge [sflag:s13], $0x8000;
	(pc) =	sbr.rel @p0 .LBB2_2-.Ltmp0, $4  }
0x3c: {  	[sflag:s13] =	ssyncset.done $0x0  }
0x3d: {  	[sflag:s13] =	ssyncadd.s32 $0xFFFF8000  }
0x3e: {  	_ =	swait.ge [sflag:s14], $0x8000  }
0x3f: {  	s17 =	sadd.s32 $0x40, s17;
	[sflag:s14] =	ssyncset.done $0x0  }
0x40: {  	s18 =	sadd.s32 $0xFFFFFFE0, s17;
	[sflag:s14] =	ssyncadd.s32 $0xFFFF8000  }
0x41: {  	[tilespmem:s1], [sflag:$0x5] =	stream.linear.gather [hbm4b:s18+s1], $0x100, $0x38;
	[tilespmem:$0x10200] =	vst v63  }
0x42: {  	_ =	swait.ge [sflag:s7], $0x100  }
0x43: {  	[sflag:s7] =	ssyncset.done $0x0  }
0x44: {  	[sflag:s7] =	ssyncadd.s32 $0xFFFFFF00  }
0x45: {  	[tilespmem:s9], [sflag:$0x1] =	stream.indirect.gather [hbm4b:s3+s8], $0x80, s1, s8, $0xb8;
	[tilespmem:$0x10200] =	vst v63  }
0x46: {  	_ = 	snop  }
0x47: {  	[tilespmem:s8], [sflag:$0x5] =	stream.linear.gather [hbm4b:s17+s1], $0x100, $0x38;
	[tilespmem:$0x10200] =	vst v63  }
0x48: {  	_ =	swait.ge [sflag:s7], $0x100  }
0x49: {  	[sflag:s7] =	ssyncset.done $0x0  }
0x4a: {  	[sflag:s7] =	ssyncadd.s32 $0xFFFFFF00  }
0x4b: {  	[tilespmem:s10], [sflag:$0x2] =	stream.indirect.gather [hbm4b:s3+s8], $0x80, s8, s8, $0xb8;
	[tilespmem:$0x10200] =	vst v63  }
0x4c: {  	_ =	swait.ge [sflag:s11], $0x8000  }
0x4d: {  	[sflag:s11] =	ssyncset.done $0x0  }
0x4e: {  	s16 =	sadd.s32 s16, s5;
	[sflag:s11] =	ssyncadd.s32 $0xFFFF8000  }
0x4f: {  	[hbm4b:s16+s1] =	stream.linear.scatter [tilespmem:s9], [sflag:$0x3], $0x8000, $0x38;
	[tilespmem:$0x10200] =	vst v63  }
0x50: {  	_ =	swait.ge [sflag:s12], $0x8000  }
0x51: {  	[sflag:s12] =	ssyncset.done $0x0  }
0x52: {  	s15 =	sadd.s32 $0x1, s15;
	s16 =	sadd.s32 $0x1000, s16;
	[sflag:s12] =	ssyncadd.s32 $0xFFFF8000  }
0x53: {  	[hbm4b:s16+s1] =	stream.linear.scatter [tilespmem:s10], [sflag:$0x4], $0x8000, $0x38;
	[tilespmem:$0x10200] =	vst v63  }
0x54: {  	p0 =	sne.s32 s15, s4;
	_ =	swait.ge [sflag:s13], $0x8000  }
.Ltmp1:
0x55: {  	[sflag:s13] =	ssyncset.done $0x0;
	(pc) =	sbr.rel @p0 .LBB2_1-.Ltmp1, $4  }
0x56: {  	[sflag:s13] =	ssyncadd.s32 $0xFFFF8000  }
0x57: {  	_ =	swait.ge [sflag:s14], $0x8000  }
0x58: {  	[sflag:s14] =	ssyncset.done $0x0  }
0x59: {  	[sflag:s14] =	ssyncadd.s32 $0xFFFF8000  }
0x5a: {  	_ =	sfence.sel $0x180000  }
0x5b: {  	[bflag:$0x0] =	sbarrier.arrive $0xFFFF  }
0x5c: {  	p0 =	sne.s32 s2, $0x0;
	_ =	strace $0x90000053  }
0x5d: {  	s0 =	sadd.s32 @!p0 $0x100000, s0;
	[bflag:$0x2] =	sbarrier.arrive $0xFFFF  }
0x5e: {  	[sflag:s0] =	ssyncadd.tile.s32 @!p0 $0x1;
	_ =	shalt  }
.Lfunc_end2:
_tile_overlayer_lowered:
.L_overlay_start_2:
0x5f: {  	(tag) =	ssettag $0x2  }
0x60: {  	s0 =	rddreg [dreg:$0x0];
	s2 =	stileid.u32  }
0x61: {  	s1 =	rddreg [dreg:$0x1];
	p0 =	sne.s32 s2, $0x0  }
0x62: {  	s3 =	rddreg [dreg:$0x2];
	[bflag:$0x3] =	sbarrier.arrive $0xFFFF;
	s2 =	simm.s32 @!p0 $0x1C05  }
0x63: {  	[timem:s3], [sflag:s2] =	dma.local @!p0 [hbm:s0], s1  }
0x64: {  	s0 =	simm.s32 @!p0 $0x5  }
0x65: {  	_ =	swait.ge @!p0 [sflag:s0], s1  }
0x66: {  	s1 =	ssub.s32 @!p0 $0x0, s1;
	[sflag:s0] =	ssyncset.done @!p0 $0x0  }
0x67: {  	[sflag:s0] =	ssyncadd.s32 @!p0 s1  }
0x68: {  	[bflag:$0x3] =	sbarrier.arrive $0xFFFF  }
0x69: {  	_ =	shalt  }

// kernel: kernel.27.cloned.1.call-start
scs
__scs_entry_jumppad:
0x0: {  	(pc) =	sbr.rel $0x88, $3  }
0x1: {  	(tag) =	ssettag $0x0;
	lr =	simm.s32 $0x1  }
0x2: {  	[smem:$0x3F94] =	sst lr;
	_ =	strace $0xD0000000  }
0x3: {  	_ = 	snop  }
0x4: {  	_ = 	snop  }
0x5: {  	_ = 	snop  }
0x6: {  	_ = 	snop  }
0x7: {  	_ = 	snop  }
__scs_overlays_trampoline_lowered:
0x8: {  	[smem:$0x3FA3] =	sst s0  }
0x9: {  	[smem:$0x3FA4] =	sst s1  }
0xa: {  	[smem:$0x3FA5] =	sst s2  }
0xb: {  	[smem:$0x3FA6] =	sst s3  }
0xc: {  	[smem:$0x3FA7] =	sst s4  }
0xd: {  	[smem:$0x3FA8] =	sst s5  }
0xe: {  	[smem:$0x3FA9] =	sst s6  }
0xf: {  	[smem:$0x3FAA] =	sst s7  }
0x10: {  	[smem:$0x3FAB] =	sst s8  }
0x11: {  	[smem:$0x3FAC] =	sst s9;
	s0 =	simm.s32 @!p0 $0x0  }
0x12: {  	s1 =	sld [smem:$0x3F92];
	s0 =	simm.s32 @p0 $0x1  }
0x13: {  	[smem:$0x3FAD] =	sst s0;
	s0 =	simm.s32 @!p1 $0x0  }
0x14: {  	s2 =	sld [smem:$0x3F91];
	s0 =	simm.s32 @p1 $0x1  }
0x15: {  	[smem:$0x3FAE] =	sst s0;
	s0 =	simm.s32 @!p2 $0x0  }
0x16: {  	s3 =	sld [smem:$0x3FDB];
	s0 =	simm.s32 @p2 $0x1  }
0x17: {  	s4 =	simm.s32 $0x1BF5;
	[smem:$0x3FB0] =	sst s0  }
0x18: {  	s0 =	sld [smem:$0x3F93];
	_ =	swait.ge [sflag:s4], $0x0  }
0x19: {  	s7 =	sld [smem:$0x3F94]  }
0x1a: {  	s8 =	sadd.s32 $0xFFFFE003, lr  }
0x1b: {  	s9 =	sadd.s32 $0xFFFFFEF7, lr;
	s5 =	simm.s32 $0xFFFFFFFF;
	p2 =	slt.u32 s8, $0xFFFFF086  }
0x1c: {  	p1 =	slt.u32 s9, $0xF7A;
	s5 =	simm.s32 @!p2 $0x0  }
0x1d: {  	s5 =	simm.s32 @p1 $0x1;
	p0 =	seq.s32 s7, s2  }
0x1e: {  	s7 =	smul.u32 @!p0 $0xF7A, s2;
	p2 =	seq.s32 @!p0 s5, $0x0  }
0x1f: {  	s9 =	smul.u32 $0xF7A, s1;
	s8 =	simm.s32 @!p0 $0x1BF5;
	p2 =	por !p2, p0  }
0x20: {  	[sflag:s8] =	ssyncset.s32 @!p0 $0xFFFFF086;
	s6 =	sadd.s32 @!p0 s3, s7;
	s7 =	simm.s32 @!p0 $0x108  }
0x21: {  	s3 =	sadd.s32 s3, s9;
	s6 =	sadd.s32 @!p0 $0x88, s6;
	s7 =	simm.s32 @p2 $0x1082  }
0x22: {  	[simem:s7], [sflag:s8] =	dma.local @!p0 [hbm:s6], $0xF7A  }
0x23: {  	s9 =	sor.u32 $0xD0000000, s2;
	s6 =	simm.s32 $0x108;
	_ =	swait.ge @!p0 [sflag:s8], $0x0  }
0x24: {  	s3 =	sadd.s32 $0x88, s3;
	s6 =	simm.s32 @!p1 $0x1082;
	[sflag:s4] =	ssyncset.s32 $0xFFFFF086  }
0x25: {  	[simem:s6], [sflag:s4] =	dma.local [hbm:s3], $0xF7A  }
0x26: {  	[smem:$0x3F94] =	sst s1;
	(tag) =	ssettag s2;
	_ =	strace s9  }
0x27: {  	s1 =	sld [smem:$0x3FA4]  }
0x28: {  	s2 =	sld [smem:$0x3FA5]  }
0x29: {  	s4 =	sld [smem:$0x3FA7]  }
0x2a: {  	p0 =	seq.s32 s5, $0x0;
	s5 =	sld [smem:$0x3FA8]  }
0x2b: {  	s6 =	sld [smem:$0x3FA9]  }
0x2c: {  	s7 =	sld [smem:$0x3FAA]  }
0x2d: {  	s3 =	simm.s32 $0x108;
	s8 =	sld [smem:$0x3FAB]  }
0x2e: {  	s3 =	simm.s32 @!p0 $0x1082;
	s9 =	sld [smem:$0x3FAC]  }
0x2f: {  	lr =	sadd.s32 s0, s3;
	s0 =	sld [smem:$0x3FA3]  }
0x30: {  	s3 =	sld [smem:$0x3FA6]  }
0x31: {  	[smem:$0x3FAF] =	sst s10  }
0x32: {  	s10 =	sld [smem:$0x3FAD];
	_ =	sdelay $0x3  }
0x33: {  	p0 =	seq.s32 s10, $0x1;
	s10 =	sld [smem:$0x3FAF];
	_ =	sdelay $0x3  }
0x34: {  	[smem:$0x3FAF] =	sst s10  }
0x35: {  	s10 =	sld [smem:$0x3FAE];
	_ =	sdelay $0x3  }
0x36: {  	p1 =	seq.s32 s10, $0x1;
	s10 =	sld [smem:$0x3FAF];
	_ =	sdelay $0x3  }
0x37: {  	[smem:$0x3FAF] =	sst s10  }
0x38: {  	s10 =	sld [smem:$0x3FB0]  }
0x39: {  	_ = 	snop;
	(pc) =	sbr.ind lr, $3  }
0x3a: {  	_ = 	snop  }
0x3b: {  	_ = 	snop  }
0x3c: {  	p2 =	seq.s32 s10, $0x1;
	s10 =	sld [smem:$0x3FAF]  }
0x3d: {  	_ =	shalt  }
0x3e: {  	_ =	shalt  }
0x3f: {  	_ =	shalt  }
0x40: {  	_ =	shalt  }
0x41: {  	_ =	shalt  }
0x42: {  	_ =	shalt  }
0x43: {  	_ =	shalt  }
0x44: {  	_ =	shalt  }
0x45: {  	_ =	shalt  }
0x46: {  	_ =	shalt  }
0x47: {  	_ =	shalt  }
0x48: {  	_ =	shalt  }
0x49: {  	_ =	shalt  }
0x4a: {  	_ =	shalt  }
0x4b: {  	_ =	shalt  }
0x4c: {  	_ =	shalt  }
0x4d: {  	_ =	shalt  }
0x4e: {  	_ =	shalt  }
0x4f: {  	_ =	shalt  }
0x50: {  	_ =	shalt  }
0x51: {  	_ =	shalt  }
0x52: {  	_ =	shalt  }
0x53: {  	_ =	shalt  }
0x54: {  	_ =	shalt  }
0x55: {  	_ =	shalt  }
0x56: {  	_ =	shalt  }
0x57: {  	_ =	shalt  }
0x58: {  	_ =	shalt  }
0x59: {  	_ =	shalt  }
0x5a: {  	_ =	shalt  }
0x5b: {  	_ =	shalt  }
0x5c: {  	_ =	shalt  }
0x5d: {  	_ =	shalt  }
0x5e: {  	_ =	shalt  }
0x5f: {  	_ =	shalt  }
0x60: {  	_ =	shalt  }
0x61: {  	_ =	shalt  }
0x62: {  	_ =	shalt  }
0x63: {  	_ =	shalt  }
0x64: {  	_ =	shalt  }
0x65: {  	_ =	shalt  }
0x66: {  	_ =	shalt  }
0x67: {  	_ =	shalt  }
0x68: {  	_ =	shalt  }
0x69: {  	_ =	shalt  }
0x6a: {  	_ =	shalt  }
0x6b: {  	_ =	shalt  }
0x6c: {  	_ =	shalt  }
0x6d: {  	_ =	shalt  }
0x6e: {  	_ =	shalt  }
0x6f: {  	_ =	shalt  }
0x70: {  	_ =	shalt  }
0x71: {  	_ =	shalt  }
0x72: {  	_ =	shalt  }
0x73: {  	_ =	shalt  }
0x74: {  	_ =	shalt  }
0x75: {  	_ =	shalt  }
0x76: {  	_ =	shalt  }
0x77: {  	_ =	shalt  }
0x78: {  	_ =	shalt  }
0x79: {  	_ =	shalt  }
0x7a: {  	_ =	shalt  }
0x7b: {  	_ =	shalt  }
0x7c: {  	_ =	shalt  }
0x7d: {  	_ =	shalt  }
0x7e: {  	_ =	shalt  }
0x7f: {  	_ =	shalt  }
0x80: {  	_ =	shalt  }
0x81: {  	_ =	shalt  }
0x82: {  	_ =	shalt  }
0x83: {  	_ =	shalt  }
0x84: {  	_ =	shalt  }
0x85: {  	_ =	shalt  }
0x86: {  	_ =	shalt  }
0x87: {  	_ =	shalt  }
.Lfunc_end0:
.L_simem_size_0:
called_computation.3_lowered:
.L_overlay_start_0:
0x88: {  	s2 =	sld [smem:$0x3FD9]  }
0x89: {  	s3 =	sld [smem:$0x3FFE];
	_ =	sdelay $0x1  }
0x8a: {  	s1 =	srdreg.scid  }
0x8b: {  	s0 =	sand.u32 $0x1, s1  }
0x8c: {  	s17 =	sshll.u32 s0, $0xA;
	s2 =	sadd.s32 s3, s2  }
0x8d: {  	s2 =	sadd.s32 s2, s17  }
0x8e: {  	[smem:$0x3FBB] =	sst s2  }
0x8f: {  	_ = 	snop  }
0x90: {  	s18 =	sld [smem:$0x3FD0];
	(tm) =	ssettm $0x1  }
0x91: {  	s19 =	sld [smem:$0x3FFB];
	_ =	sdelay $0x3  }
0x92: {  	_ =	strace s19  }
0x93: {  	s2 =	sld [smem:$0x3FFC];
	_ =	sdelay $0x3  }
0x94: {  	_ =	strace s2  }
0x95: {  	s2 =	sld [smem:$0x3FFD];
	_ =	sdelay $0x3  }
0x96: {  	_ =	strace s2  }
0x97: {  	_ =	strace $0x8FFFFFFF  }
0x98: {  	s20 =	sld [smem:$0x3FDB];
	_ =	sdelay $0x1  }
0x99: {  	s4 =	simm.s32 $_scs_section_size  }
0x9a: {  	s5 =	simm.s32 $_size__tile_overlayer_lowered;
	s6 =	simm.s32 $_tile_overlayer_lowered  }
0x9b: {  	s7 =	simm.s32 $0x1BFF;
	s21 =	sshll.u32 s6, $0x1;
	s4 =	sadd.s32 s4, s20  }
0x9c: {  	s22 =	simm.s32 $0x0;
	s5 =	sshll.u32 s5, $0x1;
	s6 =	sadd.s32 s21, s4  }
0x9d: {  	[timem:s22], [sflag:s7] =	dma.local [hbm:s6], s5  }
0x9e: {  	_ =	swait.ge [sflag:s7], s5  }
0x9f: {  	s5 =	ssub.s32 $0x0, s5;
	[sflag:s7] =	ssyncset.done $0x0  }
0xa0: {  	[sflag:s7] =	ssyncadd.s32 s5;
	_ =	sdelay $0x1  }
0xa1: {  	s23 =	simm.s32 $0x1B8B  }
0xa2: {  	_ =	swait.ge [sflag:s23], $0x1  }
0xa3: {  	[sflag:s23] =	ssyncset.done $0x0  }
0xa4: {  	[sflag:s23] =	ssyncadd.s32 $0xFFFFFFFF  }
0xa5: {  	s5 =	sld [smem:$0x0]  }
0xa6: {  	s6 =	sand.u32 $0xFFFFFFFE, s1  }
0xa7: {  	p0 =	sne.s32 s1, s6  }
0xa8: {  	s6 =	sshll.u32 @p0 s6, $0xE  }
0xa9: {  	s6 =	sadd.s32 @p0 $0x11B8D, s6;
	s7 =	sshll.u32 @p0 s5, $0x11  }
0xaa: {  	s6 =	sor.u32 @p0 s7, s6  }
0xab: {  	[sflag:s6] =	ssyncadd.remote.s32 @p0 $0x1;
	_ =	sdelay $0x1  }
0xac: {  	s6 =	simm.s32 @p0 $0x1B8D  }
0xad: {  	_ =	swait.eq @p0 [sflag:s6], $0x1  }
0xae: {  	[sflag:s6] =	ssyncadd.s32 @p0 $0xFFFFFFFF  }
0xaf: {  	s7 =	sshll.u32 @!p0 s1, $0xE  }
0xb0: {  	s7 =	sor.u32 @!p0 $0x4000, s7;
	s6 =	simm.s32 @!p0 $0x1B8D  }
0xb1: {  	s5 =	sshll.u32 @!p0 s5, $0x11;
	s7 =	sadd.s32 @!p0 $0x11B8D, s7;
	_ =	swait.eq @!p0 [sflag:s6], $0x1  }
0xb2: {  	s5 =	sor.u32 @!p0 s5, s7;
	[sflag:s6] =	ssyncadd.s32 @!p0 $0xFFFFFFFF  }
0xb3: {  	s25 =	simm.s32 $0x1B8E;
	s24 =	sld [smem:$0x3FFE];
	[sflag:s5] =	ssyncadd.remote.s32 @!p0 $0x1  }
0xb4: {  	s26 =	simm.s32 $execute0_lowered;
	[smem:$0x3FD2] =	sst s25  }
0xb5: {  	s6 =	sshll.u32 s26, $0x1;
	_ =	strace $0x8000004F;
	[dreg:$0x1] =	wrdreg $0xFFFFFFFF  }
0xb6: {  	s28 =	simm.s32 $_size_execute0_lowered;
	s4 =	sadd.s32 s4, s6;
	[dreg:$0x0] =	wrdreg $0x0  }
0xb7: {  	s6 =	sshll.u32 s28, $0x1;
	[dreg:$0x2] =	wrdreg s4  }
0xb8: {  	[dreg:$0x3] =	wrdreg s6  }
0xb9: {  	[dreg:$0x4] =	wrdreg $0xC0  }
0xba: {  	_ =	task [dreg:s22], $0x5FFFF  }
0xbb: {  	[dreg:$0x1] =	wrdreg $0xFFFFFFFF  }
0xbc: {  	[dreg:$0x0] =	wrdreg $0x60  }
0xbd: {  	[dreg:$0x2] =	wrdreg s24  }
0xbe: {  	[dreg:$0x3] =	wrdreg s18  }
0xbf: {  	[dreg:$0x4] =	wrdreg $0xC  }
0xc0: {  	_ =	task.clear_ibuf [dreg:s22], $0x5FFFF;
	_ =	strace $0x9000004F  }
0xc1: {  	s29 =	simm.s32 $0xC;
	_ =	strace $0x80000051  }
0xc2: {  	_ =	swait.ge [sflag:s29], $0x1  }
0xc3: {  	[sflag:s29] =	ssyncadd.s32 $0xFFFFFFFF  }
0xc4: {  	_ =	strace $0x90000051  }
0xc5: {  	_ =	sfence  }
0xc6: {  	s30 =	sld [smem:$0x0];
	_ =	sdelay $0x2  }
0xc7: {  	s31 =	sshll.u32 s1, $0xD;
	s1 =	sshrl.u32 s1, $0x2  }
0xc8: {  	s4 =	sand.u32 $0x4000, s31;
	s1 =	sadd.s32 s1, s30  }
0xc9: {  	s0 =	sor.u32 s4, s0;
	s1 =	sshll.u32 s1, $0x11  }
0xca: {  	s0 =	sor.u32 s1, s0  }
0xcb: {  	s0 =	sadd.s32 $0x8F2B, s0  }
0xcc: {  	[sflag:s0] =	ssyncadd.remote.s32 $0x1  }
0xcd: {  	_ =	sfence.sel $0xFFFF  }
0xce: {  	[dreg:$0x0] =	wrdreg $0xFFFFFFFF;
	(pc) =	sbr.abs _section_cstart, $3  }
0xcf: {  	[dreg:$0x1] =	wrdreg $0xFFFFFFFF  }
0xd0: {  	_ =	task.clear_ibuf [dreg:s22], $0x2FFFF;
	_ =	strace $0x9FFFFFFF  }
0xd1: {  	(tm) =	ssettm $0x7FFFFFFF  }
tec
execute0_lowered:
.L_overlay_start_1:
0x0: {  	(tag) =	ssettag $0x1  }
0x1: {  	s4 =	rddreg [dreg:$0x0]  }
0x2: {  	s5 =	rddreg [dreg:$0x1]  }
0x3: {  	s0 =	rddreg [dreg:$0x2];
	s1 =	simm.s32 $0x0  }
0x4: {  	s6 =	srdreg.scid;
	s2 =	stileid.u32;
	s10 =	simm.s32 $0x8200  }
0x5: {  	s11 =	simm.s32 $0x1;
	s12 =	simm.s32 $0x2;
	s13 =	simm.s32 $0x3  }
0x6: {  	s14 =	simm.s32 $0x4;
	s15 =	simm.s32 $0x0;
	[smem:$0x7FF] =	sst s1  }
0x7: {  	s3 =	sadd.s32 $0x83400, s4;
	s6 =	sand.u32 $0x1, s6;
	s7 =	sshll.u32 s2, $0x10  }
0x8: {  	s8 =	sshll.u32 s2, $0xC;
	_ =	strace $0x80000050;
	s9 =	sshll.u32 s6, $0xB  }
0x9: {  	s4 =	sadd.s32 s7, s4;
	s30 =	ssub.s32 $0x2, s6;
	s6 =	sshll.u32 s6, $0xF  }
0xa: {  	s8 =	sor.u32 s9, s8;
	s31 =	sshrl.u32 s30, $0x1;
	s6 =	sadd.s32 s6, s4  }
0xb: {  	s9 =	simm.s32 $0x200;
	s8 =	sshrl.u32 s8, $0x3;
	s7 =	ssub.s32 s30, s31  }
0xc: {  	s8 =	sadd.s32 s8, s5;
	s4 =	smax.u32 s7, $0x1;
	s5 =	sadd.s32 $0x403400, s6  }
0xd: {  	s7 =	simm.s32 $0x5;
	s6 =	sadd.s32 $0x6020, s8;
	s8 =	simm.s32 $0x100  }
.LBB2_1:
0xe: {  	s16 =	sadd.s32 $0xFFFFFFE0, s6  }
0xf: {  	[tilespmem:s1], [sflag:$0x5] =	stream.linear.gather [hbm4b:s16+s1], $0x100, $0x38;
	[tilespmem:$0x10200] =	vst v63  }
0x10: {  	_ =	swait.ge [sflag:s7], $0x100  }
0x11: {  	[sflag:s7] =	ssyncset.done $0x0  }
0x12: {  	[sflag:s7] =	ssyncadd.s32 $0xFFFFFF00  }
0x13: {  	[tilespmem:s9], [sflag:$0x1] =	stream.indirect.gather [hbm4b:s3+s8], $0x80, s1, s8, $0xb8;
	[tilespmem:$0x10200] =	vst v63  }
0x14: {  	_ = 	snop  }
0x15: {  	[tilespmem:s8], [sflag:$0x5] =	stream.linear.gather [hbm4b:s6+s1], $0x100, $0x38;
	[tilespmem:$0x10200] =	vst v63  }
0x16: {  	_ =	swait.ge [sflag:s7], $0x100  }
0x17: {  	[sflag:s7] =	ssyncset.done $0x0  }
0x18: {  	[sflag:s7] =	ssyncadd.s32 $0xFFFFFF00  }
0x19: {  	[tilespmem:s10], [sflag:$0x2] =	stream.indirect.gather [hbm4b:s3+s8], $0x80, s8, s8, $0xb8;
	[tilespmem:$0x10200] =	vst v63  }
0x1a: {  	_ =	swait.ge [sflag:s11], $0x8000  }
0x1b: {  	[sflag:s11] =	ssyncset.done $0x0  }
0x1c: {  	s31 =	sadd.s32 $0x0, s5;
	[sflag:s11] =	ssyncadd.s32 $0xFFFF8000  }
0x1d: {  	[hbm4b:s31+s1] =	stream.linear.scatter [tilespmem:s9], [sflag:$0x3], $0x8000, $0x38;
	[tilespmem:$0x10200] =	vst v63  }
0x1e: {  	_ =	swait.ge [sflag:s12], $0x8000  }
0x1f: {  	[sflag:s12] =	ssyncset.done $0x0  }
0x20: {  	s16 =	sadd.s32 $0x1000, s31;
	[sflag:s12] =	ssyncadd.s32 $0xFFFF8000  }
0x21: {  	[hbm4b:s16+s1] =	stream.linear.scatter [tilespmem:s10], [sflag:$0x4], $0x8000, $0x38;
	[tilespmem:$0x10200] =	vst v63  }
0x22: {  	_ =	swait.ge [sflag:s13], $0x8000  }
0x23: {  	[sflag:s13] =	ssyncset.done $0x0  }
0x24: {  	[sflag:s13] =	ssyncadd.s32 $0xFFFF8000  }
0x25: {  	s18 =	simm.s32 $0x4000;
	_ =	swait.ge [sflag:s14], $0x8000  }
0x26: {  	s17 =	sadd.s32 $0x40, s6;
	s16 =	simm.s32 $0x2000;
	[sflag:s14] =	ssyncset.done $0x0  }
.LBB2_2:
0x27: {  	p0 =	sne.s32 s18, $0x6000;
	s19 =	sadd.s32 $0xFFFFFFE0, s17;
	[sflag:s14] =	ssyncadd.s32 $0xFFFF8000  }
0x28: {  	[tilespmem:s1], [sflag:$0x5] =	stream.linear.gather [hbm4b:s19+s1], $0x100, $0x38;
	[tilespmem:$0x10200] =	vst v63  }
0x29: {  	s19 =	smov.u32 s18;
	s18 =	sadd.s32 $0x2000, s18;
	_ =	swait.ge [sflag:s7], $0x100  }
0x2a: {  	[sflag:s7] =	ssyncset.done $0x0  }
0x2b: {  	[sflag:s7] =	ssyncadd.s32 $0xFFFFFF00  }
0x2c: {  	[tilespmem:s9], [sflag:$0x1] =	stream.indirect.gather [hbm4b:s3+s8], $0x80, s1, s8, $0xb8;
	[tilespmem:$0x10200] =	vst v63  }
0x2d: {  	_ = 	snop  }
0x2e: {  	[tilespmem:s8], [sflag:$0x5] =	stream.linear.gather [hbm4b:s17+s1], $0x100, $0x38;
	[tilespmem:$0x10200] =	vst v63  }
0x2f: {  	_ =	swait.ge [sflag:s7], $0x100  }
0x30: {  	[sflag:s7] =	ssyncset.done $0x0  }
0x31: {  	[sflag:s7] =	ssyncadd.s32 $0xFFFFFF00  }
0x32: {  	[tilespmem:s10], [sflag:$0x2] =	stream.indirect.gather [hbm4b:s3+s8], $0x80, s8, s8, $0xb8;
	[tilespmem:$0x10200] =	vst v63  }
0x33: {  	_ =	swait.ge [sflag:s11], $0x8000  }
0x34: {  	[sflag:s11] =	ssyncset.done $0x0  }
0x35: {  	s20 =	sadd.s32 s16, s5;
	s16 =	smov.u32 s19;
	[sflag:s11] =	ssyncadd.s32 $0xFFFF8000  }
0x36: {  	[hbm4b:s20+s1] =	stream.linear.scatter [tilespmem:s9], [sflag:$0x3], $0x8000, $0x38;
	[tilespmem:$0x10200] =	vst v63  }
0x37: {  	_ =	swait.ge [sflag:s12], $0x8000  }
0x38: {  	[sflag:s12] =	ssyncset.done $0x0  }
0x39: {  	s19 =	sadd.s32 $0x1000, s20;
	[sflag:s12] =	ssyncadd.s32 $0xFFFF8000  }
0x3a: {  	[hbm4b:s19+s1] =	stream.linear.scatter [tilespmem:s10], [sflag:$0x4], $0x8000, $0x38;
	[tilespmem:$0x10200] =	vst v63  }
.Ltmp0:
0x3b: {  	_ =	swait.ge [sflag:s13], $0x8000;
	(pc) =	sbr.rel @p0 .LBB2_2-.Ltmp0, $4  }
0x3c: {  	[sflag:s13] =	ssyncset.done $0x0  }
0x3d: {  	[sflag:s13] =	ssyncadd.s32 $0xFFFF8000  }
0x3e: {  	_ =	swait.ge [sflag:s14], $0x8000  }
0x3f: {  	s17 =	sadd.s32 $0x40, s17;
	[sflag:s14] =	ssyncset.done $0x0  }
0x40: {  	s18 =	sadd.s32 $0xFFFFFFE0, s17;
	[sflag:s14] =	ssyncadd.s32 $0xFFFF8000  }
0x41: {  	[tilespmem:s1], [sflag:$0x5] =	stream.linear.gather [hbm4b:s18+s1], $0x100, $0x38;
	[tilespmem:$0x10200] =	vst v63  }
0x42: {  	_ =	swait.ge [sflag:s7], $0x100  }
0x43: {  	[sflag:s7] =	ssyncset.done $0x0  }
0x44: {  	[sflag:s7] =	ssyncadd.s32 $0xFFFFFF00  }
0x45: {  	[tilespmem:s9], [sflag:$0x1] =	stream.indirect.gather [hbm4b:s3+s8], $0x80, s1, s8, $0xb8;
	[tilespmem:$0x10200] =	vst v63  }
0x46: {  	_ = 	snop  }
0x47: {  	[tilespmem:s8], [sflag:$0x5] =	stream.linear.gather [hbm4b:s17+s1], $0x100, $0x38;
	[tilespmem:$0x10200] =	vst v63  }
0x48: {  	_ =	swait.ge [sflag:s7], $0x100  }
0x49: {  	[sflag:s7] =	ssyncset.done $0x0  }
0x4a: {  	[sflag:s7] =	ssyncadd.s32 $0xFFFFFF00  }
0x4b: {  	[tilespmem:s10], [sflag:$0x2] =	stream.indirect.gather [hbm4b:s3+s8], $0x80, s8, s8, $0xb8;
	[tilespmem:$0x10200] =	vst v63  }
0x4c: {  	_ =	swait.ge [sflag:s11], $0x8000  }
0x4d: {  	[sflag:s11] =	ssyncset.done $0x0  }
0x4e: {  	s16 =	sadd.s32 s16, s5;
	[sflag:s11] =	ssyncadd.s32 $0xFFFF8000  }
0x4f: {  	[hbm4b:s16+s1] =	stream.linear.scatter [tilespmem:s9], [sflag:$0x3], $0x8000, $0x38;
	[tilespmem:$0x10200] =	vst v63  }
0x50: {  	_ =	swait.ge [sflag:s12], $0x8000  }
0x51: {  	[sflag:s12] =	ssyncset.done $0x0  }
0x52: {  	s15 =	sadd.s32 $0x1, s15;
	s16 =	sadd.s32 $0x1000, s16;
	[sflag:s12] =	ssyncadd.s32 $0xFFFF8000  }
0x53: {  	[hbm4b:s16+s1] =	stream.linear.scatter [tilespmem:s10], [sflag:$0x4], $0x8000, $0x38;
	[tilespmem:$0x10200] =	vst v63  }
0x54: {  	p0 =	sne.s32 s15, s4;
	_ =	swait.ge [sflag:s13], $0x8000  }
.Ltmp1:
0x55: {  	[sflag:s13] =	ssyncset.done $0x0;
	(pc) =	sbr.rel @p0 .LBB2_1-.Ltmp1, $4  }
0x56: {  	[sflag:s13] =	ssyncadd.s32 $0xFFFF8000  }
0x57: {  	_ =	swait.ge [sflag:s14], $0x8000  }
0x58: {  	[sflag:s14] =	ssyncset.done $0x0  }
0x59: {  	[sflag:s14] =	ssyncadd.s32 $0xFFFF8000  }
0x5a: {  	_ =	sfence.sel $0x180000  }
0x5b: {  	[bflag:$0x0] =	sbarrier.arrive $0xFFFF  }
0x5c: {  	p0 =	sne.s32 s2, $0x0;
	_ =	strace $0x90000050  }
0x5d: {  	s0 =	sadd.s32 @!p0 $0x100000, s0;
	[bflag:$0x2] =	sbarrier.arrive $0xFFFF  }
0x5e: {  	[sflag:s0] =	ssyncadd.tile.s32 @!p0 $0x1;
	_ =	shalt  }
.Lfunc_end2:
_tile_overlayer_lowered:
.L_overlay_start_2:
0x5f: {  	(tag) =	ssettag $0x2  }
0x60: {  	s0 =	rddreg [dreg:$0x0];
	s2 =	stileid.u32  }
0x61: {  	s1 =	rddreg [dreg:$0x1];
	p0 =	sne.s32 s2, $0x0  }
0x62: {  	s3 =	rddreg [dreg:$0x2];
	[bflag:$0x3] =	sbarrier.arrive $0xFFFF;
	s2 =	simm.s32 @!p0 $0x1C05  }
0x63: {  	[timem:s3], [sflag:s2] =	dma.local @!p0 [hbm:s0], s1  }
0x64: {  	s0 =	simm.s32 @!p0 $0x5  }
0x65: {  	_ =	swait.ge @!p0 [sflag:s0], s1  }
0x66: {  	s1 =	ssub.s32 @!p0 $0x0, s1;
	[sflag:s0] =	ssyncset.done @!p0 $0x0  }
0x67: {  	[sflag:s0] =	ssyncadd.s32 @!p0 s1  }
0x68: {  	[bflag:$0x3] =	sbarrier.arrive $0xFFFF  }
0x69: {  	_ =	shalt  }

// kernel: kernel.30.cloned.1.call-start
scs
__scs_entry_jumppad:
0x0: {  	(pc) =	sbr.rel $0x88, $3  }
0x1: {  	(tag) =	ssettag $0x0;
	lr =	simm.s32 $0x1  }
0x2: {  	[smem:$0x3F94] =	sst lr;
	_ =	strace $0xD0000000  }
0x3: {  	_ = 	snop  }
0x4: {  	_ = 	snop  }
0x5: {  	_ = 	snop  }
0x6: {  	_ = 	snop  }
0x7: {  	_ = 	snop  }
__scs_overlays_trampoline_lowered:
0x8: {  	[smem:$0x3FA3] =	sst s0  }
0x9: {  	[smem:$0x3FA4] =	sst s1  }
0xa: {  	[smem:$0x3FA5] =	sst s2  }
0xb: {  	[smem:$0x3FA6] =	sst s3  }
0xc: {  	[smem:$0x3FA7] =	sst s4  }
0xd: {  	[smem:$0x3FA8] =	sst s5  }
0xe: {  	[smem:$0x3FA9] =	sst s6  }
0xf: {  	[smem:$0x3FAA] =	sst s7  }
0x10: {  	[smem:$0x3FAB] =	sst s8  }
0x11: {  	[smem:$0x3FAC] =	sst s9;
	s0 =	simm.s32 @!p0 $0x0  }
0x12: {  	s1 =	sld [smem:$0x3F92];
	s0 =	simm.s32 @p0 $0x1  }
0x13: {  	[smem:$0x3FAD] =	sst s0;
	s0 =	simm.s32 @!p1 $0x0  }
0x14: {  	s2 =	sld [smem:$0x3F91];
	s0 =	simm.s32 @p1 $0x1  }
0x15: {  	[smem:$0x3FAE] =	sst s0;
	s0 =	simm.s32 @!p2 $0x0  }
0x16: {  	s3 =	sld [smem:$0x3FDB];
	s0 =	simm.s32 @p2 $0x1  }
0x17: {  	s4 =	simm.s32 $0x1BF5;
	[smem:$0x3FB0] =	sst s0  }
0x18: {  	s0 =	sld [smem:$0x3F93];
	_ =	swait.ge [sflag:s4], $0x0  }
0x19: {  	s7 =	sld [smem:$0x3F94]  }
0x1a: {  	s8 =	sadd.s32 $0xFFFFE003, lr  }
0x1b: {  	s9 =	sadd.s32 $0xFFFFFEF7, lr;
	s5 =	simm.s32 $0xFFFFFFFF;
	p2 =	slt.u32 s8, $0xFFFFF086  }
0x1c: {  	p1 =	slt.u32 s9, $0xF7A;
	s5 =	simm.s32 @!p2 $0x0  }
0x1d: {  	s5 =	simm.s32 @p1 $0x1;
	p0 =	seq.s32 s7, s2  }
0x1e: {  	s7 =	smul.u32 @!p0 $0xF7A, s2;
	p2 =	seq.s32 @!p0 s5, $0x0  }
0x1f: {  	s9 =	smul.u32 $0xF7A, s1;
	s8 =	simm.s32 @!p0 $0x1BF5;
	p2 =	por !p2, p0  }
0x20: {  	[sflag:s8] =	ssyncset.s32 @!p0 $0xFFFFF086;
	s6 =	sadd.s32 @!p0 s3, s7;
	s7 =	simm.s32 @!p0 $0x108  }
0x21: {  	s3 =	sadd.s32 s3, s9;
	s6 =	sadd.s32 @!p0 $0x88, s6;
	s7 =	simm.s32 @p2 $0x1082  }
0x22: {  	[simem:s7], [sflag:s8] =	dma.local @!p0 [hbm:s6], $0xF7A  }
0x23: {  	s9 =	sor.u32 $0xD0000000, s2;
	s6 =	simm.s32 $0x108;
	_ =	swait.ge @!p0 [sflag:s8], $0x0  }
0x24: {  	s3 =	sadd.s32 $0x88, s3;
	s6 =	simm.s32 @!p1 $0x1082;
	[sflag:s4] =	ssyncset.s32 $0xFFFFF086  }
0x25: {  	[simem:s6], [sflag:s4] =	dma.local [hbm:s3], $0xF7A  }
0x26: {  	[smem:$0x3F94] =	sst s1;
	(tag) =	ssettag s2;
	_ =	strace s9  }
0x27: {  	s1 =	sld [smem:$0x3FA4]  }
0x28: {  	s2 =	sld [smem:$0x3FA5]  }
0x29: {  	s4 =	sld [smem:$0x3FA7]  }
0x2a: {  	p0 =	seq.s32 s5, $0x0;
	s5 =	sld [smem:$0x3FA8]  }
0x2b: {  	s6 =	sld [smem:$0x3FA9]  }
0x2c: {  	s7 =	sld [smem:$0x3FAA]  }
0x2d: {  	s3 =	simm.s32 $0x108;
	s8 =	sld [smem:$0x3FAB]  }
0x2e: {  	s3 =	simm.s32 @!p0 $0x1082;
	s9 =	sld [smem:$0x3FAC]  }
0x2f: {  	lr =	sadd.s32 s0, s3;
	s0 =	sld [smem:$0x3FA3]  }
0x30: {  	s3 =	sld [smem:$0x3FA6]  }
0x31: {  	[smem:$0x3FAF] =	sst s10  }
0x32: {  	s10 =	sld [smem:$0x3FAD];
	_ =	sdelay $0x3  }
0x33: {  	p0 =	seq.s32 s10, $0x1;
	s10 =	sld [smem:$0x3FAF];
	_ =	sdelay $0x3  }
0x34: {  	[smem:$0x3FAF] =	sst s10  }
0x35: {  	s10 =	sld [smem:$0x3FAE];
	_ =	sdelay $0x3  }
0x36: {  	p1 =	seq.s32 s10, $0x1;
	s10 =	sld [smem:$0x3FAF];
	_ =	sdelay $0x3  }
0x37: {  	[smem:$0x3FAF] =	sst s10  }
0x38: {  	s10 =	sld [smem:$0x3FB0]  }
0x39: {  	_ = 	snop;
	(pc) =	sbr.ind lr, $3  }
0x3a: {  	_ = 	snop  }
0x3b: {  	_ = 	snop  }
0x3c: {  	p2 =	seq.s32 s10, $0x1;
	s10 =	sld [smem:$0x3FAF]  }
0x3d: {  	_ =	shalt  }
0x3e: {  	_ =	shalt  }
0x3f: {  	_ =	shalt  }
0x40: {  	_ =	shalt  }
0x41: {  	_ =	shalt  }
0x42: {  	_ =	shalt  }
0x43: {  	_ =	shalt  }
0x44: {  	_ =	shalt  }
0x45: {  	_ =	shalt  }
0x46: {  	_ =	shalt  }
0x47: {  	_ =	shalt  }
0x48: {  	_ =	shalt  }
0x49: {  	_ =	shalt  }
0x4a: {  	_ =	shalt  }
0x4b: {  	_ =	shalt  }
0x4c: {  	_ =	shalt  }
0x4d: {  	_ =	shalt  }
0x4e: {  	_ =	shalt  }
0x4f: {  	_ =	shalt  }
0x50: {  	_ =	shalt  }
0x51: {  	_ =	shalt  }
0x52: {  	_ =	shalt  }
0x53: {  	_ =	shalt  }
0x54: {  	_ =	shalt  }
0x55: {  	_ =	shalt  }
0x56: {  	_ =	shalt  }
0x57: {  	_ =	shalt  }
0x58: {  	_ =	shalt  }
0x59: {  	_ =	shalt  }
0x5a: {  	_ =	shalt  }
0x5b: {  	_ =	shalt  }
0x5c: {  	_ =	shalt  }
0x5d: {  	_ =	shalt  }
0x5e: {  	_ =	shalt  }
0x5f: {  	_ =	shalt  }
0x60: {  	_ =	shalt  }
0x61: {  	_ =	shalt  }
0x62: {  	_ =	shalt  }
0x63: {  	_ =	shalt  }
0x64: {  	_ =	shalt  }
0x65: {  	_ =	shalt  }
0x66: {  	_ =	shalt  }
0x67: {  	_ =	shalt  }
0x68: {  	_ =	shalt  }
0x69: {  	_ =	shalt  }
0x6a: {  	_ =	shalt  }
0x6b: {  	_ =	shalt  }
0x6c: {  	_ =	shalt  }
0x6d: {  	_ =	shalt  }
0x6e: {  	_ =	shalt  }
0x6f: {  	_ =	shalt  }
0x70: {  	_ =	shalt  }
0x71: {  	_ =	shalt  }
0x72: {  	_ =	shalt  }
0x73: {  	_ =	shalt  }
0x74: {  	_ =	shalt  }
0x75: {  	_ =	shalt  }
0x76: {  	_ =	shalt  }
0x77: {  	_ =	shalt  }
0x78: {  	_ =	shalt  }
0x79: {  	_ =	shalt  }
0x7a: {  	_ =	shalt  }
0x7b: {  	_ =	shalt  }
0x7c: {  	_ =	shalt  }
0x7d: {  	_ =	shalt  }
0x7e: {  	_ =	shalt  }
0x7f: {  	_ =	shalt  }
0x80: {  	_ =	shalt  }
0x81: {  	_ =	shalt  }
0x82: {  	_ =	shalt  }
0x83: {  	_ =	shalt  }
0x84: {  	_ =	shalt  }
0x85: {  	_ =	shalt  }
0x86: {  	_ =	shalt  }
0x87: {  	_ =	shalt  }
.Lfunc_end0:
.L_simem_size_0:
called_computation.4_lowered:
.L_overlay_start_0:
0x88: {  	s2 =	sld [smem:$0x3FD9]  }
0x89: {  	s3 =	sld [smem:$0x3FFE];
	_ =	sdelay $0x1  }
0x8a: {  	s1 =	srdreg.scid  }
0x8b: {  	s0 =	sand.u32 $0x1, s1  }
0x8c: {  	s17 =	sshll.u32 s0, $0xA;
	s2 =	sadd.s32 s3, s2  }
0x8d: {  	s2 =	sadd.s32 s2, s17  }
0x8e: {  	[smem:$0x3FBB] =	sst s2  }
0x8f: {  	_ = 	snop  }
0x90: {  	s18 =	sld [smem:$0x3FD0];
	(tm) =	ssettm $0x1  }
0x91: {  	s19 =	sld [smem:$0x3FFB];
	_ =	sdelay $0x3  }
0x92: {  	_ =	strace s19  }
0x93: {  	s2 =	sld [smem:$0x3FFC];
	_ =	sdelay $0x3  }
0x94: {  	_ =	strace s2  }
0x95: {  	s2 =	sld [smem:$0x3FFD];
	_ =	sdelay $0x3  }
0x96: {  	_ =	strace s2  }
0x97: {  	_ =	strace $0x8FFFFFFF  }
0x98: {  	s20 =	sld [smem:$0x3FDB];
	_ =	sdelay $0x1  }
0x99: {  	s4 =	simm.s32 $_scs_section_size  }
0x9a: {  	s5 =	simm.s32 $_size__tile_overlayer_lowered;
	s6 =	simm.s32 $_tile_overlayer_lowered  }
0x9b: {  	s7 =	simm.s32 $0x1BFF;
	s21 =	sshll.u32 s6, $0x1;
	s4 =	sadd.s32 s4, s20  }
0x9c: {  	s22 =	simm.s32 $0x0;
	s5 =	sshll.u32 s5, $0x1;
	s6 =	sadd.s32 s21, s4  }
0x9d: {  	[timem:s22], [sflag:s7] =	dma.local [hbm:s6], s5  }
0x9e: {  	_ =	swait.ge [sflag:s7], s5  }
0x9f: {  	s5 =	ssub.s32 $0x0, s5;
	[sflag:s7] =	ssyncset.done $0x0  }
0xa0: {  	[sflag:s7] =	ssyncadd.s32 s5;
	_ =	sdelay $0x1  }
0xa1: {  	s23 =	simm.s32 $0x1B8B  }
0xa2: {  	_ =	swait.ge [sflag:s23], $0x1  }
0xa3: {  	[sflag:s23] =	ssyncset.done $0x0  }
0xa4: {  	[sflag:s23] =	ssyncadd.s32 $0xFFFFFFFF  }
0xa5: {  	s5 =	sld [smem:$0x0]  }
0xa6: {  	s6 =	sand.u32 $0xFFFFFFFE, s1  }
0xa7: {  	p0 =	sne.s32 s1, s6  }
0xa8: {  	s6 =	sshll.u32 @p0 s6, $0xE  }
0xa9: {  	s6 =	sadd.s32 @p0 $0x11B8D, s6;
	s7 =	sshll.u32 @p0 s5, $0x11  }
0xaa: {  	s6 =	sor.u32 @p0 s7, s6  }
0xab: {  	[sflag:s6] =	ssyncadd.remote.s32 @p0 $0x1;
	_ =	sdelay $0x1  }
0xac: {  	s6 =	simm.s32 @p0 $0x1B8D  }
0xad: {  	_ =	swait.eq @p0 [sflag:s6], $0x1  }
0xae: {  	[sflag:s6] =	ssyncadd.s32 @p0 $0xFFFFFFFF  }
0xaf: {  	s7 =	sshll.u32 @!p0 s1, $0xE  }
0xb0: {  	s7 =	sor.u32 @!p0 $0x4000, s7;
	s6 =	simm.s32 @!p0 $0x1B8D  }
0xb1: {  	s5 =	sshll.u32 @!p0 s5, $0x11;
	s7 =	sadd.s32 @!p0 $0x11B8D, s7;
	_ =	swait.eq @!p0 [sflag:s6], $0x1  }
0xb2: {  	s5 =	sor.u32 @!p0 s5, s7;
	[sflag:s6] =	ssyncadd.s32 @!p0 $0xFFFFFFFF  }
0xb3: {  	s25 =	simm.s32 $0x1B8E;
	s24 =	sld [smem:$0x3FFE];
	[sflag:s5] =	ssyncadd.remote.s32 @!p0 $0x1  }
0xb4: {  	s26 =	simm.s32 $execute0_lowered;
	[smem:$0x3FD2] =	sst s25  }
0xb5: {  	s6 =	sshll.u32 s26, $0x1;
	_ =	strace $0x8000004C;
	[dreg:$0x1] =	wrdreg $0xFFFFFFFF  }
0xb6: {  	s28 =	simm.s32 $_size_execute0_lowered;
	s4 =	sadd.s32 s4, s6;
	[dreg:$0x0] =	wrdreg $0x0  }
0xb7: {  	s6 =	sshll.u32 s28, $0x1;
	[dreg:$0x2] =	wrdreg s4  }
0xb8: {  	[dreg:$0x3] =	wrdreg s6  }
0xb9: {  	[dreg:$0x4] =	wrdreg $0xC0  }
0xba: {  	_ =	task [dreg:s22], $0x5FFFF  }
0xbb: {  	[dreg:$0x1] =	wrdreg $0xFFFFFFFF  }
0xbc: {  	[dreg:$0x0] =	wrdreg $0x60  }
0xbd: {  	[dreg:$0x2] =	wrdreg s24  }
0xbe: {  	[dreg:$0x3] =	wrdreg s18  }
0xbf: {  	[dreg:$0x4] =	wrdreg $0xD  }
0xc0: {  	_ =	task.clear_ibuf [dreg:s22], $0x5FFFF;
	_ =	strace $0x9000004C  }
0xc1: {  	s29 =	simm.s32 $0xD;
	_ =	strace $0x8000004E  }
0xc2: {  	_ =	swait.ge [sflag:s29], $0x1  }
0xc3: {  	[sflag:s29] =	ssyncadd.s32 $0xFFFFFFFF  }
0xc4: {  	_ =	strace $0x9000004E  }
0xc5: {  	_ =	sfence  }
0xc6: {  	s30 =	sld [smem:$0x0];
	_ =	sdelay $0x2  }
0xc7: {  	s31 =	sshll.u32 s1, $0xD;
	s1 =	sshrl.u32 s1, $0x2  }
0xc8: {  	s4 =	sand.u32 $0x4000, s31;
	s1 =	sadd.s32 s1, s30  }
0xc9: {  	s0 =	sor.u32 s4, s0;
	s1 =	sshll.u32 s1, $0x11  }
0xca: {  	s0 =	sor.u32 s1, s0  }
0xcb: {  	s0 =	sadd.s32 $0x8F2B, s0  }
0xcc: {  	[sflag:s0] =	ssyncadd.remote.s32 $0x1  }
0xcd: {  	_ =	sfence.sel $0xFFFF  }
0xce: {  	[dreg:$0x0] =	wrdreg $0xFFFFFFFF;
	(pc) =	sbr.abs _section_cstart, $3  }
0xcf: {  	[dreg:$0x1] =	wrdreg $0xFFFFFFFF  }
0xd0: {  	_ =	task.clear_ibuf [dreg:s22], $0x2FFFF;
	_ =	strace $0x9FFFFFFF  }
0xd1: {  	(tm) =	ssettm $0x7FFFFFFF  }
tec
execute0_lowered:
.L_overlay_start_1:
0x0: {  	(tag) =	ssettag $0x1  }
0x1: {  	s4 =	rddreg [dreg:$0x0]  }
0x2: {  	s5 =	rddreg [dreg:$0x1]  }
0x3: {  	s0 =	rddreg [dreg:$0x2];
	s1 =	simm.s32 $0x0  }
0x4: {  	s6 =	srdreg.scid;
	s2 =	stileid.u32;
	s10 =	simm.s32 $0x8200  }
0x5: {  	s11 =	simm.s32 $0x1;
	s12 =	simm.s32 $0x2;
	s13 =	simm.s32 $0x3  }
0x6: {  	s14 =	simm.s32 $0x4;
	s15 =	simm.s32 $0x0;
	[smem:$0x7FF] =	sst s1  }
0x7: {  	s3 =	sadd.s32 $0x83400, s4;
	s6 =	sand.u32 $0x1, s6;
	s7 =	sshll.u32 s2, $0x10  }
0x8: {  	s8 =	sshll.u32 s2, $0xC;
	_ =	strace $0x8000004D;
	s9 =	sshll.u32 s6, $0xB  }
0x9: {  	s4 =	sadd.s32 s7, s4;
	s30 =	ssub.s32 $0x2, s6;
	s6 =	sshll.u32 s6, $0xF  }
0xa: {  	s8 =	sor.u32 s9, s8;
	s31 =	sshrl.u32 s30, $0x1;
	s6 =	sadd.s32 s6, s4  }
0xb: {  	s9 =	simm.s32 $0x200;
	s8 =	sshrl.u32 s8, $0x3;
	s7 =	ssub.s32 s30, s31  }
0xc: {  	s8 =	sadd.s32 s8, s5;
	s4 =	smax.u32 s7, $0x1;
	s5 =	sadd.s32 $0x303400, s6  }
0xd: {  	s7 =	simm.s32 $0x5;
	s6 =	sadd.s32 $0x8020, s8;
	s8 =	simm.s32 $0x100  }
.LBB2_1:
0xe: {  	s16 =	sadd.s32 $0xFFFFFFE0, s6  }
0xf: {  	[tilespmem:s1], [sflag:$0x5] =	stream.linear.gather [hbm4b:s16+s1], $0x100, $0x38;
	[tilespmem:$0x10200] =	vst v63  }
0x10: {  	_ =	swait.ge [sflag:s7], $0x100  }
0x11: {  	[sflag:s7] =	ssyncset.done $0x0  }
0x12: {  	[sflag:s7] =	ssyncadd.s32 $0xFFFFFF00  }
0x13: {  	[tilespmem:s9], [sflag:$0x1] =	stream.indirect.gather [hbm4b:s3+s8], $0x80, s1, s8, $0xb8;
	[tilespmem:$0x10200] =	vst v63  }
0x14: {  	_ = 	snop  }
0x15: {  	[tilespmem:s8], [sflag:$0x5] =	stream.linear.gather [hbm4b:s6+s1], $0x100, $0x38;
	[tilespmem:$0x10200] =	vst v63  }
0x16: {  	_ =	swait.ge [sflag:s7], $0x100  }
0x17: {  	[sflag:s7] =	ssyncset.done $0x0  }
0x18: {  	[sflag:s7] =	ssyncadd.s32 $0xFFFFFF00  }
0x19: {  	[tilespmem:s10], [sflag:$0x2] =	stream.indirect.gather [hbm4b:s3+s8], $0x80, s8, s8, $0xb8;
	[tilespmem:$0x10200] =	vst v63  }
0x1a: {  	_ =	swait.ge [sflag:s11], $0x8000  }
0x1b: {  	[sflag:s11] =	ssyncset.done $0x0  }
0x1c: {  	s31 =	sadd.s32 $0x0, s5;
	[sflag:s11] =	ssyncadd.s32 $0xFFFF8000  }
0x1d: {  	[hbm4b:s31+s1] =	stream.linear.scatter [tilespmem:s9], [sflag:$0x3], $0x8000, $0x38;
	[tilespmem:$0x10200] =	vst v63  }
0x1e: {  	_ =	swait.ge [sflag:s12], $0x8000  }
0x1f: {  	[sflag:s12] =	ssyncset.done $0x0  }
0x20: {  	s16 =	sadd.s32 $0x1000, s31;
	[sflag:s12] =	ssyncadd.s32 $0xFFFF8000  }
0x21: {  	[hbm4b:s16+s1] =	stream.linear.scatter [tilespmem:s10], [sflag:$0x4], $0x8000, $0x38;
	[tilespmem:$0x10200] =	vst v63  }
0x22: {  	_ =	swait.ge [sflag:s13], $0x8000  }
0x23: {  	[sflag:s13] =	ssyncset.done $0x0  }
0x24: {  	[sflag:s13] =	ssyncadd.s32 $0xFFFF8000  }
0x25: {  	s18 =	simm.s32 $0x4000;
	_ =	swait.ge [sflag:s14], $0x8000  }
0x26: {  	s17 =	sadd.s32 $0x40, s6;
	s16 =	simm.s32 $0x2000;
	[sflag:s14] =	ssyncset.done $0x0  }
.LBB2_2:
0x27: {  	p0 =	sne.s32 s18, $0x6000;
	s19 =	sadd.s32 $0xFFFFFFE0, s17;
	[sflag:s14] =	ssyncadd.s32 $0xFFFF8000  }
0x28: {  	[tilespmem:s1], [sflag:$0x5] =	stream.linear.gather [hbm4b:s19+s1], $0x100, $0x38;
	[tilespmem:$0x10200] =	vst v63  }
0x29: {  	s19 =	smov.u32 s18;
	s18 =	sadd.s32 $0x2000, s18;
	_ =	swait.ge [sflag:s7], $0x100  }
0x2a: {  	[sflag:s7] =	ssyncset.done $0x0  }
0x2b: {  	[sflag:s7] =	ssyncadd.s32 $0xFFFFFF00  }
0x2c: {  	[tilespmem:s9], [sflag:$0x1] =	stream.indirect.gather [hbm4b:s3+s8], $0x80, s1, s8, $0xb8;
	[tilespmem:$0x10200] =	vst v63  }
0x2d: {  	_ = 	snop  }
0x2e: {  	[tilespmem:s8], [sflag:$0x5] =	stream.linear.gather [hbm4b:s17+s1], $0x100, $0x38;
	[tilespmem:$0x10200] =	vst v63  }
0x2f: {  	_ =	swait.ge [sflag:s7], $0x100  }
0x30: {  	[sflag:s7] =	ssyncset.done $0x0  }
0x31: {  	[sflag:s7] =	ssyncadd.s32 $0xFFFFFF00  }
0x32: {  	[tilespmem:s10], [sflag:$0x2] =	stream.indirect.gather [hbm4b:s3+s8], $0x80, s8, s8, $0xb8;
	[tilespmem:$0x10200] =	vst v63  }
0x33: {  	_ =	swait.ge [sflag:s11], $0x8000  }
0x34: {  	[sflag:s11] =	ssyncset.done $0x0  }
0x35: {  	s20 =	sadd.s32 s16, s5;
	s16 =	smov.u32 s19;
	[sflag:s11] =	ssyncadd.s32 $0xFFFF8000  }
0x36: {  	[hbm4b:s20+s1] =	stream.linear.scatter [tilespmem:s9], [sflag:$0x3], $0x8000, $0x38;
	[tilespmem:$0x10200] =	vst v63  }
0x37: {  	_ =	swait.ge [sflag:s12], $0x8000  }
0x38: {  	[sflag:s12] =	ssyncset.done $0x0  }
0x39: {  	s19 =	sadd.s32 $0x1000, s20;
	[sflag:s12] =	ssyncadd.s32 $0xFFFF8000  }
0x3a: {  	[hbm4b:s19+s1] =	stream.linear.scatter [tilespmem:s10], [sflag:$0x4], $0x8000, $0x38;
	[tilespmem:$0x10200] =	vst v63  }
.Ltmp0:
0x3b: {  	_ =	swait.ge [sflag:s13], $0x8000;
	(pc) =	sbr.rel @p0 .LBB2_2-.Ltmp0, $4  }
0x3c: {  	[sflag:s13] =	ssyncset.done $0x0  }
0x3d: {  	[sflag:s13] =	ssyncadd.s32 $0xFFFF8000  }
0x3e: {  	_ =	swait.ge [sflag:s14], $0x8000  }
0x3f: {  	s17 =	sadd.s32 $0x40, s17;
	[sflag:s14] =	ssyncset.done $0x0  }
0x40: {  	s18 =	sadd.s32 $0xFFFFFFE0, s17;
	[sflag:s14] =	ssyncadd.s32 $0xFFFF8000  }
0x41: {  	[tilespmem:s1], [sflag:$0x5] =	stream.linear.gather [hbm4b:s18+s1], $0x100, $0x38;
	[tilespmem:$0x10200] =	vst v63  }
0x42: {  	_ =	swait.ge [sflag:s7], $0x100  }
0x43: {  	[sflag:s7] =	ssyncset.done $0x0  }
0x44: {  	[sflag:s7] =	ssyncadd.s32 $0xFFFFFF00  }
0x45: {  	[tilespmem:s9], [sflag:$0x1] =	stream.indirect.gather [hbm4b:s3+s8], $0x80, s1, s8, $0xb8;
	[tilespmem:$0x10200] =	vst v63  }
0x46: {  	_ = 	snop  }
0x47: {  	[tilespmem:s8], [sflag:$0x5] =	stream.linear.gather [hbm4b:s17+s1], $0x100, $0x38;
	[tilespmem:$0x10200] =	vst v63  }
0x48: {  	_ =	swait.ge [sflag:s7], $0x100  }
0x49: {  	[sflag:s7] =	ssyncset.done $0x0  }
0x4a: {  	[sflag:s7] =	ssyncadd.s32 $0xFFFFFF00  }
0x4b: {  	[tilespmem:s10], [sflag:$0x2] =	stream.indirect.gather [hbm4b:s3+s8], $0x80, s8, s8, $0xb8;
	[tilespmem:$0x10200] =	vst v63  }
0x4c: {  	_ =	swait.ge [sflag:s11], $0x8000  }
0x4d: {  	[sflag:s11] =	ssyncset.done $0x0  }
0x4e: {  	s16 =	sadd.s32 s16, s5;
	[sflag:s11] =	ssyncadd.s32 $0xFFFF8000  }
0x4f: {  	[hbm4b:s16+s1] =	stream.linear.scatter [tilespmem:s9], [sflag:$0x3], $0x8000, $0x38;
	[tilespmem:$0x10200] =	vst v63  }
0x50: {  	_ =	swait.ge [sflag:s12], $0x8000  }
0x51: {  	[sflag:s12] =	ssyncset.done $0x0  }
0x52: {  	s15 =	sadd.s32 $0x1, s15;
	s16 =	sadd.s32 $0x1000, s16;
	[sflag:s12] =	ssyncadd.s32 $0xFFFF8000  }
0x53: {  	[hbm4b:s16+s1] =	stream.linear.scatter [tilespmem:s10], [sflag:$0x4], $0x8000, $0x38;
	[tilespmem:$0x10200] =	vst v63  }
0x54: {  	p0 =	sne.s32 s15, s4;
	_ =	swait.ge [sflag:s13], $0x8000  }
.Ltmp1:
0x55: {  	[sflag:s13] =	ssyncset.done $0x0;
	(pc) =	sbr.rel @p0 .LBB2_1-.Ltmp1, $4  }
0x56: {  	[sflag:s13] =	ssyncadd.s32 $0xFFFF8000  }
0x57: {  	_ =	swait.ge [sflag:s14], $0x8000  }
0x58: {  	[sflag:s14] =	ssyncset.done $0x0  }
0x59: {  	[sflag:s14] =	ssyncadd.s32 $0xFFFF8000  }
0x5a: {  	_ =	sfence.sel $0x180000  }
0x5b: {  	[bflag:$0x0] =	sbarrier.arrive $0xFFFF  }
0x5c: {  	p0 =	sne.s32 s2, $0x0;
	_ =	strace $0x9000004D  }
0x5d: {  	s0 =	sadd.s32 @!p0 $0x100000, s0;
	[bflag:$0x2] =	sbarrier.arrive $0xFFFF  }
0x5e: {  	[sflag:s0] =	ssyncadd.tile.s32 @!p0 $0x1;
	_ =	shalt  }
.Lfunc_end2:
_tile_overlayer_lowered:
.L_overlay_start_2:
0x5f: {  	(tag) =	ssettag $0x2  }
0x60: {  	s0 =	rddreg [dreg:$0x0];
	s2 =	stileid.u32  }
0x61: {  	s1 =	rddreg [dreg:$0x1];
	p0 =	sne.s32 s2, $0x0  }
0x62: {  	s3 =	rddreg [dreg:$0x2];
	[bflag:$0x3] =	sbarrier.arrive $0xFFFF;
	s2 =	simm.s32 @!p0 $0x1C05  }
0x63: {  	[timem:s3], [sflag:s2] =	dma.local @!p0 [hbm:s0], s1  }
0x64: {  	s0 =	simm.s32 @!p0 $0x5  }
0x65: {  	_ =	swait.ge @!p0 [sflag:s0], s1  }
0x66: {  	s1 =	ssub.s32 @!p0 $0x0, s1;
	[sflag:s0] =	ssyncset.done @!p0 $0x0  }
0x67: {  	[sflag:s0] =	ssyncadd.s32 @!p0 s1  }
0x68: {  	[bflag:$0x3] =	sbarrier.arrive $0xFFFF  }
0x69: {  	_ =	shalt  }

// kernel: kernel.33.cloned.1.call-start
scs
__scs_entry_jumppad:
0x0: {  	(pc) =	sbr.rel $0x88, $3  }
0x1: {  	(tag) =	ssettag $0x0;
	lr =	simm.s32 $0x1  }
0x2: {  	[smem:$0x3F94] =	sst lr;
	_ =	strace $0xD0000000  }
0x3: {  	_ = 	snop  }
0x4: {  	_ = 	snop  }
0x5: {  	_ = 	snop  }
0x6: {  	_ = 	snop  }
0x7: {  	_ = 	snop  }
__scs_overlays_trampoline_lowered:
0x8: {  	[smem:$0x3FA3] =	sst s0  }
0x9: {  	[smem:$0x3FA4] =	sst s1  }
0xa: {  	[smem:$0x3FA5] =	sst s2  }
0xb: {  	[smem:$0x3FA6] =	sst s3  }
0xc: {  	[smem:$0x3FA7] =	sst s4  }
0xd: {  	[smem:$0x3FA8] =	sst s5  }
0xe: {  	[smem:$0x3FA9] =	sst s6  }
0xf: {  	[smem:$0x3FAA] =	sst s7  }
0x10: {  	[smem:$0x3FAB] =	sst s8  }
0x11: {  	[smem:$0x3FAC] =	sst s9;
	s0 =	simm.s32 @!p0 $0x0  }
0x12: {  	s1 =	sld [smem:$0x3F92];
	s0 =	simm.s32 @p0 $0x1  }
0x13: {  	[smem:$0x3FAD] =	sst s0;
	s0 =	simm.s32 @!p1 $0x0  }
0x14: {  	s2 =	sld [smem:$0x3F91];
	s0 =	simm.s32 @p1 $0x1  }
0x15: {  	[smem:$0x3FAE] =	sst s0;
	s0 =	simm.s32 @!p2 $0x0  }
0x16: {  	s3 =	sld [smem:$0x3FDB];
	s0 =	simm.s32 @p2 $0x1  }
0x17: {  	s4 =	simm.s32 $0x1BF5;
	[smem:$0x3FB0] =	sst s0  }
0x18: {  	s0 =	sld [smem:$0x3F93];
	_ =	swait.ge [sflag:s4], $0x0  }
0x19: {  	s7 =	sld [smem:$0x3F94]  }
0x1a: {  	s8 =	sadd.s32 $0xFFFFE003, lr  }
0x1b: {  	s9 =	sadd.s32 $0xFFFFFEF7, lr;
	s5 =	simm.s32 $0xFFFFFFFF;
	p2 =	slt.u32 s8, $0xFFFFF086  }
0x1c: {  	p1 =	slt.u32 s9, $0xF7A;
	s5 =	simm.s32 @!p2 $0x0  }
0x1d: {  	s5 =	simm.s32 @p1 $0x1;
	p0 =	seq.s32 s7, s2  }
0x1e: {  	s7 =	smul.u32 @!p0 $0xF7A, s2;
	p2 =	seq.s32 @!p0 s5, $0x0  }
0x1f: {  	s9 =	smul.u32 $0xF7A, s1;
	s8 =	simm.s32 @!p0 $0x1BF5;
	p2 =	por !p2, p0  }
0x20: {  	[sflag:s8] =	ssyncset.s32 @!p0 $0xFFFFF086;
	s6 =	sadd.s32 @!p0 s3, s7;
	s7 =	simm.s32 @!p0 $0x108  }
0x21: {  	s3 =	sadd.s32 s3, s9;
	s6 =	sadd.s32 @!p0 $0x88, s6;
	s7 =	simm.s32 @p2 $0x1082  }
0x22: {  	[simem:s7], [sflag:s8] =	dma.local @!p0 [hbm:s6], $0xF7A  }
0x23: {  	s9 =	sor.u32 $0xD0000000, s2;
	s6 =	simm.s32 $0x108;
	_ =	swait.ge @!p0 [sflag:s8], $0x0  }
0x24: {  	s3 =	sadd.s32 $0x88, s3;
	s6 =	simm.s32 @!p1 $0x1082;
	[sflag:s4] =	ssyncset.s32 $0xFFFFF086  }
0x25: {  	[simem:s6], [sflag:s4] =	dma.local [hbm:s3], $0xF7A  }
0x26: {  	[smem:$0x3F94] =	sst s1;
	(tag) =	ssettag s2;
	_ =	strace s9  }
0x27: {  	s1 =	sld [smem:$0x3FA4]  }
0x28: {  	s2 =	sld [smem:$0x3FA5]  }
0x29: {  	s4 =	sld [smem:$0x3FA7]  }
0x2a: {  	p0 =	seq.s32 s5, $0x0;
	s5 =	sld [smem:$0x3FA8]  }
0x2b: {  	s6 =	sld [smem:$0x3FA9]  }
0x2c: {  	s7 =	sld [smem:$0x3FAA]  }
0x2d: {  	s3 =	simm.s32 $0x108;
	s8 =	sld [smem:$0x3FAB]  }
0x2e: {  	s3 =	simm.s32 @!p0 $0x1082;
	s9 =	sld [smem:$0x3FAC]  }
0x2f: {  	lr =	sadd.s32 s0, s3;
	s0 =	sld [smem:$0x3FA3]  }
0x30: {  	s3 =	sld [smem:$0x3FA6]  }
0x31: {  	[smem:$0x3FAF] =	sst s10  }
0x32: {  	s10 =	sld [smem:$0x3FAD];
	_ =	sdelay $0x3  }
0x33: {  	p0 =	seq.s32 s10, $0x1;
	s10 =	sld [smem:$0x3FAF];
	_ =	sdelay $0x3  }
0x34: {  	[smem:$0x3FAF] =	sst s10  }
0x35: {  	s10 =	sld [smem:$0x3FAE];
	_ =	sdelay $0x3  }
0x36: {  	p1 =	seq.s32 s10, $0x1;
	s10 =	sld [smem:$0x3FAF];
	_ =	sdelay $0x3  }
0x37: {  	[smem:$0x3FAF] =	sst s10  }
0x38: {  	s10 =	sld [smem:$0x3FB0]  }
0x39: {  	_ = 	snop;
	(pc) =	sbr.ind lr, $3  }
0x3a: {  	_ = 	snop  }
0x3b: {  	_ = 	snop  }
0x3c: {  	p2 =	seq.s32 s10, $0x1;
	s10 =	sld [smem:$0x3FAF]  }
0x3d: {  	_ =	shalt  }
0x3e: {  	_ =	shalt  }
0x3f: {  	_ =	shalt  }
0x40: {  	_ =	shalt  }
0x41: {  	_ =	shalt  }
0x42: {  	_ =	shalt  }
0x43: {  	_ =	shalt  }
0x44: {  	_ =	shalt  }
0x45: {  	_ =	shalt  }
0x46: {  	_ =	shalt  }
0x47: {  	_ =	shalt  }
0x48: {  	_ =	shalt  }
0x49: {  	_ =	shalt  }
0x4a: {  	_ =	shalt  }
0x4b: {  	_ =	shalt  }
0x4c: {  	_ =	shalt  }
0x4d: {  	_ =	shalt  }
0x4e: {  	_ =	shalt  }
0x4f: {  	_ =	shalt  }
0x50: {  	_ =	shalt  }
0x51: {  	_ =	shalt  }
0x52: {  	_ =	shalt  }
0x53: {  	_ =	shalt  }
0x54: {  	_ =	shalt  }
0x55: {  	_ =	shalt  }
0x56: {  	_ =	shalt  }
0x57: {  	_ =	shalt  }
0x58: {  	_ =	shalt  }
0x59: {  	_ =	shalt  }
0x5a: {  	_ =	shalt  }
0x5b: {  	_ =	shalt  }
0x5c: {  	_ =	shalt  }
0x5d: {  	_ =	shalt  }
0x5e: {  	_ =	shalt  }
0x5f: {  	_ =	shalt  }
0x60: {  	_ =	shalt  }
0x61: {  	_ =	shalt  }
0x62: {  	_ =	shalt  }
0x63: {  	_ =	shalt  }
0x64: {  	_ =	shalt  }
0x65: {  	_ =	shalt  }
0x66: {  	_ =	shalt  }
0x67: {  	_ =	shalt  }
0x68: {  	_ =	shalt  }
0x69: {  	_ =	shalt  }
0x6a: {  	_ =	shalt  }
0x6b: {  	_ =	shalt  }
0x6c: {  	_ =	shalt  }
0x6d: {  	_ =	shalt  }
0x6e: {  	_ =	shalt  }
0x6f: {  	_ =	shalt  }
0x70: {  	_ =	shalt  }
0x71: {  	_ =	shalt  }
0x72: {  	_ =	shalt  }
0x73: {  	_ =	shalt  }
0x74: {  	_ =	shalt  }
0x75: {  	_ =	shalt  }
0x76: {  	_ =	shalt  }
0x77: {  	_ =	shalt  }
0x78: {  	_ =	shalt  }
0x79: {  	_ =	shalt  }
0x7a: {  	_ =	shalt  }
0x7b: {  	_ =	shalt  }
0x7c: {  	_ =	shalt  }
0x7d: {  	_ =	shalt  }
0x7e: {  	_ =	shalt  }
0x7f: {  	_ =	shalt  }
0x80: {  	_ =	shalt  }
0x81: {  	_ =	shalt  }
0x82: {  	_ =	shalt  }
0x83: {  	_ =	shalt  }
0x84: {  	_ =	shalt  }
0x85: {  	_ =	shalt  }
0x86: {  	_ =	shalt  }
0x87: {  	_ =	shalt  }
.Lfunc_end0:
.L_simem_size_0:
called_computation.5_lowered:
.L_overlay_start_0:
0x88: {  	s2 =	sld [smem:$0x3FD9]  }
0x89: {  	s3 =	sld [smem:$0x3FFE];
	_ =	sdelay $0x1  }
0x8a: {  	s1 =	srdreg.scid  }
0x8b: {  	s0 =	sand.u32 $0x1, s1  }
0x8c: {  	s17 =	sshll.u32 s0, $0xA;
	s2 =	sadd.s32 s3, s2  }
0x8d: {  	s2 =	sadd.s32 s2, s17  }
0x8e: {  	[smem:$0x3FBB] =	sst s2  }
0x8f: {  	_ = 	snop  }
0x90: {  	s18 =	sld [smem:$0x3FD0];
	(tm) =	ssettm $0x1  }
0x91: {  	s19 =	sld [smem:$0x3FFB];
	_ =	sdelay $0x3  }
0x92: {  	_ =	strace s19  }
0x93: {  	s2 =	sld [smem:$0x3FFC];
	_ =	sdelay $0x3  }
0x94: {  	_ =	strace s2  }
0x95: {  	s2 =	sld [smem:$0x3FFD];
	_ =	sdelay $0x3  }
0x96: {  	_ =	strace s2  }
0x97: {  	_ =	strace $0x8FFFFFFF  }
0x98: {  	s20 =	sld [smem:$0x3FDB];
	_ =	sdelay $0x1  }
0x99: {  	s4 =	simm.s32 $_scs_section_size  }
0x9a: {  	s5 =	simm.s32 $_size__tile_overlayer_lowered;
	s6 =	simm.s32 $_tile_overlayer_lowered  }
0x9b: {  	s7 =	simm.s32 $0x1BFF;
	s21 =	sshll.u32 s6, $0x1;
	s4 =	sadd.s32 s4, s20  }
0x9c: {  	s22 =	simm.s32 $0x0;
	s5 =	sshll.u32 s5, $0x1;
	s6 =	sadd.s32 s21, s4  }
0x9d: {  	[timem:s22], [sflag:s7] =	dma.local [hbm:s6], s5  }
0x9e: {  	_ =	swait.ge [sflag:s7], s5  }
0x9f: {  	s5 =	ssub.s32 $0x0, s5;
	[sflag:s7] =	ssyncset.done $0x0  }
0xa0: {  	[sflag:s7] =	ssyncadd.s32 s5;
	_ =	sdelay $0x1  }
0xa1: {  	s23 =	simm.s32 $0x1B8B  }
0xa2: {  	_ =	swait.ge [sflag:s23], $0x1  }
0xa3: {  	[sflag:s23] =	ssyncset.done $0x0  }
0xa4: {  	[sflag:s23] =	ssyncadd.s32 $0xFFFFFFFF  }
0xa5: {  	s5 =	sld [smem:$0x0]  }
0xa6: {  	s6 =	sand.u32 $0xFFFFFFFE, s1  }
0xa7: {  	p0 =	sne.s32 s1, s6  }
0xa8: {  	s6 =	sshll.u32 @p0 s6, $0xE  }
0xa9: {  	s6 =	sadd.s32 @p0 $0x11B8D, s6;
	s7 =	sshll.u32 @p0 s5, $0x11  }
0xaa: {  	s6 =	sor.u32 @p0 s7, s6  }
0xab: {  	[sflag:s6] =	ssyncadd.remote.s32 @p0 $0x1;
	_ =	sdelay $0x1  }
0xac: {  	s6 =	simm.s32 @p0 $0x1B8D  }
0xad: {  	_ =	swait.eq @p0 [sflag:s6], $0x1  }
0xae: {  	[sflag:s6] =	ssyncadd.s32 @p0 $0xFFFFFFFF  }
0xaf: {  	s7 =	sshll.u32 @!p0 s1, $0xE  }
0xb0: {  	s7 =	sor.u32 @!p0 $0x4000, s7;
	s6 =	simm.s32 @!p0 $0x1B8D  }
0xb1: {  	s5 =	sshll.u32 @!p0 s5, $0x11;
	s7 =	sadd.s32 @!p0 $0x11B8D, s7;
	_ =	swait.eq @!p0 [sflag:s6], $0x1  }
0xb2: {  	s5 =	sor.u32 @!p0 s5, s7;
	[sflag:s6] =	ssyncadd.s32 @!p0 $0xFFFFFFFF  }
0xb3: {  	s25 =	simm.s32 $0x1B8E;
	s24 =	sld [smem:$0x3FFE];
	[sflag:s5] =	ssyncadd.remote.s32 @!p0 $0x1  }
0xb4: {  	s26 =	simm.s32 $execute0_lowered;
	[smem:$0x3FD2] =	sst s25  }
0xb5: {  	s6 =	sshll.u32 s26, $0x1;
	_ =	strace $0x80000049;
	[dreg:$0x1] =	wrdreg $0xFFFFFFFF  }
0xb6: {  	s28 =	simm.s32 $_size_execute0_lowered;
	s4 =	sadd.s32 s4, s6;
	[dreg:$0x0] =	wrdreg $0x0  }
0xb7: {  	s6 =	sshll.u32 s28, $0x1;
	[dreg:$0x2] =	wrdreg s4  }
0xb8: {  	[dreg:$0x3] =	wrdreg s6  }
0xb9: {  	[dreg:$0x4] =	wrdreg $0xC0  }
0xba: {  	_ =	task [dreg:s22], $0x5FFFF  }
0xbb: {  	[dreg:$0x1] =	wrdreg $0xFFFFFFFF  }
0xbc: {  	[dreg:$0x0] =	wrdreg $0x60  }
0xbd: {  	[dreg:$0x2] =	wrdreg s24  }
0xbe: {  	[dreg:$0x3] =	wrdreg s18  }
0xbf: {  	[dreg:$0x4] =	wrdreg $0xE  }
0xc0: {  	_ =	task.clear_ibuf [dreg:s22], $0x5FFFF;
	_ =	strace $0x90000049  }
0xc1: {  	s29 =	simm.s32 $0xE;
	_ =	strace $0x8000004B  }
0xc2: {  	_ =	swait.ge [sflag:s29], $0x1  }
0xc3: {  	[sflag:s29] =	ssyncadd.s32 $0xFFFFFFFF  }
0xc4: {  	_ =	strace $0x9000004B  }
0xc5: {  	_ =	sfence  }
0xc6: {  	s30 =	sld [smem:$0x0];
	_ =	sdelay $0x2  }
0xc7: {  	s31 =	sshll.u32 s1, $0xD;
	s1 =	sshrl.u32 s1, $0x2  }
0xc8: {  	s4 =	sand.u32 $0x4000, s31;
	s1 =	sadd.s32 s1, s30  }
0xc9: {  	s0 =	sor.u32 s4, s0;
	s1 =	sshll.u32 s1, $0x11  }
0xca: {  	s0 =	sor.u32 s1, s0  }
0xcb: {  	s0 =	sadd.s32 $0x8F2B, s0  }
0xcc: {  	[sflag:s0] =	ssyncadd.remote.s32 $0x1  }
0xcd: {  	_ =	sfence.sel $0xFFFF  }
0xce: {  	[dreg:$0x0] =	wrdreg $0xFFFFFFFF;
	(pc) =	sbr.abs _section_cstart, $3  }
0xcf: {  	[dreg:$0x1] =	wrdreg $0xFFFFFFFF  }
0xd0: {  	_ =	task.clear_ibuf [dreg:s22], $0x2FFFF;
	_ =	strace $0x9FFFFFFF  }
0xd1: {  	(tm) =	ssettm $0x7FFFFFFF  }
tec
execute0_lowered:
.L_overlay_start_1:
0x0: {  	(tag) =	ssettag $0x1  }
0x1: {  	s4 =	rddreg [dreg:$0x0]  }
0x2: {  	s5 =	rddreg [dreg:$0x1]  }
0x3: {  	s0 =	rddreg [dreg:$0x2];
	s1 =	simm.s32 $0x0  }
0x4: {  	s6 =	srdreg.scid;
	s2 =	stileid.u32;
	s10 =	simm.s32 $0x8200  }
0x5: {  	s11 =	simm.s32 $0x1;
	s12 =	simm.s32 $0x2;
	s13 =	simm.s32 $0x3  }
0x6: {  	s14 =	simm.s32 $0x4;
	s15 =	simm.s32 $0x0;
	[smem:$0x7FF] =	sst s1  }
0x7: {  	s3 =	sadd.s32 $0x83400, s4;
	s6 =	sand.u32 $0x1, s6;
	s7 =	sshll.u32 s2, $0x10  }
0x8: {  	s8 =	sshll.u32 s2, $0xC;
	_ =	strace $0x8000004A;
	s9 =	sshll.u32 s6, $0xB  }
0x9: {  	s4 =	sadd.s32 s7, s4;
	s30 =	ssub.s32 $0x2, s6;
	s6 =	sshll.u32 s6, $0xF  }
0xa: {  	s8 =	sor.u32 s9, s8;
	s31 =	sshrl.u32 s30, $0x1;
	s6 =	sadd.s32 s6, s4  }
0xb: {  	s9 =	simm.s32 $0x200;
	s8 =	sshrl.u32 s8, $0x3;
	s7 =	ssub.s32 s30, s31  }
0xc: {  	s8 =	sadd.s32 s8, s5;
	s4 =	smax.u32 s7, $0x1;
	s5 =	sadd.s32 $0x203400, s6  }
0xd: {  	s7 =	simm.s32 $0x5;
	s6 =	sadd.s32 $0xA020, s8;
	s8 =	simm.s32 $0x100  }
.LBB2_1:
0xe: {  	s16 =	sadd.s32 $0xFFFFFFE0, s6  }
0xf: {  	[tilespmem:s1], [sflag:$0x5] =	stream.linear.gather [hbm4b:s16+s1], $0x100, $0x38;
	[tilespmem:$0x10200] =	vst v63  }
0x10: {  	_ =	swait.ge [sflag:s7], $0x100  }
0x11: {  	[sflag:s7] =	ssyncset.done $0x0  }
0x12: {  	[sflag:s7] =	ssyncadd.s32 $0xFFFFFF00  }
0x13: {  	[tilespmem:s9], [sflag:$0x1] =	stream.indirect.gather [hbm4b:s3+s8], $0x80, s1, s8, $0xb8;
	[tilespmem:$0x10200] =	vst v63  }
0x14: {  	_ = 	snop  }
0x15: {  	[tilespmem:s8], [sflag:$0x5] =	stream.linear.gather [hbm4b:s6+s1], $0x100, $0x38;
	[tilespmem:$0x10200] =	vst v63  }
0x16: {  	_ =	swait.ge [sflag:s7], $0x100  }
0x17: {  	[sflag:s7] =	ssyncset.done $0x0  }
0x18: {  	[sflag:s7] =	ssyncadd.s32 $0xFFFFFF00  }
0x19: {  	[tilespmem:s10], [sflag:$0x2] =	stream.indirect.gather [hbm4b:s3+s8], $0x80, s8, s8, $0xb8;
	[tilespmem:$0x10200] =	vst v63  }
0x1a: {  	_ =	swait.ge [sflag:s11], $0x8000  }
0x1b: {  	[sflag:s11] =	ssyncset.done $0x0  }
0x1c: {  	s31 =	sadd.s32 $0x0, s5;
	[sflag:s11] =	ssyncadd.s32 $0xFFFF8000  }
0x1d: {  	[hbm4b:s31+s1] =	stream.linear.scatter [tilespmem:s9], [sflag:$0x3], $0x8000, $0x38;
	[tilespmem:$0x10200] =	vst v63  }
0x1e: {  	_ =	swait.ge [sflag:s12], $0x8000  }
0x1f: {  	[sflag:s12] =	ssyncset.done $0x0  }
0x20: {  	s16 =	sadd.s32 $0x1000, s31;
	[sflag:s12] =	ssyncadd.s32 $0xFFFF8000  }
0x21: {  	[hbm4b:s16+s1] =	stream.linear.scatter [tilespmem:s10], [sflag:$0x4], $0x8000, $0x38;
	[tilespmem:$0x10200] =	vst v63  }
0x22: {  	_ =	swait.ge [sflag:s13], $0x8000  }
0x23: {  	[sflag:s13] =	ssyncset.done $0x0  }
0x24: {  	[sflag:s13] =	ssyncadd.s32 $0xFFFF8000  }
0x25: {  	s18 =	simm.s32 $0x4000;
	_ =	swait.ge [sflag:s14], $0x8000  }
0x26: {  	s17 =	sadd.s32 $0x40, s6;
	s16 =	simm.s32 $0x2000;
	[sflag:s14] =	ssyncset.done $0x0  }
.LBB2_2:
0x27: {  	p0 =	sne.s32 s18, $0x6000;
	s19 =	sadd.s32 $0xFFFFFFE0, s17;
	[sflag:s14] =	ssyncadd.s32 $0xFFFF8000  }
0x28: {  	[tilespmem:s1], [sflag:$0x5] =	stream.linear.gather [hbm4b:s19+s1], $0x100, $0x38;
	[tilespmem:$0x10200] =	vst v63  }
0x29: {  	s19 =	smov.u32 s18;
	s18 =	sadd.s32 $0x2000, s18;
	_ =	swait.ge [sflag:s7], $0x100  }
0x2a: {  	[sflag:s7] =	ssyncset.done $0x0  }
0x2b: {  	[sflag:s7] =	ssyncadd.s32 $0xFFFFFF00  }
0x2c: {  	[tilespmem:s9], [sflag:$0x1] =	stream.indirect.gather [hbm4b:s3+s8], $0x80, s1, s8, $0xb8;
	[tilespmem:$0x10200] =	vst v63  }
0x2d: {  	_ = 	snop  }
0x2e: {  	[tilespmem:s8], [sflag:$0x5] =	stream.linear.gather [hbm4b:s17+s1], $0x100, $0x38;
	[tilespmem:$0x10200] =	vst v63  }
0x2f: {  	_ =	swait.ge [sflag:s7], $0x100  }
0x30: {  	[sflag:s7] =	ssyncset.done $0x0  }
0x31: {  	[sflag:s7] =	ssyncadd.s32 $0xFFFFFF00  }
0x32: {  	[tilespmem:s10], [sflag:$0x2] =	stream.indirect.gather [hbm4b:s3+s8], $0x80, s8, s8, $0xb8;
	[tilespmem:$0x10200] =	vst v63  }
0x33: {  	_ =	swait.ge [sflag:s11], $0x8000  }
0x34: {  	[sflag:s11] =	ssyncset.done $0x0  }
0x35: {  	s20 =	sadd.s32 s16, s5;
	s16 =	smov.u32 s19;
	[sflag:s11] =	ssyncadd.s32 $0xFFFF8000  }
0x36: {  	[hbm4b:s20+s1] =	stream.linear.scatter [tilespmem:s9], [sflag:$0x3], $0x8000, $0x38;
	[tilespmem:$0x10200] =	vst v63  }
0x37: {  	_ =	swait.ge [sflag:s12], $0x8000  }
0x38: {  	[sflag:s12] =	ssyncset.done $0x0  }
0x39: {  	s19 =	sadd.s32 $0x1000, s20;
	[sflag:s12] =	ssyncadd.s32 $0xFFFF8000  }
0x3a: {  	[hbm4b:s19+s1] =	stream.linear.scatter [tilespmem:s10], [sflag:$0x4], $0x8000, $0x38;
	[tilespmem:$0x10200] =	vst v63  }
.Ltmp0:
0x3b: {  	_ =	swait.ge [sflag:s13], $0x8000;
	(pc) =	sbr.rel @p0 .LBB2_2-.Ltmp0, $4  }
0x3c: {  	[sflag:s13] =	ssyncset.done $0x0  }
0x3d: {  	[sflag:s13] =	ssyncadd.s32 $0xFFFF8000  }
0x3e: {  	_ =	swait.ge [sflag:s14], $0x8000  }
0x3f: {  	s17 =	sadd.s32 $0x40, s17;
	[sflag:s14] =	ssyncset.done $0x0  }
0x40: {  	s18 =	sadd.s32 $0xFFFFFFE0, s17;
	[sflag:s14] =	ssyncadd.s32 $0xFFFF8000  }
0x41: {  	[tilespmem:s1], [sflag:$0x5] =	stream.linear.gather [hbm4b:s18+s1], $0x100, $0x38;
	[tilespmem:$0x10200] =	vst v63  }
0x42: {  	_ =	swait.ge [sflag:s7], $0x100  }
0x43: {  	[sflag:s7] =	ssyncset.done $0x0  }
0x44: {  	[sflag:s7] =	ssyncadd.s32 $0xFFFFFF00  }
0x45: {  	[tilespmem:s9], [sflag:$0x1] =	stream.indirect.gather [hbm4b:s3+s8], $0x80, s1, s8, $0xb8;
	[tilespmem:$0x10200] =	vst v63  }
0x46: {  	_ = 	snop  }
0x47: {  	[tilespmem:s8], [sflag:$0x5] =	stream.linear.gather [hbm4b:s17+s1], $0x100, $0x38;
	[tilespmem:$0x10200] =	vst v63  }
0x48: {  	_ =	swait.ge [sflag:s7], $0x100  }
0x49: {  	[sflag:s7] =	ssyncset.done $0x0  }
0x4a: {  	[sflag:s7] =	ssyncadd.s32 $0xFFFFFF00  }
0x4b: {  	[tilespmem:s10], [sflag:$0x2] =	stream.indirect.gather [hbm4b:s3+s8], $0x80, s8, s8, $0xb8;
	[tilespmem:$0x10200] =	vst v63  }
0x4c: {  	_ =	swait.ge [sflag:s11], $0x8000  }
0x4d: {  	[sflag:s11] =	ssyncset.done $0x0  }
0x4e: {  	s16 =	sadd.s32 s16, s5;
	[sflag:s11] =	ssyncadd.s32 $0xFFFF8000  }
0x4f: {  	[hbm4b:s16+s1] =	stream.linear.scatter [tilespmem:s9], [sflag:$0x3], $0x8000, $0x38;
	[tilespmem:$0x10200] =	vst v63  }
0x50: {  	_ =	swait.ge [sflag:s12], $0x8000  }
0x51: {  	[sflag:s12] =	ssyncset.done $0x0  }
0x52: {  	s15 =	sadd.s32 $0x1, s15;
	s16 =	sadd.s32 $0x1000, s16;
	[sflag:s12] =	ssyncadd.s32 $0xFFFF8000  }
0x53: {  	[hbm4b:s16+s1] =	stream.linear.scatter [tilespmem:s10], [sflag:$0x4], $0x8000, $0x38;
	[tilespmem:$0x10200] =	vst v63  }
0x54: {  	p0 =	sne.s32 s15, s4;
	_ =	swait.ge [sflag:s13], $0x8000  }
.Ltmp1:
0x55: {  	[sflag:s13] =	ssyncset.done $0x0;
	(pc) =	sbr.rel @p0 .LBB2_1-.Ltmp1, $4  }
0x56: {  	[sflag:s13] =	ssyncadd.s32 $0xFFFF8000  }
0x57: {  	_ =	swait.ge [sflag:s14], $0x8000  }
0x58: {  	[sflag:s14] =	ssyncset.done $0x0  }
0x59: {  	[sflag:s14] =	ssyncadd.s32 $0xFFFF8000  }
0x5a: {  	_ =	sfence.sel $0x180000  }
0x5b: {  	[bflag:$0x0] =	sbarrier.arrive $0xFFFF  }
0x5c: {  	p0 =	sne.s32 s2, $0x0;
	_ =	strace $0x9000004A  }
0x5d: {  	s0 =	sadd.s32 @!p0 $0x100000, s0;
	[bflag:$0x2] =	sbarrier.arrive $0xFFFF  }
0x5e: {  	[sflag:s0] =	ssyncadd.tile.s32 @!p0 $0x1;
	_ =	shalt  }
.Lfunc_end2:
_tile_overlayer_lowered:
.L_overlay_start_2:
0x5f: {  	(tag) =	ssettag $0x2  }
0x60: {  	s0 =	rddreg [dreg:$0x0];
	s2 =	stileid.u32  }
0x61: {  	s1 =	rddreg [dreg:$0x1];
	p0 =	sne.s32 s2, $0x0  }
0x62: {  	s3 =	rddreg [dreg:$0x2];
	[bflag:$0x3] =	sbarrier.arrive $0xFFFF;
	s2 =	simm.s32 @!p0 $0x1C05  }
0x63: {  	[timem:s3], [sflag:s2] =	dma.local @!p0 [hbm:s0], s1  }
0x64: {  	s0 =	simm.s32 @!p0 $0x5  }
0x65: {  	_ =	swait.ge @!p0 [sflag:s0], s1  }
0x66: {  	s1 =	ssub.s32 @!p0 $0x0, s1;
	[sflag:s0] =	ssyncset.done @!p0 $0x0  }
0x67: {  	[sflag:s0] =	ssyncadd.s32 @!p0 s1  }
0x68: {  	[bflag:$0x3] =	sbarrier.arrive $0xFFFF  }
0x69: {  	_ =	shalt  }

// kernel: kernel.36.cloned.1.call-start
scs
__scs_entry_jumppad:
0x0: {  	(pc) =	sbr.rel $0x88, $3  }
0x1: {  	(tag) =	ssettag $0x0;
	lr =	simm.s32 $0x1  }
0x2: {  	[smem:$0x3F94] =	sst lr;
	_ =	strace $0xD0000000  }
0x3: {  	_ = 	snop  }
0x4: {  	_ = 	snop  }
0x5: {  	_ = 	snop  }
0x6: {  	_ = 	snop  }
0x7: {  	_ = 	snop  }
__scs_overlays_trampoline_lowered:
0x8: {  	[smem:$0x3FA3] =	sst s0  }
0x9: {  	[smem:$0x3FA4] =	sst s1  }
0xa: {  	[smem:$0x3FA5] =	sst s2  }
0xb: {  	[smem:$0x3FA6] =	sst s3  }
0xc: {  	[smem:$0x3FA7] =	sst s4  }
0xd: {  	[smem:$0x3FA8] =	sst s5  }
0xe: {  	[smem:$0x3FA9] =	sst s6  }
0xf: {  	[smem:$0x3FAA] =	sst s7  }
0x10: {  	[smem:$0x3FAB] =	sst s8  }
0x11: {  	[smem:$0x3FAC] =	sst s9;
	s0 =	simm.s32 @!p0 $0x0  }
0x12: {  	s1 =	sld [smem:$0x3F92];
	s0 =	simm.s32 @p0 $0x1  }
0x13: {  	[smem:$0x3FAD] =	sst s0;
	s0 =	simm.s32 @!p1 $0x0  }
0x14: {  	s2 =	sld [smem:$0x3F91];
	s0 =	simm.s32 @p1 $0x1  }
0x15: {  	[smem:$0x3FAE] =	sst s0;
	s0 =	simm.s32 @!p2 $0x0  }
0x16: {  	s3 =	sld [smem:$0x3FDB];
	s0 =	simm.s32 @p2 $0x1  }
0x17: {  	s4 =	simm.s32 $0x1BF5;
	[smem:$0x3FB0] =	sst s0  }
0x18: {  	s0 =	sld [smem:$0x3F93];
	_ =	swait.ge [sflag:s4], $0x0  }
0x19: {  	s7 =	sld [smem:$0x3F94]  }
0x1a: {  	s8 =	sadd.s32 $0xFFFFE003, lr  }
0x1b: {  	s9 =	sadd.s32 $0xFFFFFEF7, lr;
	s5 =	simm.s32 $0xFFFFFFFF;
	p2 =	slt.u32 s8, $0xFFFFF086  }
0x1c: {  	p1 =	slt.u32 s9, $0xF7A;
	s5 =	simm.s32 @!p2 $0x0  }
0x1d: {  	s5 =	simm.s32 @p1 $0x1;
	p0 =	seq.s32 s7, s2  }
0x1e: {  	s7 =	smul.u32 @!p0 $0xF7A, s2;
	p2 =	seq.s32 @!p0 s5, $0x0  }
0x1f: {  	s9 =	smul.u32 $0xF7A, s1;
	s8 =	simm.s32 @!p0 $0x1BF5;
	p2 =	por !p2, p0  }
0x20: {  	[sflag:s8] =	ssyncset.s32 @!p0 $0xFFFFF086;
	s6 =	sadd.s32 @!p0 s3, s7;
	s7 =	simm.s32 @!p0 $0x108  }
0x21: {  	s3 =	sadd.s32 s3, s9;
	s6 =	sadd.s32 @!p0 $0x88, s6;
	s7 =	simm.s32 @p2 $0x1082  }
0x22: {  	[simem:s7], [sflag:s8] =	dma.local @!p0 [hbm:s6], $0xF7A  }
0x23: {  	s9 =	sor.u32 $0xD0000000, s2;
	s6 =	simm.s32 $0x108;
	_ =	swait.ge @!p0 [sflag:s8], $0x0  }
0x24: {  	s3 =	sadd.s32 $0x88, s3;
	s6 =	simm.s32 @!p1 $0x1082;
	[sflag:s4] =	ssyncset.s32 $0xFFFFF086  }
0x25: {  	[simem:s6], [sflag:s4] =	dma.local [hbm:s3], $0xF7A  }
0x26: {  	[smem:$0x3F94] =	sst s1;
	(tag) =	ssettag s2;
	_ =	strace s9  }
0x27: {  	s1 =	sld [smem:$0x3FA4]  }
0x28: {  	s2 =	sld [smem:$0x3FA5]  }
0x29: {  	s4 =	sld [smem:$0x3FA7]  }
0x2a: {  	p0 =	seq.s32 s5, $0x0;
	s5 =	sld [smem:$0x3FA8]  }
0x2b: {  	s6 =	sld [smem:$0x3FA9]  }
0x2c: {  	s7 =	sld [smem:$0x3FAA]  }
0x2d: {  	s3 =	simm.s32 $0x108;
	s8 =	sld [smem:$0x3FAB]  }
0x2e: {  	s3 =	simm.s32 @!p0 $0x1082;
	s9 =	sld [smem:$0x3FAC]  }
0x2f: {  	lr =	sadd.s32 s0, s3;
	s0 =	sld [smem:$0x3FA3]  }
0x30: {  	s3 =	sld [smem:$0x3FA6]  }
0x31: {  	[smem:$0x3FAF] =	sst s10  }
0x32: {  	s10 =	sld [smem:$0x3FAD];
	_ =	sdelay $0x3  }
0x33: {  	p0 =	seq.s32 s10, $0x1;
	s10 =	sld [smem:$0x3FAF];
	_ =	sdelay $0x3  }
0x34: {  	[smem:$0x3FAF] =	sst s10  }
0x35: {  	s10 =	sld [smem:$0x3FAE];
	_ =	sdelay $0x3  }
0x36: {  	p1 =	seq.s32 s10, $0x1;
	s10 =	sld [smem:$0x3FAF];
	_ =	sdelay $0x3  }
0x37: {  	[smem:$0x3FAF] =	sst s10  }
0x38: {  	s10 =	sld [smem:$0x3FB0]  }
0x39: {  	_ = 	snop;
	(pc) =	sbr.ind lr, $3  }
0x3a: {  	_ = 	snop  }
0x3b: {  	_ = 	snop  }
0x3c: {  	p2 =	seq.s32 s10, $0x1;
	s10 =	sld [smem:$0x3FAF]  }
0x3d: {  	_ =	shalt  }
0x3e: {  	_ =	shalt  }
0x3f: {  	_ =	shalt  }
0x40: {  	_ =	shalt  }
0x41: {  	_ =	shalt  }
0x42: {  	_ =	shalt  }
0x43: {  	_ =	shalt  }
0x44: {  	_ =	shalt  }
0x45: {  	_ =	shalt  }
0x46: {  	_ =	shalt  }
0x47: {  	_ =	shalt  }
0x48: {  	_ =	shalt  }
0x49: {  	_ =	shalt  }
0x4a: {  	_ =	shalt  }
0x4b: {  	_ =	shalt  }
0x4c: {  	_ =	shalt  }
0x4d: {  	_ =	shalt  }
0x4e: {  	_ =	shalt  }
0x4f: {  	_ =	shalt  }
0x50: {  	_ =	shalt  }
0x51: {  	_ =	shalt  }
0x52: {  	_ =	shalt  }
0x53: {  	_ =	shalt  }
0x54: {  	_ =	shalt  }
0x55: {  	_ =	shalt  }
0x56: {  	_ =	shalt  }
0x57: {  	_ =	shalt  }
0x58: {  	_ =	shalt  }
0x59: {  	_ =	shalt  }
0x5a: {  	_ =	shalt  }
0x5b: {  	_ =	shalt  }
0x5c: {  	_ =	shalt  }
0x5d: {  	_ =	shalt  }
0x5e: {  	_ =	shalt  }
0x5f: {  	_ =	shalt  }
0x60: {  	_ =	shalt  }
0x61: {  	_ =	shalt  }
0x62: {  	_ =	shalt  }
0x63: {  	_ =	shalt  }
0x64: {  	_ =	shalt  }
0x65: {  	_ =	shalt  }
0x66: {  	_ =	shalt  }
0x67: {  	_ =	shalt  }
0x68: {  	_ =	shalt  }
0x69: {  	_ =	shalt  }
0x6a: {  	_ =	shalt  }
0x6b: {  	_ =	shalt  }
0x6c: {  	_ =	shalt  }
0x6d: {  	_ =	shalt  }
0x6e: {  	_ =	shalt  }
0x6f: {  	_ =	shalt  }
0x70: {  	_ =	shalt  }
0x71: {  	_ =	shalt  }
0x72: {  	_ =	shalt  }
0x73: {  	_ =	shalt  }
0x74: {  	_ =	shalt  }
0x75: {  	_ =	shalt  }
0x76: {  	_ =	shalt  }
0x77: {  	_ =	shalt  }
0x78: {  	_ =	shalt  }
0x79: {  	_ =	shalt  }
0x7a: {  	_ =	shalt  }
0x7b: {  	_ =	shalt  }
0x7c: {  	_ =	shalt  }
0x7d: {  	_ =	shalt  }
0x7e: {  	_ =	shalt  }
0x7f: {  	_ =	shalt  }
0x80: {  	_ =	shalt  }
0x81: {  	_ =	shalt  }
0x82: {  	_ =	shalt  }
0x83: {  	_ =	shalt  }
0x84: {  	_ =	shalt  }
0x85: {  	_ =	shalt  }
0x86: {  	_ =	shalt  }
0x87: {  	_ =	shalt  }
.Lfunc_end0:
.L_simem_size_0:
called_computation.6_lowered:
.L_overlay_start_0:
0x88: {  	s2 =	sld [smem:$0x3FD9]  }
0x89: {  	s3 =	sld [smem:$0x3FFE];
	_ =	sdelay $0x1  }
0x8a: {  	s1 =	srdreg.scid  }
0x8b: {  	s0 =	sand.u32 $0x1, s1  }
0x8c: {  	s17 =	sshll.u32 s0, $0xA;
	s2 =	sadd.s32 s3, s2  }
0x8d: {  	s2 =	sadd.s32 s2, s17  }
0x8e: {  	[smem:$0x3FBB] =	sst s2  }
0x8f: {  	_ = 	snop  }
0x90: {  	s2 =	sld [smem:$0x3FD0];
	(tm) =	ssettm $0x1  }
0x91: {  	s18 =	sld [smem:$0x3FFB];
	_ =	sdelay $0x3  }
0x92: {  	_ =	strace s18  }
0x93: {  	s3 =	sld [smem:$0x3FFC];
	_ =	sdelay $0x3  }
0x94: {  	_ =	strace s3  }
0x95: {  	s3 =	sld [smem:$0x3FFD];
	_ =	sdelay $0x3  }
0x96: {  	_ =	strace s3  }
0x97: {  	_ =	strace $0x8FFFFFFF  }
0x98: {  	s19 =	sld [smem:$0x3FDB];
	_ =	sdelay $0x1  }
0x99: {  	s4 =	simm.s32 $_scs_section_size  }
0x9a: {  	s5 =	simm.s32 $_size__tile_overlayer_lowered;
	s6 =	simm.s32 $_tile_overlayer_lowered  }
0x9b: {  	s22 =	simm.s32 $0x1BFF;
	s21 =	sshll.u32 s6, $0x1;
	s3 =	sadd.s32 s4, s19  }
0x9c: {  	s7 =	simm.s32 $0x0;
	s20 =	sshll.u32 s5, $0x1;
	s5 =	sadd.s32 s21, s3  }
0x9d: {  	[timem:s7], [sflag:s22] =	dma.local [hbm:s5], s20  }
0x9e: {  	_ =	swait.ge [sflag:s22], s20  }
0x9f: {  	s4 =	ssub.s32 $0x0, s20;
	[sflag:s22] =	ssyncset.done $0x0  }
0xa0: {  	[sflag:s22] =	ssyncadd.s32 s4;
	_ =	sdelay $0x1  }
0xa1: {  	s23 =	simm.s32 $0x1B8B  }
0xa2: {  	_ =	swait.ge [sflag:s23], $0x1  }
0xa3: {  	[sflag:s23] =	ssyncset.done $0x0  }
0xa4: {  	s25 =	simm.s32 $0x1B8E;
	s24 =	sld [smem:$0x3FFE];
	[sflag:s23] =	ssyncadd.s32 $0xFFFFFFFF  }
0xa5: {  	s26 =	simm.s32 $execute0_lowered;
	[smem:$0x3FD2] =	sst s25  }
0xa6: {  	s5 =	sshll.u32 s26, $0x1;
	_ =	strace $0x80000046;
	[dreg:$0x1] =	wrdreg $0xFFFFFFFF  }
0xa7: {  	s28 =	simm.s32 $_size_execute0_lowered;
	s3 =	sadd.s32 s3, s5;
	[dreg:$0x0] =	wrdreg $0x0  }
0xa8: {  	s5 =	sshll.u32 s28, $0x1;
	[dreg:$0x2] =	wrdreg s3  }
0xa9: {  	[dreg:$0x3] =	wrdreg s5  }
0xaa: {  	[dreg:$0x4] =	wrdreg $0xC0  }
0xab: {  	_ =	task [dreg:s7], $0x5FFFF  }
0xac: {  	[dreg:$0x1] =	wrdreg $0xFFFFFFFF  }
0xad: {  	[dreg:$0x0] =	wrdreg $0x60  }
0xae: {  	[dreg:$0x2] =	wrdreg s24  }
0xaf: {  	[dreg:$0x3] =	wrdreg s2  }
0xb0: {  	[dreg:$0x4] =	wrdreg $0xF  }
0xb1: {  	_ =	task.clear_ibuf [dreg:s7], $0x5FFFF;
	_ =	strace $0x90000046  }
0xb2: {  	s29 =	simm.s32 $0xF;
	_ =	strace $0x80000048  }
0xb3: {  	_ =	swait.ge [sflag:s29], $0x1  }
0xb4: {  	[sflag:s29] =	ssyncadd.s32 $0xFFFFFFFF  }
0xb5: {  	_ =	strace $0x90000048  }
0xb6: {  	_ =	sfence  }
0xb7: {  	s30 =	sld [smem:$0x0];
	_ =	sdelay $0x2  }
0xb8: {  	s31 =	sshll.u32 s1, $0xD;
	s1 =	sshrl.u32 s1, $0x2  }
0xb9: {  	s3 =	sand.u32 $0x4000, s31;
	s1 =	sadd.s32 s1, s30  }
0xba: {  	s0 =	sor.u32 s3, s0;
	s1 =	sshll.u32 s1, $0x11  }
0xbb: {  	s0 =	sor.u32 s1, s0  }
0xbc: {  	s0 =	sadd.s32 $0x8F2B, s0  }
0xbd: {  	[sflag:s0] =	ssyncadd.remote.s32 $0x1  }
0xbe: {  	_ =	sfence.sel $0xFFFF  }
0xbf: {  	[dreg:$0x0] =	wrdreg $0xFFFFFFFF;
	(pc) =	sbr.abs _section_cstart, $3  }
0xc0: {  	[dreg:$0x1] =	wrdreg $0xFFFFFFFF  }
0xc1: {  	_ =	task.clear_ibuf [dreg:s7], $0x2FFFF;
	_ =	strace $0x9FFFFFFF  }
0xc2: {  	(tm) =	ssettm $0x7FFFFFFF  }
0xc3: {  	_ =	shalt  }
tec
execute0_lowered:
.L_overlay_start_1:
0x0: {  	(tag) =	ssettag $0x1  }
0x1: {  	s4 =	rddreg [dreg:$0x0]  }
0x2: {  	s5 =	rddreg [dreg:$0x1]  }
0x3: {  	s0 =	rddreg [dreg:$0x2];
	s1 =	simm.s32 $0x0  }
0x4: {  	s6 =	srdreg.scid;
	s2 =	stileid.u32;
	s10 =	simm.s32 $0x8200  }
0x5: {  	s11 =	simm.s32 $0x1;
	s12 =	simm.s32 $0x2;
	s13 =	simm.s32 $0x3  }
0x6: {  	s14 =	simm.s32 $0x4;
	s15 =	simm.s32 $0x0;
	[smem:$0x7FF] =	sst s1  }
0x7: {  	s3 =	sadd.s32 $0x83400, s4;
	s6 =	sand.u32 $0x1, s6;
	s7 =	sshll.u32 s2, $0x10  }
0x8: {  	s8 =	sshll.u32 s2, $0xC;
	_ =	strace $0x80000047;
	s9 =	sshll.u32 s6, $0xB  }
0x9: {  	s4 =	sadd.s32 s7, s4;
	s30 =	ssub.s32 $0x2, s6;
	s6 =	sshll.u32 s6, $0xF  }
0xa: {  	s8 =	sor.u32 s9, s8;
	s31 =	sshrl.u32 s30, $0x1;
	s6 =	sadd.s32 s6, s4  }
0xb: {  	s9 =	simm.s32 $0x200;
	s8 =	sshrl.u32 s8, $0x3;
	s7 =	ssub.s32 s30, s31  }
0xc: {  	s8 =	sadd.s32 s8, s5;
	s4 =	smax.u32 s7, $0x1;
	s5 =	sadd.s32 $0x103400, s6  }
0xd: {  	s7 =	simm.s32 $0x5;
	s6 =	sadd.s32 $0xC020, s8;
	s8 =	simm.s32 $0x100  }
.LBB2_1:
0xe: {  	s16 =	sadd.s32 $0xFFFFFFE0, s6  }
0xf: {  	[tilespmem:s1], [sflag:$0x5] =	stream.linear.gather [hbm4b:s16+s1], $0x100, $0x38;
	[tilespmem:$0x10200] =	vst v63  }
0x10: {  	_ =	swait.ge [sflag:s7], $0x100  }
0x11: {  	[sflag:s7] =	ssyncset.done $0x0  }
0x12: {  	[sflag:s7] =	ssyncadd.s32 $0xFFFFFF00  }
0x13: {  	[tilespmem:s9], [sflag:$0x1] =	stream.indirect.gather [hbm4b:s3+s8], $0x80, s1, s8, $0xb8;
	[tilespmem:$0x10200] =	vst v63  }
0x14: {  	_ = 	snop  }
0x15: {  	[tilespmem:s8], [sflag:$0x5] =	stream.linear.gather [hbm4b:s6+s1], $0x100, $0x38;
	[tilespmem:$0x10200] =	vst v63  }
0x16: {  	_ =	swait.ge [sflag:s7], $0x100  }
0x17: {  	[sflag:s7] =	ssyncset.done $0x0  }
0x18: {  	[sflag:s7] =	ssyncadd.s32 $0xFFFFFF00  }
0x19: {  	[tilespmem:s10], [sflag:$0x2] =	stream.indirect.gather [hbm4b:s3+s8], $0x80, s8, s8, $0xb8;
	[tilespmem:$0x10200] =	vst v63  }
0x1a: {  	_ =	swait.ge [sflag:s11], $0x8000  }
0x1b: {  	[sflag:s11] =	ssyncset.done $0x0  }
0x1c: {  	s31 =	sadd.s32 $0x0, s5;
	[sflag:s11] =	ssyncadd.s32 $0xFFFF8000  }
0x1d: {  	[hbm4b:s31+s1] =	stream.linear.scatter [tilespmem:s9], [sflag:$0x3], $0x8000, $0x38;
	[tilespmem:$0x10200] =	vst v63  }
0x1e: {  	_ =	swait.ge [sflag:s12], $0x8000  }
0x1f: {  	[sflag:s12] =	ssyncset.done $0x0  }
0x20: {  	s16 =	sadd.s32 $0x1000, s31;
	[sflag:s12] =	ssyncadd.s32 $0xFFFF8000  }
0x21: {  	[hbm4b:s16+s1] =	stream.linear.scatter [tilespmem:s10], [sflag:$0x4], $0x8000, $0x38;
	[tilespmem:$0x10200] =	vst v63  }
0x22: {  	_ =	swait.ge [sflag:s13], $0x8000  }
0x23: {  	[sflag:s13] =	ssyncset.done $0x0  }
0x24: {  	[sflag:s13] =	ssyncadd.s32 $0xFFFF8000  }
0x25: {  	s18 =	simm.s32 $0x4000;
	_ =	swait.ge [sflag:s14], $0x8000  }
0x26: {  	s17 =	sadd.s32 $0x40, s6;
	s16 =	simm.s32 $0x2000;
	[sflag:s14] =	ssyncset.done $0x0  }
.LBB2_2:
0x27: {  	p0 =	sne.s32 s18, $0x6000;
	s19 =	sadd.s32 $0xFFFFFFE0, s17;
	[sflag:s14] =	ssyncadd.s32 $0xFFFF8000  }
0x28: {  	[tilespmem:s1], [sflag:$0x5] =	stream.linear.gather [hbm4b:s19+s1], $0x100, $0x38;
	[tilespmem:$0x10200] =	vst v63  }
0x29: {  	s19 =	smov.u32 s18;
	s18 =	sadd.s32 $0x2000, s18;
	_ =	swait.ge [sflag:s7], $0x100  }
0x2a: {  	[sflag:s7] =	ssyncset.done $0x0  }
0x2b: {  	[sflag:s7] =	ssyncadd.s32 $0xFFFFFF00  }
0x2c: {  	[tilespmem:s9], [sflag:$0x1] =	stream.indirect.gather [hbm4b:s3+s8], $0x80, s1, s8, $0xb8;
	[tilespmem:$0x10200] =	vst v63  }
0x2d: {  	_ = 	snop  }
0x2e: {  	[tilespmem:s8], [sflag:$0x5] =	stream.linear.gather [hbm4b:s17+s1], $0x100, $0x38;
	[tilespmem:$0x10200] =	vst v63  }
0x2f: {  	_ =	swait.ge [sflag:s7], $0x100  }
0x30: {  	[sflag:s7] =	ssyncset.done $0x0  }
0x31: {  	[sflag:s7] =	ssyncadd.s32 $0xFFFFFF00  }
0x32: {  	[tilespmem:s10], [sflag:$0x2] =	stream.indirect.gather [hbm4b:s3+s8], $0x80, s8, s8, $0xb8;
	[tilespmem:$0x10200] =	vst v63  }
0x33: {  	_ =	swait.ge [sflag:s11], $0x8000  }
0x34: {  	[sflag:s11] =	ssyncset.done $0x0  }
0x35: {  	s20 =	sadd.s32 s16, s5;
	s16 =	smov.u32 s19;
	[sflag:s11] =	ssyncadd.s32 $0xFFFF8000  }
0x36: {  	[hbm4b:s20+s1] =	stream.linear.scatter [tilespmem:s9], [sflag:$0x3], $0x8000, $0x38;
	[tilespmem:$0x10200] =	vst v63  }
0x37: {  	_ =	swait.ge [sflag:s12], $0x8000  }
0x38: {  	[sflag:s12] =	ssyncset.done $0x0  }
0x39: {  	s19 =	sadd.s32 $0x1000, s20;
	[sflag:s12] =	ssyncadd.s32 $0xFFFF8000  }
0x3a: {  	[hbm4b:s19+s1] =	stream.linear.scatter [tilespmem:s10], [sflag:$0x4], $0x8000, $0x38;
	[tilespmem:$0x10200] =	vst v63  }
.Ltmp0:
0x3b: {  	_ =	swait.ge [sflag:s13], $0x8000;
	(pc) =	sbr.rel @p0 .LBB2_2-.Ltmp0, $4  }
0x3c: {  	[sflag:s13] =	ssyncset.done $0x0  }
0x3d: {  	[sflag:s13] =	ssyncadd.s32 $0xFFFF8000  }
0x3e: {  	_ =	swait.ge [sflag:s14], $0x8000  }
0x3f: {  	s17 =	sadd.s32 $0x40, s17;
	[sflag:s14] =	ssyncset.done $0x0  }
0x40: {  	s18 =	sadd.s32 $0xFFFFFFE0, s17;
	[sflag:s14] =	ssyncadd.s32 $0xFFFF8000  }
0x41: {  	[tilespmem:s1], [sflag:$0x5] =	stream.linear.gather [hbm4b:s18+s1], $0x100, $0x38;
	[tilespmem:$0x10200] =	vst v63  }
0x42: {  	_ =	swait.ge [sflag:s7], $0x100  }
0x43: {  	[sflag:s7] =	ssyncset.done $0x0  }
0x44: {  	[sflag:s7] =	ssyncadd.s32 $0xFFFFFF00  }
0x45: {  	[tilespmem:s9], [sflag:$0x1] =	stream.indirect.gather [hbm4b:s3+s8], $0x80, s1, s8, $0xb8;
	[tilespmem:$0x10200] =	vst v63  }
0x46: {  	_ = 	snop  }
0x47: {  	[tilespmem:s8], [sflag:$0x5] =	stream.linear.gather [hbm4b:s17+s1], $0x100, $0x38;
	[tilespmem:$0x10200] =	vst v63  }
0x48: {  	_ =	swait.ge [sflag:s7], $0x100  }
0x49: {  	[sflag:s7] =	ssyncset.done $0x0  }
0x4a: {  	[sflag:s7] =	ssyncadd.s32 $0xFFFFFF00  }
0x4b: {  	[tilespmem:s10], [sflag:$0x2] =	stream.indirect.gather [hbm4b:s3+s8], $0x80, s8, s8, $0xb8;
	[tilespmem:$0x10200] =	vst v63  }
0x4c: {  	_ =	swait.ge [sflag:s11], $0x8000  }
0x4d: {  	[sflag:s11] =	ssyncset.done $0x0  }
0x4e: {  	s16 =	sadd.s32 s16, s5;
	[sflag:s11] =	ssyncadd.s32 $0xFFFF8000  }
0x4f: {  	[hbm4b:s16+s1] =	stream.linear.scatter [tilespmem:s9], [sflag:$0x3], $0x8000, $0x38;
	[tilespmem:$0x10200] =	vst v63  }
0x50: {  	_ =	swait.ge [sflag:s12], $0x8000  }
0x51: {  	[sflag:s12] =	ssyncset.done $0x0  }
0x52: {  	s15 =	sadd.s32 $0x1, s15;
	s16 =	sadd.s32 $0x1000, s16;
	[sflag:s12] =	ssyncadd.s32 $0xFFFF8000  }
0x53: {  	[hbm4b:s16+s1] =	stream.linear.scatter [tilespmem:s10], [sflag:$0x4], $0x8000, $0x38;
	[tilespmem:$0x10200] =	vst v63  }
0x54: {  	p0 =	sne.s32 s15, s4;
	_ =	swait.ge [sflag:s13], $0x8000  }
.Ltmp1:
0x55: {  	[sflag:s13] =	ssyncset.done $0x0;
	(pc) =	sbr.rel @p0 .LBB2_1-.Ltmp1, $4  }
0x56: {  	[sflag:s13] =	ssyncadd.s32 $0xFFFF8000  }
0x57: {  	_ =	swait.ge [sflag:s14], $0x8000  }
0x58: {  	[sflag:s14] =	ssyncset.done $0x0  }
0x59: {  	[sflag:s14] =	ssyncadd.s32 $0xFFFF8000  }
0x5a: {  	_ =	sfence.sel $0x180000  }
0x5b: {  	[bflag:$0x0] =	sbarrier.arrive $0xFFFF  }
0x5c: {  	p0 =	sne.s32 s2, $0x0;
	_ =	strace $0x90000047  }
0x5d: {  	s0 =	sadd.s32 @!p0 $0x100000, s0;
	[bflag:$0x2] =	sbarrier.arrive $0xFFFF  }
0x5e: {  	[sflag:s0] =	ssyncadd.tile.s32 @!p0 $0x1;
	_ =	shalt  }
.Lfunc_end2:
_tile_overlayer_lowered:
.L_overlay_start_2:
0x5f: {  	(tag) =	ssettag $0x2  }
0x60: {  	s0 =	rddreg [dreg:$0x0];
	s2 =	stileid.u32  }
0x61: {  	s1 =	rddreg [dreg:$0x1];
	p0 =	sne.s32 s2, $0x0  }
0x62: {  	s3 =	rddreg [dreg:$0x2];
	[bflag:$0x3] =	sbarrier.arrive $0xFFFF;
	s2 =	simm.s32 @!p0 $0x1C05  }
0x63: {  	[timem:s3], [sflag:s2] =	dma.local @!p0 [hbm:s0], s1  }
0x64: {  	s0 =	simm.s32 @!p0 $0x5  }
0x65: {  	_ =	swait.ge @!p0 [sflag:s0], s1  }
0x66: {  	s1 =	ssub.s32 @!p0 $0x0, s1;
	[sflag:s0] =	ssyncset.done @!p0 $0x0  }
0x67: {  	[sflag:s0] =	ssyncadd.s32 @!p0 s1  }
0x68: {  	[bflag:$0x3] =	sbarrier.arrive $0xFFFF  }
0x69: {  	_ =	shalt  }

// kernel: kernel.39.cloned.1.call-start
scs
__scs_entry_jumppad:
0x0: {  	(pc) =	sbr.rel $0x88, $3  }
0x1: {  	(tag) =	ssettag $0x0;
	lr =	simm.s32 $0x1  }
0x2: {  	[smem:$0x3F94] =	sst lr;
	_ =	strace $0xD0000000  }
0x3: {  	_ = 	snop  }
0x4: {  	_ = 	snop  }
0x5: {  	_ = 	snop  }
0x6: {  	_ = 	snop  }
0x7: {  	_ = 	snop  }
__scs_overlays_trampoline_lowered:
0x8: {  	[smem:$0x3FA3] =	sst s0  }
0x9: {  	[smem:$0x3FA4] =	sst s1  }
0xa: {  	[smem:$0x3FA5] =	sst s2  }
0xb: {  	[smem:$0x3FA6] =	sst s3  }
0xc: {  	[smem:$0x3FA7] =	sst s4  }
0xd: {  	[smem:$0x3FA8] =	sst s5  }
0xe: {  	[smem:$0x3FA9] =	sst s6  }
0xf: {  	[smem:$0x3FAA] =	sst s7  }
0x10: {  	[smem:$0x3FAB] =	sst s8  }
0x11: {  	[smem:$0x3FAC] =	sst s9;
	s0 =	simm.s32 @!p0 $0x0  }
0x12: {  	s1 =	sld [smem:$0x3F92];
	s0 =	simm.s32 @p0 $0x1  }
0x13: {  	[smem:$0x3FAD] =	sst s0;
	s0 =	simm.s32 @!p1 $0x0  }
0x14: {  	s2 =	sld [smem:$0x3F91];
	s0 =	simm.s32 @p1 $0x1  }
0x15: {  	[smem:$0x3FAE] =	sst s0;
	s0 =	simm.s32 @!p2 $0x0  }
0x16: {  	s3 =	sld [smem:$0x3FDB];
	s0 =	simm.s32 @p2 $0x1  }
0x17: {  	s4 =	simm.s32 $0x1BF5;
	[smem:$0x3FB0] =	sst s0  }
0x18: {  	s0 =	sld [smem:$0x3F93];
	_ =	swait.ge [sflag:s4], $0x0  }
0x19: {  	s7 =	sld [smem:$0x3F94]  }
0x1a: {  	s8 =	sadd.s32 $0xFFFFE003, lr  }
0x1b: {  	s9 =	sadd.s32 $0xFFFFFEF7, lr;
	s5 =	simm.s32 $0xFFFFFFFF;
	p2 =	slt.u32 s8, $0xFFFFF086  }
0x1c: {  	p1 =	slt.u32 s9, $0xF7A;
	s5 =	simm.s32 @!p2 $0x0  }
0x1d: {  	s5 =	simm.s32 @p1 $0x1;
	p0 =	seq.s32 s7, s2  }
0x1e: {  	s7 =	smul.u32 @!p0 $0xF7A, s2;
	p2 =	seq.s32 @!p0 s5, $0x0  }
0x1f: {  	s9 =	smul.u32 $0xF7A, s1;
	s8 =	simm.s32 @!p0 $0x1BF5;
	p2 =	por !p2, p0  }
0x20: {  	[sflag:s8] =	ssyncset.s32 @!p0 $0xFFFFF086;
	s6 =	sadd.s32 @!p0 s3, s7;
	s7 =	simm.s32 @!p0 $0x108  }
0x21: {  	s3 =	sadd.s32 s3, s9;
	s6 =	sadd.s32 @!p0 $0x88, s6;
	s7 =	simm.s32 @p2 $0x1082  }
0x22: {  	[simem:s7], [sflag:s8] =	dma.local @!p0 [hbm:s6], $0xF7A  }
0x23: {  	s9 =	sor.u32 $0xD0000000, s2;
	s6 =	simm.s32 $0x108;
	_ =	swait.ge @!p0 [sflag:s8], $0x0  }
0x24: {  	s3 =	sadd.s32 $0x88, s3;
	s6 =	simm.s32 @!p1 $0x1082;
	[sflag:s4] =	ssyncset.s32 $0xFFFFF086  }
0x25: {  	[simem:s6], [sflag:s4] =	dma.local [hbm:s3], $0xF7A  }
0x26: {  	[smem:$0x3F94] =	sst s1;
	(tag) =	ssettag s2;
	_ =	strace s9  }
0x27: {  	s1 =	sld [smem:$0x3FA4]  }
0x28: {  	s2 =	sld [smem:$0x3FA5]  }
0x29: {  	s4 =	sld [smem:$0x3FA7]  }
0x2a: {  	p0 =	seq.s32 s5, $0x0;
	s5 =	sld [smem:$0x3FA8]  }
0x2b: {  	s6 =	sld [smem:$0x3FA9]  }
0x2c: {  	s7 =	sld [smem:$0x3FAA]  }
0x2d: {  	s3 =	simm.s32 $0x108;
	s8 =	sld [smem:$0x3FAB]  }
0x2e: {  	s3 =	simm.s32 @!p0 $0x1082;
	s9 =	sld [smem:$0x3FAC]  }
0x2f: {  	lr =	sadd.s32 s0, s3;
	s0 =	sld [smem:$0x3FA3]  }
0x30: {  	s3 =	sld [smem:$0x3FA6]  }
0x31: {  	[smem:$0x3FAF] =	sst s10  }
0x32: {  	s10 =	sld [smem:$0x3FAD];
	_ =	sdelay $0x3  }
0x33: {  	p0 =	seq.s32 s10, $0x1;
	s10 =	sld [smem:$0x3FAF];
	_ =	sdelay $0x3  }
0x34: {  	[smem:$0x3FAF] =	sst s10  }
0x35: {  	s10 =	sld [smem:$0x3FAE];
	_ =	sdelay $0x3  }
0x36: {  	p1 =	seq.s32 s10, $0x1;
	s10 =	sld [smem:$0x3FAF];
	_ =	sdelay $0x3  }
0x37: {  	[smem:$0x3FAF] =	sst s10  }
0x38: {  	s10 =	sld [smem:$0x3FB0]  }
0x39: {  	_ = 	snop;
	(pc) =	sbr.ind lr, $3  }
0x3a: {  	_ = 	snop  }
0x3b: {  	_ = 	snop  }
0x3c: {  	p2 =	seq.s32 s10, $0x1;
	s10 =	sld [smem:$0x3FAF]  }
0x3d: {  	_ =	shalt  }
0x3e: {  	_ =	shalt  }
0x3f: {  	_ =	shalt  }
0x40: {  	_ =	shalt  }
0x41: {  	_ =	shalt  }
0x42: {  	_ =	shalt  }
0x43: {  	_ =	shalt  }
0x44: {  	_ =	shalt  }
0x45: {  	_ =	shalt  }
0x46: {  	_ =	shalt  }
0x47: {  	_ =	shalt  }
0x48: {  	_ =	shalt  }
0x49: {  	_ =	shalt  }
0x4a: {  	_ =	shalt  }
0x4b: {  	_ =	shalt  }
0x4c: {  	_ =	shalt  }
0x4d: {  	_ =	shalt  }
0x4e: {  	_ =	shalt  }
0x4f: {  	_ =	shalt  }
0x50: {  	_ =	shalt  }
0x51: {  	_ =	shalt  }
0x52: {  	_ =	shalt  }
0x53: {  	_ =	shalt  }
0x54: {  	_ =	shalt  }
0x55: {  	_ =	shalt  }
0x56: {  	_ =	shalt  }
0x57: {  	_ =	shalt  }
0x58: {  	_ =	shalt  }
0x59: {  	_ =	shalt  }
0x5a: {  	_ =	shalt  }
0x5b: {  	_ =	shalt  }
0x5c: {  	_ =	shalt  }
0x5d: {  	_ =	shalt  }
0x5e: {  	_ =	shalt  }
0x5f: {  	_ =	shalt  }
0x60: {  	_ =	shalt  }
0x61: {  	_ =	shalt  }
0x62: {  	_ =	shalt  }
0x63: {  	_ =	shalt  }
0x64: {  	_ =	shalt  }
0x65: {  	_ =	shalt  }
0x66: {  	_ =	shalt  }
0x67: {  	_ =	shalt  }
0x68: {  	_ =	shalt  }
0x69: {  	_ =	shalt  }
0x6a: {  	_ =	shalt  }
0x6b: {  	_ =	shalt  }
0x6c: {  	_ =	shalt  }
0x6d: {  	_ =	shalt  }
0x6e: {  	_ =	shalt  }
0x6f: {  	_ =	shalt  }
0x70: {  	_ =	shalt  }
0x71: {  	_ =	shalt  }
0x72: {  	_ =	shalt  }
0x73: {  	_ =	shalt  }
0x74: {  	_ =	shalt  }
0x75: {  	_ =	shalt  }
0x76: {  	_ =	shalt  }
0x77: {  	_ =	shalt  }
0x78: {  	_ =	shalt  }
0x79: {  	_ =	shalt  }
0x7a: {  	_ =	shalt  }
0x7b: {  	_ =	shalt  }
0x7c: {  	_ =	shalt  }
0x7d: {  	_ =	shalt  }
0x7e: {  	_ =	shalt  }
0x7f: {  	_ =	shalt  }
0x80: {  	_ =	shalt  }
0x81: {  	_ =	shalt  }
0x82: {  	_ =	shalt  }
0x83: {  	_ =	shalt  }
0x84: {  	_ =	shalt  }
0x85: {  	_ =	shalt  }
0x86: {  	_ =	shalt  }
0x87: {  	_ =	shalt  }
.Lfunc_end0:
.L_simem_size_0:
called_computation.7_lowered:
.L_overlay_start_0:
0x88: {  	s2 =	sld [smem:$0x3FD9]  }
0x89: {  	s3 =	sld [smem:$0x3FFE];
	_ =	sdelay $0x1  }
0x8a: {  	s1 =	srdreg.scid  }
0x8b: {  	s0 =	sand.u32 $0x1, s1  }
0x8c: {  	s17 =	sshll.u32 s0, $0xA;
	s2 =	sadd.s32 s3, s2  }
0x8d: {  	s2 =	sadd.s32 s2, s17  }
0x8e: {  	[smem:$0x3FBB] =	sst s2  }
0x8f: {  	_ = 	snop  }
0x90: {  	s18 =	sld [smem:$0x3FD0];
	(tm) =	ssettm $0x1  }
0x91: {  	s19 =	sld [smem:$0x3FFB];
	_ =	sdelay $0x3  }
0x92: {  	_ =	strace s19  }
0x93: {  	s2 =	sld [smem:$0x3FFC];
	_ =	sdelay $0x3  }
0x94: {  	_ =	strace s2  }
0x95: {  	s2 =	sld [smem:$0x3FFD];
	_ =	sdelay $0x3  }
0x96: {  	_ =	strace s2  }
0x97: {  	_ =	strace $0x8FFFFFFF  }
0x98: {  	s20 =	sld [smem:$0x3FDB];
	_ =	sdelay $0x1  }
0x99: {  	s4 =	simm.s32 $_scs_section_size  }
0x9a: {  	s5 =	simm.s32 $_size__tile_overlayer_lowered;
	s6 =	simm.s32 $_tile_overlayer_lowered  }
0x9b: {  	s7 =	simm.s32 $0x1BFF;
	s21 =	sshll.u32 s6, $0x1;
	s4 =	sadd.s32 s4, s20  }
0x9c: {  	s22 =	simm.s32 $0x0;
	s5 =	sshll.u32 s5, $0x1;
	s6 =	sadd.s32 s21, s4  }
0x9d: {  	[timem:s22], [sflag:s7] =	dma.local [hbm:s6], s5  }
0x9e: {  	_ =	swait.ge [sflag:s7], s5  }
0x9f: {  	s5 =	ssub.s32 $0x0, s5;
	[sflag:s7] =	ssyncset.done $0x0  }
0xa0: {  	[sflag:s7] =	ssyncadd.s32 s5;
	_ =	sdelay $0x1  }
0xa1: {  	s23 =	simm.s32 $0x1B8B  }
0xa2: {  	_ =	swait.ge [sflag:s23], $0x1  }
0xa3: {  	[sflag:s23] =	ssyncset.done $0x0  }
0xa4: {  	[sflag:s23] =	ssyncadd.s32 $0xFFFFFFFF  }
0xa5: {  	s5 =	sld [smem:$0x0]  }
0xa6: {  	s6 =	sand.u32 $0xFFFFFFFE, s1  }
0xa7: {  	p0 =	sne.s32 s1, s6  }
0xa8: {  	s6 =	sshll.u32 @p0 s6, $0xE  }
0xa9: {  	s6 =	sadd.s32 @p0 $0x11B8D, s6;
	s7 =	sshll.u32 @p0 s5, $0x11  }
0xaa: {  	s6 =	sor.u32 @p0 s7, s6  }
0xab: {  	[sflag:s6] =	ssyncadd.remote.s32 @p0 $0x1;
	_ =	sdelay $0x1  }
0xac: {  	s6 =	simm.s32 @p0 $0x1B8D  }
0xad: {  	_ =	swait.eq @p0 [sflag:s6], $0x1  }
0xae: {  	[sflag:s6] =	ssyncadd.s32 @p0 $0xFFFFFFFF  }
0xaf: {  	s7 =	sshll.u32 @!p0 s1, $0xE  }
0xb0: {  	s7 =	sor.u32 @!p0 $0x4000, s7;
	s6 =	simm.s32 @!p0 $0x1B8D  }
0xb1: {  	s5 =	sshll.u32 @!p0 s5, $0x11;
	s7 =	sadd.s32 @!p0 $0x11B8D, s7;
	_ =	swait.eq @!p0 [sflag:s6], $0x1  }
0xb2: {  	s5 =	sor.u32 @!p0 s5, s7;
	[sflag:s6] =	ssyncadd.s32 @!p0 $0xFFFFFFFF  }
0xb3: {  	s25 =	simm.s32 $0x1B8E;
	s24 =	sld [smem:$0x3FFE];
	[sflag:s5] =	ssyncadd.remote.s32 @!p0 $0x1  }
0xb4: {  	s26 =	simm.s32 $execute0_lowered;
	[smem:$0x3FD2] =	sst s25  }
0xb5: {  	s6 =	sshll.u32 s26, $0x1;
	_ =	strace $0x8000005B;
	[dreg:$0x1] =	wrdreg $0xFFFFFFFF  }
0xb6: {  	s28 =	simm.s32 $_size_execute0_lowered;
	s4 =	sadd.s32 s4, s6;
	[dreg:$0x0] =	wrdreg $0x0  }
0xb7: {  	s6 =	sshll.u32 s28, $0x1;
	[dreg:$0x2] =	wrdreg s4  }
0xb8: {  	[dreg:$0x3] =	wrdreg s6  }
0xb9: {  	[dreg:$0x4] =	wrdreg $0xC0  }
0xba: {  	_ =	task [dreg:s22], $0x5FFFF  }
0xbb: {  	[dreg:$0x1] =	wrdreg $0xFFFFFFFF  }
0xbc: {  	[dreg:$0x0] =	wrdreg $0x60  }
0xbd: {  	[dreg:$0x2] =	wrdreg s24  }
0xbe: {  	[dreg:$0x3] =	wrdreg s18  }
0xbf: {  	[dreg:$0x4] =	wrdreg $0x10  }
0xc0: {  	_ =	task.clear_ibuf [dreg:s22], $0x5FFFF;
	_ =	strace $0x9000005B  }
0xc1: {  	s29 =	simm.s32 $0x10;
	_ =	strace $0x8000005D  }
0xc2: {  	_ =	swait.ge [sflag:s29], $0x1  }
0xc3: {  	[sflag:s29] =	ssyncadd.s32 $0xFFFFFFFF  }
0xc4: {  	_ =	strace $0x9000005D  }
0xc5: {  	_ =	sfence  }
0xc6: {  	s30 =	sld [smem:$0x0];
	_ =	sdelay $0x2  }
0xc7: {  	s31 =	sshll.u32 s1, $0xD;
	s1 =	sshrl.u32 s1, $0x2  }
0xc8: {  	s4 =	sand.u32 $0x4000, s31;
	s1 =	sadd.s32 s1, s30  }
0xc9: {  	s0 =	sor.u32 s4, s0;
	s1 =	sshll.u32 s1, $0x11  }
0xca: {  	s0 =	sor.u32 s1, s0  }
0xcb: {  	s0 =	sadd.s32 $0x8F2B, s0  }
0xcc: {  	[sflag:s0] =	ssyncadd.remote.s32 $0x1  }
0xcd: {  	_ =	sfence.sel $0xFFFF  }
0xce: {  	[dreg:$0x0] =	wrdreg $0xFFFFFFFF;
	(pc) =	sbr.abs _section_cstart, $3  }
0xcf: {  	[dreg:$0x1] =	wrdreg $0xFFFFFFFF  }
0xd0: {  	_ =	task.clear_ibuf [dreg:s22], $0x2FFFF;
	_ =	strace $0x9FFFFFFF  }
0xd1: {  	(tm) =	ssettm $0x7FFFFFFF  }
tec
execute0_lowered:
.L_overlay_start_1:
0x0: {  	(tag) =	ssettag $0x1  }
0x1: {  	s4 =	rddreg [dreg:$0x0]  }
0x2: {  	s5 =	rddreg [dreg:$0x1]  }
0x3: {  	s0 =	rddreg [dreg:$0x2];
	s1 =	simm.s32 $0x0  }
0x4: {  	s6 =	srdreg.scid;
	s2 =	stileid.u32;
	s10 =	simm.s32 $0x8200  }
0x5: {  	s11 =	simm.s32 $0x1;
	s12 =	simm.s32 $0x2;
	s13 =	simm.s32 $0x3  }
0x6: {  	s14 =	simm.s32 $0x4;
	s15 =	simm.s32 $0x0;
	[smem:$0x7FF] =	sst s1  }
0x7: {  	s3 =	sadd.s32 $0x83400, s4;
	s6 =	sand.u32 $0x1, s6;
	s7 =	sshll.u32 s2, $0x10  }
0x8: {  	s8 =	sshll.u32 s2, $0xC;
	_ =	strace $0x8000005C;
	s9 =	sshll.u32 s6, $0xB  }
0x9: {  	s4 =	sadd.s32 s7, s4;
	s30 =	ssub.s32 $0x2, s6;
	s6 =	sshll.u32 s6, $0xF  }
0xa: {  	s8 =	sor.u32 s9, s8;
	s31 =	sshrl.u32 s30, $0x1;
	s6 =	sadd.s32 s6, s4  }
0xb: {  	s9 =	simm.s32 $0x200;
	s8 =	sshrl.u32 s8, $0x3;
	s7 =	ssub.s32 s30, s31  }
0xc: {  	s8 =	sadd.s32 s8, s5;
	s4 =	smax.u32 s7, $0x1;
	s5 =	sadd.s32 $0x803400, s6  }
0xd: {  	s7 =	simm.s32 $0x5;
	s6 =	sadd.s32 $0xE020, s8;
	s8 =	simm.s32 $0x100  }
.LBB2_1:
0xe: {  	s16 =	sadd.s32 $0xFFFFFFE0, s6  }
0xf: {  	[tilespmem:s1], [sflag:$0x5] =	stream.linear.gather [hbm4b:s16+s1], $0x100, $0x38;
	[tilespmem:$0x10200] =	vst v63  }
0x10: {  	_ =	swait.ge [sflag:s7], $0x100  }
0x11: {  	[sflag:s7] =	ssyncset.done $0x0  }
0x12: {  	[sflag:s7] =	ssyncadd.s32 $0xFFFFFF00  }
0x13: {  	[tilespmem:s9], [sflag:$0x1] =	stream.indirect.gather [hbm4b:s3+s8], $0x80, s1, s8, $0xb8;
	[tilespmem:$0x10200] =	vst v63  }
0x14: {  	_ = 	snop  }
0x15: {  	[tilespmem:s8], [sflag:$0x5] =	stream.linear.gather [hbm4b:s6+s1], $0x100, $0x38;
	[tilespmem:$0x10200] =	vst v63  }
0x16: {  	_ =	swait.ge [sflag:s7], $0x100  }
0x17: {  	[sflag:s7] =	ssyncset.done $0x0  }
0x18: {  	[sflag:s7] =	ssyncadd.s32 $0xFFFFFF00  }
0x19: {  	[tilespmem:s10], [sflag:$0x2] =	stream.indirect.gather [hbm4b:s3+s8], $0x80, s8, s8, $0xb8;
	[tilespmem:$0x10200] =	vst v63  }
0x1a: {  	_ =	swait.ge [sflag:s11], $0x8000  }
0x1b: {  	[sflag:s11] =	ssyncset.done $0x0  }
0x1c: {  	s31 =	sadd.s32 $0x0, s5;
	[sflag:s11] =	ssyncadd.s32 $0xFFFF8000  }
0x1d: {  	[hbm4b:s31+s1] =	stream.linear.scatter [tilespmem:s9], [sflag:$0x3], $0x8000, $0x38;
	[tilespmem:$0x10200] =	vst v63  }
0x1e: {  	_ =	swait.ge [sflag:s12], $0x8000  }
0x1f: {  	[sflag:s12] =	ssyncset.done $0x0  }
0x20: {  	s16 =	sadd.s32 $0x1000, s31;
	[sflag:s12] =	ssyncadd.s32 $0xFFFF8000  }
0x21: {  	[hbm4b:s16+s1] =	stream.linear.scatter [tilespmem:s10], [sflag:$0x4], $0x8000, $0x38;
	[tilespmem:$0x10200] =	vst v63  }
0x22: {  	_ =	swait.ge [sflag:s13], $0x8000  }
0x23: {  	[sflag:s13] =	ssyncset.done $0x0  }
0x24: {  	[sflag:s13] =	ssyncadd.s32 $0xFFFF8000  }
0x25: {  	s18 =	simm.s32 $0x4000;
	_ =	swait.ge [sflag:s14], $0x8000  }
0x26: {  	s17 =	sadd.s32 $0x40, s6;
	s16 =	simm.s32 $0x2000;
	[sflag:s14] =	ssyncset.done $0x0  }
.LBB2_2:
0x27: {  	p0 =	sne.s32 s18, $0x6000;
	s19 =	sadd.s32 $0xFFFFFFE0, s17;
	[sflag:s14] =	ssyncadd.s32 $0xFFFF8000  }
0x28: {  	[tilespmem:s1], [sflag:$0x5] =	stream.linear.gather [hbm4b:s19+s1], $0x100, $0x38;
	[tilespmem:$0x10200] =	vst v63  }
0x29: {  	s19 =	smov.u32 s18;
	s18 =	sadd.s32 $0x2000, s18;
	_ =	swait.ge [sflag:s7], $0x100  }
0x2a: {  	[sflag:s7] =	ssyncset.done $0x0  }
0x2b: {  	[sflag:s7] =	ssyncadd.s32 $0xFFFFFF00  }
0x2c: {  	[tilespmem:s9], [sflag:$0x1] =	stream.indirect.gather [hbm4b:s3+s8], $0x80, s1, s8, $0xb8;
	[tilespmem:$0x10200] =	vst v63  }
0x2d: {  	_ = 	snop  }
0x2e: {  	[tilespmem:s8], [sflag:$0x5] =	stream.linear.gather [hbm4b:s17+s1], $0x100, $0x38;
	[tilespmem:$0x10200] =	vst v63  }
0x2f: {  	_ =	swait.ge [sflag:s7], $0x100  }
0x30: {  	[sflag:s7] =	ssyncset.done $0x0  }
0x31: {  	[sflag:s7] =	ssyncadd.s32 $0xFFFFFF00  }
0x32: {  	[tilespmem:s10], [sflag:$0x2] =	stream.indirect.gather [hbm4b:s3+s8], $0x80, s8, s8, $0xb8;
	[tilespmem:$0x10200] =	vst v63  }
0x33: {  	_ =	swait.ge [sflag:s11], $0x8000  }
0x34: {  	[sflag:s11] =	ssyncset.done $0x0  }
0x35: {  	s20 =	sadd.s32 s16, s5;
	s16 =	smov.u32 s19;
	[sflag:s11] =	ssyncadd.s32 $0xFFFF8000  }
0x36: {  	[hbm4b:s20+s1] =	stream.linear.scatter [tilespmem:s9], [sflag:$0x3], $0x8000, $0x38;
	[tilespmem:$0x10200] =	vst v63  }
0x37: {  	_ =	swait.ge [sflag:s12], $0x8000  }
0x38: {  	[sflag:s12] =	ssyncset.done $0x0  }
0x39: {  	s19 =	sadd.s32 $0x1000, s20;
	[sflag:s12] =	ssyncadd.s32 $0xFFFF8000  }
0x3a: {  	[hbm4b:s19+s1] =	stream.linear.scatter [tilespmem:s10], [sflag:$0x4], $0x8000, $0x38;
	[tilespmem:$0x10200] =	vst v63  }
.Ltmp0:
0x3b: {  	_ =	swait.ge [sflag:s13], $0x8000;
	(pc) =	sbr.rel @p0 .LBB2_2-.Ltmp0, $4  }
0x3c: {  	[sflag:s13] =	ssyncset.done $0x0  }
0x3d: {  	[sflag:s13] =	ssyncadd.s32 $0xFFFF8000  }
0x3e: {  	_ =	swait.ge [sflag:s14], $0x8000  }
0x3f: {  	s17 =	sadd.s32 $0x40, s17;
	[sflag:s14] =	ssyncset.done $0x0  }
0x40: {  	s18 =	sadd.s32 $0xFFFFFFE0, s17;
	[sflag:s14] =	ssyncadd.s32 $0xFFFF8000  }
0x41: {  	[tilespmem:s1], [sflag:$0x5] =	stream.linear.gather [hbm4b:s18+s1], $0x100, $0x38;
	[tilespmem:$0x10200] =	vst v63  }
0x42: {  	_ =	swait.ge [sflag:s7], $0x100  }
0x43: {  	[sflag:s7] =	ssyncset.done $0x0  }
0x44: {  	[sflag:s7] =	ssyncadd.s32 $0xFFFFFF00  }
0x45: {  	[tilespmem:s9], [sflag:$0x1] =	stream.indirect.gather [hbm4b:s3+s8], $0x80, s1, s8, $0xb8;
	[tilespmem:$0x10200] =	vst v63  }
0x46: {  	_ = 	snop  }
0x47: {  	[tilespmem:s8], [sflag:$0x5] =	stream.linear.gather [hbm4b:s17+s1], $0x100, $0x38;
	[tilespmem:$0x10200] =	vst v63  }
0x48: {  	_ =	swait.ge [sflag:s7], $0x100  }
0x49: {  	[sflag:s7] =	ssyncset.done $0x0  }
0x4a: {  	[sflag:s7] =	ssyncadd.s32 $0xFFFFFF00  }
0x4b: {  	[tilespmem:s10], [sflag:$0x2] =	stream.indirect.gather [hbm4b:s3+s8], $0x80, s8, s8, $0xb8;
	[tilespmem:$0x10200] =	vst v63  }
0x4c: {  	_ =	swait.ge [sflag:s11], $0x8000  }
0x4d: {  	[sflag:s11] =	ssyncset.done $0x0  }
0x4e: {  	s16 =	sadd.s32 s16, s5;
	[sflag:s11] =	ssyncadd.s32 $0xFFFF8000  }
0x4f: {  	[hbm4b:s16+s1] =	stream.linear.scatter [tilespmem:s9], [sflag:$0x3], $0x8000, $0x38;
	[tilespmem:$0x10200] =	vst v63  }
0x50: {  	_ =	swait.ge [sflag:s12], $0x8000  }
0x51: {  	[sflag:s12] =	ssyncset.done $0x0  }
0x52: {  	s15 =	sadd.s32 $0x1, s15;
	s16 =	sadd.s32 $0x1000, s16;
	[sflag:s12] =	ssyncadd.s32 $0xFFFF8000  }
0x53: {  	[hbm4b:s16+s1] =	stream.linear.scatter [tilespmem:s10], [sflag:$0x4], $0x8000, $0x38;
	[tilespmem:$0x10200] =	vst v63  }
0x54: {  	p0 =	sne.s32 s15, s4;
	_ =	swait.ge [sflag:s13], $0x8000  }
.Ltmp1:
0x55: {  	[sflag:s13] =	ssyncset.done $0x0;
	(pc) =	sbr.rel @p0 .LBB2_1-.Ltmp1, $4  }
0x56: {  	[sflag:s13] =	ssyncadd.s32 $0xFFFF8000  }
0x57: {  	_ =	swait.ge [sflag:s14], $0x8000  }
0x58: {  	[sflag:s14] =	ssyncset.done $0x0  }
0x59: {  	[sflag:s14] =	ssyncadd.s32 $0xFFFF8000  }
0x5a: {  	_ =	sfence.sel $0x180000  }
0x5b: {  	[bflag:$0x0] =	sbarrier.arrive $0xFFFF  }
0x5c: {  	p0 =	sne.s32 s2, $0x0;
	_ =	strace $0x9000005C  }
0x5d: {  	s0 =	sadd.s32 @!p0 $0x100000, s0;
	[bflag:$0x2] =	sbarrier.arrive $0xFFFF  }
0x5e: {  	[sflag:s0] =	ssyncadd.tile.s32 @!p0 $0x1;
	_ =	shalt  }
.Lfunc_end2:
_tile_overlayer_lowered:
.L_overlay_start_2:
0x5f: {  	(tag) =	ssettag $0x2  }
0x60: {  	s0 =	rddreg [dreg:$0x0];
	s2 =	stileid.u32  }
0x61: {  	s1 =	rddreg [dreg:$0x1];
	p0 =	sne.s32 s2, $0x0  }
0x62: {  	s3 =	rddreg [dreg:$0x2];
	[bflag:$0x3] =	sbarrier.arrive $0xFFFF;
	s2 =	simm.s32 @!p0 $0x1C05  }
0x63: {  	[timem:s3], [sflag:s2] =	dma.local @!p0 [hbm:s0], s1  }
0x64: {  	s0 =	simm.s32 @!p0 $0x5  }
0x65: {  	_ =	swait.ge @!p0 [sflag:s0], s1  }
0x66: {  	s1 =	ssub.s32 @!p0 $0x0, s1;
	[sflag:s0] =	ssyncset.done @!p0 $0x0  }
0x67: {  	[sflag:s0] =	ssyncadd.s32 @!p0 s1  }
0x68: {  	[bflag:$0x3] =	sbarrier.arrive $0xFFFF  }
0x69: {  	_ =	shalt  }

</sc_bundles>
